<compile_context>
chip_gen: v7x
topology: tpu7x:2x2x1
jax: 0.10.2.dev20260603
libtpu: 0.0.44.dev20260713+nightly
codegen_flags: <defaults>
</compile_context>

<pallas_src>
import functools

import jax
import jax.numpy as jnp
from jax import lax
from jax.experimental import pallas as pl
from jax.experimental.pallas import tpu as pltpu
from jax.experimental.pallas import tpu_sc as plsc

N = 10000
E = 320000
DF = 128
EMB = 64

NC = 2
NS = 16
NW = NC * NS

G = 128
GPT = 80
EPAD = NW * GPT * G
NH = 4
HG = GPT // NH
NACC = N + 16

RQ = 624
RTAIL = N - RQ * NS

DEGW = 16

BN = 2048
NBLK = (N + BN - 1) // BN

_mesh = plsc.VectorSubcoreMesh(core_axis_name="c", subcore_axis_name="s")



def _zero_acc(stg_ref, acc_sh, s, width_rows):
    base = s * RQ
    nfull = RQ // width_rows
    for q in range(nfull):
        pltpu.sync_copy(stg_ref, acc_sh.at[pl.ds(base + q * width_rows,
                                                 width_rows)])
    rem = RQ - nfull * width_rows
    if rem:
        pltpu.sync_copy(stg_ref.at[pl.ds(0, rem)],
                        acc_sh.at[pl.ds(base + RQ - rem, rem)])

    @pl.when(s == NS - 1)
    def _():
        pltpu.sync_copy(stg_ref.at[pl.ds(0, RTAIL)],
                        acc_sh.at[pl.ds(RQ * NS, RTAIL)])


def _read_out(acc_sh, out_hbm, c, s):
    pltpu.sync_copy(acc_sh.at[pl.ds(s * RQ, RQ)],
                    out_hbm.at[c, pl.ds(s * RQ, RQ)])

    @pl.when(s == NS - 1)
    def _():
        pltpu.sync_copy(acc_sh.at[pl.ds(RQ * NS, RTAIL)],
                        out_hbm.at[c, pl.ds(RQ * NS, RTAIL)])


def _deg_body(dst_hbm, out_hbm, idx_v, ones_v, stg_v, acc_sh, sem, sem2):
    c = lax.axis_index("c")
    s = lax.axis_index("s")
    wid = c * NS + s

    pltpu.sync_copy(dst_hbm.at[wid], idx_v)

    def fill_ones(i, carry):
        ones_v[i] = jnp.full((16,), 1.0, jnp.float32)
        return carry

    lax.fori_loop(0, G, fill_ones, 0)

    def fill_zero(i, carry):
        stg_v[i] = jnp.zeros((16,), jnp.float32)
        return carry

    lax.fori_loop(0, G, fill_zero, 0)
    _zero_acc(stg_v, acc_sh, s, G)
    plsc.subcore_barrier()

    pltpu.async_copy(ones_v, acc_sh.at[idx_v.at[0]], sem, add=True)
    pltpu.async_copy(ones_v, acc_sh.at[idx_v.at[1]], sem2, add=True)

    def scat(t, carry):
        j0 = 2 * t
        j1 = j0 + 1
        pltpu.make_async_copy(ones_v, acc_sh.at[idx_v.at[j0]], sem).wait()

        @pl.when(j0 + 2 < GPT)
        def _():
            pltpu.async_copy(ones_v, acc_sh.at[idx_v.at[j0 + 2]], sem,
                             add=True)

        pltpu.make_async_copy(ones_v, acc_sh.at[idx_v.at[j1]], sem2).wait()

        @pl.when(j1 + 2 < GPT)
        def _():
            pltpu.async_copy(ones_v, acc_sh.at[idx_v.at[j1 + 2]], sem2,
                             add=True)

        return carry

    lax.fori_loop(0, GPT // 2, scat, 0)
    plsc.subcore_barrier()

    _read_out(acc_sh, out_hbm, c, s)


_deg_call = functools.partial(
    pl.kernel,
    out_type=jax.ShapeDtypeStruct((NC, N, DEGW), jnp.float32),
    mesh=_mesh,
    scratch_types=[
        pltpu.VMEM((GPT, G), jnp.int32),
        pltpu.VMEM((G, DEGW), jnp.float32),
        pltpu.VMEM((G, DEGW), jnp.float32),
        pltpu.VMEM_SHARED((NACC, DEGW), jnp.float32),
        pltpu.SemaphoreType.DMA,
        pltpu.SemaphoreType.DMA,
    ],
)(_deg_body)


def _scat_body(y_hbm, src_hbm, dst_hbm, out_hbm, srcv, dstv, rows0_v, rows1_v,
               acc_sh, sem0, sem1):
    c = lax.axis_index("c")
    s = lax.axis_index("s")
    wid = c * NS + s

    pltpu.sync_copy(src_hbm.at[wid, 0], srcv)
    pltpu.sync_copy(dst_hbm.at[wid, 0], dstv)

    def fill_zero(i, carry):
        for kk in range(DF // 16):
            rows0_v[i, pl.ds(kk * 16, 16)] = jnp.zeros((16,), jnp.float32)
        return carry

    lax.fori_loop(0, G, fill_zero, 0)
    _zero_acc(rows0_v, acc_sh, s, G)

    def step(t, carry):
        j0 = 2 * t
        j1 = j0 + 1
        pltpu.async_copy(y_hbm.at[srcv.at[j1]], rows1_v, sem1)
        pltpu.make_async_copy(y_hbm.at[srcv.at[j0]], rows0_v, sem0).wait()
        pltpu.sync_copy(rows0_v, acc_sh.at[dstv.at[j0]], add=True)

        @pl.when(j1 + 1 < HG)
        def _():
            pltpu.async_copy(y_hbm.at[srcv.at[j1 + 1]], rows0_v, sem0)

        pltpu.make_async_copy(y_hbm.at[srcv.at[j1]], rows1_v, sem1).wait()
        pltpu.sync_copy(rows1_v, acc_sh.at[dstv.at[j1]], add=True)
        return carry

    pltpu.async_copy(y_hbm.at[srcv.at[0]], rows0_v, sem0)
    plsc.subcore_barrier()
    lax.fori_loop(0, HG // 2, step, 0)

    for hh in range(1, NH):
        pltpu.sync_copy(src_hbm.at[wid, hh], srcv)
        pltpu.sync_copy(dst_hbm.at[wid, hh], dstv)
        pltpu.async_copy(y_hbm.at[srcv.at[0]], rows0_v, sem0)
        lax.fori_loop(0, HG // 2, step, 0)
    plsc.subcore_barrier()

    _read_out(acc_sh, out_hbm, c, s)


_scat_call = functools.partial(
    pl.kernel,
    out_type=jax.ShapeDtypeStruct((NC, N, DF), jnp.float32),
    mesh=_mesh,
    scratch_types=[
        pltpu.VMEM((HG, G), jnp.int32),
        pltpu.VMEM((HG, G), jnp.int32),
        pltpu.VMEM((G, DF), jnp.float32),
        pltpu.VMEM((G, DF), jnp.float32),
        pltpu.VMEM_SHARED((NACC, DF), jnp.float32),
        pltpu.SemaphoreType.DMA,
        pltpu.SemaphoreType.DMA,
    ],
)(_scat_body)



def _dinv_of(deg_ref):
    return lax.rsqrt(deg_ref[0, :, 0:1] + deg_ref[1, :, 0:1] + 1.0)


def _lin1_body(deg_ref, x_ref, w_ref, y_ref):
    dinv = _dinv_of(deg_ref)
    xw = jnp.dot(x_ref[...], w_ref[...], preferred_element_type=jnp.float32)
    y_ref[...] = xw * dinv


def _lin2_body(deg_ref, s_ref, y_ref, b_ref, w_ref, o_ref):
    dinv = _dinv_of(deg_ref)
    h = dinv * (s_ref[0] + s_ref[1] + y_ref[...]) + b_ref[...]
    h = jnp.maximum(h, 0.0)
    o_ref[...] = jnp.dot(h, w_ref[...],
                         preferred_element_type=jnp.float32) * dinv


def _fin_body(deg_ref, s_ref, y_ref, b_ref, wl_ref, bl_ref, o_ref):
    dinv = _dinv_of(deg_ref)
    h = dinv * (s_ref[0] + s_ref[1] + y_ref[...]) + b_ref[...]
    h = jnp.maximum(h, 0.0)
    r = lax.dot_general(wl_ref[...], h, (((0,), (1,)), ((), ())),
                        preferred_element_type=jnp.float32)
    o_ref[...] = jax.nn.sigmoid(r + bl_ref[...])


def _deg_spec():
    return pl.BlockSpec((NC, BN, DEGW), lambda i: (0, i, 0))


def _row_spec():
    return pl.BlockSpec((BN, DF), lambda i: (i, 0))


def _part_spec():
    return pl.BlockSpec((NC, BN, DF), lambda i: (0, i, 0))


def _full_spec(shape):
    nd = len(shape)
    return pl.BlockSpec(shape, lambda i: (0,) * nd)



def kernel(node_features, edge_index, W1, b1, Wh, bh, Wl, bl):
    x = node_features.astype(jnp.float32)
    pad = EPAD - E
    src4d = jnp.concatenate(
        [edge_index[0], jnp.zeros((pad,), jnp.int32)]).reshape(NW, NH, HG, G)
    dst4d = jnp.concatenate(
        [edge_index[1], jnp.full((pad,), N, jnp.int32)]).reshape(NW, NH, HG, G)
    dst3d = dst4d.reshape(NW, GPT, G)

    degp = _deg_call(dst3d)

    y1 = pl.pallas_call(
        _lin1_body,
        grid=(NBLK,),
        in_specs=[_deg_spec(), _row_spec(), _full_spec((DF, DF))],
        out_specs=_row_spec(),
        out_shape=jax.ShapeDtypeStruct((N, DF), jnp.float32),
    )(degp, x, W1)

    s1 = _scat_call(y1, src4d, dst4d)

    y2 = pl.pallas_call(
        _lin2_body,
        grid=(NBLK,),
        in_specs=[_deg_spec(), _part_spec(), _row_spec(),
                  _full_spec((1, DF)), _full_spec((DF, DF))],
        out_specs=_row_spec(),
        out_shape=jax.ShapeDtypeStruct((N, DF), jnp.float32),
    )(degp, s1, y1, b1.reshape(1, DF), Wh)

    s2 = _scat_call(y2, src4d, dst4d)

    out = pl.pallas_call(
        _fin_body,
        grid=(NBLK,),
        in_specs=[_deg_spec(), _part_spec(), _row_spec(),
                  _full_spec((1, DF)), _full_spec((DF, EMB)),
                  _full_spec((EMB, 1))],
        out_specs=pl.BlockSpec((EMB, BN), lambda i: (0, i)),
        out_shape=jax.ShapeDtypeStruct((EMB, N), jnp.float32),
    )(degp, s2, y2, bh.reshape(1, DF), Wl, bl.reshape(EMB, 1))

    return out

# --- scband reference (transcript-rebuilt; emitter-appended) ---
"""Pipeline reference for scband-gcn-encoder-9431748182670 (READ-ONLY COPY).

The authoritative reference and input builder live on the scoring server;
editing this copy changes nothing except your own understanding.
"""

import jax, jax.numpy as jnp
import numpy as np

N = 10000
E = 320000
F_IN = 128
H = 128
EMB = 64


def gcn_conv(x, edge_index, W, b, n_nodes):
    # x: [N, in], W: [in, out], b: [out]
    x = x @ W
    src = edge_index[0]
    dst = edge_index[1]
    loop = jnp.arange(n_nodes, dtype=src.dtype)
    src = jnp.concatenate([src, loop])
    dst = jnp.concatenate([dst, loop])
    ones = jnp.ones(src.shape[0], dtype=x.dtype)
    deg = jax.ops.segment_sum(ones, dst, num_segments=n_nodes)
    dinv = jnp.where(deg > 0, 1.0 / jnp.sqrt(deg), 0.0)
    norm = dinv[src] * dinv[dst]
    msgs = x[src] * norm[:, None]
    out = jax.ops.segment_sum(msgs, dst, num_segments=n_nodes)
    return out + b


def setup_inputs(seed: int = 0) -> dict:
    key = jax.random.key(seed)
    ks = jax.random.split(key, 8)
    node_features = jax.random.normal(ks[0], (N, F_IN), dtype=jnp.float32)
    edge_index = jax.random.randint(ks[1], (2, E), 0, N, dtype=jnp.int32)
    W1 = jax.random.normal(ks[2], (F_IN, H), dtype=jnp.float32) * (1.0 / np.sqrt(F_IN))
    b1 = jnp.zeros((H,), dtype=jnp.float32)
    Wh = jax.random.normal(ks[3], (H, H), dtype=jnp.float32) * (1.0 / np.sqrt(H))
    bh = jnp.zeros((H,), dtype=jnp.float32)
    Wl = jax.random.normal(ks[4], (H, EMB), dtype=jnp.float32) * (1.0 / np.sqrt(H))
    bl = jnp.zeros((EMB,), dtype=jnp.float32)
    return {"node_features": node_features, "edge_index": edge_index,
            "W1": W1, "b1": b1, "Wh": Wh, "bh": bh, "Wl": Wl, "bl": bl}


def reference(node_features, edge_index, W1, b1, Wh, bh, Wl, bl):
    x = node_features.astype(jnp.float32)
    x = gcn_conv(x, edge_index, W1, b1, N)
    x = jax.nn.relu(x)
    # dropout with training=False is identity (train=False in init_kwargs)
    x = gcn_conv(x, edge_index, Wh, bh, N)
    x = jax.nn.relu(x)
    x = x @ Wl + bl
    return jnp.transpose(jax.nn.sigmoid(x))

if __name__ == "__main__":
    import jax
    _d = setup_inputs()
    print(jax.jit(kernel)(*tuple(_d.values())))

</pallas_src>

<mosaic_0001>
#map = affine_map<(d0, d1) -> (0, 0, 0)>
module attributes {stable_mosaic.version = 14 : i64} {
  func.func @_deg_body(%arg0: i32, %arg1: i32, %arg2: memref<32x80x128xi32, #tpu.memory_space<hbm>>, %arg3: memref<2x10000x16xf32, #tpu.memory_space<hbm>>, %arg4: memref<80x128xi32, #tpu.memory_space<vmem>>, %arg5: memref<128x16xf32, #tpu.memory_space<vmem>>, %arg6: memref<128x16xf32, #tpu.memory_space<vmem>>, %arg7: memref<10016x16xf32, #tpu.memory_space<vmem_shared>>, %arg8: memref<!tpu.dma_semaphore, #tpu.memory_space<semaphore_mem>>, %arg9: memref<!tpu.dma_semaphore, #tpu.memory_space<semaphore_mem>>) attributes {dimension_semantics = [#tpu.dimension_semantics<core_parallel>, #tpu.dimension_semantics<subcore_parallel>], iteration_bounds = array<i64: 2, 16>, scalar_prefetch = 0 : i64, scratch_operands = 6 : i64, tpu.core_type = #tpu.core_type<sc_vector_subcore>, window_params = [{transform_indices = #map}, {transform_indices = #map}]} {
    %mul3A = arith.constant 16 : i32
    %mul3A_0 = arith.muli %arg0, %mul3A : i32
    %add3A = arith.addi %mul3A_0, %arg1 : i32
    "tpu.region"() ({
      %run_scoped3A = tpu.sem_alloc : memref<!tpu.dma_semaphore, #tpu.memory_space<semaphore_mem>>
      %dma_start3A_56 = arith.constant 0 : i32
      %dma_start3A_57 = arith.constant 0 : i32
      %dma_start3A_58 = tpu.memref_slice %arg2[%add3A, %dma_start3A_56, %dma_start3A_57] : memref<32x80x128xi32, #tpu.memory_space<hbm>> -> memref<1x80x128xi32, #tpu.memory_space<hbm>>
      %dma_start3A_59 = tpu.memref_squeeze %dma_start3A_58 : memref<1x80x128xi32, #tpu.memory_space<hbm>> -> memref<80x128xi32, #tpu.memory_space<hbm>>
      %dma_start3A_60 = arith.constant 0 : i32
      %dma_start3A_61 = arith.constant 0 : i32
      %dma_start3A_62 = tpu.memref_slice %arg2[%add3A, %dma_start3A_60, %dma_start3A_61] : memref<32x80x128xi32, #tpu.memory_space<hbm>> -> memref<1x80x128xi32, #tpu.memory_space<hbm>>
      %dma_start3A_63 = tpu.memref_squeeze %dma_start3A_62 : memref<1x80x128xi32, #tpu.memory_space<hbm>> -> memref<80x128xi32, #tpu.memory_space<hbm>>
      tpu.enqueue_dma source(%dma_start3A_63 : memref<80x128xi32, #tpu.memory_space<hbm>>) target(%arg4 : memref<80x128xi32, #tpu.memory_space<vmem>>) target_semaphore(%run_scoped3A : memref<!tpu.dma_semaphore, #tpu.memory_space<semaphore_mem>>)
      %dma_wait3A = arith.constant 0 : i32
      %dma_wait3A_64 = arith.constant 0 : i32
      %dma_wait3A_65 = tpu.memref_slice %arg2[%add3A, %dma_wait3A, %dma_wait3A_64] : memref<32x80x128xi32, #tpu.memory_space<hbm>> -> memref<1x80x128xi32, #tpu.memory_space<hbm>>
      %dma_wait3A_66 = tpu.memref_squeeze %dma_wait3A_65 : memref<1x80x128xi32, #tpu.memory_space<hbm>> -> memref<80x128xi32, #tpu.memory_space<hbm>>
      %dma_wait3A_67 = arith.constant 0 : i32
      %dma_wait3A_68 = arith.constant 0 : i32
      %dma_wait3A_69 = tpu.memref_slice %arg2[%add3A, %dma_wait3A_67, %dma_wait3A_68] : memref<32x80x128xi32, #tpu.memory_space<hbm>> -> memref<1x80x128xi32, #tpu.memory_space<hbm>>
      %dma_wait3A_70 = tpu.memref_squeeze %dma_wait3A_69 : memref<1x80x128xi32, #tpu.memory_space<hbm>> -> memref<80x128xi32, #tpu.memory_space<hbm>>
      tpu.wait_dma2 semaphore(%run_scoped3A : memref<!tpu.dma_semaphore, #tpu.memory_space<semaphore_mem>>) src(%dma_wait3A_70 : memref<80x128xi32, #tpu.memory_space<hbm>>) dst(%arg4 : memref<80x128xi32, #tpu.memory_space<vmem>>)
      tpu.yield
    }) : () -> ()
    %scan3A = arith.constant 0 : i32
    %scan3A_1 = arith.constant 0 : i32
    %scan3A_2 = arith.constant 128 : i32
    %scan3A_3 = arith.addi %scan3A_1, %scan3A_2 : i32
    %scan3A_4 = arith.constant 1 : i32
    scf.for %scan3A_56 = %scan3A_1 to %scan3A_3 step %scan3A_4  : i32 {
      %broadcast_in_dim3A = arith.constant 1.000000e+00 : f32
      %broadcast_in_dim3A_57 = vector.broadcast %broadcast_in_dim3A : f32 to vector<16xf32>
      %swap3A = arith.index_cast %scan3A_56 : i32 to index
      %swap3A_58 = arith.constant 0 : index
      %swap3A_59 = tpu.vector_load %arg5[%swap3A, %swap3A_58] {strides = array<i32>} : memref<128x16xf32, #tpu.memory_space<vmem>>, vector<1x16xf32>,
      %swap3A_60 = vector.shape_cast %swap3A_59 : vector<1x16xf32> to vector<16xf32>
      %swap3A_61 = vector.shape_cast %broadcast_in_dim3A_57 : vector<16xf32> to vector<1x16xf32>
      tpu.vector_store %arg5[%swap3A, %swap3A_58], %swap3A_61 {strides = array<i32>} : memref<128x16xf32, #tpu.memory_space<vmem>>, vector<1x16xf32>,
    }
    %scan3A_5 = arith.constant 128 : i32
    %scan3A_6 = arith.constant 0 : i32
    %scan3A_7 = arith.constant 0 : i32
    %scan3A_8 = arith.constant 128 : i32
    %scan3A_9 = arith.addi %scan3A_7, %scan3A_8 : i32
    %scan3A_10 = arith.constant 1 : i32
    scf.for %scan3A_56 = %scan3A_7 to %scan3A_9 step %scan3A_10  : i32 {
      %broadcast_in_dim3A = arith.constant 0.000000e+00 : f32
      %broadcast_in_dim3A_57 = vector.broadcast %broadcast_in_dim3A : f32 to vector<16xf32>
      %swap3A = arith.index_cast %scan3A_56 : i32 to index
      %swap3A_58 = arith.constant 0 : index
      %swap3A_59 = tpu.vector_load %arg6[%swap3A, %swap3A_58] {strides = array<i32>} : memref<128x16xf32, #tpu.memory_space<vmem>>, vector<1x16xf32>,
      %swap3A_60 = vector.shape_cast %swap3A_59 : vector<1x16xf32> to vector<16xf32>
      %swap3A_61 = vector.shape_cast %broadcast_in_dim3A_57 : vector<16xf32> to vector<1x16xf32>
      tpu.vector_store %arg6[%swap3A, %swap3A_58], %swap3A_61 {strides = array<i32>} : memref<128x16xf32, #tpu.memory_space<vmem>>, vector<1x16xf32>,
    }
    %scan3A_11 = arith.constant 128 : i32
    %mul3A_12 = arith.constant 624 : i32
    %mul3A_13 = arith.muli %arg1, %mul3A_12 : i32
    %add3A_14 = arith.constant 0 : i32
    %add3A_15 = arith.addi %mul3A_13, %add3A_14 : i32
    "tpu.region"() ({
      %run_scoped3A = tpu.sem_alloc : memref<!tpu.dma_semaphore, #tpu.memory_space<semaphore_mem>>
      %dma_start3A_56 = arith.constant 0 : i32
      %dma_start3A_57 = tpu.memref_slice %arg7[%add3A_15, %dma_start3A_56] : memref<10016x16xf32, #tpu.memory_space<vmem_shared>> -> memref<128x16xf32, #tpu.memory_space<vmem_shared>>
      %dma_start3A_58 = arith.constant 0 : i32
      %dma_start3A_59 = tpu.memref_slice %arg7[%add3A_15, %dma_start3A_58] : memref<10016x16xf32, #tpu.memory_space<vmem_shared>> -> memref<128x16xf32, #tpu.memory_space<vmem_shared>>
      tpu.enqueue_dma source(%arg6 : memref<128x16xf32, #tpu.memory_space<vmem>>) target(%dma_start3A_59 : memref<128x16xf32, #tpu.memory_space<vmem_shared>>) target_semaphore(%run_scoped3A : memref<!tpu.dma_semaphore, #tpu.memory_space<semaphore_mem>>)
      %dma_wait3A = arith.constant 0 : i32
      %dma_wait3A_60 = tpu.memref_slice %arg7[%add3A_15, %dma_wait3A] : memref<10016x16xf32, #tpu.memory_space<vmem_shared>> -> memref<128x16xf32, #tpu.memory_space<vmem_shared>>
      %dma_wait3A_61 = arith.constant 0 : i32
      %dma_wait3A_62 = tpu.memref_slice %arg7[%add3A_15, %dma_wait3A_61] : memref<10016x16xf32, #tpu.memory_space<vmem_shared>> -> memref<128x16xf32, #tpu.memory_space<vmem_shared>>
      tpu.wait_dma2 semaphore(%run_scoped3A : memref<!tpu.dma_semaphore, #tpu.memory_space<semaphore_mem>>) src(%arg6 : memref<128x16xf32, #tpu.memory_space<vmem>>) dst(%dma_wait3A_62 : memref<128x16xf32, #tpu.memory_space<vmem_shared>>)
      tpu.yield
    }) : () -> ()
    %add3A_16 = arith.constant 128 : i32
    %add3A_17 = arith.addi %mul3A_13, %add3A_16 : i32
    "tpu.region"() ({
      %run_scoped3A = tpu.sem_alloc : memref<!tpu.dma_semaphore, #tpu.memory_space<semaphore_mem>>
      %dma_start3A_56 = arith.constant 0 : i32
      %dma_start3A_57 = tpu.memref_slice %arg7[%add3A_17, %dma_start3A_56] : memref<10016x16xf32, #tpu.memory_space<vmem_shared>> -> memref<128x16xf32, #tpu.memory_space<vmem_shared>>
      %dma_start3A_58 = arith.constant 0 : i32
      %dma_start3A_59 = tpu.memref_slice %arg7[%add3A_17, %dma_start3A_58] : memref<10016x16xf32, #tpu.memory_space<vmem_shared>> -> memref<128x16xf32, #tpu.memory_space<vmem_shared>>
      tpu.enqueue_dma source(%arg6 : memref<128x16xf32, #tpu.memory_space<vmem>>) target(%dma_start3A_59 : memref<128x16xf32, #tpu.memory_space<vmem_shared>>) target_semaphore(%run_scoped3A : memref<!tpu.dma_semaphore, #tpu.memory_space<semaphore_mem>>)
      %dma_wait3A = arith.constant 0 : i32
      %dma_wait3A_60 = tpu.memref_slice %arg7[%add3A_17, %dma_wait3A] : memref<10016x16xf32, #tpu.memory_space<vmem_shared>> -> memref<128x16xf32, #tpu.memory_space<vmem_shared>>
      %dma_wait3A_61 = arith.constant 0 : i32
      %dma_wait3A_62 = tpu.memref_slice %arg7[%add3A_17, %dma_wait3A_61] : memref<10016x16xf32, #tpu.memory_space<vmem_shared>> -> memref<128x16xf32, #tpu.memory_space<vmem_shared>>
      tpu.wait_dma2 semaphore(%run_scoped3A : memref<!tpu.dma_semaphore, #tpu.memory_space<semaphore_mem>>) src(%arg6 : memref<128x16xf32, #tpu.memory_space<vmem>>) dst(%dma_wait3A_62 : memref<128x16xf32, #tpu.memory_space<vmem_shared>>)
      tpu.yield
    }) : () -> ()
    %add3A_18 = arith.constant 256 : i32
    %add3A_19 = arith.addi %mul3A_13, %add3A_18 : i32
    "tpu.region"() ({
      %run_scoped3A = tpu.sem_alloc : memref<!tpu.dma_semaphore, #tpu.memory_space<semaphore_mem>>
      %dma_start3A_56 = arith.constant 0 : i32
      %dma_start3A_57 = tpu.memref_slice %arg7[%add3A_19, %dma_start3A_56] : memref<10016x16xf32, #tpu.memory_space<vmem_shared>> -> memref<128x16xf32, #tpu.memory_space<vmem_shared>>
      %dma_start3A_58 = arith.constant 0 : i32
      %dma_start3A_59 = tpu.memref_slice %arg7[%add3A_19, %dma_start3A_58] : memref<10016x16xf32, #tpu.memory_space<vmem_shared>> -> memref<128x16xf32, #tpu.memory_space<vmem_shared>>
      tpu.enqueue_dma source(%arg6 : memref<128x16xf32, #tpu.memory_space<vmem>>) target(%dma_start3A_59 : memref<128x16xf32, #tpu.memory_space<vmem_shared>>) target_semaphore(%run_scoped3A : memref<!tpu.dma_semaphore, #tpu.memory_space<semaphore_mem>>)
      %dma_wait3A = arith.constant 0 : i32
      %dma_wait3A_60 = tpu.memref_slice %arg7[%add3A_19, %dma_wait3A] : memref<10016x16xf32, #tpu.memory_space<vmem_shared>> -> memref<128x16xf32, #tpu.memory_space<vmem_shared>>
      %dma_wait3A_61 = arith.constant 0 : i32
      %dma_wait3A_62 = tpu.memref_slice %arg7[%add3A_19, %dma_wait3A_61] : memref<10016x16xf32, #tpu.memory_space<vmem_shared>> -> memref<128x16xf32, #tpu.memory_space<vmem_shared>>
      tpu.wait_dma2 semaphore(%run_scoped3A : memref<!tpu.dma_semaphore, #tpu.memory_space<semaphore_mem>>) src(%arg6 : memref<128x16xf32, #tpu.memory_space<vmem>>) dst(%dma_wait3A_62 : memref<128x16xf32, #tpu.memory_space<vmem_shared>>)
      tpu.yield
    }) : () -> ()
    %add3A_20 = arith.constant 384 : i32
    %add3A_21 = arith.addi %mul3A_13, %add3A_20 : i32
    "tpu.region"() ({
      %run_scoped3A = tpu.sem_alloc : memref<!tpu.dma_semaphore, #tpu.memory_space<semaphore_mem>>
      %dma_start3A_56 = arith.constant 0 : i32
      %dma_start3A_57 = tpu.memref_slice %arg7[%add3A_21, %dma_start3A_56] : memref<10016x16xf32, #tpu.memory_space<vmem_shared>> -> memref<128x16xf32, #tpu.memory_space<vmem_shared>>
      %dma_start3A_58 = arith.constant 0 : i32
      %dma_start3A_59 = tpu.memref_slice %arg7[%add3A_21, %dma_start3A_58] : memref<10016x16xf32, #tpu.memory_space<vmem_shared>> -> memref<128x16xf32, #tpu.memory_space<vmem_shared>>
      tpu.enqueue_dma source(%arg6 : memref<128x16xf32, #tpu.memory_space<vmem>>) target(%dma_start3A_59 : memref<128x16xf32, #tpu.memory_space<vmem_shared>>) target_semaphore(%run_scoped3A : memref<!tpu.dma_semaphore, #tpu.memory_space<semaphore_mem>>)
      %dma_wait3A = arith.constant 0 : i32
      %dma_wait3A_60 = tpu.memref_slice %arg7[%add3A_21, %dma_wait3A] : memref<10016x16xf32, #tpu.memory_space<vmem_shared>> -> memref<128x16xf32, #tpu.memory_space<vmem_shared>>
      %dma_wait3A_61 = arith.constant 0 : i32
      %dma_wait3A_62 = tpu.memref_slice %arg7[%add3A_21, %dma_wait3A_61] : memref<10016x16xf32, #tpu.memory_space<vmem_shared>> -> memref<128x16xf32, #tpu.memory_space<vmem_shared>>
      tpu.wait_dma2 semaphore(%run_scoped3A : memref<!tpu.dma_semaphore, #tpu.memory_space<semaphore_mem>>) src(%arg6 : memref<128x16xf32, #tpu.memory_space<vmem>>) dst(%dma_wait3A_62 : memref<128x16xf32, #tpu.memory_space<vmem_shared>>)
      tpu.yield
    }) : () -> ()
    %add3A_22 = arith.constant 624 : i32
    %add3A_23 = arith.addi %mul3A_13, %add3A_22 : i32
    %sub3A = arith.constant 112 : i32
    %sub3A_24 = arith.subi %add3A_23, %sub3A : i32
    "tpu.region"() ({
      %run_scoped3A = tpu.sem_alloc : memref<!tpu.dma_semaphore, #tpu.memory_space<semaphore_mem>>
      %dma_start3A_56 = arith.constant 0 : i32
      %dma_start3A_57 = arith.constant 0 : i32
      %dma_start3A_58 = tpu.memref_slice %arg6[%dma_start3A_56, %dma_start3A_57] : memref<128x16xf32, #tpu.memory_space<vmem>> -> memref<112x16xf32, #tpu.memory_space<vmem>>
      %dma_start3A_59 = arith.constant 0 : i32
      %dma_start3A_60 = tpu.memref_slice %arg7[%sub3A_24, %dma_start3A_59] : memref<10016x16xf32, #tpu.memory_space<vmem_shared>> -> memref<112x16xf32, #tpu.memory_space<vmem_shared>>
      %dma_start3A_61 = arith.constant 0 : i32
      %dma_start3A_62 = tpu.memref_slice %arg7[%sub3A_24, %dma_start3A_61] : memref<10016x16xf32, #tpu.memory_space<vmem_shared>> -> memref<112x16xf32, #tpu.memory_space<vmem_shared>>
      %dma_start3A_63 = arith.constant 0 : i32
      %dma_start3A_64 = arith.constant 0 : i32
      %dma_start3A_65 = tpu.memref_slice %arg6[%dma_start3A_63, %dma_start3A_64] : memref<128x16xf32, #tpu.memory_space<vmem>> -> memref<112x16xf32, #tpu.memory_space<vmem>>
      tpu.enqueue_dma source(%dma_start3A_65 : memref<112x16xf32, #tpu.memory_space<vmem>>) target(%dma_start3A_62 : memref<112x16xf32, #tpu.memory_space<vmem_shared>>) target_semaphore(%run_scoped3A : memref<!tpu.dma_semaphore, #tpu.memory_space<semaphore_mem>>)
      %dma_wait3A = arith.constant 0 : i32
      %dma_wait3A_66 = arith.constant 0 : i32
      %dma_wait3A_67 = tpu.memref_slice %arg6[%dma_wait3A, %dma_wait3A_66] : memref<128x16xf32, #tpu.memory_space<vmem>> -> memref<112x16xf32, #tpu.memory_space<vmem>>
      %dma_wait3A_68 = arith.constant 0 : i32
      %dma_wait3A_69 = tpu.memref_slice %arg7[%sub3A_24, %dma_wait3A_68] : memref<10016x16xf32, #tpu.memory_space<vmem_shared>> -> memref<112x16xf32, #tpu.memory_space<vmem_shared>>
      %dma_wait3A_70 = arith.constant 0 : i32
      %dma_wait3A_71 = tpu.memref_slice %arg7[%sub3A_24, %dma_wait3A_70] : memref<10016x16xf32, #tpu.memory_space<vmem_shared>> -> memref<112x16xf32, #tpu.memory_space<vmem_shared>>
      %dma_wait3A_72 = arith.constant 0 : i32
      %dma_wait3A_73 = arith.constant 0 : i32
      %dma_wait3A_74 = tpu.memref_slice %arg6[%dma_wait3A_72, %dma_wait3A_73] : memref<128x16xf32, #tpu.memory_space<vmem>> -> memref<112x16xf32, #tpu.memory_space<vmem>>
      tpu.wait_dma2 semaphore(%run_scoped3A : memref<!tpu.dma_semaphore, #tpu.memory_space<semaphore_mem>>) src(%dma_wait3A_74 : memref<112x16xf32, #tpu.memory_space<vmem>>) dst(%dma_wait3A_71 : memref<112x16xf32, #tpu.memory_space<vmem_shared>>)
      tpu.yield
    }) : () -> ()
    %eq3A = arith.constant 15 : i32
    %eq3A_25 = arith.cmpi eq, %arg1, %eq3A : i32
    %convert_element_type3A = arith.extui %eq3A_25 : i1 to i32
    %cond3A = arith.constant 0 : i32
    %cond3A_26 = arith.cmpi ne, %convert_element_type3A, %cond3A : i32
    scf.if %cond3A_26 {
      "tpu.region"() ({
        %run_scoped3A = tpu.sem_alloc : memref<!tpu.dma_semaphore, #tpu.memory_space<semaphore_mem>>
        %dma_start3A_56 = arith.constant 0 : i32
        %dma_start3A_57 = arith.constant 0 : i32
        %dma_start3A_58 = tpu.memref_slice %arg6[%dma_start3A_56, %dma_start3A_57] : memref<128x16xf32, #tpu.memory_space<vmem>> -> memref<16x16xf32, #tpu.memory_space<vmem>>
        %dma_start3A_59 = arith.constant 9984 : i32
        %dma_start3A_60 = arith.constant 0 : i32
        %dma_start3A_61 = tpu.memref_slice %arg7[%dma_start3A_59, %dma_start3A_60] : memref<10016x16xf32, #tpu.memory_space<vmem_shared>> -> memref<16x16xf32, #tpu.memory_space<vmem_shared>>
        %dma_start3A_62 = arith.constant 9984 : i32
        %dma_start3A_63 = arith.constant 0 : i32
        %dma_start3A_64 = tpu.memref_slice %arg7[%dma_start3A_62, %dma_start3A_63] : memref<10016x16xf32, #tpu.memory_space<vmem_shared>> -> memref<16x16xf32, #tpu.memory_space<vmem_shared>>
        %dma_start3A_65 = arith.constant 0 : i32
        %dma_start3A_66 = arith.constant 0 : i32
        %dma_start3A_67 = tpu.memref_slice %arg6[%dma_start3A_65, %dma_start3A_66] : memref<128x16xf32, #tpu.memory_space<vmem>> -> memref<16x16xf32, #tpu.memory_space<vmem>>
        tpu.enqueue_dma source(%dma_start3A_67 : memref<16x16xf32, #tpu.memory_space<vmem>>) target(%dma_start3A_64 : memref<16x16xf32, #tpu.memory_space<vmem_shared>>) target_semaphore(%run_scoped3A : memref<!tpu.dma_semaphore, #tpu.memory_space<semaphore_mem>>)
        %dma_wait3A = arith.constant 0 : i32
        %dma_wait3A_68 = arith.constant 0 : i32
        %dma_wait3A_69 = tpu.memref_slice %arg6[%dma_wait3A, %dma_wait3A_68] : memref<128x16xf32, #tpu.memory_space<vmem>> -> memref<16x16xf32, #tpu.memory_space<vmem>>
        %dma_wait3A_70 = arith.constant 9984 : i32
        %dma_wait3A_71 = arith.constant 0 : i32
        %dma_wait3A_72 = tpu.memref_slice %arg7[%dma_wait3A_70, %dma_wait3A_71] : memref<10016x16xf32, #tpu.memory_space<vmem_shared>> -> memref<16x16xf32, #tpu.memory_space<vmem_shared>>
        %dma_wait3A_73 = arith.constant 9984 : i32
        %dma_wait3A_74 = arith.constant 0 : i32
        %dma_wait3A_75 = tpu.memref_slice %arg7[%dma_wait3A_73, %dma_wait3A_74] : memref<10016x16xf32, #tpu.memory_space<vmem_shared>> -> memref<16x16xf32, #tpu.memory_space<vmem_shared>>
        %dma_wait3A_76 = arith.constant 0 : i32
        %dma_wait3A_77 = arith.constant 0 : i32
        %dma_wait3A_78 = tpu.memref_slice %arg6[%dma_wait3A_76, %dma_wait3A_77] : memref<128x16xf32, #tpu.memory_space<vmem>> -> memref<16x16xf32, #tpu.memory_space<vmem>>
        tpu.wait_dma2 semaphore(%run_scoped3A : memref<!tpu.dma_semaphore, #tpu.memory_space<semaphore_mem>>) src(%dma_wait3A_78 : memref<16x16xf32, #tpu.memory_space<vmem>>) dst(%dma_wait3A_75 : memref<16x16xf32, #tpu.memory_space<vmem_shared>>)
        tpu.yield
      }) : () -> ()
    } else {
    }
    %barrier3A = arith.constant 0 : index
    tpu.barrier barrier_id(%barrier3A)
    %dma_start3A = arith.constant 0 : i32
    %dma_start3A_27 = arith.constant 0 : i32
    %dma_start3A_28 = tpu.memref_slice %arg4[%dma_start3A, %dma_start3A_27] : memref<80x128xi32, #tpu.memory_space<vmem>> -> memref<1x128xi32, #tpu.memory_space<vmem>>
    %dma_start3A_29 = tpu.memref_squeeze %dma_start3A_28 : memref<1x128xi32, #tpu.memory_space<vmem>> -> memref<128xi32, #tpu.memory_space<vmem>>
    %dma_start3A_30 = arith.constant 0 : i32
    %dma_start3A_31 = arith.constant 0 : i32
    %dma_start3A_32 = tpu.memref_slice %arg7[%dma_start3A_30, %dma_start3A_31] : memref<10016x16xf32, #tpu.memory_space<vmem_shared>> -> memref<10016x16xf32, #tpu.memory_space<vmem_shared>>
    tpu.enqueue_indirect_dma source(%arg5 : memref<128x16xf32, #tpu.memory_space<vmem>>) target(%dma_start3A_32 : memref<10016x16xf32, #tpu.memory_space<vmem_shared>>) offsets(%dma_start3A_29 : memref<128xi32, #tpu.memory_space<vmem>>) semaphore(%arg8 : memref<!tpu.dma_semaphore, #tpu.memory_space<semaphore_mem>>) {add = true}
    %dma_start3A_33 = arith.constant 1 : i32
    %dma_start3A_34 = arith.constant 0 : i32
    %dma_start3A_35 = tpu.memref_slice %arg4[%dma_start3A_33, %dma_start3A_34] : memref<80x128xi32, #tpu.memory_space<vmem>> -> memref<1x128xi32, #tpu.memory_space<vmem>>
    %dma_start3A_36 = tpu.memref_squeeze %dma_start3A_35 : memref<1x128xi32, #tpu.memory_space<vmem>> -> memref<128xi32, #tpu.memory_space<vmem>>
    %dma_start3A_37 = arith.constant 0 : i32
    %dma_start3A_38 = arith.constant 0 : i32
    %dma_start3A_39 = tpu.memref_slice %arg7[%dma_start3A_37, %dma_start3A_38] : memref<10016x16xf32, #tpu.memory_space<vmem_shared>> -> memref<10016x16xf32, #tpu.memory_space<vmem_shared>>
    tpu.enqueue_indirect_dma source(%arg5 : memref<128x16xf32, #tpu.memory_space<vmem>>) target(%dma_start3A_39 : memref<10016x16xf32, #tpu.memory_space<vmem_shared>>) offsets(%dma_start3A_36 : memref<128xi32, #tpu.memory_space<vmem>>) semaphore(%arg9 : memref<!tpu.dma_semaphore, #tpu.memory_space<semaphore_mem>>) {add = true}
    %scan3A_40 = arith.constant 0 : i32
    %scan3A_41 = arith.constant 0 : i32
    %scan3A_42 = arith.constant 40 : i32
    %scan3A_43 = arith.addi %scan3A_41, %scan3A_42 : i32
    %scan3A_44 = arith.constant 1 : i32
    scf.for %scan3A_56 = %scan3A_41 to %scan3A_43 step %scan3A_44  : i32 {
      %mul3A_57 = arith.constant 2 : i32
      %mul3A_58 = arith.muli %mul3A_57, %scan3A_56 : i32
      %add3A_59 = arith.constant 1 : i32
      %add3A_60 = arith.addi %mul3A_58, %add3A_59 : i32
      %dma_wait3A = arith.constant 0 : i32
      %dma_wait3A_61 = tpu.memref_slice %arg4[%mul3A_58, %dma_wait3A] : memref<80x128xi32, #tpu.memory_space<vmem>> -> memref<1x128xi32, #tpu.memory_space<vmem>>
      %dma_wait3A_62 = tpu.memref_squeeze %dma_wait3A_61 : memref<1x128xi32, #tpu.memory_space<vmem>> -> memref<128xi32, #tpu.memory_space<vmem>>
      %dma_wait3A_63 = arith.constant 0 : i32
      %dma_wait3A_64 = arith.constant 0 : i32
      %dma_wait3A_65 = tpu.memref_slice %arg7[%dma_wait3A_63, %dma_wait3A_64] : memref<10016x16xf32, #tpu.memory_space<vmem_shared>> -> memref<10016x16xf32, #tpu.memory_space<vmem_shared>>
      tpu.wait_indirect_dma semaphore(%arg8 : memref<!tpu.dma_semaphore, #tpu.memory_space<semaphore_mem>>) src(%arg5 : memref<128x16xf32, #tpu.memory_space<vmem>>) dst(%dma_wait3A_65 : memref<10016x16xf32, #tpu.memory_space<vmem_shared>>)
      %add3A_66 = arith.constant 2 : i32
      %add3A_67 = arith.addi %mul3A_58, %add3A_66 : i32
      %lt3A = arith.constant 80 : i32
      %lt3A_68 = arith.cmpi slt, %add3A_67, %lt3A : i32
      %convert_element_type3A_69 = arith.extui %lt3A_68 : i1 to i32
      %cond3A_70 = arith.constant 0 : i32
      %cond3A_71 = arith.cmpi ne, %convert_element_type3A_69, %cond3A_70 : i32
      scf.if %cond3A_71 {
        %add3A_85 = arith.constant 2 : i32
        %add3A_86 = arith.addi %mul3A_58, %add3A_85 : i32
        %dma_start3A_87 = arith.constant 0 : i32
        %dma_start3A_88 = tpu.memref_slice %arg4[%add3A_86, %dma_start3A_87] : memref<80x128xi32, #tpu.memory_space<vmem>> -> memref<1x128xi32, #tpu.memory_space<vmem>>
        %dma_start3A_89 = tpu.memref_squeeze %dma_start3A_88 : memref<1x128xi32, #tpu.memory_space<vmem>> -> memref<128xi32, #tpu.memory_space<vmem>>
        %dma_start3A_90 = arith.constant 0 : i32
        %dma_start3A_91 = arith.constant 0 : i32
        %dma_start3A_92 = tpu.memref_slice %arg7[%dma_start3A_90, %dma_start3A_91] : memref<10016x16xf32, #tpu.memory_space<vmem_shared>> -> memref<10016x16xf32, #tpu.memory_space<vmem_shared>>
        tpu.enqueue_indirect_dma source(%arg5 : memref<128x16xf32, #tpu.memory_space<vmem>>) target(%dma_start3A_92 : memref<10016x16xf32, #tpu.memory_space<vmem_shared>>) offsets(%dma_start3A_89 : memref<128xi32, #tpu.memory_space<vmem>>) semaphore(%arg8 : memref<!tpu.dma_semaphore, #tpu.memory_space<semaphore_mem>>) {add = true}
      } else {
      }
      %dma_wait3A_72 = arith.constant 0 : i32
      %dma_wait3A_73 = tpu.memref_slice %arg4[%add3A_60, %dma_wait3A_72] : memref<80x128xi32, #tpu.memory_space<vmem>> -> memref<1x128xi32, #tpu.memory_space<vmem>>
      %dma_wait3A_74 = tpu.memref_squeeze %dma_wait3A_73 : memref<1x128xi32, #tpu.memory_space<vmem>> -> memref<128xi32, #tpu.memory_space<vmem>>
      %dma_wait3A_75 = arith.constant 0 : i32
      %dma_wait3A_76 = arith.constant 0 : i32
      %dma_wait3A_77 = tpu.memref_slice %arg7[%dma_wait3A_75, %dma_wait3A_76] : memref<10016x16xf32, #tpu.memory_space<vmem_shared>> -> memref<10016x16xf32, #tpu.memory_space<vmem_shared>>
      tpu.wait_indirect_dma semaphore(%arg9 : memref<!tpu.dma_semaphore, #tpu.memory_space<semaphore_mem>>) src(%arg5 : memref<128x16xf32, #tpu.memory_space<vmem>>) dst(%dma_wait3A_77 : memref<10016x16xf32, #tpu.memory_space<vmem_shared>>)
      %add3A_78 = arith.constant 2 : i32
      %add3A_79 = arith.addi %add3A_60, %add3A_78 : i32
      %lt3A_80 = arith.constant 80 : i32
      %lt3A_81 = arith.cmpi slt, %add3A_79, %lt3A_80 : i32
      %convert_element_type3A_82 = arith.extui %lt3A_81 : i1 to i32
      %cond3A_83 = arith.constant 0 : i32
      %cond3A_84 = arith.cmpi ne, %convert_element_type3A_82, %cond3A_83 : i32
      scf.if %cond3A_84 {
        %add3A_85 = arith.constant 2 : i32
        %add3A_86 = arith.addi %add3A_60, %add3A_85 : i32
        %dma_start3A_87 = arith.constant 0 : i32
        %dma_start3A_88 = tpu.memref_slice %arg4[%add3A_86, %dma_start3A_87] : memref<80x128xi32, #tpu.memory_space<vmem>> -> memref<1x128xi32, #tpu.memory_space<vmem>>
        %dma_start3A_89 = tpu.memref_squeeze %dma_start3A_88 : memref<1x128xi32, #tpu.memory_space<vmem>> -> memref<128xi32, #tpu.memory_space<vmem>>
        %dma_start3A_90 = arith.constant 0 : i32
        %dma_start3A_91 = arith.constant 0 : i32
        %dma_start3A_92 = tpu.memref_slice %arg7[%dma_start3A_90, %dma_start3A_91] : memref<10016x16xf32, #tpu.memory_space<vmem_shared>> -> memref<10016x16xf32, #tpu.memory_space<vmem_shared>>
        tpu.enqueue_indirect_dma source(%arg5 : memref<128x16xf32, #tpu.memory_space<vmem>>) target(%dma_start3A_92 : memref<10016x16xf32, #tpu.memory_space<vmem_shared>>) offsets(%dma_start3A_89 : memref<128xi32, #tpu.memory_space<vmem>>) semaphore(%arg9 : memref<!tpu.dma_semaphore, #tpu.memory_space<semaphore_mem>>) {add = true}
      } else {
      }
    }
    %scan3A_45 = arith.constant 40 : i32
    %barrier3A_46 = arith.constant 0 : index
    tpu.barrier barrier_id(%barrier3A_46)
    %mul3A_47 = arith.constant 624 : i32
    %mul3A_48 = arith.muli %arg1, %mul3A_47 : i32
    %mul3A_49 = arith.constant 624 : i32
    %mul3A_50 = arith.muli %arg1, %mul3A_49 : i32
    "tpu.region"() ({
      %run_scoped3A = tpu.sem_alloc : memref<!tpu.dma_semaphore, #tpu.memory_space<semaphore_mem>>
      %dma_start3A_56 = arith.constant 0 : i32
      %dma_start3A_57 = tpu.memref_slice %arg3[%arg0, %mul3A_50, %dma_start3A_56] : memref<2x10000x16xf32, #tpu.memory_space<hbm>> -> memref<1x624x16xf32, #tpu.memory_space<hbm>>
      %dma_start3A_58 = tpu.memref_squeeze %dma_start3A_57 : memref<1x624x16xf32, #tpu.memory_space<hbm>> -> memref<624x16xf32, #tpu.memory_space<hbm>>
      %dma_start3A_59 = arith.constant 0 : i32
      %dma_start3A_60 = tpu.memref_slice %arg7[%mul3A_48, %dma_start3A_59] : memref<10016x16xf32, #tpu.memory_space<vmem_shared>> -> memref<624x16xf32, #tpu.memory_space<vmem_shared>>
      tpu.enqueue_dma source(%dma_start3A_60 : memref<624x16xf32, #tpu.memory_space<vmem_shared>>) target(%dma_start3A_58 : memref<624x16xf32, #tpu.memory_space<hbm>>) target_semaphore(%run_scoped3A : memref<!tpu.dma_semaphore, #tpu.memory_space<semaphore_mem>>)
      %dma_wait3A = arith.constant 0 : i32
      %dma_wait3A_61 = tpu.memref_slice %arg3[%arg0, %mul3A_50, %dma_wait3A] : memref<2x10000x16xf32, #tpu.memory_space<hbm>> -> memref<1x624x16xf32, #tpu.memory_space<hbm>>
      %dma_wait3A_62 = tpu.memref_squeeze %dma_wait3A_61 : memref<1x624x16xf32, #tpu.memory_space<hbm>> -> memref<624x16xf32, #tpu.memory_space<hbm>>
      %dma_wait3A_63 = arith.constant 0 : i32
      %dma_wait3A_64 = tpu.memref_slice %arg7[%mul3A_48, %dma_wait3A_63] : memref<10016x16xf32, #tpu.memory_space<vmem_shared>> -> memref<624x16xf32, #tpu.memory_space<vmem_shared>>
      tpu.wait_dma2 semaphore(%run_scoped3A : memref<!tpu.dma_semaphore, #tpu.memory_space<semaphore_mem>>) src(%dma_wait3A_64 : memref<624x16xf32, #tpu.memory_space<vmem_shared>>) dst(%dma_wait3A_62 : memref<624x16xf32, #tpu.memory_space<hbm>>)
      tpu.yield
    }) : () -> ()
    %eq3A_51 = arith.constant 15 : i32
    %eq3A_52 = arith.cmpi eq, %arg1, %eq3A_51 : i32
    %convert_element_type3A_53 = arith.extui %eq3A_52 : i1 to i32
    %cond3A_54 = arith.constant 0 : i32
    %cond3A_55 = arith.cmpi ne, %convert_element_type3A_53, %cond3A_54 : i32
    scf.if %cond3A_55 {
      "tpu.region"() ({
        %run_scoped3A = tpu.sem_alloc : memref<!tpu.dma_semaphore, #tpu.memory_space<semaphore_mem>>
        %dma_start3A_56 = arith.constant 9984 : i32
        %dma_start3A_57 = arith.constant 0 : i32
        %dma_start3A_58 = tpu.memref_slice %arg3[%arg0, %dma_start3A_56, %dma_start3A_57] : memref<2x10000x16xf32, #tpu.memory_space<hbm>> -> memref<1x16x16xf32, #tpu.memory_space<hbm>>
        %dma_start3A_59 = tpu.memref_squeeze %dma_start3A_58 : memref<1x16x16xf32, #tpu.memory_space<hbm>> -> memref<16x16xf32, #tpu.memory_space<hbm>>
        %dma_start3A_60 = arith.constant 9984 : i32
        %dma_start3A_61 = arith.constant 0 : i32
        %dma_start3A_62 = tpu.memref_slice %arg7[%dma_start3A_60, %dma_start3A_61] : memref<10016x16xf32, #tpu.memory_space<vmem_shared>> -> memref<16x16xf32, #tpu.memory_space<vmem_shared>>
        tpu.enqueue_dma source(%dma_start3A_62 : memref<16x16xf32, #tpu.memory_space<vmem_shared>>) target(%dma_start3A_59 : memref<16x16xf32, #tpu.memory_space<hbm>>) target_semaphore(%run_scoped3A : memref<!tpu.dma_semaphore, #tpu.memory_space<semaphore_mem>>)
        %dma_wait3A = arith.constant 9984 : i32
        %dma_wait3A_63 = arith.constant 0 : i32
        %dma_wait3A_64 = tpu.memref_slice %arg3[%arg0, %dma_wait3A, %dma_wait3A_63] : memref<2x10000x16xf32, #tpu.memory_space<hbm>> -> memref<1x16x16xf32, #tpu.memory_space<hbm>>
        %dma_wait3A_65 = tpu.memref_squeeze %dma_wait3A_64 : memref<1x16x16xf32, #tpu.memory_space<hbm>> -> memref<16x16xf32, #tpu.memory_space<hbm>>
        %dma_wait3A_66 = arith.constant 9984 : i32
        %dma_wait3A_67 = arith.constant 0 : i32
        %dma_wait3A_68 = tpu.memref_slice %arg7[%dma_wait3A_66, %dma_wait3A_67] : memref<10016x16xf32, #tpu.memory_space<vmem_shared>> -> memref<16x16xf32, #tpu.memory_space<vmem_shared>>
        tpu.wait_dma2 semaphore(%run_scoped3A : memref<!tpu.dma_semaphore, #tpu.memory_space<semaphore_mem>>) src(%dma_wait3A_68 : memref<16x16xf32, #tpu.memory_space<vmem_shared>>) dst(%dma_wait3A_65 : memref<16x16xf32, #tpu.memory_space<hbm>>)
        tpu.yield
      }) : () -> ()
    } else {
    }
    return
  }
}

#map = affine_map<(d0, d1) -> (0, 0)>
#map1 = affine_map<(d0, d1) -> (0, 0, 0, 0)>
#map2 = affine_map<(d0, d1) -> (0, 0, 0)>
module attributes {stable_mosaic.version = 14 : i64} {
  func.func @_scat_body(%arg0: i32, %arg1: i32, %arg2: memref<10000x128xf32, #tpu.memory_space<hbm>>, %arg3: memref<32x4x20x128xi32, #tpu.memory_space<hbm>>, %arg4: memref<32x4x20x128xi32, #tpu.memory_space<hbm>>, %arg5: memref<2x10000x128xf32, #tpu.memory_space<hbm>>, %arg6: memref<20x128xi32, #tpu.memory_space<vmem>>, %arg7: memref<20x128xi32, #tpu.memory_space<vmem>>, %arg8: memref<128x128xf32, #tpu.memory_space<vmem>>, %arg9: memref<128x128xf32, #tpu.memory_space<vmem>>, %arg10: memref<10016x128xf32, #tpu.memory_space<vmem_shared>>, %arg11: memref<!tpu.dma_semaphore, #tpu.memory_space<semaphore_mem>>, %arg12: memref<!tpu.dma_semaphore, #tpu.memory_space<semaphore_mem>>) attributes {dimension_semantics = [#tpu.dimension_semantics<core_parallel>, #tpu.dimension_semantics<subcore_parallel>], iteration_bounds = array<i64: 2, 16>, scalar_prefetch = 0 : i64, scratch_operands = 7 : i64, tpu.core_type = #tpu.core_type<sc_vector_subcore>, window_params = [{transform_indices = #map}, {transform_indices = #map1}, {transform_indices = #map1}, {transform_indices = #map2}]} {
    %mul3A = arith.constant 16 : i32
    %mul3A_0 = arith.muli %arg0, %mul3A : i32
    %add3A = arith.addi %mul3A_0, %arg1 : i32
    %run_scoped3A = arith.constant 0 : i32
    "tpu.region"() ({
      %run_scoped3A_89 = tpu.sem_alloc : memref<!tpu.dma_semaphore, #tpu.memory_space<semaphore_mem>>
      %dma_start3A_90 = arith.constant 0 : i32
      %dma_start3A_91 = arith.constant 0 : i32
      %dma_start3A_92 = tpu.memref_slice %arg3[%add3A, %run_scoped3A, %dma_start3A_90, %dma_start3A_91] : memref<32x4x20x128xi32, #tpu.memory_space<hbm>> -> memref<1x1x20x128xi32, #tpu.memory_space<hbm>>
      %dma_start3A_93 = tpu.memref_squeeze %dma_start3A_92 : memref<1x1x20x128xi32, #tpu.memory_space<hbm>> -> memref<20x128xi32, #tpu.memory_space<hbm>>
      %dma_start3A_94 = arith.constant 0 : i32
      %dma_start3A_95 = arith.constant 0 : i32
      %dma_start3A_96 = tpu.memref_slice %arg3[%add3A, %run_scoped3A, %dma_start3A_94, %dma_start3A_95] : memref<32x4x20x128xi32, #tpu.memory_space<hbm>> -> memref<1x1x20x128xi32, #tpu.memory_space<hbm>>
      %dma_start3A_97 = tpu.memref_squeeze %dma_start3A_96 : memref<1x1x20x128xi32, #tpu.memory_space<hbm>> -> memref<20x128xi32, #tpu.memory_space<hbm>>
      tpu.enqueue_dma source(%dma_start3A_97 : memref<20x128xi32, #tpu.memory_space<hbm>>) target(%arg6 : memref<20x128xi32, #tpu.memory_space<vmem>>) target_semaphore(%run_scoped3A_89 : memref<!tpu.dma_semaphore, #tpu.memory_space<semaphore_mem>>)
      %dma_wait3A = arith.constant 0 : i32
      %dma_wait3A_98 = arith.constant 0 : i32
      %dma_wait3A_99 = tpu.memref_slice %arg3[%add3A, %run_scoped3A, %dma_wait3A, %dma_wait3A_98] : memref<32x4x20x128xi32, #tpu.memory_space<hbm>> -> memref<1x1x20x128xi32, #tpu.memory_space<hbm>>
      %dma_wait3A_100 = tpu.memref_squeeze %dma_wait3A_99 : memref<1x1x20x128xi32, #tpu.memory_space<hbm>> -> memref<20x128xi32, #tpu.memory_space<hbm>>
      %dma_wait3A_101 = arith.constant 0 : i32
      %dma_wait3A_102 = arith.constant 0 : i32
      %dma_wait3A_103 = tpu.memref_slice %arg3[%add3A, %run_scoped3A, %dma_wait3A_101, %dma_wait3A_102] : memref<32x4x20x128xi32, #tpu.memory_space<hbm>> -> memref<1x1x20x128xi32, #tpu.memory_space<hbm>>
      %dma_wait3A_104 = tpu.memref_squeeze %dma_wait3A_103 : memref<1x1x20x128xi32, #tpu.memory_space<hbm>> -> memref<20x128xi32, #tpu.memory_space<hbm>>
      tpu.wait_dma2 semaphore(%run_scoped3A_89 : memref<!tpu.dma_semaphore, #tpu.memory_space<semaphore_mem>>) src(%dma_wait3A_104 : memref<20x128xi32, #tpu.memory_space<hbm>>) dst(%arg6 : memref<20x128xi32, #tpu.memory_space<vmem>>)
      tpu.yield
    }) : () -> ()
    %run_scoped3A_1 = arith.constant 0 : i32
    "tpu.region"() ({
      %run_scoped3A_89 = tpu.sem_alloc : memref<!tpu.dma_semaphore, #tpu.memory_space<semaphore_mem>>
      %dma_start3A_90 = arith.constant 0 : i32
      %dma_start3A_91 = arith.constant 0 : i32
      %dma_start3A_92 = tpu.memref_slice %arg4[%add3A, %run_scoped3A_1, %dma_start3A_90, %dma_start3A_91] : memref<32x4x20x128xi32, #tpu.memory_space<hbm>> -> memref<1x1x20x128xi32, #tpu.memory_space<hbm>>
      %dma_start3A_93 = tpu.memref_squeeze %dma_start3A_92 : memref<1x1x20x128xi32, #tpu.memory_space<hbm>> -> memref<20x128xi32, #tpu.memory_space<hbm>>
      %dma_start3A_94 = arith.constant 0 : i32
      %dma_start3A_95 = arith.constant 0 : i32
      %dma_start3A_96 = tpu.memref_slice %arg4[%add3A, %run_scoped3A_1, %dma_start3A_94, %dma_start3A_95] : memref<32x4x20x128xi32, #tpu.memory_space<hbm>> -> memref<1x1x20x128xi32, #tpu.memory_space<hbm>>
      %dma_start3A_97 = tpu.memref_squeeze %dma_start3A_96 : memref<1x1x20x128xi32, #tpu.memory_space<hbm>> -> memref<20x128xi32, #tpu.memory_space<hbm>>
      tpu.enqueue_dma source(%dma_start3A_97 : memref<20x128xi32, #tpu.memory_space<hbm>>) target(%arg7 : memref<20x128xi32, #tpu.memory_space<vmem>>) target_semaphore(%run_scoped3A_89 : memref<!tpu.dma_semaphore, #tpu.memory_space<semaphore_mem>>)
      %dma_wait3A = arith.constant 0 : i32
      %dma_wait3A_98 = arith.constant 0 : i32
      %dma_wait3A_99 = tpu.memref_slice %arg4[%add3A, %run_scoped3A_1, %dma_wait3A, %dma_wait3A_98] : memref<32x4x20x128xi32, #tpu.memory_space<hbm>> -> memref<1x1x20x128xi32, #tpu.memory_space<hbm>>
      %dma_wait3A_100 = tpu.memref_squeeze %dma_wait3A_99 : memref<1x1x20x128xi32, #tpu.memory_space<hbm>> -> memref<20x128xi32, #tpu.memory_space<hbm>>
      %dma_wait3A_101 = arith.constant 0 : i32
      %dma_wait3A_102 = arith.constant 0 : i32
      %dma_wait3A_103 = tpu.memref_slice %arg4[%add3A, %run_scoped3A_1, %dma_wait3A_101, %dma_wait3A_102] : memref<32x4x20x128xi32, #tpu.memory_space<hbm>> -> memref<1x1x20x128xi32, #tpu.memory_space<hbm>>
      %dma_wait3A_104 = tpu.memref_squeeze %dma_wait3A_103 : memref<1x1x20x128xi32, #tpu.memory_space<hbm>> -> memref<20x128xi32, #tpu.memory_space<hbm>>
      tpu.wait_dma2 semaphore(%run_scoped3A_89 : memref<!tpu.dma_semaphore, #tpu.memory_space<semaphore_mem>>) src(%dma_wait3A_104 : memref<20x128xi32, #tpu.memory_space<hbm>>) dst(%arg7 : memref<20x128xi32, #tpu.memory_space<vmem>>)
      tpu.yield
    }) : () -> ()
    %scan3A = arith.constant 0 : i32
    %scan3A_2 = arith.constant 0 : i32
    %scan3A_3 = arith.constant 128 : i32
    %scan3A_4 = arith.addi %scan3A_2, %scan3A_3 : i32
    %scan3A_5 = arith.constant 1 : i32
    scf.for %scan3A_89 = %scan3A_2 to %scan3A_4 step %scan3A_5  : i32 {
      %broadcast_in_dim3A = arith.constant 0.000000e+00 : f32
      %broadcast_in_dim3A_90 = vector.broadcast %broadcast_in_dim3A : f32 to vector<16xf32>
      %swap3A = arith.index_cast %scan3A_89 : i32 to index
      %swap3A_91 = arith.constant 0 : index
      %swap3A_92 = tpu.vector_load %arg8[%swap3A, %swap3A_91] {strides = array<i32>} : memref<128x128xf32, #tpu.memory_space<vmem>>, vector<1x16xf32>,
      %swap3A_93 = vector.shape_cast %swap3A_92 : vector<1x16xf32> to vector<16xf32>
      %swap3A_94 = vector.shape_cast %broadcast_in_dim3A_90 : vector<16xf32> to vector<1x16xf32>
      tpu.vector_store %arg8[%swap3A, %swap3A_91], %swap3A_94 {strides = array<i32>} : memref<128x128xf32, #tpu.memory_space<vmem>>, vector<1x16xf32>,
      %broadcast_in_dim3A_95 = arith.constant 0.000000e+00 : f32
      %broadcast_in_dim3A_96 = vector.broadcast %broadcast_in_dim3A_95 : f32 to vector<16xf32>
      %swap3A_97 = arith.index_cast %scan3A_89 : i32 to index
      %swap3A_98 = arith.constant 16 : index
      %swap3A_99 = tpu.vector_load %arg8[%swap3A_97, %swap3A_98] {strides = array<i32>} : memref<128x128xf32, #tpu.memory_space<vmem>>, vector<1x16xf32>,
      %swap3A_100 = vector.shape_cast %swap3A_99 : vector<1x16xf32> to vector<16xf32>
      %swap3A_101 = vector.shape_cast %broadcast_in_dim3A_96 : vector<16xf32> to vector<1x16xf32>
      tpu.vector_store %arg8[%swap3A_97, %swap3A_98], %swap3A_101 {strides = array<i32>} : memref<128x128xf32, #tpu.memory_space<vmem>>, vector<1x16xf32>,
      %broadcast_in_dim3A_102 = arith.constant 0.000000e+00 : f32
      %broadcast_in_dim3A_103 = vector.broadcast %broadcast_in_dim3A_102 : f32 to vector<16xf32>
      %swap3A_104 = arith.index_cast %scan3A_89 : i32 to index
      %swap3A_105 = arith.constant 32 : index
      %swap3A_106 = tpu.vector_load %arg8[%swap3A_104, %swap3A_105] {strides = array<i32>} : memref<128x128xf32, #tpu.memory_space<vmem>>, vector<1x16xf32>,
      %swap3A_107 = vector.shape_cast %swap3A_106 : vector<1x16xf32> to vector<16xf32>
      %swap3A_108 = vector.shape_cast %broadcast_in_dim3A_103 : vector<16xf32> to vector<1x16xf32>
      tpu.vector_store %arg8[%swap3A_104, %swap3A_105], %swap3A_108 {strides = array<i32>} : memref<128x128xf32, #tpu.memory_space<vmem>>, vector<1x16xf32>,
      %broadcast_in_dim3A_109 = arith.constant 0.000000e+00 : f32
      %broadcast_in_dim3A_110 = vector.broadcast %broadcast_in_dim3A_109 : f32 to vector<16xf32>
      %swap3A_111 = arith.index_cast %scan3A_89 : i32 to index
      %swap3A_112 = arith.constant 48 : index
      %swap3A_113 = tpu.vector_load %arg8[%swap3A_111, %swap3A_112] {strides = array<i32>} : memref<128x128xf32, #tpu.memory_space<vmem>>, vector<1x16xf32>,
      %swap3A_114 = vector.shape_cast %swap3A_113 : vector<1x16xf32> to vector<16xf32>
      %swap3A_115 = vector.shape_cast %broadcast_in_dim3A_110 : vector<16xf32> to vector<1x16xf32>
      tpu.vector_store %arg8[%swap3A_111, %swap3A_112], %swap3A_115 {strides = array<i32>} : memref<128x128xf32, #tpu.memory_space<vmem>>, vector<1x16xf32>,
      %broadcast_in_dim3A_116 = arith.constant 0.000000e+00 : f32
      %broadcast_in_dim3A_117 = vector.broadcast %broadcast_in_dim3A_116 : f32 to vector<16xf32>
      %swap3A_118 = arith.index_cast %scan3A_89 : i32 to index
      %swap3A_119 = arith.constant 64 : index
      %swap3A_120 = tpu.vector_load %arg8[%swap3A_118, %swap3A_119] {strides = array<i32>} : memref<128x128xf32, #tpu.memory_space<vmem>>, vector<1x16xf32>,
      %swap3A_121 = vector.shape_cast %swap3A_120 : vector<1x16xf32> to vector<16xf32>
      %swap3A_122 = vector.shape_cast %broadcast_in_dim3A_117 : vector<16xf32> to vector<1x16xf32>
      tpu.vector_store %arg8[%swap3A_118, %swap3A_119], %swap3A_122 {strides = array<i32>} : memref<128x128xf32, #tpu.memory_space<vmem>>, vector<1x16xf32>,
      %broadcast_in_dim3A_123 = arith.constant 0.000000e+00 : f32
      %broadcast_in_dim3A_124 = vector.broadcast %broadcast_in_dim3A_123 : f32 to vector<16xf32>
      %swap3A_125 = arith.index_cast %scan3A_89 : i32 to index
      %swap3A_126 = arith.constant 80 : index
      %swap3A_127 = tpu.vector_load %arg8[%swap3A_125, %swap3A_126] {strides = array<i32>} : memref<128x128xf32, #tpu.memory_space<vmem>>, vector<1x16xf32>,
      %swap3A_128 = vector.shape_cast %swap3A_127 : vector<1x16xf32> to vector<16xf32>
      %swap3A_129 = vector.shape_cast %broadcast_in_dim3A_124 : vector<16xf32> to vector<1x16xf32>
      tpu.vector_store %arg8[%swap3A_125, %swap3A_126], %swap3A_129 {strides = array<i32>} : memref<128x128xf32, #tpu.memory_space<vmem>>, vector<1x16xf32>,
      %broadcast_in_dim3A_130 = arith.constant 0.000000e+00 : f32
      %broadcast_in_dim3A_131 = vector.broadcast %broadcast_in_dim3A_130 : f32 to vector<16xf32>
      %swap3A_132 = arith.index_cast %scan3A_89 : i32 to index
      %swap3A_133 = arith.constant 96 : index
      %swap3A_134 = tpu.vector_load %arg8[%swap3A_132, %swap3A_133] {strides = array<i32>} : memref<128x128xf32, #tpu.memory_space<vmem>>, vector<1x16xf32>,
      %swap3A_135 = vector.shape_cast %swap3A_134 : vector<1x16xf32> to vector<16xf32>
      %swap3A_136 = vector.shape_cast %broadcast_in_dim3A_131 : vector<16xf32> to vector<1x16xf32>
      tpu.vector_store %arg8[%swap3A_132, %swap3A_133], %swap3A_136 {strides = array<i32>} : memref<128x128xf32, #tpu.memory_space<vmem>>, vector<1x16xf32>,
      %broadcast_in_dim3A_137 = arith.constant 0.000000e+00 : f32
      %broadcast_in_dim3A_138 = vector.broadcast %broadcast_in_dim3A_137 : f32 to vector<16xf32>
      %swap3A_139 = arith.index_cast %scan3A_89 : i32 to index
      %swap3A_140 = arith.constant 112 : index
      %swap3A_141 = tpu.vector_load %arg8[%swap3A_139, %swap3A_140] {strides = array<i32>} : memref<128x128xf32, #tpu.memory_space<vmem>>, vector<1x16xf32>,
      %swap3A_142 = vector.shape_cast %swap3A_141 : vector<1x16xf32> to vector<16xf32>
      %swap3A_143 = vector.shape_cast %broadcast_in_dim3A_138 : vector<16xf32> to vector<1x16xf32>
      tpu.vector_store %arg8[%swap3A_139, %swap3A_140], %swap3A_143 {strides = array<i32>} : memref<128x128xf32, #tpu.memory_space<vmem>>, vector<1x16xf32>,
    }
    %scan3A_6 = arith.constant 128 : i32
    %mul3A_7 = arith.constant 624 : i32
    %mul3A_8 = arith.muli %arg1, %mul3A_7 : i32
    %add3A_9 = arith.constant 0 : i32
    %add3A_10 = arith.addi %mul3A_8, %add3A_9 : i32
    "tpu.region"() ({
      %run_scoped3A_89 = tpu.sem_alloc : memref<!tpu.dma_semaphore, #tpu.memory_space<semaphore_mem>>
      %dma_start3A_90 = arith.constant 0 : i32
      %dma_start3A_91 = tpu.memref_slice %arg10[%add3A_10, %dma_start3A_90] : memref<10016x128xf32, #tpu.memory_space<vmem_shared>> -> memref<128x128xf32, #tpu.memory_space<vmem_shared>>
      %dma_start3A_92 = arith.constant 0 : i32
      %dma_start3A_93 = tpu.memref_slice %arg10[%add3A_10, %dma_start3A_92] : memref<10016x128xf32, #tpu.memory_space<vmem_shared>> -> memref<128x128xf32, #tpu.memory_space<vmem_shared>>
      tpu.enqueue_dma source(%arg8 : memref<128x128xf32, #tpu.memory_space<vmem>>) target(%dma_start3A_93 : memref<128x128xf32, #tpu.memory_space<vmem_shared>>) target_semaphore(%run_scoped3A_89 : memref<!tpu.dma_semaphore, #tpu.memory_space<semaphore_mem>>)
      %dma_wait3A = arith.constant 0 : i32
      %dma_wait3A_94 = tpu.memref_slice %arg10[%add3A_10, %dma_wait3A] : memref<10016x128xf32, #tpu.memory_space<vmem_shared>> -> memref<128x128xf32, #tpu.memory_space<vmem_shared>>
      %dma_wait3A_95 = arith.constant 0 : i32
      %dma_wait3A_96 = tpu.memref_slice %arg10[%add3A_10, %dma_wait3A_95] : memref<10016x128xf32, #tpu.memory_space<vmem_shared>> -> memref<128x128xf32, #tpu.memory_space<vmem_shared>>
      tpu.wait_dma2 semaphore(%run_scoped3A_89 : memref<!tpu.dma_semaphore, #tpu.memory_space<semaphore_mem>>) src(%arg8 : memref<128x128xf32, #tpu.memory_space<vmem>>) dst(%dma_wait3A_96 : memref<128x128xf32, #tpu.memory_space<vmem_shared>>)
      tpu.yield
    }) : () -> ()
    %add3A_11 = arith.constant 128 : i32
    %add3A_12 = arith.addi %mul3A_8, %add3A_11 : i32
    "tpu.region"() ({
      %run_scoped3A_89 = tpu.sem_alloc : memref<!tpu.dma_semaphore, #tpu.memory_space<semaphore_mem>>
      %dma_start3A_90 = arith.constant 0 : i32
      %dma_start3A_91 = tpu.memref_slice %arg10[%add3A_12, %dma_start3A_90] : memref<10016x128xf32, #tpu.memory_space<vmem_shared>> -> memref<128x128xf32, #tpu.memory_space<vmem_shared>>
      %dma_start3A_92 = arith.constant 0 : i32
      %dma_start3A_93 = tpu.memref_slice %arg10[%add3A_12, %dma_start3A_92] : memref<10016x128xf32, #tpu.memory_space<vmem_shared>> -> memref<128x128xf32, #tpu.memory_space<vmem_shared>>
      tpu.enqueue_dma source(%arg8 : memref<128x128xf32, #tpu.memory_space<vmem>>) target(%dma_start3A_93 : memref<128x128xf32, #tpu.memory_space<vmem_shared>>) target_semaphore(%run_scoped3A_89 : memref<!tpu.dma_semaphore, #tpu.memory_space<semaphore_mem>>)
      %dma_wait3A = arith.constant 0 : i32
      %dma_wait3A_94 = tpu.memref_slice %arg10[%add3A_12, %dma_wait3A] : memref<10016x128xf32, #tpu.memory_space<vmem_shared>> -> memref<128x128xf32, #tpu.memory_space<vmem_shared>>
      %dma_wait3A_95 = arith.constant 0 : i32
      %dma_wait3A_96 = tpu.memref_slice %arg10[%add3A_12, %dma_wait3A_95] : memref<10016x128xf32, #tpu.memory_space<vmem_shared>> -> memref<128x128xf32, #tpu.memory_space<vmem_shared>>
      tpu.wait_dma2 semaphore(%run_scoped3A_89 : memref<!tpu.dma_semaphore, #tpu.memory_space<semaphore_mem>>) src(%arg8 : memref<128x128xf32, #tpu.memory_space<vmem>>) dst(%dma_wait3A_96 : memref<128x128xf32, #tpu.memory_space<vmem_shared>>)
      tpu.yield
    }) : () -> ()
    %add3A_13 = arith.constant 256 : i32
    %add3A_14 = arith.addi %mul3A_8, %add3A_13 : i32
    "tpu.region"() ({
      %run_scoped3A_89 = tpu.sem_alloc : memref<!tpu.dma_semaphore, #tpu.memory_space<semaphore_mem>>
      %dma_start3A_90 = arith.constant 0 : i32
      %dma_start3A_91 = tpu.memref_slice %arg10[%add3A_14, %dma_start3A_90] : memref<10016x128xf32, #tpu.memory_space<vmem_shared>> -> memref<128x128xf32, #tpu.memory_space<vmem_shared>>
      %dma_start3A_92 = arith.constant 0 : i32
      %dma_start3A_93 = tpu.memref_slice %arg10[%add3A_14, %dma_start3A_92] : memref<10016x128xf32, #tpu.memory_space<vmem_shared>> -> memref<128x128xf32, #tpu.memory_space<vmem_shared>>
      tpu.enqueue_dma source(%arg8 : memref<128x128xf32, #tpu.memory_space<vmem>>) target(%dma_start3A_93 : memref<128x128xf32, #tpu.memory_space<vmem_shared>>) target_semaphore(%run_scoped3A_89 : memref<!tpu.dma_semaphore, #tpu.memory_space<semaphore_mem>>)
      %dma_wait3A = arith.constant 0 : i32
      %dma_wait3A_94 = tpu.memref_slice %arg10[%add3A_14, %dma_wait3A] : memref<10016x128xf32, #tpu.memory_space<vmem_shared>> -> memref<128x128xf32, #tpu.memory_space<vmem_shared>>
      %dma_wait3A_95 = arith.constant 0 : i32
      %dma_wait3A_96 = tpu.memref_slice %arg10[%add3A_14, %dma_wait3A_95] : memref<10016x128xf32, #tpu.memory_space<vmem_shared>> -> memref<128x128xf32, #tpu.memory_space<vmem_shared>>
      tpu.wait_dma2 semaphore(%run_scoped3A_89 : memref<!tpu.dma_semaphore, #tpu.memory_space<semaphore_mem>>) src(%arg8 : memref<128x128xf32, #tpu.memory_space<vmem>>) dst(%dma_wait3A_96 : memref<128x128xf32, #tpu.memory_space<vmem_shared>>)
      tpu.yield
    }) : () -> ()
    %add3A_15 = arith.constant 384 : i32
    %add3A_16 = arith.addi %mul3A_8, %add3A_15 : i32
    "tpu.region"() ({
      %run_scoped3A_89 = tpu.sem_alloc : memref<!tpu.dma_semaphore, #tpu.memory_space<semaphore_mem>>
      %dma_start3A_90 = arith.constant 0 : i32
      %dma_start3A_91 = tpu.memref_slice %arg10[%add3A_16, %dma_start3A_90] : memref<10016x128xf32, #tpu.memory_space<vmem_shared>> -> memref<128x128xf32, #tpu.memory_space<vmem_shared>>
      %dma_start3A_92 = arith.constant 0 : i32
      %dma_start3A_93 = tpu.memref_slice %arg10[%add3A_16, %dma_start3A_92] : memref<10016x128xf32, #tpu.memory_space<vmem_shared>> -> memref<128x128xf32, #tpu.memory_space<vmem_shared>>
      tpu.enqueue_dma source(%arg8 : memref<128x128xf32, #tpu.memory_space<vmem>>) target(%dma_start3A_93 : memref<128x128xf32, #tpu.memory_space<vmem_shared>>) target_semaphore(%run_scoped3A_89 : memref<!tpu.dma_semaphore, #tpu.memory_space<semaphore_mem>>)
      %dma_wait3A = arith.constant 0 : i32
      %dma_wait3A_94 = tpu.memref_slice %arg10[%add3A_16, %dma_wait3A] : memref<10016x128xf32, #tpu.memory_space<vmem_shared>> -> memref<128x128xf32, #tpu.memory_space<vmem_shared>>
      %dma_wait3A_95 = arith.constant 0 : i32
      %dma_wait3A_96 = tpu.memref_slice %arg10[%add3A_16, %dma_wait3A_95] : memref<10016x128xf32, #tpu.memory_space<vmem_shared>> -> memref<128x128xf32, #tpu.memory_space<vmem_shared>>
      tpu.wait_dma2 semaphore(%run_scoped3A_89 : memref<!tpu.dma_semaphore, #tpu.memory_space<semaphore_mem>>) src(%arg8 : memref<128x128xf32, #tpu.memory_space<vmem>>) dst(%dma_wait3A_96 : memref<128x128xf32, #tpu.memory_space<vmem_shared>>)
      tpu.yield
    }) : () -> ()
    %add3A_17 = arith.constant 624 : i32
    %add3A_18 = arith.addi %mul3A_8, %add3A_17 : i32
    %sub3A = arith.constant 112 : i32
    %sub3A_19 = arith.subi %add3A_18, %sub3A : i32
    "tpu.region"() ({
      %run_scoped3A_89 = tpu.sem_alloc : memref<!tpu.dma_semaphore, #tpu.memory_space<semaphore_mem>>
      %dma_start3A_90 = arith.constant 0 : i32
      %dma_start3A_91 = arith.constant 0 : i32
      %dma_start3A_92 = tpu.memref_slice %arg8[%dma_start3A_90, %dma_start3A_91] : memref<128x128xf32, #tpu.memory_space<vmem>> -> memref<112x128xf32, #tpu.memory_space<vmem>>
      %dma_start3A_93 = arith.constant 0 : i32
      %dma_start3A_94 = tpu.memref_slice %arg10[%sub3A_19, %dma_start3A_93] : memref<10016x128xf32, #tpu.memory_space<vmem_shared>> -> memref<112x128xf32, #tpu.memory_space<vmem_shared>>
      %dma_start3A_95 = arith.constant 0 : i32
      %dma_start3A_96 = tpu.memref_slice %arg10[%sub3A_19, %dma_start3A_95] : memref<10016x128xf32, #tpu.memory_space<vmem_shared>> -> memref<112x128xf32, #tpu.memory_space<vmem_shared>>
      %dma_start3A_97 = arith.constant 0 : i32
      %dma_start3A_98 = arith.constant 0 : i32
      %dma_start3A_99 = tpu.memref_slice %arg8[%dma_start3A_97, %dma_start3A_98] : memref<128x128xf32, #tpu.memory_space<vmem>> -> memref<112x128xf32, #tpu.memory_space<vmem>>
      tpu.enqueue_dma source(%dma_start3A_99 : memref<112x128xf32, #tpu.memory_space<vmem>>) target(%dma_start3A_96 : memref<112x128xf32, #tpu.memory_space<vmem_shared>>) target_semaphore(%run_scoped3A_89 : memref<!tpu.dma_semaphore, #tpu.memory_space<semaphore_mem>>)
      %dma_wait3A = arith.constant 0 : i32
      %dma_wait3A_100 = arith.constant 0 : i32
      %dma_wait3A_101 = tpu.memref_slice %arg8[%dma_wait3A, %dma_wait3A_100] : memref<128x128xf32, #tpu.memory_space<vmem>> -> memref<112x128xf32, #tpu.memory_space<vmem>>
      %dma_wait3A_102 = arith.constant 0 : i32
      %dma_wait3A_103 = tpu.memref_slice %arg10[%sub3A_19, %dma_wait3A_102] : memref<10016x128xf32, #tpu.memory_space<vmem_shared>> -> memref<112x128xf32, #tpu.memory_space<vmem_shared>>
      %dma_wait3A_104 = arith.constant 0 : i32
      %dma_wait3A_105 = tpu.memref_slice %arg10[%sub3A_19, %dma_wait3A_104] : memref<10016x128xf32, #tpu.memory_space<vmem_shared>> -> memref<112x128xf32, #tpu.memory_space<vmem_shared>>
      %dma_wait3A_106 = arith.constant 0 : i32
      %dma_wait3A_107 = arith.constant 0 : i32
      %dma_wait3A_108 = tpu.memref_slice %arg8[%dma_wait3A_106, %dma_wait3A_107] : memref<128x128xf32, #tpu.memory_space<vmem>> -> memref<112x128xf32, #tpu.memory_space<vmem>>
      tpu.wait_dma2 semaphore(%run_scoped3A_89 : memref<!tpu.dma_semaphore, #tpu.memory_space<semaphore_mem>>) src(%dma_wait3A_108 : memref<112x128xf32, #tpu.memory_space<vmem>>) dst(%dma_wait3A_105 : memref<112x128xf32, #tpu.memory_space<vmem_shared>>)
      tpu.yield
    }) : () -> ()
    %eq3A = arith.constant 15 : i32
    %eq3A_20 = arith.cmpi eq, %arg1, %eq3A : i32
    %convert_element_type3A = arith.extui %eq3A_20 : i1 to i32
    %cond3A = arith.constant 0 : i32
    %cond3A_21 = arith.cmpi ne, %convert_element_type3A, %cond3A : i32
    scf.if %cond3A_21 {
      "tpu.region"() ({
        %run_scoped3A_89 = tpu.sem_alloc : memref<!tpu.dma_semaphore, #tpu.memory_space<semaphore_mem>>
        %dma_start3A_90 = arith.constant 0 : i32
        %dma_start3A_91 = arith.constant 0 : i32
        %dma_start3A_92 = tpu.memref_slice %arg8[%dma_start3A_90, %dma_start3A_91] : memref<128x128xf32, #tpu.memory_space<vmem>> -> memref<16x128xf32, #tpu.memory_space<vmem>>
        %dma_start3A_93 = arith.constant 9984 : i32
        %dma_start3A_94 = arith.constant 0 : i32
        %dma_start3A_95 = tpu.memref_slice %arg10[%dma_start3A_93, %dma_start3A_94] : memref<10016x128xf32, #tpu.memory_space<vmem_shared>> -> memref<16x128xf32, #tpu.memory_space<vmem_shared>>
        %dma_start3A_96 = arith.constant 9984 : i32
        %dma_start3A_97 = arith.constant 0 : i32
        %dma_start3A_98 = tpu.memref_slice %arg10[%dma_start3A_96, %dma_start3A_97] : memref<10016x128xf32, #tpu.memory_space<vmem_shared>> -> memref<16x128xf32, #tpu.memory_space<vmem_shared>>
        %dma_start3A_99 = arith.constant 0 : i32
        %dma_start3A_100 = arith.constant 0 : i32
        %dma_start3A_101 = tpu.memref_slice %arg8[%dma_start3A_99, %dma_start3A_100] : memref<128x128xf32, #tpu.memory_space<vmem>> -> memref<16x128xf32, #tpu.memory_space<vmem>>
        tpu.enqueue_dma source(%dma_start3A_101 : memref<16x128xf32, #tpu.memory_space<vmem>>) target(%dma_start3A_98 : memref<16x128xf32, #tpu.memory_space<vmem_shared>>) target_semaphore(%run_scoped3A_89 : memref<!tpu.dma_semaphore, #tpu.memory_space<semaphore_mem>>)
        %dma_wait3A = arith.constant 0 : i32
        %dma_wait3A_102 = arith.constant 0 : i32
        %dma_wait3A_103 = tpu.memref_slice %arg8[%dma_wait3A, %dma_wait3A_102] : memref<128x128xf32, #tpu.memory_space<vmem>> -> memref<16x128xf32, #tpu.memory_space<vmem>>
        %dma_wait3A_104 = arith.constant 9984 : i32
        %dma_wait3A_105 = arith.constant 0 : i32
        %dma_wait3A_106 = tpu.memref_slice %arg10[%dma_wait3A_104, %dma_wait3A_105] : memref<10016x128xf32, #tpu.memory_space<vmem_shared>> -> memref<16x128xf32, #tpu.memory_space<vmem_shared>>
        %dma_wait3A_107 = arith.constant 9984 : i32
        %dma_wait3A_108 = arith.constant 0 : i32
        %dma_wait3A_109 = tpu.memref_slice %arg10[%dma_wait3A_107, %dma_wait3A_108] : memref<10016x128xf32, #tpu.memory_space<vmem_shared>> -> memref<16x128xf32, #tpu.memory_space<vmem_shared>>
        %dma_wait3A_110 = arith.constant 0 : i32
        %dma_wait3A_111 = arith.constant 0 : i32
        %dma_wait3A_112 = tpu.memref_slice %arg8[%dma_wait3A_110, %dma_wait3A_111] : memref<128x128xf32, #tpu.memory_space<vmem>> -> memref<16x128xf32, #tpu.memory_space<vmem>>
        tpu.wait_dma2 semaphore(%run_scoped3A_89 : memref<!tpu.dma_semaphore, #tpu.memory_space<semaphore_mem>>) src(%dma_wait3A_112 : memref<16x128xf32, #tpu.memory_space<vmem>>) dst(%dma_wait3A_109 : memref<16x128xf32, #tpu.memory_space<vmem_shared>>)
        tpu.yield
      }) : () -> ()
    } else {
    }
    %dma_start3A = arith.constant 0 : i32
    %dma_start3A_22 = arith.constant 0 : i32
    %dma_start3A_23 = tpu.memref_slice %arg6[%dma_start3A, %dma_start3A_22] : memref<20x128xi32, #tpu.memory_space<vmem>> -> memref<1x128xi32, #tpu.memory_space<vmem>>
    %dma_start3A_24 = tpu.memref_squeeze %dma_start3A_23 : memref<1x128xi32, #tpu.memory_space<vmem>> -> memref<128xi32, #tpu.memory_space<vmem>>
    %dma_start3A_25 = arith.constant 0 : i32
    %dma_start3A_26 = arith.constant 0 : i32
    %dma_start3A_27 = tpu.memref_slice %arg2[%dma_start3A_25, %dma_start3A_26] : memref<10000x128xf32, #tpu.memory_space<hbm>> -> memref<10000x128xf32, #tpu.memory_space<hbm>>
    tpu.enqueue_indirect_dma source(%dma_start3A_27 : memref<10000x128xf32, #tpu.memory_space<hbm>>) target(%arg8 : memref<128x128xf32, #tpu.memory_space<vmem>>) offsets(%dma_start3A_24 : memref<128xi32, #tpu.memory_space<vmem>>) semaphore(%arg11 : memref<!tpu.dma_semaphore, #tpu.memory_space<semaphore_mem>>)
    %barrier3A = arith.constant 0 : index
    tpu.barrier barrier_id(%barrier3A)
    %scan3A_28 = arith.constant 0 : i32
    %scan3A_29 = arith.constant 0 : i32
    %scan3A_30 = arith.constant 10 : i32
    %scan3A_31 = arith.addi %scan3A_29, %scan3A_30 : i32
    %scan3A_32 = arith.constant 1 : i32
    scf.for %scan3A_89 = %scan3A_29 to %scan3A_31 step %scan3A_32  : i32 {
      %mul3A_90 = arith.constant 2 : i32
      %mul3A_91 = arith.muli %mul3A_90, %scan3A_89 : i32
      %add3A_92 = arith.constant 1 : i32
      %add3A_93 = arith.addi %mul3A_91, %add3A_92 : i32
      %dma_start3A_94 = arith.constant 0 : i32
      %dma_start3A_95 = tpu.memref_slice %arg6[%add3A_93, %dma_start3A_94] : memref<20x128xi32, #tpu.memory_space<vmem>> -> memref<1x128xi32, #tpu.memory_space<vmem>>
      %dma_start3A_96 = tpu.memref_squeeze %dma_start3A_95 : memref<1x128xi32, #tpu.memory_space<vmem>> -> memref<128xi32, #tpu.memory_space<vmem>>
      %dma_start3A_97 = arith.constant 0 : i32
      %dma_start3A_98 = arith.constant 0 : i32
      %dma_start3A_99 = tpu.memref_slice %arg2[%dma_start3A_97, %dma_start3A_98] : memref<10000x128xf32, #tpu.memory_space<hbm>> -> memref<10000x128xf32, #tpu.memory_space<hbm>>
      tpu.enqueue_indirect_dma source(%dma_start3A_99 : memref<10000x128xf32, #tpu.memory_space<hbm>>) target(%arg9 : memref<128x128xf32, #tpu.memory_space<vmem>>) offsets(%dma_start3A_96 : memref<128xi32, #tpu.memory_space<vmem>>) semaphore(%arg12 : memref<!tpu.dma_semaphore, #tpu.memory_space<semaphore_mem>>)
      %dma_wait3A = arith.constant 0 : i32
      %dma_wait3A_100 = tpu.memref_slice %arg6[%mul3A_91, %dma_wait3A] : memref<20x128xi32, #tpu.memory_space<vmem>> -> memref<1x128xi32, #tpu.memory_space<vmem>>
      %dma_wait3A_101 = tpu.memref_squeeze %dma_wait3A_100 : memref<1x128xi32, #tpu.memory_space<vmem>> -> memref<128xi32, #tpu.memory_space<vmem>>
      %dma_wait3A_102 = arith.constant 0 : i32
      %dma_wait3A_103 = arith.constant 0 : i32
      %dma_wait3A_104 = tpu.memref_slice %arg2[%dma_wait3A_102, %dma_wait3A_103] : memref<10000x128xf32, #tpu.memory_space<hbm>> -> memref<10000x128xf32, #tpu.memory_space<hbm>>
      tpu.wait_indirect_dma semaphore(%arg11 : memref<!tpu.dma_semaphore, #tpu.memory_space<semaphore_mem>>) src(%dma_wait3A_104 : memref<10000x128xf32, #tpu.memory_space<hbm>>) dst(%arg8 : memref<128x128xf32, #tpu.memory_space<vmem>>)
      "tpu.region"() ({
        %run_scoped3A_117 = tpu.sem_alloc : memref<!tpu.dma_semaphore, #tpu.memory_space<semaphore_mem>>
        %dma_start3A_118 = arith.constant 0 : i32
        %dma_start3A_119 = tpu.memref_slice %arg7[%mul3A_91, %dma_start3A_118] : memref<20x128xi32, #tpu.memory_space<vmem>> -> memref<1x128xi32, #tpu.memory_space<vmem>>
        %dma_start3A_120 = tpu.memref_squeeze %dma_start3A_119 : memref<1x128xi32, #tpu.memory_space<vmem>> -> memref<128xi32, #tpu.memory_space<vmem>>
        %dma_start3A_121 = arith.constant 0 : i32
        %dma_start3A_122 = arith.constant 0 : i32
        %dma_start3A_123 = tpu.memref_slice %arg10[%dma_start3A_121, %dma_start3A_122] : memref<10016x128xf32, #tpu.memory_space<vmem_shared>> -> memref<10016x128xf32, #tpu.memory_space<vmem_shared>>
        tpu.enqueue_indirect_dma source(%arg8 : memref<128x128xf32, #tpu.memory_space<vmem>>) target(%dma_start3A_123 : memref<10016x128xf32, #tpu.memory_space<vmem_shared>>) offsets(%dma_start3A_120 : memref<128xi32, #tpu.memory_space<vmem>>) semaphore(%run_scoped3A_117 : memref<!tpu.dma_semaphore, #tpu.memory_space<semaphore_mem>>) {add = true}
        %dma_wait3A_124 = arith.constant 0 : i32
        %dma_wait3A_125 = tpu.memref_slice %arg7[%mul3A_91, %dma_wait3A_124] : memref<20x128xi32, #tpu.memory_space<vmem>> -> memref<1x128xi32, #tpu.memory_space<vmem>>
        %dma_wait3A_126 = tpu.memref_squeeze %dma_wait3A_125 : memref<1x128xi32, #tpu.memory_space<vmem>> -> memref<128xi32, #tpu.memory_space<vmem>>
        %dma_wait3A_127 = arith.constant 0 : i32
        %dma_wait3A_128 = arith.constant 0 : i32
        %dma_wait3A_129 = tpu.memref_slice %arg10[%dma_wait3A_127, %dma_wait3A_128] : memref<10016x128xf32, #tpu.memory_space<vmem_shared>> -> memref<10016x128xf32, #tpu.memory_space<vmem_shared>>
        tpu.wait_indirect_dma semaphore(%run_scoped3A_117 : memref<!tpu.dma_semaphore, #tpu.memory_space<semaphore_mem>>) src(%arg8 : memref<128x128xf32, #tpu.memory_space<vmem>>) dst(%dma_wait3A_129 : memref<10016x128xf32, #tpu.memory_space<vmem_shared>>)
        tpu.yield
      }) : () -> ()
      %add3A_105 = arith.constant 1 : i32
      %add3A_106 = arith.addi %add3A_93, %add3A_105 : i32
      %lt3A = arith.constant 20 : i32
      %lt3A_107 = arith.cmpi slt, %add3A_106, %lt3A : i32
      %convert_element_type3A_108 = arith.extui %lt3A_107 : i1 to i32
      %cond3A_109 = arith.constant 0 : i32
      %cond3A_110 = arith.cmpi ne, %convert_element_type3A_108, %cond3A_109 : i32
      scf.if %cond3A_110 {
        %add3A_117 = arith.constant 1 : i32
        %add3A_118 = arith.addi %add3A_93, %add3A_117 : i32
        %dma_start3A_119 = arith.constant 0 : i32
        %dma_start3A_120 = tpu.memref_slice %arg6[%add3A_118, %dma_start3A_119] : memref<20x128xi32, #tpu.memory_space<vmem>> -> memref<1x128xi32, #tpu.memory_space<vmem>>
        %dma_start3A_121 = tpu.memref_squeeze %dma_start3A_120 : memref<1x128xi32, #tpu.memory_space<vmem>> -> memref<128xi32, #tpu.memory_space<vmem>>
        %dma_start3A_122 = arith.constant 0 : i32
        %dma_start3A_123 = arith.constant 0 : i32
        %dma_start3A_124 = tpu.memref_slice %arg2[%dma_start3A_122, %dma_start3A_123] : memref<10000x128xf32, #tpu.memory_space<hbm>> -> memref<10000x128xf32, #tpu.memory_space<hbm>>
        tpu.enqueue_indirect_dma source(%dma_start3A_124 : memref<10000x128xf32, #tpu.memory_space<hbm>>) target(%arg8 : memref<128x128xf32, #tpu.memory_space<vmem>>) offsets(%dma_start3A_121 : memref<128xi32, #tpu.memory_space<vmem>>) semaphore(%arg11 : memref<!tpu.dma_semaphore, #tpu.memory_space<semaphore_mem>>)
      } else {
      }
      %dma_wait3A_111 = arith.constant 0 : i32
      %dma_wait3A_112 = tpu.memref_slice %arg6[%add3A_93, %dma_wait3A_111] : memref<20x128xi32, #tpu.memory_space<vmem>> -> memref<1x128xi32, #tpu.memory_space<vmem>>
      %dma_wait3A_113 = tpu.memref_squeeze %dma_wait3A_112 : memref<1x128xi32, #tpu.memory_space<vmem>> -> memref<128xi32, #tpu.memory_space<vmem>>
      %dma_wait3A_114 = arith.constant 0 : i32
      %dma_wait3A_115 = arith.constant 0 : i32
      %dma_wait3A_116 = tpu.memref_slice %arg2[%dma_wait3A_114, %dma_wait3A_115] : memref<10000x128xf32, #tpu.memory_space<hbm>> -> memref<10000x128xf32, #tpu.memory_space<hbm>>
      tpu.wait_indirect_dma semaphore(%arg12 : memref<!tpu.dma_semaphore, #tpu.memory_space<semaphore_mem>>) src(%dma_wait3A_116 : memref<10000x128xf32, #tpu.memory_space<hbm>>) dst(%arg9 : memref<128x128xf32, #tpu.memory_space<vmem>>)
      "tpu.region"() ({
        %run_scoped3A_117 = tpu.sem_alloc : memref<!tpu.dma_semaphore, #tpu.memory_space<semaphore_mem>>
        %dma_start3A_118 = arith.constant 0 : i32
        %dma_start3A_119 = tpu.memref_slice %arg7[%add3A_93, %dma_start3A_118] : memref<20x128xi32, #tpu.memory_space<vmem>> -> memref<1x128xi32, #tpu.memory_space<vmem>>
        %dma_start3A_120 = tpu.memref_squeeze %dma_start3A_119 : memref<1x128xi32, #tpu.memory_space<vmem>> -> memref<128xi32, #tpu.memory_space<vmem>>
        %dma_start3A_121 = arith.constant 0 : i32
        %dma_start3A_122 = arith.constant 0 : i32
        %dma_start3A_123 = tpu.memref_slice %arg10[%dma_start3A_121, %dma_start3A_122] : memref<10016x128xf32, #tpu.memory_space<vmem_shared>> -> memref<10016x128xf32, #tpu.memory_space<vmem_shared>>
        tpu.enqueue_indirect_dma source(%arg9 : memref<128x128xf32, #tpu.memory_space<vmem>>) target(%dma_start3A_123 : memref<10016x128xf32, #tpu.memory_space<vmem_shared>>) offsets(%dma_start3A_120 : memref<128xi32, #tpu.memory_space<vmem>>) semaphore(%run_scoped3A_117 : memref<!tpu.dma_semaphore, #tpu.memory_space<semaphore_mem>>) {add = true}
        %dma_wait3A_124 = arith.constant 0 : i32
        %dma_wait3A_125 = tpu.memref_slice %arg7[%add3A_93, %dma_wait3A_124] : memref<20x128xi32, #tpu.memory_space<vmem>> -> memref<1x128xi32, #tpu.memory_space<vmem>>
        %dma_wait3A_126 = tpu.memref_squeeze %dma_wait3A_125 : memref<1x128xi32, #tpu.memory_space<vmem>> -> memref<128xi32, #tpu.memory_space<vmem>>
        %dma_wait3A_127 = arith.constant 0 : i32
        %dma_wait3A_128 = arith.constant 0 : i32
        %dma_wait3A_129 = tpu.memref_slice %arg10[%dma_wait3A_127, %dma_wait3A_128] : memref<10016x128xf32, #tpu.memory_space<vmem_shared>> -> memref<10016x128xf32, #tpu.memory_space<vmem_shared>>
        tpu.wait_indirect_dma semaphore(%run_scoped3A_117 : memref<!tpu.dma_semaphore, #tpu.memory_space<semaphore_mem>>) src(%arg9 : memref<128x128xf32, #tpu.memory_space<vmem>>) dst(%dma_wait3A_129 : memref<10016x128xf32, #tpu.memory_space<vmem_shared>>)
        tpu.yield
      }) : () -> ()
    }
    %scan3A_33 = arith.constant 10 : i32
    %run_scoped3A_34 = arith.constant 1 : i32
    "tpu.region"() ({
      %run_scoped3A_89 = tpu.sem_alloc : memref<!tpu.dma_semaphore, #tpu.memory_space<semaphore_mem>>
      %dma_start3A_90 = arith.constant 0 : i32
      %dma_start3A_91 = arith.constant 0 : i32
      %dma_start3A_92 = tpu.memref_slice %arg3[%add3A, %run_scoped3A_34, %dma_start3A_90, %dma_start3A_91] : memref<32x4x20x128xi32, #tpu.memory_space<hbm>> -> memref<1x1x20x128xi32, #tpu.memory_space<hbm>>
      %dma_start3A_93 = tpu.memref_squeeze %dma_start3A_92 : memref<1x1x20x128xi32, #tpu.memory_space<hbm>> -> memref<20x128xi32, #tpu.memory_space<hbm>>
      %dma_start3A_94 = arith.constant 0 : i32
      %dma_start3A_95 = arith.constant 0 : i32
      %dma_start3A_96 = tpu.memref_slice %arg3[%add3A, %run_scoped3A_34, %dma_start3A_94, %dma_start3A_95] : memref<32x4x20x128xi32, #tpu.memory_space<hbm>> -> memref<1x1x20x128xi32, #tpu.memory_space<hbm>>
      %dma_start3A_97 = tpu.memref_squeeze %dma_start3A_96 : memref<1x1x20x128xi32, #tpu.memory_space<hbm>> -> memref<20x128xi32, #tpu.memory_space<hbm>>
      tpu.enqueue_dma source(%dma_start3A_97 : memref<20x128xi32, #tpu.memory_space<hbm>>) target(%arg6 : memref<20x128xi32, #tpu.memory_space<vmem>>) target_semaphore(%run_scoped3A_89 : memref<!tpu.dma_semaphore, #tpu.memory_space<semaphore_mem>>)
      %dma_wait3A = arith.constant 0 : i32
      %dma_wait3A_98 = arith.constant 0 : i32
      %dma_wait3A_99 = tpu.memref_slice %arg3[%add3A, %run_scoped3A_34, %dma_wait3A, %dma_wait3A_98] : memref<32x4x20x128xi32, #tpu.memory_space<hbm>> -> memref<1x1x20x128xi32, #tpu.memory_space<hbm>>
      %dma_wait3A_100 = tpu.memref_squeeze %dma_wait3A_99 : memref<1x1x20x128xi32, #tpu.memory_space<hbm>> -> memref<20x128xi32, #tpu.memory_space<hbm>>
      %dma_wait3A_101 = arith.constant 0 : i32
      %dma_wait3A_102 = arith.constant 0 : i32
      %dma_wait3A_103 = tpu.memref_slice %arg3[%add3A, %run_scoped3A_34, %dma_wait3A_101, %dma_wait3A_102] : memref<32x4x20x128xi32, #tpu.memory_space<hbm>> -> memref<1x1x20x128xi32, #tpu.memory_space<hbm>>
      %dma_wait3A_104 = tpu.memref_squeeze %dma_wait3A_103 : memref<1x1x20x128xi32, #tpu.memory_space<hbm>> -> memref<20x128xi32, #tpu.memory_space<hbm>>
      tpu.wait_dma2 semaphore(%run_scoped3A_89 : memref<!tpu.dma_semaphore, #tpu.memory_space<semaphore_mem>>) src(%dma_wait3A_104 : memref<20x128xi32, #tpu.memory_space<hbm>>) dst(%arg6 : memref<20x128xi32, #tpu.memory_space<vmem>>)
      tpu.yield
    }) : () -> ()
    %run_scoped3A_35 = arith.constant 1 : i32
    "tpu.region"() ({
      %run_scoped3A_89 = tpu.sem_alloc : memref<!tpu.dma_semaphore, #tpu.memory_space<semaphore_mem>>
      %dma_start3A_90 = arith.constant 0 : i32
      %dma_start3A_91 = arith.constant 0 : i32
      %dma_start3A_92 = tpu.memref_slice %arg4[%add3A, %run_scoped3A_35, %dma_start3A_90, %dma_start3A_91] : memref<32x4x20x128xi32, #tpu.memory_space<hbm>> -> memref<1x1x20x128xi32, #tpu.memory_space<hbm>>
      %dma_start3A_93 = tpu.memref_squeeze %dma_start3A_92 : memref<1x1x20x128xi32, #tpu.memory_space<hbm>> -> memref<20x128xi32, #tpu.memory_space<hbm>>
      %dma_start3A_94 = arith.constant 0 : i32
      %dma_start3A_95 = arith.constant 0 : i32
      %dma_start3A_96 = tpu.memref_slice %arg4[%add3A, %run_scoped3A_35, %dma_start3A_94, %dma_start3A_95] : memref<32x4x20x128xi32, #tpu.memory_space<hbm>> -> memref<1x1x20x128xi32, #tpu.memory_space<hbm>>
      %dma_start3A_97 = tpu.memref_squeeze %dma_start3A_96 : memref<1x1x20x128xi32, #tpu.memory_space<hbm>> -> memref<20x128xi32, #tpu.memory_space<hbm>>
      tpu.enqueue_dma source(%dma_start3A_97 : memref<20x128xi32, #tpu.memory_space<hbm>>) target(%arg7 : memref<20x128xi32, #tpu.memory_space<vmem>>) target_semaphore(%run_scoped3A_89 : memref<!tpu.dma_semaphore, #tpu.memory_space<semaphore_mem>>)
      %dma_wait3A = arith.constant 0 : i32
      %dma_wait3A_98 = arith.constant 0 : i32
      %dma_wait3A_99 = tpu.memref_slice %arg4[%add3A, %run_scoped3A_35, %dma_wait3A, %dma_wait3A_98] : memref<32x4x20x128xi32, #tpu.memory_space<hbm>> -> memref<1x1x20x128xi32, #tpu.memory_space<hbm>>
      %dma_wait3A_100 = tpu.memref_squeeze %dma_wait3A_99 : memref<1x1x20x128xi32, #tpu.memory_space<hbm>> -> memref<20x128xi32, #tpu.memory_space<hbm>>
      %dma_wait3A_101 = arith.constant 0 : i32
      %dma_wait3A_102 = arith.constant 0 : i32
      %dma_wait3A_103 = tpu.memref_slice %arg4[%add3A, %run_scoped3A_35, %dma_wait3A_101, %dma_wait3A_102] : memref<32x4x20x128xi32, #tpu.memory_space<hbm>> -> memref<1x1x20x128xi32, #tpu.memory_space<hbm>>
      %dma_wait3A_104 = tpu.memref_squeeze %dma_wait3A_103 : memref<1x1x20x128xi32, #tpu.memory_space<hbm>> -> memref<20x128xi32, #tpu.memory_space<hbm>>
      tpu.wait_dma2 semaphore(%run_scoped3A_89 : memref<!tpu.dma_semaphore, #tpu.memory_space<semaphore_mem>>) src(%dma_wait3A_104 : memref<20x128xi32, #tpu.memory_space<hbm>>) dst(%arg7 : memref<20x128xi32, #tpu.memory_space<vmem>>)
      tpu.yield
    }) : () -> ()
    %dma_start3A_36 = arith.constant 0 : i32
    %dma_start3A_37 = arith.constant 0 : i32
    %dma_start3A_38 = tpu.memref_slice %arg6[%dma_start3A_36, %dma_start3A_37] : memref<20x128xi32, #tpu.memory_space<vmem>> -> memref<1x128xi32, #tpu.memory_space<vmem>>
    %dma_start3A_39 = tpu.memref_squeeze %dma_start3A_38 : memref<1x128xi32, #tpu.memory_space<vmem>> -> memref<128xi32, #tpu.memory_space<vmem>>
    %dma_start3A_40 = arith.constant 0 : i32
    %dma_start3A_41 = arith.constant 0 : i32
    %dma_start3A_42 = tpu.memref_slice %arg2[%dma_start3A_40, %dma_start3A_41] : memref<10000x128xf32, #tpu.memory_space<hbm>> -> memref<10000x128xf32, #tpu.memory_space<hbm>>
    tpu.enqueue_indirect_dma source(%dma_start3A_42 : memref<10000x128xf32, #tpu.memory_space<hbm>>) target(%arg8 : memref<128x128xf32, #tpu.memory_space<vmem>>) offsets(%dma_start3A_39 : memref<128xi32, #tpu.memory_space<vmem>>) semaphore(%arg11 : memref<!tpu.dma_semaphore, #tpu.memory_space<semaphore_mem>>)
    %scan3A_43 = arith.constant 0 : i32
    %scan3A_44 = arith.constant 0 : i32
    %scan3A_45 = arith.constant 10 : i32
    %scan3A_46 = arith.addi %scan3A_44, %scan3A_45 : i32
    %scan3A_47 = arith.constant 1 : i32
    scf.for %scan3A_89 = %scan3A_44 to %scan3A_46 step %scan3A_47  : i32 {
      %mul3A_90 = arith.constant 2 : i32
      %mul3A_91 = arith.muli %mul3A_90, %scan3A_89 : i32
      %add3A_92 = arith.constant 1 : i32
      %add3A_93 = arith.addi %mul3A_91, %add3A_92 : i32
      %dma_start3A_94 = arith.constant 0 : i32
      %dma_start3A_95 = tpu.memref_slice %arg6[%add3A_93, %dma_start3A_94] : memref<20x128xi32, #tpu.memory_space<vmem>> -> memref<1x128xi32, #tpu.memory_space<vmem>>
      %dma_start3A_96 = tpu.memref_squeeze %dma_start3A_95 : memref<1x128xi32, #tpu.memory_space<vmem>> -> memref<128xi32, #tpu.memory_space<vmem>>
      %dma_start3A_97 = arith.constant 0 : i32
      %dma_start3A_98 = arith.constant 0 : i32
      %dma_start3A_99 = tpu.memref_slice %arg2[%dma_start3A_97, %dma_start3A_98] : memref<10000x128xf32, #tpu.memory_space<hbm>> -> memref<10000x128xf32, #tpu.memory_space<hbm>>
      tpu.enqueue_indirect_dma source(%dma_start3A_99 : memref<10000x128xf32, #tpu.memory_space<hbm>>) target(%arg9 : memref<128x128xf32, #tpu.memory_space<vmem>>) offsets(%dma_start3A_96 : memref<128xi32, #tpu.memory_space<vmem>>) semaphore(%arg12 : memref<!tpu.dma_semaphore, #tpu.memory_space<semaphore_mem>>)
      %dma_wait3A = arith.constant 0 : i32
      %dma_wait3A_100 = tpu.memref_slice %arg6[%mul3A_91, %dma_wait3A] : memref<20x128xi32, #tpu.memory_space<vmem>> -> memref<1x128xi32, #tpu.memory_space<vmem>>
      %dma_wait3A_101 = tpu.memref_squeeze %dma_wait3A_100 : memref<1x128xi32, #tpu.memory_space<vmem>> -> memref<128xi32, #tpu.memory_space<vmem>>
      %dma_wait3A_102 = arith.constant 0 : i32
      %dma_wait3A_103 = arith.constant 0 : i32
      %dma_wait3A_104 = tpu.memref_slice %arg2[%dma_wait3A_102, %dma_wait3A_103] : memref<10000x128xf32, #tpu.memory_space<hbm>> -> memref<10000x128xf32, #tpu.memory_space<hbm>>
      tpu.wait_indirect_dma semaphore(%arg11 : memref<!tpu.dma_semaphore, #tpu.memory_space<semaphore_mem>>) src(%dma_wait3A_104 : memref<10000x128xf32, #tpu.memory_space<hbm>>) dst(%arg8 : memref<128x128xf32, #tpu.memory_space<vmem>>)
      "tpu.region"() ({
        %run_scoped3A_117 = tpu.sem_alloc : memref<!tpu.dma_semaphore, #tpu.memory_space<semaphore_mem>>
        %dma_start3A_118 = arith.constant 0 : i32
        %dma_start3A_119 = tpu.memref_slice %arg7[%mul3A_91, %dma_start3A_118] : memref<20x128xi32, #tpu.memory_space<vmem>> -> memref<1x128xi32, #tpu.memory_space<vmem>>
        %dma_start3A_120 = tpu.memref_squeeze %dma_start3A_119 : memref<1x128xi32, #tpu.memory_space<vmem>> -> memref<128xi32, #tpu.memory_space<vmem>>
        %dma_start3A_121 = arith.constant 0 : i32
        %dma_start3A_122 = arith.constant 0 : i32
        %dma_start3A_123 = tpu.memref_slice %arg10[%dma_start3A_121, %dma_start3A_122] : memref<10016x128xf32, #tpu.memory_space<vmem_shared>> -> memref<10016x128xf32, #tpu.memory_space<vmem_shared>>
        tpu.enqueue_indirect_dma source(%arg8 : memref<128x128xf32, #tpu.memory_space<vmem>>) target(%dma_start3A_123 : memref<10016x128xf32, #tpu.memory_space<vmem_shared>>) offsets(%dma_start3A_120 : memref<128xi32, #tpu.memory_space<vmem>>) semaphore(%run_scoped3A_117 : memref<!tpu.dma_semaphore, #tpu.memory_space<semaphore_mem>>) {add = true}
        %dma_wait3A_124 = arith.constant 0 : i32
        %dma_wait3A_125 = tpu.memref_slice %arg7[%mul3A_91, %dma_wait3A_124] : memref<20x128xi32, #tpu.memory_space<vmem>> -> memref<1x128xi32, #tpu.memory_space<vmem>>
        %dma_wait3A_126 = tpu.memref_squeeze %dma_wait3A_125 : memref<1x128xi32, #tpu.memory_space<vmem>> -> memref<128xi32, #tpu.memory_space<vmem>>
        %dma_wait3A_127 = arith.constant 0 : i32
        %dma_wait3A_128 = arith.constant 0 : i32
        %dma_wait3A_129 = tpu.memref_slice %arg10[%dma_wait3A_127, %dma_wait3A_128] : memref<10016x128xf32, #tpu.memory_space<vmem_shared>> -> memref<10016x128xf32, #tpu.memory_space<vmem_shared>>
        tpu.wait_indirect_dma semaphore(%run_scoped3A_117 : memref<!tpu.dma_semaphore, #tpu.memory_space<semaphore_mem>>) src(%arg8 : memref<128x128xf32, #tpu.memory_space<vmem>>) dst(%dma_wait3A_129 : memref<10016x128xf32, #tpu.memory_space<vmem_shared>>)
        tpu.yield
      }) : () -> ()
      %add3A_105 = arith.constant 1 : i32
      %add3A_106 = arith.addi %add3A_93, %add3A_105 : i32
      %lt3A = arith.constant 20 : i32
      %lt3A_107 = arith.cmpi slt, %add3A_106, %lt3A : i32
      %convert_element_type3A_108 = arith.extui %lt3A_107 : i1 to i32
      %cond3A_109 = arith.constant 0 : i32
      %cond3A_110 = arith.cmpi ne, %convert_element_type3A_108, %cond3A_109 : i32
      scf.if %cond3A_110 {
        %add3A_117 = arith.constant 1 : i32
        %add3A_118 = arith.addi %add3A_93, %add3A_117 : i32
        %dma_start3A_119 = arith.constant 0 : i32
        %dma_start3A_120 = tpu.memref_slice %arg6[%add3A_118, %dma_start3A_119] : memref<20x128xi32, #tpu.memory_space<vmem>> -> memref<1x128xi32, #tpu.memory_space<vmem>>
        %dma_start3A_121 = tpu.memref_squeeze %dma_start3A_120 : memref<1x128xi32, #tpu.memory_space<vmem>> -> memref<128xi32, #tpu.memory_space<vmem>>
        %dma_start3A_122 = arith.constant 0 : i32
        %dma_start3A_123 = arith.constant 0 : i32
        %dma_start3A_124 = tpu.memref_slice %arg2[%dma_start3A_122, %dma_start3A_123] : memref<10000x128xf32, #tpu.memory_space<hbm>> -> memref<10000x128xf32, #tpu.memory_space<hbm>>
        tpu.enqueue_indirect_dma source(%dma_start3A_124 : memref<10000x128xf32, #tpu.memory_space<hbm>>) target(%arg8 : memref<128x128xf32, #tpu.memory_space<vmem>>) offsets(%dma_start3A_121 : memref<128xi32, #tpu.memory_space<vmem>>) semaphore(%arg11 : memref<!tpu.dma_semaphore, #tpu.memory_space<semaphore_mem>>)
      } else {
      }
      %dma_wait3A_111 = arith.constant 0 : i32
      %dma_wait3A_112 = tpu.memref_slice %arg6[%add3A_93, %dma_wait3A_111] : memref<20x128xi32, #tpu.memory_space<vmem>> -> memref<1x128xi32, #tpu.memory_space<vmem>>
      %dma_wait3A_113 = tpu.memref_squeeze %dma_wait3A_112 : memref<1x128xi32, #tpu.memory_space<vmem>> -> memref<128xi32, #tpu.memory_space<vmem>>
      %dma_wait3A_114 = arith.constant 0 : i32
      %dma_wait3A_115 = arith.constant 0 : i32
      %dma_wait3A_116 = tpu.memref_slice %arg2[%dma_wait3A_114, %dma_wait3A_115] : memref<10000x128xf32, #tpu.memory_space<hbm>> -> memref<10000x128xf32, #tpu.memory_space<hbm>>
      tpu.wait_indirect_dma semaphore(%arg12 : memref<!tpu.dma_semaphore, #tpu.memory_space<semaphore_mem>>) src(%dma_wait3A_116 : memref<10000x128xf32, #tpu.memory_space<hbm>>) dst(%arg9 : memref<128x128xf32, #tpu.memory_space<vmem>>)
      "tpu.region"() ({
        %run_scoped3A_117 = tpu.sem_alloc : memref<!tpu.dma_semaphore, #tpu.memory_space<semaphore_mem>>
        %dma_start3A_118 = arith.constant 0 : i32
        %dma_start3A_119 = tpu.memref_slice %arg7[%add3A_93, %dma_start3A_118] : memref<20x128xi32, #tpu.memory_space<vmem>> -> memref<1x128xi32, #tpu.memory_space<vmem>>
        %dma_start3A_120 = tpu.memref_squeeze %dma_start3A_119 : memref<1x128xi32, #tpu.memory_space<vmem>> -> memref<128xi32, #tpu.memory_space<vmem>>
        %dma_start3A_121 = arith.constant 0 : i32
        %dma_start3A_122 = arith.constant 0 : i32
        %dma_start3A_123 = tpu.memref_slice %arg10[%dma_start3A_121, %dma_start3A_122] : memref<10016x128xf32, #tpu.memory_space<vmem_shared>> -> memref<10016x128xf32, #tpu.memory_space<vmem_shared>>
        tpu.enqueue_indirect_dma source(%arg9 : memref<128x128xf32, #tpu.memory_space<vmem>>) target(%dma_start3A_123 : memref<10016x128xf32, #tpu.memory_space<vmem_shared>>) offsets(%dma_start3A_120 : memref<128xi32, #tpu.memory_space<vmem>>) semaphore(%run_scoped3A_117 : memref<!tpu.dma_semaphore, #tpu.memory_space<semaphore_mem>>) {add = true}
        %dma_wait3A_124 = arith.constant 0 : i32
        %dma_wait3A_125 = tpu.memref_slice %arg7[%add3A_93, %dma_wait3A_124] : memref<20x128xi32, #tpu.memory_space<vmem>> -> memref<1x128xi32, #tpu.memory_space<vmem>>
        %dma_wait3A_126 = tpu.memref_squeeze %dma_wait3A_125 : memref<1x128xi32, #tpu.memory_space<vmem>> -> memref<128xi32, #tpu.memory_space<vmem>>
        %dma_wait3A_127 = arith.constant 0 : i32
        %dma_wait3A_128 = arith.constant 0 : i32
        %dma_wait3A_129 = tpu.memref_slice %arg10[%dma_wait3A_127, %dma_wait3A_128] : memref<10016x128xf32, #tpu.memory_space<vmem_shared>> -> memref<10016x128xf32, #tpu.memory_space<vmem_shared>>
        tpu.wait_indirect_dma semaphore(%run_scoped3A_117 : memref<!tpu.dma_semaphore, #tpu.memory_space<semaphore_mem>>) src(%arg9 : memref<128x128xf32, #tpu.memory_space<vmem>>) dst(%dma_wait3A_129 : memref<10016x128xf32, #tpu.memory_space<vmem_shared>>)
        tpu.yield
      }) : () -> ()
    }
    %scan3A_48 = arith.constant 10 : i32
    %run_scoped3A_49 = arith.constant 2 : i32
    "tpu.region"() ({
      %run_scoped3A_89 = tpu.sem_alloc : memref<!tpu.dma_semaphore, #tpu.memory_space<semaphore_mem>>
      %dma_start3A_90 = arith.constant 0 : i32
      %dma_start3A_91 = arith.constant 0 : i32
      %dma_start3A_92 = tpu.memref_slice %arg3[%add3A, %run_scoped3A_49, %dma_start3A_90, %dma_start3A_91] : memref<32x4x20x128xi32, #tpu.memory_space<hbm>> -> memref<1x1x20x128xi32, #tpu.memory_space<hbm>>
      %dma_start3A_93 = tpu.memref_squeeze %dma_start3A_92 : memref<1x1x20x128xi32, #tpu.memory_space<hbm>> -> memref<20x128xi32, #tpu.memory_space<hbm>>
      %dma_start3A_94 = arith.constant 0 : i32
      %dma_start3A_95 = arith.constant 0 : i32
      %dma_start3A_96 = tpu.memref_slice %arg3[%add3A, %run_scoped3A_49, %dma_start3A_94, %dma_start3A_95] : memref<32x4x20x128xi32, #tpu.memory_space<hbm>> -> memref<1x1x20x128xi32, #tpu.memory_space<hbm>>
      %dma_start3A_97 = tpu.memref_squeeze %dma_start3A_96 : memref<1x1x20x128xi32, #tpu.memory_space<hbm>> -> memref<20x128xi32, #tpu.memory_space<hbm>>
      tpu.enqueue_dma source(%dma_start3A_97 : memref<20x128xi32, #tpu.memory_space<hbm>>) target(%arg6 : memref<20x128xi32, #tpu.memory_space<vmem>>) target_semaphore(%run_scoped3A_89 : memref<!tpu.dma_semaphore, #tpu.memory_space<semaphore_mem>>)
      %dma_wait3A = arith.constant 0 : i32
      %dma_wait3A_98 = arith.constant 0 : i32
      %dma_wait3A_99 = tpu.memref_slice %arg3[%add3A, %run_scoped3A_49, %dma_wait3A, %dma_wait3A_98] : memref<32x4x20x128xi32, #tpu.memory_space<hbm>> -> memref<1x1x20x128xi32, #tpu.memory_space<hbm>>
      %dma_wait3A_100 = tpu.memref_squeeze %dma_wait3A_99 : memref<1x1x20x128xi32, #tpu.memory_space<hbm>> -> memref<20x128xi32, #tpu.memory_space<hbm>>
      %dma_wait3A_101 = arith.constant 0 : i32
      %dma_wait3A_102 = arith.constant 0 : i32
      %dma_wait3A_103 = tpu.memref_slice %arg3[%add3A, %run_scoped3A_49, %dma_wait3A_101, %dma_wait3A_102] : memref<32x4x20x128xi32, #tpu.memory_space<hbm>> -> memref<1x1x20x128xi32, #tpu.memory_space<hbm>>
      %dma_wait3A_104 = tpu.memref_squeeze %dma_wait3A_103 : memref<1x1x20x128xi32, #tpu.memory_space<hbm>> -> memref<20x128xi32, #tpu.memory_space<hbm>>
      tpu.wait_dma2 semaphore(%run_scoped3A_89 : memref<!tpu.dma_semaphore, #tpu.memory_space<semaphore_mem>>) src(%dma_wait3A_104 : memref<20x128xi32, #tpu.memory_space<hbm>>) dst(%arg6 : memref<20x128xi32, #tpu.memory_space<vmem>>)
      tpu.yield
    }) : () -> ()
    %run_scoped3A_50 = arith.constant 2 : i32
    "tpu.region"() ({
      %run_scoped3A_89 = tpu.sem_alloc : memref<!tpu.dma_semaphore, #tpu.memory_space<semaphore_mem>>
      %dma_start3A_90 = arith.constant 0 : i32
      %dma_start3A_91 = arith.constant 0 : i32
      %dma_start3A_92 = tpu.memref_slice %arg4[%add3A, %run_scoped3A_50, %dma_start3A_90, %dma_start3A_91] : memref<32x4x20x128xi32, #tpu.memory_space<hbm>> -> memref<1x1x20x128xi32, #tpu.memory_space<hbm>>
      %dma_start3A_93 = tpu.memref_squeeze %dma_start3A_92 : memref<1x1x20x128xi32, #tpu.memory_space<hbm>> -> memref<20x128xi32, #tpu.memory_space<hbm>>
      %dma_start3A_94 = arith.constant 0 : i32
      %dma_start3A_95 = arith.constant 0 : i32
      %dma_start3A_96 = tpu.memref_slice %arg4[%add3A, %run_scoped3A_50, %dma_start3A_94, %dma_start3A_95] : memref<32x4x20x128xi32, #tpu.memory_space<hbm>> -> memref<1x1x20x128xi32, #tpu.memory_space<hbm>>
      %dma_start3A_97 = tpu.memref_squeeze %dma_start3A_96 : memref<1x1x20x128xi32, #tpu.memory_space<hbm>> -> memref<20x128xi32, #tpu.memory_space<hbm>>
      tpu.enqueue_dma source(%dma_start3A_97 : memref<20x128xi32, #tpu.memory_space<hbm>>) target(%arg7 : memref<20x128xi32, #tpu.memory_space<vmem>>) target_semaphore(%run_scoped3A_89 : memref<!tpu.dma_semaphore, #tpu.memory_space<semaphore_mem>>)
      %dma_wait3A = arith.constant 0 : i32
      %dma_wait3A_98 = arith.constant 0 : i32
      %dma_wait3A_99 = tpu.memref_slice %arg4[%add3A, %run_scoped3A_50, %dma_wait3A, %dma_wait3A_98] : memref<32x4x20x128xi32, #tpu.memory_space<hbm>> -> memref<1x1x20x128xi32, #tpu.memory_space<hbm>>
      %dma_wait3A_100 = tpu.memref_squeeze %dma_wait3A_99 : memref<1x1x20x128xi32, #tpu.memory_space<hbm>> -> memref<20x128xi32, #tpu.memory_space<hbm>>
      %dma_wait3A_101 = arith.constant 0 : i32
      %dma_wait3A_102 = arith.constant 0 : i32
      %dma_wait3A_103 = tpu.memref_slice %arg4[%add3A, %run_scoped3A_50, %dma_wait3A_101, %dma_wait3A_102] : memref<32x4x20x128xi32, #tpu.memory_space<hbm>> -> memref<1x1x20x128xi32, #tpu.memory_space<hbm>>
      %dma_wait3A_104 = tpu.memref_squeeze %dma_wait3A_103 : memref<1x1x20x128xi32, #tpu.memory_space<hbm>> -> memref<20x128xi32, #tpu.memory_space<hbm>>
      tpu.wait_dma2 semaphore(%run_scoped3A_89 : memref<!tpu.dma_semaphore, #tpu.memory_space<semaphore_mem>>) src(%dma_wait3A_104 : memref<20x128xi32, #tpu.memory_space<hbm>>) dst(%arg7 : memref<20x128xi32, #tpu.memory_space<vmem>>)
      tpu.yield
    }) : () -> ()
    %dma_start3A_51 = arith.constant 0 : i32
    %dma_start3A_52 = arith.constant 0 : i32
    %dma_start3A_53 = tpu.memref_slice %arg6[%dma_start3A_51, %dma_start3A_52] : memref<20x128xi32, #tpu.memory_space<vmem>> -> memref<1x128xi32, #tpu.memory_space<vmem>>
    %dma_start3A_54 = tpu.memref_squeeze %dma_start3A_53 : memref<1x128xi32, #tpu.memory_space<vmem>> -> memref<128xi32, #tpu.memory_space<vmem>>
    %dma_start3A_55 = arith.constant 0 : i32
    %dma_start3A_56 = arith.constant 0 : i32
    %dma_start3A_57 = tpu.memref_slice %arg2[%dma_start3A_55, %dma_start3A_56] : memref<10000x128xf32, #tpu.memory_space<hbm>> -> memref<10000x128xf32, #tpu.memory_space<hbm>>
    tpu.enqueue_indirect_dma source(%dma_start3A_57 : memref<10000x128xf32, #tpu.memory_space<hbm>>) target(%arg8 : memref<128x128xf32, #tpu.memory_space<vmem>>) offsets(%dma_start3A_54 : memref<128xi32, #tpu.memory_space<vmem>>) semaphore(%arg11 : memref<!tpu.dma_semaphore, #tpu.memory_space<semaphore_mem>>)
    %scan3A_58 = arith.constant 0 : i32
    %scan3A_59 = arith.constant 0 : i32
    %scan3A_60 = arith.constant 10 : i32
    %scan3A_61 = arith.addi %scan3A_59, %scan3A_60 : i32
    %scan3A_62 = arith.constant 1 : i32
    scf.for %scan3A_89 = %scan3A_59 to %scan3A_61 step %scan3A_62  : i32 {
      %mul3A_90 = arith.constant 2 : i32
      %mul3A_91 = arith.muli %mul3A_90, %scan3A_89 : i32
      %add3A_92 = arith.constant 1 : i32
      %add3A_93 = arith.addi %mul3A_91, %add3A_92 : i32
      %dma_start3A_94 = arith.constant 0 : i32
      %dma_start3A_95 = tpu.memref_slice %arg6[%add3A_93, %dma_start3A_94] : memref<20x128xi32, #tpu.memory_space<vmem>> -> memref<1x128xi32, #tpu.memory_space<vmem>>
      %dma_start3A_96 = tpu.memref_squeeze %dma_start3A_95 : memref<1x128xi32, #tpu.memory_space<vmem>> -> memref<128xi32, #tpu.memory_space<vmem>>
      %dma_start3A_97 = arith.constant 0 : i32
      %dma_start3A_98 = arith.constant 0 : i32
      %dma_start3A_99 = tpu.memref_slice %arg2[%dma_start3A_97, %dma_start3A_98] : memref<10000x128xf32, #tpu.memory_space<hbm>> -> memref<10000x128xf32, #tpu.memory_space<hbm>>
      tpu.enqueue_indirect_dma source(%dma_start3A_99 : memref<10000x128xf32, #tpu.memory_space<hbm>>) target(%arg9 : memref<128x128xf32, #tpu.memory_space<vmem>>) offsets(%dma_start3A_96 : memref<128xi32, #tpu.memory_space<vmem>>) semaphore(%arg12 : memref<!tpu.dma_semaphore, #tpu.memory_space<semaphore_mem>>)
      %dma_wait3A = arith.constant 0 : i32
      %dma_wait3A_100 = tpu.memref_slice %arg6[%mul3A_91, %dma_wait3A] : memref<20x128xi32, #tpu.memory_space<vmem>> -> memref<1x128xi32, #tpu.memory_space<vmem>>
      %dma_wait3A_101 = tpu.memref_squeeze %dma_wait3A_100 : memref<1x128xi32, #tpu.memory_space<vmem>> -> memref<128xi32, #tpu.memory_space<vmem>>
      %dma_wait3A_102 = arith.constant 0 : i32
      %dma_wait3A_103 = arith.constant 0 : i32
      %dma_wait3A_104 = tpu.memref_slice %arg2[%dma_wait3A_102, %dma_wait3A_103] : memref<10000x128xf32, #tpu.memory_space<hbm>> -> memref<10000x128xf32, #tpu.memory_space<hbm>>
      tpu.wait_indirect_dma semaphore(%arg11 : memref<!tpu.dma_semaphore, #tpu.memory_space<semaphore_mem>>) src(%dma_wait3A_104 : memref<10000x128xf32, #tpu.memory_space<hbm>>) dst(%arg8 : memref<128x128xf32, #tpu.memory_space<vmem>>)
      "tpu.region"() ({
        %run_scoped3A_117 = tpu.sem_alloc : memref<!tpu.dma_semaphore, #tpu.memory_space<semaphore_mem>>
        %dma_start3A_118 = arith.constant 0 : i32
        %dma_start3A_119 = tpu.memref_slice %arg7[%mul3A_91, %dma_start3A_118] : memref<20x128xi32, #tpu.memory_space<vmem>> -> memref<1x128xi32, #tpu.memory_space<vmem>>
        %dma_start3A_120 = tpu.memref_squeeze %dma_start3A_119 : memref<1x128xi32, #tpu.memory_space<vmem>> -> memref<128xi32, #tpu.memory_space<vmem>>
        %dma_start3A_121 = arith.constant 0 : i32
        %dma_start3A_122 = arith.constant 0 : i32
        %dma_start3A_123 = tpu.memref_slice %arg10[%dma_start3A_121, %dma_start3A_122] : memref<10016x128xf32, #tpu.memory_space<vmem_shared>> -> memref<10016x128xf32, #tpu.memory_space<vmem_shared>>
        tpu.enqueue_indirect_dma source(%arg8 : memref<128x128xf32, #tpu.memory_space<vmem>>) target(%dma_start3A_123 : memref<10016x128xf32, #tpu.memory_space<vmem_shared>>) offsets(%dma_start3A_120 : memref<128xi32, #tpu.memory_space<vmem>>) semaphore(%run_scoped3A_117 : memref<!tpu.dma_semaphore, #tpu.memory_space<semaphore_mem>>) {add = true}
        %dma_wait3A_124 = arith.constant 0 : i32
        %dma_wait3A_125 = tpu.memref_slice %arg7[%mul3A_91, %dma_wait3A_124] : memref<20x128xi32, #tpu.memory_space<vmem>> -> memref<1x128xi32, #tpu.memory_space<vmem>>
        %dma_wait3A_126 = tpu.memref_squeeze %dma_wait3A_125 : memref<1x128xi32, #tpu.memory_space<vmem>> -> memref<128xi32, #tpu.memory_space<vmem>>
        %dma_wait3A_127 = arith.constant 0 : i32
        %dma_wait3A_128 = arith.constant 0 : i32
        %dma_wait3A_129 = tpu.memref_slice %arg10[%dma_wait3A_127, %dma_wait3A_128] : memref<10016x128xf32, #tpu.memory_space<vmem_shared>> -> memref<10016x128xf32, #tpu.memory_space<vmem_shared>>
        tpu.wait_indirect_dma semaphore(%run_scoped3A_117 : memref<!tpu.dma_semaphore, #tpu.memory_space<semaphore_mem>>) src(%arg8 : memref<128x128xf32, #tpu.memory_space<vmem>>) dst(%dma_wait3A_129 : memref<10016x128xf32, #tpu.memory_space<vmem_shared>>)
        tpu.yield
      }) : () -> ()
      %add3A_105 = arith.constant 1 : i32
      %add3A_106 = arith.addi %add3A_93, %add3A_105 : i32
      %lt3A = arith.constant 20 : i32
      %lt3A_107 = arith.cmpi slt, %add3A_106, %lt3A : i32
      %convert_element_type3A_108 = arith.extui %lt3A_107 : i1 to i32
      %cond3A_109 = arith.constant 0 : i32
      %cond3A_110 = arith.cmpi ne, %convert_element_type3A_108, %cond3A_109 : i32
      scf.if %cond3A_110 {
        %add3A_117 = arith.constant 1 : i32
        %add3A_118 = arith.addi %add3A_93, %add3A_117 : i32
        %dma_start3A_119 = arith.constant 0 : i32
        %dma_start3A_120 = tpu.memref_slice %arg6[%add3A_118, %dma_start3A_119] : memref<20x128xi32, #tpu.memory_space<vmem>> -> memref<1x128xi32, #tpu.memory_space<vmem>>
        %dma_start3A_121 = tpu.memref_squeeze %dma_start3A_120 : memref<1x128xi32, #tpu.memory_space<vmem>> -> memref<128xi32, #tpu.memory_space<vmem>>
        %dma_start3A_122 = arith.constant 0 : i32
        %dma_start3A_123 = arith.constant 0 : i32
        %dma_start3A_124 = tpu.memref_slice %arg2[%dma_start3A_122, %dma_start3A_123] : memref<10000x128xf32, #tpu.memory_space<hbm>> -> memref<10000x128xf32, #tpu.memory_space<hbm>>
        tpu.enqueue_indirect_dma source(%dma_start3A_124 : memref<10000x128xf32, #tpu.memory_space<hbm>>) target(%arg8 : memref<128x128xf32, #tpu.memory_space<vmem>>) offsets(%dma_start3A_121 : memref<128xi32, #tpu.memory_space<vmem>>) semaphore(%arg11 : memref<!tpu.dma_semaphore, #tpu.memory_space<semaphore_mem>>)
      } else {
      }
      %dma_wait3A_111 = arith.constant 0 : i32
      %dma_wait3A_112 = tpu.memref_slice %arg6[%add3A_93, %dma_wait3A_111] : memref<20x128xi32, #tpu.memory_space<vmem>> -> memref<1x128xi32, #tpu.memory_space<vmem>>
      %dma_wait3A_113 = tpu.memref_squeeze %dma_wait3A_112 : memref<1x128xi32, #tpu.memory_space<vmem>> -> memref<128xi32, #tpu.memory_space<vmem>>
      %dma_wait3A_114 = arith.constant 0 : i32
      %dma_wait3A_115 = arith.constant 0 : i32
      %dma_wait3A_116 = tpu.memref_slice %arg2[%dma_wait3A_114, %dma_wait3A_115] : memref<10000x128xf32, #tpu.memory_space<hbm>> -> memref<10000x128xf32, #tpu.memory_space<hbm>>
      tpu.wait_indirect_dma semaphore(%arg12 : memref<!tpu.dma_semaphore, #tpu.memory_space<semaphore_mem>>) src(%dma_wait3A_116 : memref<10000x128xf32, #tpu.memory_space<hbm>>) dst(%arg9 : memref<128x128xf32, #tpu.memory_space<vmem>>)
      "tpu.region"() ({
        %run_scoped3A_117 = tpu.sem_alloc : memref<!tpu.dma_semaphore, #tpu.memory_space<semaphore_mem>>
        %dma_start3A_118 = arith.constant 0 : i32
        %dma_start3A_119 = tpu.memref_slice %arg7[%add3A_93, %dma_start3A_118] : memref<20x128xi32, #tpu.memory_space<vmem>> -> memref<1x128xi32, #tpu.memory_space<vmem>>
        %dma_start3A_120 = tpu.memref_squeeze %dma_start3A_119 : memref<1x128xi32, #tpu.memory_space<vmem>> -> memref<128xi32, #tpu.memory_space<vmem>>
        %dma_start3A_121 = arith.constant 0 : i32
        %dma_start3A_122 = arith.constant 0 : i32
        %dma_start3A_123 = tpu.memref_slice %arg10[%dma_start3A_121, %dma_start3A_122] : memref<10016x128xf32, #tpu.memory_space<vmem_shared>> -> memref<10016x128xf32, #tpu.memory_space<vmem_shared>>
        tpu.enqueue_indirect_dma source(%arg9 : memref<128x128xf32, #tpu.memory_space<vmem>>) target(%dma_start3A_123 : memref<10016x128xf32, #tpu.memory_space<vmem_shared>>) offsets(%dma_start3A_120 : memref<128xi32, #tpu.memory_space<vmem>>) semaphore(%run_scoped3A_117 : memref<!tpu.dma_semaphore, #tpu.memory_space<semaphore_mem>>) {add = true}
        %dma_wait3A_124 = arith.constant 0 : i32
        %dma_wait3A_125 = tpu.memref_slice %arg7[%add3A_93, %dma_wait3A_124] : memref<20x128xi32, #tpu.memory_space<vmem>> -> memref<1x128xi32, #tpu.memory_space<vmem>>
        %dma_wait3A_126 = tpu.memref_squeeze %dma_wait3A_125 : memref<1x128xi32, #tpu.memory_space<vmem>> -> memref<128xi32, #tpu.memory_space<vmem>>
        %dma_wait3A_127 = arith.constant 0 : i32
        %dma_wait3A_128 = arith.constant 0 : i32
        %dma_wait3A_129 = tpu.memref_slice %arg10[%dma_wait3A_127, %dma_wait3A_128] : memref<10016x128xf32, #tpu.memory_space<vmem_shared>> -> memref<10016x128xf32, #tpu.memory_space<vmem_shared>>
        tpu.wait_indirect_dma semaphore(%run_scoped3A_117 : memref<!tpu.dma_semaphore, #tpu.memory_space<semaphore_mem>>) src(%arg9 : memref<128x128xf32, #tpu.memory_space<vmem>>) dst(%dma_wait3A_129 : memref<10016x128xf32, #tpu.memory_space<vmem_shared>>)
        tpu.yield
      }) : () -> ()
    }
    %scan3A_63 = arith.constant 10 : i32
    %run_scoped3A_64 = arith.constant 3 : i32
    "tpu.region"() ({
      %run_scoped3A_89 = tpu.sem_alloc : memref<!tpu.dma_semaphore, #tpu.memory_space<semaphore_mem>>
      %dma_start3A_90 = arith.constant 0 : i32
      %dma_start3A_91 = arith.constant 0 : i32
      %dma_start3A_92 = tpu.memref_slice %arg3[%add3A, %run_scoped3A_64, %dma_start3A_90, %dma_start3A_91] : memref<32x4x20x128xi32, #tpu.memory_space<hbm>> -> memref<1x1x20x128xi32, #tpu.memory_space<hbm>>
      %dma_start3A_93 = tpu.memref_squeeze %dma_start3A_92 : memref<1x1x20x128xi32, #tpu.memory_space<hbm>> -> memref<20x128xi32, #tpu.memory_space<hbm>>
      %dma_start3A_94 = arith.constant 0 : i32
      %dma_start3A_95 = arith.constant 0 : i32
      %dma_start3A_96 = tpu.memref_slice %arg3[%add3A, %run_scoped3A_64, %dma_start3A_94, %dma_start3A_95] : memref<32x4x20x128xi32, #tpu.memory_space<hbm>> -> memref<1x1x20x128xi32, #tpu.memory_space<hbm>>
      %dma_start3A_97 = tpu.memref_squeeze %dma_start3A_96 : memref<1x1x20x128xi32, #tpu.memory_space<hbm>> -> memref<20x128xi32, #tpu.memory_space<hbm>>
      tpu.enqueue_dma source(%dma_start3A_97 : memref<20x128xi32, #tpu.memory_space<hbm>>) target(%arg6 : memref<20x128xi32, #tpu.memory_space<vmem>>) target_semaphore(%run_scoped3A_89 : memref<!tpu.dma_semaphore, #tpu.memory_space<semaphore_mem>>)
      %dma_wait3A = arith.constant 0 : i32
      %dma_wait3A_98 = arith.constant 0 : i32
      %dma_wait3A_99 = tpu.memref_slice %arg3[%add3A, %run_scoped3A_64, %dma_wait3A, %dma_wait3A_98] : memref<32x4x20x128xi32, #tpu.memory_space<hbm>> -> memref<1x1x20x128xi32, #tpu.memory_space<hbm>>
      %dma_wait3A_100 = tpu.memref_squeeze %dma_wait3A_99 : memref<1x1x20x128xi32, #tpu.memory_space<hbm>> -> memref<20x128xi32, #tpu.memory_space<hbm>>
      %dma_wait3A_101 = arith.constant 0 : i32
      %dma_wait3A_102 = arith.constant 0 : i32
      %dma_wait3A_103 = tpu.memref_slice %arg3[%add3A, %run_scoped3A_64, %dma_wait3A_101, %dma_wait3A_102] : memref<32x4x20x128xi32, #tpu.memory_space<hbm>> -> memref<1x1x20x128xi32, #tpu.memory_space<hbm>>
      %dma_wait3A_104 = tpu.memref_squeeze %dma_wait3A_103 : memref<1x1x20x128xi32, #tpu.memory_space<hbm>> -> memref<20x128xi32, #tpu.memory_space<hbm>>
      tpu.wait_dma2 semaphore(%run_scoped3A_89 : memref<!tpu.dma_semaphore, #tpu.memory_space<semaphore_mem>>) src(%dma_wait3A_104 : memref<20x128xi32, #tpu.memory_space<hbm>>) dst(%arg6 : memref<20x128xi32, #tpu.memory_space<vmem>>)
      tpu.yield
    }) : () -> ()
    %run_scoped3A_65 = arith.constant 3 : i32
    "tpu.region"() ({
      %run_scoped3A_89 = tpu.sem_alloc : memref<!tpu.dma_semaphore, #tpu.memory_space<semaphore_mem>>
      %dma_start3A_90 = arith.constant 0 : i32
      %dma_start3A_91 = arith.constant 0 : i32
      %dma_start3A_92 = tpu.memref_slice %arg4[%add3A, %run_scoped3A_65, %dma_start3A_90, %dma_start3A_91] : memref<32x4x20x128xi32, #tpu.memory_space<hbm>> -> memref<1x1x20x128xi32, #tpu.memory_space<hbm>>
      %dma_start3A_93 = tpu.memref_squeeze %dma_start3A_92 : memref<1x1x20x128xi32, #tpu.memory_space<hbm>> -> memref<20x128xi32, #tpu.memory_space<hbm>>
      %dma_start3A_94 = arith.constant 0 : i32
      %dma_start3A_95 = arith.constant 0 : i32
      %dma_start3A_96 = tpu.memref_slice %arg4[%add3A, %run_scoped3A_65, %dma_start3A_94, %dma_start3A_95] : memref<32x4x20x128xi32, #tpu.memory_space<hbm>> -> memref<1x1x20x128xi32, #tpu.memory_space<hbm>>
      %dma_start3A_97 = tpu.memref_squeeze %dma_start3A_96 : memref<1x1x20x128xi32, #tpu.memory_space<hbm>> -> memref<20x128xi32, #tpu.memory_space<hbm>>
      tpu.enqueue_dma source(%dma_start3A_97 : memref<20x128xi32, #tpu.memory_space<hbm>>) target(%arg7 : memref<20x128xi32, #tpu.memory_space<vmem>>) target_semaphore(%run_scoped3A_89 : memref<!tpu.dma_semaphore, #tpu.memory_space<semaphore_mem>>)
      %dma_wait3A = arith.constant 0 : i32
      %dma_wait3A_98 = arith.constant 0 : i32
      %dma_wait3A_99 = tpu.memref_slice %arg4[%add3A, %run_scoped3A_65, %dma_wait3A, %dma_wait3A_98] : memref<32x4x20x128xi32, #tpu.memory_space<hbm>> -> memref<1x1x20x128xi32, #tpu.memory_space<hbm>>
      %dma_wait3A_100 = tpu.memref_squeeze %dma_wait3A_99 : memref<1x1x20x128xi32, #tpu.memory_space<hbm>> -> memref<20x128xi32, #tpu.memory_space<hbm>>
      %dma_wait3A_101 = arith.constant 0 : i32
      %dma_wait3A_102 = arith.constant 0 : i32
      %dma_wait3A_103 = tpu.memref_slice %arg4[%add3A, %run_scoped3A_65, %dma_wait3A_101, %dma_wait3A_102] : memref<32x4x20x128xi32, #tpu.memory_space<hbm>> -> memref<1x1x20x128xi32, #tpu.memory_space<hbm>>
      %dma_wait3A_104 = tpu.memref_squeeze %dma_wait3A_103 : memref<1x1x20x128xi32, #tpu.memory_space<hbm>> -> memref<20x128xi32, #tpu.memory_space<hbm>>
      tpu.wait_dma2 semaphore(%run_scoped3A_89 : memref<!tpu.dma_semaphore, #tpu.memory_space<semaphore_mem>>) src(%dma_wait3A_104 : memref<20x128xi32, #tpu.memory_space<hbm>>) dst(%arg7 : memref<20x128xi32, #tpu.memory_space<vmem>>)
      tpu.yield
    }) : () -> ()
    %dma_start3A_66 = arith.constant 0 : i32
    %dma_start3A_67 = arith.constant 0 : i32
    %dma_start3A_68 = tpu.memref_slice %arg6[%dma_start3A_66, %dma_start3A_67] : memref<20x128xi32, #tpu.memory_space<vmem>> -> memref<1x128xi32, #tpu.memory_space<vmem>>
    %dma_start3A_69 = tpu.memref_squeeze %dma_start3A_68 : memref<1x128xi32, #tpu.memory_space<vmem>> -> memref<128xi32, #tpu.memory_space<vmem>>
    %dma_start3A_70 = arith.constant 0 : i32
    %dma_start3A_71 = arith.constant 0 : i32
    %dma_start3A_72 = tpu.memref_slice %arg2[%dma_start3A_70, %dma_start3A_71] : memref<10000x128xf32, #tpu.memory_space<hbm>> -> memref<10000x128xf32, #tpu.memory_space<hbm>>
    tpu.enqueue_indirect_dma source(%dma_start3A_72 : memref<10000x128xf32, #tpu.memory_space<hbm>>) target(%arg8 : memref<128x128xf32, #tpu.memory_space<vmem>>) offsets(%dma_start3A_69 : memref<128xi32, #tpu.memory_space<vmem>>) semaphore(%arg11 : memref<!tpu.dma_semaphore, #tpu.memory_space<semaphore_mem>>)
    %scan3A_73 = arith.constant 0 : i32
    %scan3A_74 = arith.constant 0 : i32
    %scan3A_75 = arith.constant 10 : i32
    %scan3A_76 = arith.addi %scan3A_74, %scan3A_75 : i32
    %scan3A_77 = arith.constant 1 : i32
    scf.for %scan3A_89 = %scan3A_74 to %scan3A_76 step %scan3A_77  : i32 {
      %mul3A_90 = arith.constant 2 : i32
      %mul3A_91 = arith.muli %mul3A_90, %scan3A_89 : i32
      %add3A_92 = arith.constant 1 : i32
      %add3A_93 = arith.addi %mul3A_91, %add3A_92 : i32
      %dma_start3A_94 = arith.constant 0 : i32
      %dma_start3A_95 = tpu.memref_slice %arg6[%add3A_93, %dma_start3A_94] : memref<20x128xi32, #tpu.memory_space<vmem>> -> memref<1x128xi32, #tpu.memory_space<vmem>>
      %dma_start3A_96 = tpu.memref_squeeze %dma_start3A_95 : memref<1x128xi32, #tpu.memory_space<vmem>> -> memref<128xi32, #tpu.memory_space<vmem>>
      %dma_start3A_97 = arith.constant 0 : i32
      %dma_start3A_98 = arith.constant 0 : i32
      %dma_start3A_99 = tpu.memref_slice %arg2[%dma_start3A_97, %dma_start3A_98] : memref<10000x128xf32, #tpu.memory_space<hbm>> -> memref<10000x128xf32, #tpu.memory_space<hbm>>
      tpu.enqueue_indirect_dma source(%dma_start3A_99 : memref<10000x128xf32, #tpu.memory_space<hbm>>) target(%arg9 : memref<128x128xf32, #tpu.memory_space<vmem>>) offsets(%dma_start3A_96 : memref<128xi32, #tpu.memory_space<vmem>>) semaphore(%arg12 : memref<!tpu.dma_semaphore, #tpu.memory_space<semaphore_mem>>)
      %dma_wait3A = arith.constant 0 : i32
      %dma_wait3A_100 = tpu.memref_slice %arg6[%mul3A_91, %dma_wait3A] : memref<20x128xi32, #tpu.memory_space<vmem>> -> memref<1x128xi32, #tpu.memory_space<vmem>>
      %dma_wait3A_101 = tpu.memref_squeeze %dma_wait3A_100 : memref<1x128xi32, #tpu.memory_space<vmem>> -> memref<128xi32, #tpu.memory_space<vmem>>
      %dma_wait3A_102 = arith.constant 0 : i32
      %dma_wait3A_103 = arith.constant 0 : i32
      %dma_wait3A_104 = tpu.memref_slice %arg2[%dma_wait3A_102, %dma_wait3A_103] : memref<10000x128xf32, #tpu.memory_space<hbm>> -> memref<10000x128xf32, #tpu.memory_space<hbm>>
      tpu.wait_indirect_dma semaphore(%arg11 : memref<!tpu.dma_semaphore, #tpu.memory_space<semaphore_mem>>) src(%dma_wait3A_104 : memref<10000x128xf32, #tpu.memory_space<hbm>>) dst(%arg8 : memref<128x128xf32, #tpu.memory_space<vmem>>)
      "tpu.region"() ({
        %run_scoped3A_117 = tpu.sem_alloc : memref<!tpu.dma_semaphore, #tpu.memory_space<semaphore_mem>>
        %dma_start3A_118 = arith.constant 0 : i32
        %dma_start3A_119 = tpu.memref_slice %arg7[%mul3A_91, %dma_start3A_118] : memref<20x128xi32, #tpu.memory_space<vmem>> -> memref<1x128xi32, #tpu.memory_space<vmem>>
        %dma_start3A_120 = tpu.memref_squeeze %dma_start3A_119 : memref<1x128xi32, #tpu.memory_space<vmem>> -> memref<128xi32, #tpu.memory_space<vmem>>
        %dma_start3A_121 = arith.constant 0 : i32
        %dma_start3A_122 = arith.constant 0 : i32
        %dma_start3A_123 = tpu.memref_slice %arg10[%dma_start3A_121, %dma_start3A_122] : memref<10016x128xf32, #tpu.memory_space<vmem_shared>> -> memref<10016x128xf32, #tpu.memory_space<vmem_shared>>
        tpu.enqueue_indirect_dma source(%arg8 : memref<128x128xf32, #tpu.memory_space<vmem>>) target(%dma_start3A_123 : memref<10016x128xf32, #tpu.memory_space<vmem_shared>>) offsets(%dma_start3A_120 : memref<128xi32, #tpu.memory_space<vmem>>) semaphore(%run_scoped3A_117 : memref<!tpu.dma_semaphore, #tpu.memory_space<semaphore_mem>>) {add = true}
        %dma_wait3A_124 = arith.constant 0 : i32
        %dma_wait3A_125 = tpu.memref_slice %arg7[%mul3A_91, %dma_wait3A_124] : memref<20x128xi32, #tpu.memory_space<vmem>> -> memref<1x128xi32, #tpu.memory_space<vmem>>
        %dma_wait3A_126 = tpu.memref_squeeze %dma_wait3A_125 : memref<1x128xi32, #tpu.memory_space<vmem>> -> memref<128xi32, #tpu.memory_space<vmem>>
        %dma_wait3A_127 = arith.constant 0 : i32
        %dma_wait3A_128 = arith.constant 0 : i32
        %dma_wait3A_129 = tpu.memref_slice %arg10[%dma_wait3A_127, %dma_wait3A_128] : memref<10016x128xf32, #tpu.memory_space<vmem_shared>> -> memref<10016x128xf32, #tpu.memory_space<vmem_shared>>
        tpu.wait_indirect_dma semaphore(%run_scoped3A_117 : memref<!tpu.dma_semaphore, #tpu.memory_space<semaphore_mem>>) src(%arg8 : memref<128x128xf32, #tpu.memory_space<vmem>>) dst(%dma_wait3A_129 : memref<10016x128xf32, #tpu.memory_space<vmem_shared>>)
        tpu.yield
      }) : () -> ()
      %add3A_105 = arith.constant 1 : i32
      %add3A_106 = arith.addi %add3A_93, %add3A_105 : i32
      %lt3A = arith.constant 20 : i32
      %lt3A_107 = arith.cmpi slt, %add3A_106, %lt3A : i32
      %convert_element_type3A_108 = arith.extui %lt3A_107 : i1 to i32
      %cond3A_109 = arith.constant 0 : i32
      %cond3A_110 = arith.cmpi ne, %convert_element_type3A_108, %cond3A_109 : i32
      scf.if %cond3A_110 {
        %add3A_117 = arith.constant 1 : i32
        %add3A_118 = arith.addi %add3A_93, %add3A_117 : i32
        %dma_start3A_119 = arith.constant 0 : i32
        %dma_start3A_120 = tpu.memref_slice %arg6[%add3A_118, %dma_start3A_119] : memref<20x128xi32, #tpu.memory_space<vmem>> -> memref<1x128xi32, #tpu.memory_space<vmem>>
        %dma_start3A_121 = tpu.memref_squeeze %dma_start3A_120 : memref<1x128xi32, #tpu.memory_space<vmem>> -> memref<128xi32, #tpu.memory_space<vmem>>
        %dma_start3A_122 = arith.constant 0 : i32
        %dma_start3A_123 = arith.constant 0 : i32
        %dma_start3A_124 = tpu.memref_slice %arg2[%dma_start3A_122, %dma_start3A_123] : memref<10000x128xf32, #tpu.memory_space<hbm>> -> memref<10000x128xf32, #tpu.memory_space<hbm>>
        tpu.enqueue_indirect_dma source(%dma_start3A_124 : memref<10000x128xf32, #tpu.memory_space<hbm>>) target(%arg8 : memref<128x128xf32, #tpu.memory_space<vmem>>) offsets(%dma_start3A_121 : memref<128xi32, #tpu.memory_space<vmem>>) semaphore(%arg11 : memref<!tpu.dma_semaphore, #tpu.memory_space<semaphore_mem>>)
      } else {
      }
      %dma_wait3A_111 = arith.constant 0 : i32
      %dma_wait3A_112 = tpu.memref_slice %arg6[%add3A_93, %dma_wait3A_111] : memref<20x128xi32, #tpu.memory_space<vmem>> -> memref<1x128xi32, #tpu.memory_space<vmem>>
      %dma_wait3A_113 = tpu.memref_squeeze %dma_wait3A_112 : memref<1x128xi32, #tpu.memory_space<vmem>> -> memref<128xi32, #tpu.memory_space<vmem>>
      %dma_wait3A_114 = arith.constant 0 : i32
      %dma_wait3A_115 = arith.constant 0 : i32
      %dma_wait3A_116 = tpu.memref_slice %arg2[%dma_wait3A_114, %dma_wait3A_115] : memref<10000x128xf32, #tpu.memory_space<hbm>> -> memref<10000x128xf32, #tpu.memory_space<hbm>>
      tpu.wait_indirect_dma semaphore(%arg12 : memref<!tpu.dma_semaphore, #tpu.memory_space<semaphore_mem>>) src(%dma_wait3A_116 : memref<10000x128xf32, #tpu.memory_space<hbm>>) dst(%arg9 : memref<128x128xf32, #tpu.memory_space<vmem>>)
      "tpu.region"() ({
        %run_scoped3A_117 = tpu.sem_alloc : memref<!tpu.dma_semaphore, #tpu.memory_space<semaphore_mem>>
        %dma_start3A_118 = arith.constant 0 : i32
        %dma_start3A_119 = tpu.memref_slice %arg7[%add3A_93, %dma_start3A_118] : memref<20x128xi32, #tpu.memory_space<vmem>> -> memref<1x128xi32, #tpu.memory_space<vmem>>
        %dma_start3A_120 = tpu.memref_squeeze %dma_start3A_119 : memref<1x128xi32, #tpu.memory_space<vmem>> -> memref<128xi32, #tpu.memory_space<vmem>>
        %dma_start3A_121 = arith.constant 0 : i32
        %dma_start3A_122 = arith.constant 0 : i32
        %dma_start3A_123 = tpu.memref_slice %arg10[%dma_start3A_121, %dma_start3A_122] : memref<10016x128xf32, #tpu.memory_space<vmem_shared>> -> memref<10016x128xf32, #tpu.memory_space<vmem_shared>>
        tpu.enqueue_indirect_dma source(%arg9 : memref<128x128xf32, #tpu.memory_space<vmem>>) target(%dma_start3A_123 : memref<10016x128xf32, #tpu.memory_space<vmem_shared>>) offsets(%dma_start3A_120 : memref<128xi32, #tpu.memory_space<vmem>>) semaphore(%run_scoped3A_117 : memref<!tpu.dma_semaphore, #tpu.memory_space<semaphore_mem>>) {add = true}
        %dma_wait3A_124 = arith.constant 0 : i32
        %dma_wait3A_125 = tpu.memref_slice %arg7[%add3A_93, %dma_wait3A_124] : memref<20x128xi32, #tpu.memory_space<vmem>> -> memref<1x128xi32, #tpu.memory_space<vmem>>
        %dma_wait3A_126 = tpu.memref_squeeze %dma_wait3A_125 : memref<1x128xi32, #tpu.memory_space<vmem>> -> memref<128xi32, #tpu.memory_space<vmem>>
        %dma_wait3A_127 = arith.constant 0 : i32
        %dma_wait3A_128 = arith.constant 0 : i32
        %dma_wait3A_129 = tpu.memref_slice %arg10[%dma_wait3A_127, %dma_wait3A_128] : memref<10016x128xf32, #tpu.memory_space<vmem_shared>> -> memref<10016x128xf32, #tpu.memory_space<vmem_shared>>
        tpu.wait_indirect_dma semaphore(%run_scoped3A_117 : memref<!tpu.dma_semaphore, #tpu.memory_space<semaphore_mem>>) src(%arg9 : memref<128x128xf32, #tpu.memory_space<vmem>>) dst(%dma_wait3A_129 : memref<10016x128xf32, #tpu.memory_space<vmem_shared>>)
        tpu.yield
      }) : () -> ()
    }
    %scan3A_78 = arith.constant 10 : i32
    %barrier3A_79 = arith.constant 0 : index
    tpu.barrier barrier_id(%barrier3A_79)
    %mul3A_80 = arith.constant 624 : i32
    %mul3A_81 = arith.muli %arg1, %mul3A_80 : i32
    %mul3A_82 = arith.constant 624 : i32
    %mul3A_83 = arith.muli %arg1, %mul3A_82 : i32
    "tpu.region"() ({
      %run_scoped3A_89 = tpu.sem_alloc : memref<!tpu.dma_semaphore, #tpu.memory_space<semaphore_mem>>
      %dma_start3A_90 = arith.constant 0 : i32
      %dma_start3A_91 = tpu.memref_slice %arg5[%arg0, %mul3A_83, %dma_start3A_90] : memref<2x10000x128xf32, #tpu.memory_space<hbm>> -> memref<1x624x128xf32, #tpu.memory_space<hbm>>
      %dma_start3A_92 = tpu.memref_squeeze %dma_start3A_91 : memref<1x624x128xf32, #tpu.memory_space<hbm>> -> memref<624x128xf32, #tpu.memory_space<hbm>>
      %dma_start3A_93 = arith.constant 0 : i32
      %dma_start3A_94 = tpu.memref_slice %arg10[%mul3A_81, %dma_start3A_93] : memref<10016x128xf32, #tpu.memory_space<vmem_shared>> -> memref<624x128xf32, #tpu.memory_space<vmem_shared>>
      tpu.enqueue_dma source(%dma_start3A_94 : memref<624x128xf32, #tpu.memory_space<vmem_shared>>) target(%dma_start3A_92 : memref<624x128xf32, #tpu.memory_space<hbm>>) target_semaphore(%run_scoped3A_89 : memref<!tpu.dma_semaphore, #tpu.memory_space<semaphore_mem>>)
      %dma_wait3A = arith.constant 0 : i32
      %dma_wait3A_95 = tpu.memref_slice %arg5[%arg0, %mul3A_83, %dma_wait3A] : memref<2x10000x128xf32, #tpu.memory_space<hbm>> -> memref<1x624x128xf32, #tpu.memory_space<hbm>>
      %dma_wait3A_96 = tpu.memref_squeeze %dma_wait3A_95 : memref<1x624x128xf32, #tpu.memory_space<hbm>> -> memref<624x128xf32, #tpu.memory_space<hbm>>
      %dma_wait3A_97 = arith.constant 0 : i32
      %dma_wait3A_98 = tpu.memref_slice %arg10[%mul3A_81, %dma_wait3A_97] : memref<10016x128xf32, #tpu.memory_space<vmem_shared>> -> memref<624x128xf32, #tpu.memory_space<vmem_shared>>
      tpu.wait_dma2 semaphore(%run_scoped3A_89 : memref<!tpu.dma_semaphore, #tpu.memory_space<semaphore_mem>>) src(%dma_wait3A_98 : memref<624x128xf32, #tpu.memory_space<vmem_shared>>) dst(%dma_wait3A_96 : memref<624x128xf32, #tpu.memory_space<hbm>>)
      tpu.yield
    }) : () -> ()
    %eq3A_84 = arith.constant 15 : i32
    %eq3A_85 = arith.cmpi eq, %arg1, %eq3A_84 : i32
    %convert_element_type3A_86 = arith.extui %eq3A_85 : i1 to i32
    %cond3A_87 = arith.constant 0 : i32
    %cond3A_88 = arith.cmpi ne, %convert_element_type3A_86, %cond3A_87 : i32
    scf.if %cond3A_88 {
      "tpu.region"() ({
        %run_scoped3A_89 = tpu.sem_alloc : memref<!tpu.dma_semaphore, #tpu.memory_space<semaphore_mem>>
        %dma_start3A_90 = arith.constant 9984 : i32
        %dma_start3A_91 = arith.constant 0 : i32
        %dma_start3A_92 = tpu.memref_slice %arg5[%arg0, %dma_start3A_90, %dma_start3A_91] : memref<2x10000x128xf32, #tpu.memory_space<hbm>> -> memref<1x16x128xf32, #tpu.memory_space<hbm>>
        %dma_start3A_93 = tpu.memref_squeeze %dma_start3A_92 : memref<1x16x128xf32, #tpu.memory_space<hbm>> -> memref<16x128xf32, #tpu.memory_space<hbm>>
        %dma_start3A_94 = arith.constant 9984 : i32
        %dma_start3A_95 = arith.constant 0 : i32
        %dma_start3A_96 = tpu.memref_slice %arg10[%dma_start3A_94, %dma_start3A_95] : memref<10016x128xf32, #tpu.memory_space<vmem_shared>> -> memref<16x128xf32, #tpu.memory_space<vmem_shared>>
        tpu.enqueue_dma source(%dma_start3A_96 : memref<16x128xf32, #tpu.memory_space<vmem_shared>>) target(%dma_start3A_93 : memref<16x128xf32, #tpu.memory_space<hbm>>) target_semaphore(%run_scoped3A_89 : memref<!tpu.dma_semaphore, #tpu.memory_space<semaphore_mem>>)
        %dma_wait3A = arith.constant 9984 : i32
        %dma_wait3A_97 = arith.constant 0 : i32
        %dma_wait3A_98 = tpu.memref_slice %arg5[%arg0, %dma_wait3A, %dma_wait3A_97] : memref<2x10000x128xf32, #tpu.memory_space<hbm>> -> memref<1x16x128xf32, #tpu.memory_space<hbm>>
        %dma_wait3A_99 = tpu.memref_squeeze %dma_wait3A_98 : memref<1x16x128xf32, #tpu.memory_space<hbm>> -> memref<16x128xf32, #tpu.memory_space<hbm>>
        %dma_wait3A_100 = arith.constant 9984 : i32
        %dma_wait3A_101 = arith.constant 0 : i32
        %dma_wait3A_102 = tpu.memref_slice %arg10[%dma_wait3A_100, %dma_wait3A_101] : memref<10016x128xf32, #tpu.memory_space<vmem_shared>> -> memref<16x128xf32, #tpu.memory_space<vmem_shared>>
        tpu.wait_dma2 semaphore(%run_scoped3A_89 : memref<!tpu.dma_semaphore, #tpu.memory_space<semaphore_mem>>) src(%dma_wait3A_102 : memref<16x128xf32, #tpu.memory_space<vmem_shared>>) dst(%dma_wait3A_99 : memref<16x128xf32, #tpu.memory_space<hbm>>)
        tpu.yield
      }) : () -> ()
    } else {
    }
    return
  }
}

#map = affine_map<(d0, d1) -> (0, 0)>
#map1 = affine_map<(d0, d1) -> (0, 0, 0, 0)>
#map2 = affine_map<(d0, d1) -> (0, 0, 0)>
module attributes {stable_mosaic.version = 14 : i64} {
  func.func @_scat_body(%arg0: i32, %arg1: i32, %arg2: memref<10000x128xf32, #tpu.memory_space<hbm>>, %arg3: memref<32x4x20x128xi32, #tpu.memory_space<hbm>>, %arg4: memref<32x4x20x128xi32, #tpu.memory_space<hbm>>, %arg5: memref<2x10000x128xf32, #tpu.memory_space<hbm>>, %arg6: memref<20x128xi32, #tpu.memory_space<vmem>>, %arg7: memref<20x128xi32, #tpu.memory_space<vmem>>, %arg8: memref<128x128xf32, #tpu.memory_space<vmem>>, %arg9: memref<128x128xf32, #tpu.memory_space<vmem>>, %arg10: memref<10016x128xf32, #tpu.memory_space<vmem_shared>>, %arg11: memref<!tpu.dma_semaphore, #tpu.memory_space<semaphore_mem>>, %arg12: memref<!tpu.dma_semaphore, #tpu.memory_space<semaphore_mem>>) attributes {dimension_semantics = [#tpu.dimension_semantics<core_parallel>, #tpu.dimension_semantics<subcore_parallel>], iteration_bounds = array<i64: 2, 16>, scalar_prefetch = 0 : i64, scratch_operands = 7 : i64, tpu.core_type = #tpu.core_type<sc_vector_subcore>, window_params = [{transform_indices = #map}, {transform_indices = #map1}, {transform_indices = #map1}, {transform_indices = #map2}]} {
    %mul3A = arith.constant 16 : i32
    %mul3A_0 = arith.muli %arg0, %mul3A : i32
    %add3A = arith.addi %mul3A_0, %arg1 : i32
    %run_scoped3A = arith.constant 0 : i32
    "tpu.region"() ({
      %run_scoped3A_89 = tpu.sem_alloc : memref<!tpu.dma_semaphore, #tpu.memory_space<semaphore_mem>>
      %dma_start3A_90 = arith.constant 0 : i32
      %dma_start3A_91 = arith.constant 0 : i32
      %dma_start3A_92 = tpu.memref_slice %arg3[%add3A, %run_scoped3A, %dma_start3A_90, %dma_start3A_91] : memref<32x4x20x128xi32, #tpu.memory_space<hbm>> -> memref<1x1x20x128xi32, #tpu.memory_space<hbm>>
      %dma_start3A_93 = tpu.memref_squeeze %dma_start3A_92 : memref<1x1x20x128xi32, #tpu.memory_space<hbm>> -> memref<20x128xi32, #tpu.memory_space<hbm>>
      %dma_start3A_94 = arith.constant 0 : i32
      %dma_start3A_95 = arith.constant 0 : i32
      %dma_start3A_96 = tpu.memref_slice %arg3[%add3A, %run_scoped3A, %dma_start3A_94, %dma_start3A_95] : memref<32x4x20x128xi32, #tpu.memory_space<hbm>> -> memref<1x1x20x128xi32, #tpu.memory_space<hbm>>
      %dma_start3A_97 = tpu.memref_squeeze %dma_start3A_96 : memref<1x1x20x128xi32, #tpu.memory_space<hbm>> -> memref<20x128xi32, #tpu.memory_space<hbm>>
      tpu.enqueue_dma source(%dma_start3A_97 : memref<20x128xi32, #tpu.memory_space<hbm>>) target(%arg6 : memref<20x128xi32, #tpu.memory_space<vmem>>) target_semaphore(%run_scoped3A_89 : memref<!tpu.dma_semaphore, #tpu.memory_space<semaphore_mem>>)
      %dma_wait3A = arith.constant 0 : i32
      %dma_wait3A_98 = arith.constant 0 : i32
      %dma_wait3A_99 = tpu.memref_slice %arg3[%add3A, %run_scoped3A, %dma_wait3A, %dma_wait3A_98] : memref<32x4x20x128xi32, #tpu.memory_space<hbm>> -> memref<1x1x20x128xi32, #tpu.memory_space<hbm>>
      %dma_wait3A_100 = tpu.memref_squeeze %dma_wait3A_99 : memref<1x1x20x128xi32, #tpu.memory_space<hbm>> -> memref<20x128xi32, #tpu.memory_space<hbm>>
      %dma_wait3A_101 = arith.constant 0 : i32
      %dma_wait3A_102 = arith.constant 0 : i32
      %dma_wait3A_103 = tpu.memref_slice %arg3[%add3A, %run_scoped3A, %dma_wait3A_101, %dma_wait3A_102] : memref<32x4x20x128xi32, #tpu.memory_space<hbm>> -> memref<1x1x20x128xi32, #tpu.memory_space<hbm>>
      %dma_wait3A_104 = tpu.memref_squeeze %dma_wait3A_103 : memref<1x1x20x128xi32, #tpu.memory_space<hbm>> -> memref<20x128xi32, #tpu.memory_space<hbm>>
      tpu.wait_dma2 semaphore(%run_scoped3A_89 : memref<!tpu.dma_semaphore, #tpu.memory_space<semaphore_mem>>) src(%dma_wait3A_104 : memref<20x128xi32, #tpu.memory_space<hbm>>) dst(%arg6 : memref<20x128xi32, #tpu.memory_space<vmem>>)
      tpu.yield
    }) : () -> ()
    %run_scoped3A_1 = arith.constant 0 : i32
    "tpu.region"() ({
      %run_scoped3A_89 = tpu.sem_alloc : memref<!tpu.dma_semaphore, #tpu.memory_space<semaphore_mem>>
      %dma_start3A_90 = arith.constant 0 : i32
      %dma_start3A_91 = arith.constant 0 : i32
      %dma_start3A_92 = tpu.memref_slice %arg4[%add3A, %run_scoped3A_1, %dma_start3A_90, %dma_start3A_91] : memref<32x4x20x128xi32, #tpu.memory_space<hbm>> -> memref<1x1x20x128xi32, #tpu.memory_space<hbm>>
      %dma_start3A_93 = tpu.memref_squeeze %dma_start3A_92 : memref<1x1x20x128xi32, #tpu.memory_space<hbm>> -> memref<20x128xi32, #tpu.memory_space<hbm>>
      %dma_start3A_94 = arith.constant 0 : i32
      %dma_start3A_95 = arith.constant 0 : i32
      %dma_start3A_96 = tpu.memref_slice %arg4[%add3A, %run_scoped3A_1, %dma_start3A_94, %dma_start3A_95] : memref<32x4x20x128xi32, #tpu.memory_space<hbm>> -> memref<1x1x20x128xi32, #tpu.memory_space<hbm>>
      %dma_start3A_97 = tpu.memref_squeeze %dma_start3A_96 : memref<1x1x20x128xi32, #tpu.memory_space<hbm>> -> memref<20x128xi32, #tpu.memory_space<hbm>>
      tpu.enqueue_dma source(%dma_start3A_97 : memref<20x128xi32, #tpu.memory_space<hbm>>) target(%arg7 : memref<20x128xi32, #tpu.memory_space<vmem>>) target_semaphore(%run_scoped3A_89 : memref<!tpu.dma_semaphore, #tpu.memory_space<semaphore_mem>>)
      %dma_wait3A = arith.constant 0 : i32
      %dma_wait3A_98 = arith.constant 0 : i32
      %dma_wait3A_99 = tpu.memref_slice %arg4[%add3A, %run_scoped3A_1, %dma_wait3A, %dma_wait3A_98] : memref<32x4x20x128xi32, #tpu.memory_space<hbm>> -> memref<1x1x20x128xi32, #tpu.memory_space<hbm>>
      %dma_wait3A_100 = tpu.memref_squeeze %dma_wait3A_99 : memref<1x1x20x128xi32, #tpu.memory_space<hbm>> -> memref<20x128xi32, #tpu.memory_space<hbm>>
      %dma_wait3A_101 = arith.constant 0 : i32
      %dma_wait3A_102 = arith.constant 0 : i32
      %dma_wait3A_103 = tpu.memref_slice %arg4[%add3A, %run_scoped3A_1, %dma_wait3A_101, %dma_wait3A_102] : memref<32x4x20x128xi32, #tpu.memory_space<hbm>> -> memref<1x1x20x128xi32, #tpu.memory_space<hbm>>
      %dma_wait3A_104 = tpu.memref_squeeze %dma_wait3A_103 : memref<1x1x20x128xi32, #tpu.memory_space<hbm>> -> memref<20x128xi32, #tpu.memory_space<hbm>>
      tpu.wait_dma2 semaphore(%run_scoped3A_89 : memref<!tpu.dma_semaphore, #tpu.memory_space<semaphore_mem>>) src(%dma_wait3A_104 : memref<20x128xi32, #tpu.memory_space<hbm>>) dst(%arg7 : memref<20x128xi32, #tpu.memory_space<vmem>>)
      tpu.yield
    }) : () -> ()
    %scan3A = arith.constant 0 : i32
    %scan3A_2 = arith.constant 0 : i32
    %scan3A_3 = arith.constant 128 : i32
    %scan3A_4 = arith.addi %scan3A_2, %scan3A_3 : i32
    %scan3A_5 = arith.constant 1 : i32
    scf.for %scan3A_89 = %scan3A_2 to %scan3A_4 step %scan3A_5  : i32 {
      %broadcast_in_dim3A = arith.constant 0.000000e+00 : f32
      %broadcast_in_dim3A_90 = vector.broadcast %broadcast_in_dim3A : f32 to vector<16xf32>
      %swap3A = arith.index_cast %scan3A_89 : i32 to index
      %swap3A_91 = arith.constant 0 : index
      %swap3A_92 = tpu.vector_load %arg8[%swap3A, %swap3A_91] {strides = array<i32>} : memref<128x128xf32, #tpu.memory_space<vmem>>, vector<1x16xf32>,
      %swap3A_93 = vector.shape_cast %swap3A_92 : vector<1x16xf32> to vector<16xf32>
      %swap3A_94 = vector.shape_cast %broadcast_in_dim3A_90 : vector<16xf32> to vector<1x16xf32>
      tpu.vector_store %arg8[%swap3A, %swap3A_91], %swap3A_94 {strides = array<i32>} : memref<128x128xf32, #tpu.memory_space<vmem>>, vector<1x16xf32>,
      %broadcast_in_dim3A_95 = arith.constant 0.000000e+00 : f32
      %broadcast_in_dim3A_96 = vector.broadcast %broadcast_in_dim3A_95 : f32 to vector<16xf32>
      %swap3A_97 = arith.index_cast %scan3A_89 : i32 to index
      %swap3A_98 = arith.constant 16 : index
      %swap3A_99 = tpu.vector_load %arg8[%swap3A_97, %swap3A_98] {strides = array<i32>} : memref<128x128xf32, #tpu.memory_space<vmem>>, vector<1x16xf32>,
      %swap3A_100 = vector.shape_cast %swap3A_99 : vector<1x16xf32> to vector<16xf32>
      %swap3A_101 = vector.shape_cast %broadcast_in_dim3A_96 : vector<16xf32> to vector<1x16xf32>
      tpu.vector_store %arg8[%swap3A_97, %swap3A_98], %swap3A_101 {strides = array<i32>} : memref<128x128xf32, #tpu.memory_space<vmem>>, vector<1x16xf32>,
      %broadcast_in_dim3A_102 = arith.constant 0.000000e+00 : f32
      %broadcast_in_dim3A_103 = vector.broadcast %broadcast_in_dim3A_102 : f32 to vector<16xf32>
      %swap3A_104 = arith.index_cast %scan3A_89 : i32 to index
      %swap3A_105 = arith.constant 32 : index
      %swap3A_106 = tpu.vector_load %arg8[%swap3A_104, %swap3A_105] {strides = array<i32>} : memref<128x128xf32, #tpu.memory_space<vmem>>, vector<1x16xf32>,
      %swap3A_107 = vector.shape_cast %swap3A_106 : vector<1x16xf32> to vector<16xf32>
      %swap3A_108 = vector.shape_cast %broadcast_in_dim3A_103 : vector<16xf32> to vector<1x16xf32>
      tpu.vector_store %arg8[%swap3A_104, %swap3A_105], %swap3A_108 {strides = array<i32>} : memref<128x128xf32, #tpu.memory_space<vmem>>, vector<1x16xf32>,
      %broadcast_in_dim3A_109 = arith.constant 0.000000e+00 : f32
      %broadcast_in_dim3A_110 = vector.broadcast %broadcast_in_dim3A_109 : f32 to vector<16xf32>
      %swap3A_111 = arith.index_cast %scan3A_89 : i32 to index
      %swap3A_112 = arith.constant 48 : index
      %swap3A_113 = tpu.vector_load %arg8[%swap3A_111, %swap3A_112] {strides = array<i32>} : memref<128x128xf32, #tpu.memory_space<vmem>>, vector<1x16xf32>,
      %swap3A_114 = vector.shape_cast %swap3A_113 : vector<1x16xf32> to vector<16xf32>
      %swap3A_115 = vector.shape_cast %broadcast_in_dim3A_110 : vector<16xf32> to vector<1x16xf32>
      tpu.vector_store %arg8[%swap3A_111, %swap3A_112], %swap3A_115 {strides = array<i32>} : memref<128x128xf32, #tpu.memory_space<vmem>>, vector<1x16xf32>,
      %broadcast_in_dim3A_116 = arith.constant 0.000000e+00 : f32
      %broadcast_in_dim3A_117 = vector.broadcast %broadcast_in_dim3A_116 : f32 to vector<16xf32>
      %swap3A_118 = arith.index_cast %scan3A_89 : i32 to index
      %swap3A_119 = arith.constant 64 : index
      %swap3A_120 = tpu.vector_load %arg8[%swap3A_118, %swap3A_119] {strides = array<i32>} : memref<128x128xf32, #tpu.memory_space<vmem>>, vector<1x16xf32>,
      %swap3A_121 = vector.shape_cast %swap3A_120 : vector<1x16xf32> to vector<16xf32>
      %swap3A_122 = vector.shape_cast %broadcast_in_dim3A_117 : vector<16xf32> to vector<1x16xf32>
      tpu.vector_store %arg8[%swap3A_118, %swap3A_119], %swap3A_122 {strides = array<i32>} : memref<128x128xf32, #tpu.memory_space<vmem>>, vector<1x16xf32>,
      %broadcast_in_dim3A_123 = arith.constant 0.000000e+00 : f32
      %broadcast_in_dim3A_124 = vector.broadcast %broadcast_in_dim3A_123 : f32 to vector<16xf32>
      %swap3A_125 = arith.index_cast %scan3A_89 : i32 to index
      %swap3A_126 = arith.constant 80 : index
      %swap3A_127 = tpu.vector_load %arg8[%swap3A_125, %swap3A_126] {strides = array<i32>} : memref<128x128xf32, #tpu.memory_space<vmem>>, vector<1x16xf32>,
      %swap3A_128 = vector.shape_cast %swap3A_127 : vector<1x16xf32> to vector<16xf32>
      %swap3A_129 = vector.shape_cast %broadcast_in_dim3A_124 : vector<16xf32> to vector<1x16xf32>
      tpu.vector_store %arg8[%swap3A_125, %swap3A_126], %swap3A_129 {strides = array<i32>} : memref<128x128xf32, #tpu.memory_space<vmem>>, vector<1x16xf32>,
      %broadcast_in_dim3A_130 = arith.constant 0.000000e+00 : f32
      %broadcast_in_dim3A_131 = vector.broadcast %broadcast_in_dim3A_130 : f32 to vector<16xf32>
      %swap3A_132 = arith.index_cast %scan3A_89 : i32 to index
      %swap3A_133 = arith.constant 96 : index
      %swap3A_134 = tpu.vector_load %arg8[%swap3A_132, %swap3A_133] {strides = array<i32>} : memref<128x128xf32, #tpu.memory_space<vmem>>, vector<1x16xf32>,
      %swap3A_135 = vector.shape_cast %swap3A_134 : vector<1x16xf32> to vector<16xf32>
      %swap3A_136 = vector.shape_cast %broadcast_in_dim3A_131 : vector<16xf32> to vector<1x16xf32>
      tpu.vector_store %arg8[%swap3A_132, %swap3A_133], %swap3A_136 {strides = array<i32>} : memref<128x128xf32, #tpu.memory_space<vmem>>, vector<1x16xf32>,
      %broadcast_in_dim3A_137 = arith.constant 0.000000e+00 : f32
      %broadcast_in_dim3A_138 = vector.broadcast %broadcast_in_dim3A_137 : f32 to vector<16xf32>
      %swap3A_139 = arith.index_cast %scan3A_89 : i32 to index
      %swap3A_140 = arith.constant 112 : index
      %swap3A_141 = tpu.vector_load %arg8[%swap3A_139, %swap3A_140] {strides = array<i32>} : memref<128x128xf32, #tpu.memory_space<vmem>>, vector<1x16xf32>,
      %swap3A_142 = vector.shape_cast %swap3A_141 : vector<1x16xf32> to vector<16xf32>
      %swap3A_143 = vector.shape_cast %broadcast_in_dim3A_138 : vector<16xf32> to vector<1x16xf32>
      tpu.vector_store %arg8[%swap3A_139, %swap3A_140], %swap3A_143 {strides = array<i32>} : memref<128x128xf32, #tpu.memory_space<vmem>>, vector<1x16xf32>,
    }
    %scan3A_6 = arith.constant 128 : i32
    %mul3A_7 = arith.constant 624 : i32
    %mul3A_8 = arith.muli %arg1, %mul3A_7 : i32
    %add3A_9 = arith.constant 0 : i32
    %add3A_10 = arith.addi %mul3A_8, %add3A_9 : i32
    "tpu.region"() ({
      %run_scoped3A_89 = tpu.sem_alloc : memref<!tpu.dma_semaphore, #tpu.memory_space<semaphore_mem>>
      %dma_start3A_90 = arith.constant 0 : i32
      %dma_start3A_91 = tpu.memref_slice %arg10[%add3A_10, %dma_start3A_90] : memref<10016x128xf32, #tpu.memory_space<vmem_shared>> -> memref<128x128xf32, #tpu.memory_space<vmem_shared>>
      %dma_start3A_92 = arith.constant 0 : i32
      %dma_start3A_93 = tpu.memref_slice %arg10[%add3A_10, %dma_start3A_92] : memref<10016x128xf32, #tpu.memory_space<vmem_shared>> -> memref<128x128xf32, #tpu.memory_space<vmem_shared>>
      tpu.enqueue_dma source(%arg8 : memref<128x128xf32, #tpu.memory_space<vmem>>) target(%dma_start3A_93 : memref<128x128xf32, #tpu.memory_space<vmem_shared>>) target_semaphore(%run_scoped3A_89 : memref<!tpu.dma_semaphore, #tpu.memory_space<semaphore_mem>>)
      %dma_wait3A = arith.constant 0 : i32
      %dma_wait3A_94 = tpu.memref_slice %arg10[%add3A_10, %dma_wait3A] : memref<10016x128xf32, #tpu.memory_space<vmem_shared>> -> memref<128x128xf32, #tpu.memory_space<vmem_shared>>
      %dma_wait3A_95 = arith.constant 0 : i32
      %dma_wait3A_96 = tpu.memref_slice %arg10[%add3A_10, %dma_wait3A_95] : memref<10016x128xf32, #tpu.memory_space<vmem_shared>> -> memref<128x128xf32, #tpu.memory_space<vmem_shared>>
      tpu.wait_dma2 semaphore(%run_scoped3A_89 : memref<!tpu.dma_semaphore, #tpu.memory_space<semaphore_mem>>) src(%arg8 : memref<128x128xf32, #tpu.memory_space<vmem>>) dst(%dma_wait3A_96 : memref<128x128xf32, #tpu.memory_space<vmem_shared>>)
      tpu.yield
    }) : () -> ()
    %add3A_11 = arith.constant 128 : i32
    %add3A_12 = arith.addi %mul3A_8, %add3A_11 : i32
    "tpu.region"() ({
      %run_scoped3A_89 = tpu.sem_alloc : memref<!tpu.dma_semaphore, #tpu.memory_space<semaphore_mem>>
      %dma_start3A_90 = arith.constant 0 : i32
      %dma_start3A_91 = tpu.memref_slice %arg10[%add3A_12, %dma_start3A_90] : memref<10016x128xf32, #tpu.memory_space<vmem_shared>> -> memref<128x128xf32, #tpu.memory_space<vmem_shared>>
      %dma_start3A_92 = arith.constant 0 : i32
      %dma_start3A_93 = tpu.memref_slice %arg10[%add3A_12, %dma_start3A_92] : memref<10016x128xf32, #tpu.memory_space<vmem_shared>> -> memref<128x128xf32, #tpu.memory_space<vmem_shared>>
      tpu.enqueue_dma source(%arg8 : memref<128x128xf32, #tpu.memory_space<vmem>>) target(%dma_start3A_93 : memref<128x128xf32, #tpu.memory_space<vmem_shared>>) target_semaphore(%run_scoped3A_89 : memref<!tpu.dma_semaphore, #tpu.memory_space<semaphore_mem>>)
      %dma_wait3A = arith.constant 0 : i32
      %dma_wait3A_94 = tpu.memref_slice %arg10[%add3A_12, %dma_wait3A] : memref<10016x128xf32, #tpu.memory_space<vmem_shared>> -> memref<128x128xf32, #tpu.memory_space<vmem_shared>>
      %dma_wait3A_95 = arith.constant 0 : i32
      %dma_wait3A_96 = tpu.memref_slice %arg10[%add3A_12, %dma_wait3A_95] : memref<10016x128xf32, #tpu.memory_space<vmem_shared>> -> memref<128x128xf32, #tpu.memory_space<vmem_shared>>
      tpu.wait_dma2 semaphore(%run_scoped3A_89 : memref<!tpu.dma_semaphore, #tpu.memory_space<semaphore_mem>>) src(%arg8 : memref<128x128xf32, #tpu.memory_space<vmem>>) dst(%dma_wait3A_96 : memref<128x128xf32, #tpu.memory_space<vmem_shared>>)
      tpu.yield
    }) : () -> ()
    %add3A_13 = arith.constant 256 : i32
    %add3A_14 = arith.addi %mul3A_8, %add3A_13 : i32
    "tpu.region"() ({
      %run_scoped3A_89 = tpu.sem_alloc : memref<!tpu.dma_semaphore, #tpu.memory_space<semaphore_mem>>
      %dma_start3A_90 = arith.constant 0 : i32
      %dma_start3A_91 = tpu.memref_slice %arg10[%add3A_14, %dma_start3A_90] : memref<10016x128xf32, #tpu.memory_space<vmem_shared>> -> memref<128x128xf32, #tpu.memory_space<vmem_shared>>
      %dma_start3A_92 = arith.constant 0 : i32
      %dma_start3A_93 = tpu.memref_slice %arg10[%add3A_14, %dma_start3A_92] : memref<10016x128xf32, #tpu.memory_space<vmem_shared>> -> memref<128x128xf32, #tpu.memory_space<vmem_shared>>
      tpu.enqueue_dma source(%arg8 : memref<128x128xf32, #tpu.memory_space<vmem>>) target(%dma_start3A_93 : memref<128x128xf32, #tpu.memory_space<vmem_shared>>) target_semaphore(%run_scoped3A_89 : memref<!tpu.dma_semaphore, #tpu.memory_space<semaphore_mem>>)
      %dma_wait3A = arith.constant 0 : i32
      %dma_wait3A_94 = tpu.memref_slice %arg10[%add3A_14, %dma_wait3A] : memref<10016x128xf32, #tpu.memory_space<vmem_shared>> -> memref<128x128xf32, #tpu.memory_space<vmem_shared>>
      %dma_wait3A_95 = arith.constant 0 : i32
      %dma_wait3A_96 = tpu.memref_slice %arg10[%add3A_14, %dma_wait3A_95] : memref<10016x128xf32, #tpu.memory_space<vmem_shared>> -> memref<128x128xf32, #tpu.memory_space<vmem_shared>>
      tpu.wait_dma2 semaphore(%run_scoped3A_89 : memref<!tpu.dma_semaphore, #tpu.memory_space<semaphore_mem>>) src(%arg8 : memref<128x128xf32, #tpu.memory_space<vmem>>) dst(%dma_wait3A_96 : memref<128x128xf32, #tpu.memory_space<vmem_shared>>)
      tpu.yield
    }) : () -> ()
    %add3A_15 = arith.constant 384 : i32
    %add3A_16 = arith.addi %mul3A_8, %add3A_15 : i32
    "tpu.region"() ({
      %run_scoped3A_89 = tpu.sem_alloc : memref<!tpu.dma_semaphore, #tpu.memory_space<semaphore_mem>>
      %dma_start3A_90 = arith.constant 0 : i32
      %dma_start3A_91 = tpu.memref_slice %arg10[%add3A_16, %dma_start3A_90] : memref<10016x128xf32, #tpu.memory_space<vmem_shared>> -> memref<128x128xf32, #tpu.memory_space<vmem_shared>>
      %dma_start3A_92 = arith.constant 0 : i32
      %dma_start3A_93 = tpu.memref_slice %arg10[%add3A_16, %dma_start3A_92] : memref<10016x128xf32, #tpu.memory_space<vmem_shared>> -> memref<128x128xf32, #tpu.memory_space<vmem_shared>>
      tpu.enqueue_dma source(%arg8 : memref<128x128xf32, #tpu.memory_space<vmem>>) target(%dma_start3A_93 : memref<128x128xf32, #tpu.memory_space<vmem_shared>>) target_semaphore(%run_scoped3A_89 : memref<!tpu.dma_semaphore, #tpu.memory_space<semaphore_mem>>)
      %dma_wait3A = arith.constant 0 : i32
      %dma_wait3A_94 = tpu.memref_slice %arg10[%add3A_16, %dma_wait3A] : memref<10016x128xf32, #tpu.memory_space<vmem_shared>> -> memref<128x128xf32, #tpu.memory_space<vmem_shared>>
      %dma_wait3A_95 = arith.constant 0 : i32
      %dma_wait3A_96 = tpu.memref_slice %arg10[%add3A_16, %dma_wait3A_95] : memref<10016x128xf32, #tpu.memory_space<vmem_shared>> -> memref<128x128xf32, #tpu.memory_space<vmem_shared>>
      tpu.wait_dma2 semaphore(%run_scoped3A_89 : memref<!tpu.dma_semaphore, #tpu.memory_space<semaphore_mem>>) src(%arg8 : memref<128x128xf32, #tpu.memory_space<vmem>>) dst(%dma_wait3A_96 : memref<128x128xf32, #tpu.memory_space<vmem_shared>>)
      tpu.yield
    }) : () -> ()
    %add3A_17 = arith.constant 624 : i32
    %add3A_18 = arith.addi %mul3A_8, %add3A_17 : i32
    %sub3A = arith.constant 112 : i32
    %sub3A_19 = arith.subi %add3A_18, %sub3A : i32
    "tpu.region"() ({
      %run_scoped3A_89 = tpu.sem_alloc : memref<!tpu.dma_semaphore, #tpu.memory_space<semaphore_mem>>
      %dma_start3A_90 = arith.constant 0 : i32
      %dma_start3A_91 = arith.constant 0 : i32
      %dma_start3A_92 = tpu.memref_slice %arg8[%dma_start3A_90, %dma_start3A_91] : memref<128x128xf32, #tpu.memory_space<vmem>> -> memref<112x128xf32, #tpu.memory_space<vmem>>
      %dma_start3A_93 = arith.constant 0 : i32
      %dma_start3A_94 = tpu.memref_slice %arg10[%sub3A_19, %dma_start3A_93] : memref<10016x128xf32, #tpu.memory_space<vmem_shared>> -> memref<112x128xf32, #tpu.memory_space<vmem_shared>>
      %dma_start3A_95 = arith.constant 0 : i32
      %dma_start3A_96 = tpu.memref_slice %arg10[%sub3A_19, %dma_start3A_95] : memref<10016x128xf32, #tpu.memory_space<vmem_shared>> -> memref<112x128xf32, #tpu.memory_space<vmem_shared>>
      %dma_start3A_97 = arith.constant 0 : i32
      %dma_start3A_98 = arith.constant 0 : i32
      %dma_start3A_99 = tpu.memref_slice %arg8[%dma_start3A_97, %dma_start3A_98] : memref<128x128xf32, #tpu.memory_space<vmem>> -> memref<112x128xf32, #tpu.memory_space<vmem>>
      tpu.enqueue_dma source(%dma_start3A_99 : memref<112x128xf32, #tpu.memory_space<vmem>>) target(%dma_start3A_96 : memref<112x128xf32, #tpu.memory_space<vmem_shared>>) target_semaphore(%run_scoped3A_89 : memref<!tpu.dma_semaphore, #tpu.memory_space<semaphore_mem>>)
      %dma_wait3A = arith.constant 0 : i32
      %dma_wait3A_100 = arith.constant 0 : i32
      %dma_wait3A_101 = tpu.memref_slice %arg8[%dma_wait3A, %dma_wait3A_100] : memref<128x128xf32, #tpu.memory_space<vmem>> -> memref<112x128xf32, #tpu.memory_space<vmem>>
      %dma_wait3A_102 = arith.constant 0 : i32
      %dma_wait3A_103 = tpu.memref_slice %arg10[%sub3A_19, %dma_wait3A_102] : memref<10016x128xf32, #tpu.memory_space<vmem_shared>> -> memref<112x128xf32, #tpu.memory_space<vmem_shared>>
      %dma_wait3A_104 = arith.constant 0 : i32
      %dma_wait3A_105 = tpu.memref_slice %arg10[%sub3A_19, %dma_wait3A_104] : memref<10016x128xf32, #tpu.memory_space<vmem_shared>> -> memref<112x128xf32, #tpu.memory_space<vmem_shared>>
      %dma_wait3A_106 = arith.constant 0 : i32
      %dma_wait3A_107 = arith.constant 0 : i32
      %dma_wait3A_108 = tpu.memref_slice %arg8[%dma_wait3A_106, %dma_wait3A_107] : memref<128x128xf32, #tpu.memory_space<vmem>> -> memref<112x128xf32, #tpu.memory_space<vmem>>
      tpu.wait_dma2 semaphore(%run_scoped3A_89 : memref<!tpu.dma_semaphore, #tpu.memory_space<semaphore_mem>>) src(%dma_wait3A_108 : memref<112x128xf32, #tpu.memory_space<vmem>>) dst(%dma_wait3A_105 : memref<112x128xf32, #tpu.memory_space<vmem_shared>>)
      tpu.yield
    }) : () -> ()
    %eq3A = arith.constant 15 : i32
    %eq3A_20 = arith.cmpi eq, %arg1, %eq3A : i32
    %convert_element_type3A = arith.extui %eq3A_20 : i1 to i32
    %cond3A = arith.constant 0 : i32
    %cond3A_21 = arith.cmpi ne, %convert_element_type3A, %cond3A : i32
    scf.if %cond3A_21 {
      "tpu.region"() ({
        %run_scoped3A_89 = tpu.sem_alloc : memref<!tpu.dma_semaphore, #tpu.memory_space<semaphore_mem>>
        %dma_start3A_90 = arith.constant 0 : i32
        %dma_start3A_91 = arith.constant 0 : i32
        %dma_start3A_92 = tpu.memref_slice %arg8[%dma_start3A_90, %dma_start3A_91] : memref<128x128xf32, #tpu.memory_space<vmem>> -> memref<16x128xf32, #tpu.memory_space<vmem>>
        %dma_start3A_93 = arith.constant 9984 : i32
        %dma_start3A_94 = arith.constant 0 : i32
        %dma_start3A_95 = tpu.memref_slice %arg10[%dma_start3A_93, %dma_start3A_94] : memref<10016x128xf32, #tpu.memory_space<vmem_shared>> -> memref<16x128xf32, #tpu.memory_space<vmem_shared>>
        %dma_start3A_96 = arith.constant 9984 : i32
        %dma_start3A_97 = arith.constant 0 : i32
        %dma_start3A_98 = tpu.memref_slice %arg10[%dma_start3A_96, %dma_start3A_97] : memref<10016x128xf32, #tpu.memory_space<vmem_shared>> -> memref<16x128xf32, #tpu.memory_space<vmem_shared>>
        %dma_start3A_99 = arith.constant 0 : i32
        %dma_start3A_100 = arith.constant 0 : i32
        %dma_start3A_101 = tpu.memref_slice %arg8[%dma_start3A_99, %dma_start3A_100] : memref<128x128xf32, #tpu.memory_space<vmem>> -> memref<16x128xf32, #tpu.memory_space<vmem>>
        tpu.enqueue_dma source(%dma_start3A_101 : memref<16x128xf32, #tpu.memory_space<vmem>>) target(%dma_start3A_98 : memref<16x128xf32, #tpu.memory_space<vmem_shared>>) target_semaphore(%run_scoped3A_89 : memref<!tpu.dma_semaphore, #tpu.memory_space<semaphore_mem>>)
        %dma_wait3A = arith.constant 0 : i32
        %dma_wait3A_102 = arith.constant 0 : i32
        %dma_wait3A_103 = tpu.memref_slice %arg8[%dma_wait3A, %dma_wait3A_102] : memref<128x128xf32, #tpu.memory_space<vmem>> -> memref<16x128xf32, #tpu.memory_space<vmem>>
        %dma_wait3A_104 = arith.constant 9984 : i32
        %dma_wait3A_105 = arith.constant 0 : i32
        %dma_wait3A_106 = tpu.memref_slice %arg10[%dma_wait3A_104, %dma_wait3A_105] : memref<10016x128xf32, #tpu.memory_space<vmem_shared>> -> memref<16x128xf32, #tpu.memory_space<vmem_shared>>
        %dma_wait3A_107 = arith.constant 9984 : i32
        %dma_wait3A_108 = arith.constant 0 : i32
        %dma_wait3A_109 = tpu.memref_slice %arg10[%dma_wait3A_107, %dma_wait3A_108] : memref<10016x128xf32, #tpu.memory_space<vmem_shared>> -> memref<16x128xf32, #tpu.memory_space<vmem_shared>>
        %dma_wait3A_110 = arith.constant 0 : i32
        %dma_wait3A_111 = arith.constant 0 : i32
        %dma_wait3A_112 = tpu.memref_slice %arg8[%dma_wait3A_110, %dma_wait3A_111] : memref<128x128xf32, #tpu.memory_space<vmem>> -> memref<16x128xf32, #tpu.memory_space<vmem>>
        tpu.wait_dma2 semaphore(%run_scoped3A_89 : memref<!tpu.dma_semaphore, #tpu.memory_space<semaphore_mem>>) src(%dma_wait3A_112 : memref<16x128xf32, #tpu.memory_space<vmem>>) dst(%dma_wait3A_109 : memref<16x128xf32, #tpu.memory_space<vmem_shared>>)
        tpu.yield
      }) : () -> ()
    } else {
    }
    %dma_start3A = arith.constant 0 : i32
    %dma_start3A_22 = arith.constant 0 : i32
    %dma_start3A_23 = tpu.memref_slice %arg6[%dma_start3A, %dma_start3A_22] : memref<20x128xi32, #tpu.memory_space<vmem>> -> memref<1x128xi32, #tpu.memory_space<vmem>>
    %dma_start3A_24 = tpu.memref_squeeze %dma_start3A_23 : memref<1x128xi32, #tpu.memory_space<vmem>> -> memref<128xi32, #tpu.memory_space<vmem>>
    %dma_start3A_25 = arith.constant 0 : i32
    %dma_start3A_26 = arith.constant 0 : i32
    %dma_start3A_27 = tpu.memref_slice %arg2[%dma_start3A_25, %dma_start3A_26] : memref<10000x128xf32, #tpu.memory_space<hbm>> -> memref<10000x128xf32, #tpu.memory_space<hbm>>
    tpu.enqueue_indirect_dma source(%dma_start3A_27 : memref<10000x128xf32, #tpu.memory_space<hbm>>) target(%arg8 : memref<128x128xf32, #tpu.memory_space<vmem>>) offsets(%dma_start3A_24 : memref<128xi32, #tpu.memory_space<vmem>>) semaphore(%arg11 : memref<!tpu.dma_semaphore, #tpu.memory_space<semaphore_mem>>)
    %barrier3A = arith.constant 0 : index
    tpu.barrier barrier_id(%barrier3A)
    %scan3A_28 = arith.constant 0 : i32
    %scan3A_29 = arith.constant 0 : i32
    %scan3A_30 = arith.constant 10 : i32
    %scan3A_31 = arith.addi %scan3A_29, %scan3A_30 : i32
    %scan3A_32 = arith.constant 1 : i32
    scf.for %scan3A_89 = %scan3A_29 to %scan3A_31 step %scan3A_32  : i32 {
      %mul3A_90 = arith.constant 2 : i32
      %mul3A_91 = arith.muli %mul3A_90, %scan3A_89 : i32
      %add3A_92 = arith.constant 1 : i32
      %add3A_93 = arith.addi %mul3A_91, %add3A_92 : i32
      %dma_start3A_94 = arith.constant 0 : i32
      %dma_start3A_95 = tpu.memref_slice %arg6[%add3A_93, %dma_start3A_94] : memref<20x128xi32, #tpu.memory_space<vmem>> -> memref<1x128xi32, #tpu.memory_space<vmem>>
      %dma_start3A_96 = tpu.memref_squeeze %dma_start3A_95 : memref<1x128xi32, #tpu.memory_space<vmem>> -> memref<128xi32, #tpu.memory_space<vmem>>
      %dma_start3A_97 = arith.constant 0 : i32
      %dma_start3A_98 = arith.constant 0 : i32
      %dma_start3A_99 = tpu.memref_slice %arg2[%dma_start3A_97, %dma_start3A_98] : memref<10000x128xf32, #tpu.memory_space<hbm>> -> memref<10000x128xf32, #tpu.memory_space<hbm>>
      tpu.enqueue_indirect_dma source(%dma_start3A_99 : memref<10000x128xf32, #tpu.memory_space<hbm>>) target(%arg9 : memref<128x128xf32, #tpu.memory_space<vmem>>) offsets(%dma_start3A_96 : memref<128xi32, #tpu.memory_space<vmem>>) semaphore(%arg12 : memref<!tpu.dma_semaphore, #tpu.memory_space<semaphore_mem>>)
      %dma_wait3A = arith.constant 0 : i32
      %dma_wait3A_100 = tpu.memref_slice %arg6[%mul3A_91, %dma_wait3A] : memref<20x128xi32, #tpu.memory_space<vmem>> -> memref<1x128xi32, #tpu.memory_space<vmem>>
      %dma_wait3A_101 = tpu.memref_squeeze %dma_wait3A_100 : memref<1x128xi32, #tpu.memory_space<vmem>> -> memref<128xi32, #tpu.memory_space<vmem>>
      %dma_wait3A_102 = arith.constant 0 : i32
      %dma_wait3A_103 = arith.constant 0 : i32
      %dma_wait3A_104 = tpu.memref_slice %arg2[%dma_wait3A_102, %dma_wait3A_103] : memref<10000x128xf32, #tpu.memory_space<hbm>> -> memref<10000x128xf32, #tpu.memory_space<hbm>>
      tpu.wait_indirect_dma semaphore(%arg11 : memref<!tpu.dma_semaphore, #tpu.memory_space<semaphore_mem>>) src(%dma_wait3A_104 : memref<10000x128xf32, #tpu.memory_space<hbm>>) dst(%arg8 : memref<128x128xf32, #tpu.memory_space<vmem>>)
      "tpu.region"() ({
        %run_scoped3A_117 = tpu.sem_alloc : memref<!tpu.dma_semaphore, #tpu.memory_space<semaphore_mem>>
        %dma_start3A_118 = arith.constant 0 : i32
        %dma_start3A_119 = tpu.memref_slice %arg7[%mul3A_91, %dma_start3A_118] : memref<20x128xi32, #tpu.memory_space<vmem>> -> memref<1x128xi32, #tpu.memory_space<vmem>>
        %dma_start3A_120 = tpu.memref_squeeze %dma_start3A_119 : memref<1x128xi32, #tpu.memory_space<vmem>> -> memref<128xi32, #tpu.memory_space<vmem>>
        %dma_start3A_121 = arith.constant 0 : i32
        %dma_start3A_122 = arith.constant 0 : i32
        %dma_start3A_123 = tpu.memref_slice %arg10[%dma_start3A_121, %dma_start3A_122] : memref<10016x128xf32, #tpu.memory_space<vmem_shared>> -> memref<10016x128xf32, #tpu.memory_space<vmem_shared>>
        tpu.enqueue_indirect_dma source(%arg8 : memref<128x128xf32, #tpu.memory_space<vmem>>) target(%dma_start3A_123 : memref<10016x128xf32, #tpu.memory_space<vmem_shared>>) offsets(%dma_start3A_120 : memref<128xi32, #tpu.memory_space<vmem>>) semaphore(%run_scoped3A_117 : memref<!tpu.dma_semaphore, #tpu.memory_space<semaphore_mem>>) {add = true}
        %dma_wait3A_124 = arith.constant 0 : i32
        %dma_wait3A_125 = tpu.memref_slice %arg7[%mul3A_91, %dma_wait3A_124] : memref<20x128xi32, #tpu.memory_space<vmem>> -> memref<1x128xi32, #tpu.memory_space<vmem>>
        %dma_wait3A_126 = tpu.memref_squeeze %dma_wait3A_125 : memref<1x128xi32, #tpu.memory_space<vmem>> -> memref<128xi32, #tpu.memory_space<vmem>>
        %dma_wait3A_127 = arith.constant 0 : i32
        %dma_wait3A_128 = arith.constant 0 : i32
        %dma_wait3A_129 = tpu.memref_slice %arg10[%dma_wait3A_127, %dma_wait3A_128] : memref<10016x128xf32, #tpu.memory_space<vmem_shared>> -> memref<10016x128xf32, #tpu.memory_space<vmem_shared>>
        tpu.wait_indirect_dma semaphore(%run_scoped3A_117 : memref<!tpu.dma_semaphore, #tpu.memory_space<semaphore_mem>>) src(%arg8 : memref<128x128xf32, #tpu.memory_space<vmem>>) dst(%dma_wait3A_129 : memref<10016x128xf32, #tpu.memory_space<vmem_shared>>)
        tpu.yield
      }) : () -> ()
      %add3A_105 = arith.constant 1 : i32
      %add3A_106 = arith.addi %add3A_93, %add3A_105 : i32
      %lt3A = arith.constant 20 : i32
      %lt3A_107 = arith.cmpi slt, %add3A_106, %lt3A : i32
      %convert_element_type3A_108 = arith.extui %lt3A_107 : i1 to i32
      %cond3A_109 = arith.constant 0 : i32
      %cond3A_110 = arith.cmpi ne, %convert_element_type3A_108, %cond3A_109 : i32
      scf.if %cond3A_110 {
        %add3A_117 = arith.constant 1 : i32
        %add3A_118 = arith.addi %add3A_93, %add3A_117 : i32
        %dma_start3A_119 = arith.constant 0 : i32
        %dma_start3A_120 = tpu.memref_slice %arg6[%add3A_118, %dma_start3A_119] : memref<20x128xi32, #tpu.memory_space<vmem>> -> memref<1x128xi32, #tpu.memory_space<vmem>>
        %dma_start3A_121 = tpu.memref_squeeze %dma_start3A_120 : memref<1x128xi32, #tpu.memory_space<vmem>> -> memref<128xi32, #tpu.memory_space<vmem>>
        %dma_start3A_122 = arith.constant 0 : i32
        %dma_start3A_123 = arith.constant 0 : i32
        %dma_start3A_124 = tpu.memref_slice %arg2[%dma_start3A_122, %dma_start3A_123] : memref<10000x128xf32, #tpu.memory_space<hbm>> -> memref<10000x128xf32, #tpu.memory_space<hbm>>
        tpu.enqueue_indirect_dma source(%dma_start3A_124 : memref<10000x128xf32, #tpu.memory_space<hbm>>) target(%arg8 : memref<128x128xf32, #tpu.memory_space<vmem>>) offsets(%dma_start3A_121 : memref<128xi32, #tpu.memory_space<vmem>>) semaphore(%arg11 : memref<!tpu.dma_semaphore, #tpu.memory_space<semaphore_mem>>)
      } else {
      }
      %dma_wait3A_111 = arith.constant 0 : i32
      %dma_wait3A_112 = tpu.memref_slice %arg6[%add3A_93, %dma_wait3A_111] : memref<20x128xi32, #tpu.memory_space<vmem>> -> memref<1x128xi32, #tpu.memory_space<vmem>>
      %dma_wait3A_113 = tpu.memref_squeeze %dma_wait3A_112 : memref<1x128xi32, #tpu.memory_space<vmem>> -> memref<128xi32, #tpu.memory_space<vmem>>
      %dma_wait3A_114 = arith.constant 0 : i32
      %dma_wait3A_115 = arith.constant 0 : i32
      %dma_wait3A_116 = tpu.memref_slice %arg2[%dma_wait3A_114, %dma_wait3A_115] : memref<10000x128xf32, #tpu.memory_space<hbm>> -> memref<10000x128xf32, #tpu.memory_space<hbm>>
      tpu.wait_indirect_dma semaphore(%arg12 : memref<!tpu.dma_semaphore, #tpu.memory_space<semaphore_mem>>) src(%dma_wait3A_116 : memref<10000x128xf32, #tpu.memory_space<hbm>>) dst(%arg9 : memref<128x128xf32, #tpu.memory_space<vmem>>)
      "tpu.region"() ({
        %run_scoped3A_117 = tpu.sem_alloc : memref<!tpu.dma_semaphore, #tpu.memory_space<semaphore_mem>>
        %dma_start3A_118 = arith.constant 0 : i32
        %dma_start3A_119 = tpu.memref_slice %arg7[%add3A_93, %dma_start3A_118] : memref<20x128xi32, #tpu.memory_space<vmem>> -> memref<1x128xi32, #tpu.memory_space<vmem>>
        %dma_start3A_120 = tpu.memref_squeeze %dma_start3A_119 : memref<1x128xi32, #tpu.memory_space<vmem>> -> memref<128xi32, #tpu.memory_space<vmem>>
        %dma_start3A_121 = arith.constant 0 : i32
        %dma_start3A_122 = arith.constant 0 : i32
        %dma_start3A_123 = tpu.memref_slice %arg10[%dma_start3A_121, %dma_start3A_122] : memref<10016x128xf32, #tpu.memory_space<vmem_shared>> -> memref<10016x128xf32, #tpu.memory_space<vmem_shared>>
        tpu.enqueue_indirect_dma source(%arg9 : memref<128x128xf32, #tpu.memory_space<vmem>>) target(%dma_start3A_123 : memref<10016x128xf32, #tpu.memory_space<vmem_shared>>) offsets(%dma_start3A_120 : memref<128xi32, #tpu.memory_space<vmem>>) semaphore(%run_scoped3A_117 : memref<!tpu.dma_semaphore, #tpu.memory_space<semaphore_mem>>) {add = true}
        %dma_wait3A_124 = arith.constant 0 : i32
        %dma_wait3A_125 = tpu.memref_slice %arg7[%add3A_93, %dma_wait3A_124] : memref<20x128xi32, #tpu.memory_space<vmem>> -> memref<1x128xi32, #tpu.memory_space<vmem>>
        %dma_wait3A_126 = tpu.memref_squeeze %dma_wait3A_125 : memref<1x128xi32, #tpu.memory_space<vmem>> -> memref<128xi32, #tpu.memory_space<vmem>>
        %dma_wait3A_127 = arith.constant 0 : i32
        %dma_wait3A_128 = arith.constant 0 : i32
        %dma_wait3A_129 = tpu.memref_slice %arg10[%dma_wait3A_127, %dma_wait3A_128] : memref<10016x128xf32, #tpu.memory_space<vmem_shared>> -> memref<10016x128xf32, #tpu.memory_space<vmem_shared>>
        tpu.wait_indirect_dma semaphore(%run_scoped3A_117 : memref<!tpu.dma_semaphore, #tpu.memory_space<semaphore_mem>>) src(%arg9 : memref<128x128xf32, #tpu.memory_space<vmem>>) dst(%dma_wait3A_129 : memref<10016x128xf32, #tpu.memory_space<vmem_shared>>)
        tpu.yield
      }) : () -> ()
    }
    %scan3A_33 = arith.constant 10 : i32
    %run_scoped3A_34 = arith.constant 1 : i32
    "tpu.region"() ({
      %run_scoped3A_89 = tpu.sem_alloc : memref<!tpu.dma_semaphore, #tpu.memory_space<semaphore_mem>>
      %dma_start3A_90 = arith.constant 0 : i32
      %dma_start3A_91 = arith.constant 0 : i32
      %dma_start3A_92 = tpu.memref_slice %arg3[%add3A, %run_scoped3A_34, %dma_start3A_90, %dma_start3A_91] : memref<32x4x20x128xi32, #tpu.memory_space<hbm>> -> memref<1x1x20x128xi32, #tpu.memory_space<hbm>>
      %dma_start3A_93 = tpu.memref_squeeze %dma_start3A_92 : memref<1x1x20x128xi32, #tpu.memory_space<hbm>> -> memref<20x128xi32, #tpu.memory_space<hbm>>
      %dma_start3A_94 = arith.constant 0 : i32
      %dma_start3A_95 = arith.constant 0 : i32
      %dma_start3A_96 = tpu.memref_slice %arg3[%add3A, %run_scoped3A_34, %dma_start3A_94, %dma_start3A_95] : memref<32x4x20x128xi32, #tpu.memory_space<hbm>> -> memref<1x1x20x128xi32, #tpu.memory_space<hbm>>
      %dma_start3A_97 = tpu.memref_squeeze %dma_start3A_96 : memref<1x1x20x128xi32, #tpu.memory_space<hbm>> -> memref<20x128xi32, #tpu.memory_space<hbm>>
      tpu.enqueue_dma source(%dma_start3A_97 : memref<20x128xi32, #tpu.memory_space<hbm>>) target(%arg6 : memref<20x128xi32, #tpu.memory_space<vmem>>) target_semaphore(%run_scoped3A_89 : memref<!tpu.dma_semaphore, #tpu.memory_space<semaphore_mem>>)
      %dma_wait3A = arith.constant 0 : i32
      %dma_wait3A_98 = arith.constant 0 : i32
      %dma_wait3A_99 = tpu.memref_slice %arg3[%add3A, %run_scoped3A_34, %dma_wait3A, %dma_wait3A_98] : memref<32x4x20x128xi32, #tpu.memory_space<hbm>> -> memref<1x1x20x128xi32, #tpu.memory_space<hbm>>
      %dma_wait3A_100 = tpu.memref_squeeze %dma_wait3A_99 : memref<1x1x20x128xi32, #tpu.memory_space<hbm>> -> memref<20x128xi32, #tpu.memory_space<hbm>>
      %dma_wait3A_101 = arith.constant 0 : i32
      %dma_wait3A_102 = arith.constant 0 : i32
      %dma_wait3A_103 = tpu.memref_slice %arg3[%add3A, %run_scoped3A_34, %dma_wait3A_101, %dma_wait3A_102] : memref<32x4x20x128xi32, #tpu.memory_space<hbm>> -> memref<1x1x20x128xi32, #tpu.memory_space<hbm>>
      %dma_wait3A_104 = tpu.memref_squeeze %dma_wait3A_103 : memref<1x1x20x128xi32, #tpu.memory_space<hbm>> -> memref<20x128xi32, #tpu.memory_space<hbm>>
      tpu.wait_dma2 semaphore(%run_scoped3A_89 : memref<!tpu.dma_semaphore, #tpu.memory_space<semaphore_mem>>) src(%dma_wait3A_104 : memref<20x128xi32, #tpu.memory_space<hbm>>) dst(%arg6 : memref<20x128xi32, #tpu.memory_space<vmem>>)
      tpu.yield
    }) : () -> ()
    %run_scoped3A_35 = arith.constant 1 : i32
    "tpu.region"() ({
      %run_scoped3A_89 = tpu.sem_alloc : memref<!tpu.dma_semaphore, #tpu.memory_space<semaphore_mem>>
      %dma_start3A_90 = arith.constant 0 : i32
      %dma_start3A_91 = arith.constant 0 : i32
      %dma_start3A_92 = tpu.memref_slice %arg4[%add3A, %run_scoped3A_35, %dma_start3A_90, %dma_start3A_91] : memref<32x4x20x128xi32, #tpu.memory_space<hbm>> -> memref<1x1x20x128xi32, #tpu.memory_space<hbm>>
      %dma_start3A_93 = tpu.memref_squeeze %dma_start3A_92 : memref<1x1x20x128xi32, #tpu.memory_space<hbm>> -> memref<20x128xi32, #tpu.memory_space<hbm>>
      %dma_start3A_94 = arith.constant 0 : i32
      %dma_start3A_95 = arith.constant 0 : i32
      %dma_start3A_96 = tpu.memref_slice %arg4[%add3A, %run_scoped3A_35, %dma_start3A_94, %dma_start3A_95] : memref<32x4x20x128xi32, #tpu.memory_space<hbm>> -> memref<1x1x20x128xi32, #tpu.memory_space<hbm>>
      %dma_start3A_97 = tpu.memref_squeeze %dma_start3A_96 : memref<1x1x20x128xi32, #tpu.memory_space<hbm>> -> memref<20x128xi32, #tpu.memory_space<hbm>>
      tpu.enqueue_dma source(%dma_start3A_97 : memref<20x128xi32, #tpu.memory_space<hbm>>) target(%arg7 : memref<20x128xi32, #tpu.memory_space<vmem>>) target_semaphore(%run_scoped3A_89 : memref<!tpu.dma_semaphore, #tpu.memory_space<semaphore_mem>>)
      %dma_wait3A = arith.constant 0 : i32
      %dma_wait3A_98 = arith.constant 0 : i32
      %dma_wait3A_99 = tpu.memref_slice %arg4[%add3A, %run_scoped3A_35, %dma_wait3A, %dma_wait3A_98] : memref<32x4x20x128xi32, #tpu.memory_space<hbm>> -> memref<1x1x20x128xi32, #tpu.memory_space<hbm>>
      %dma_wait3A_100 = tpu.memref_squeeze %dma_wait3A_99 : memref<1x1x20x128xi32, #tpu.memory_space<hbm>> -> memref<20x128xi32, #tpu.memory_space<hbm>>
      %dma_wait3A_101 = arith.constant 0 : i32
      %dma_wait3A_102 = arith.constant 0 : i32
      %dma_wait3A_103 = tpu.memref_slice %arg4[%add3A, %run_scoped3A_35, %dma_wait3A_101, %dma_wait3A_102] : memref<32x4x20x128xi32, #tpu.memory_space<hbm>> -> memref<1x1x20x128xi32, #tpu.memory_space<hbm>>
      %dma_wait3A_104 = tpu.memref_squeeze %dma_wait3A_103 : memref<1x1x20x128xi32, #tpu.memory_space<hbm>> -> memref<20x128xi32, #tpu.memory_space<hbm>>
      tpu.wait_dma2 semaphore(%run_scoped3A_89 : memref<!tpu.dma_semaphore, #tpu.memory_space<semaphore_mem>>) src(%dma_wait3A_104 : memref<20x128xi32, #tpu.memory_space<hbm>>) dst(%arg7 : memref<20x128xi32, #tpu.memory_space<vmem>>)
      tpu.yield
    }) : () -> ()
    %dma_start3A_36 = arith.constant 0 : i32
    %dma_start3A_37 = arith.constant 0 : i32
    %dma_start3A_38 = tpu.memref_slice %arg6[%dma_start3A_36, %dma_start3A_37] : memref<20x128xi32, #tpu.memory_space<vmem>> -> memref<1x128xi32, #tpu.memory_space<vmem>>
    %dma_start3A_39 = tpu.memref_squeeze %dma_start3A_38 : memref<1x128xi32, #tpu.memory_space<vmem>> -> memref<128xi32, #tpu.memory_space<vmem>>
    %dma_start3A_40 = arith.constant 0 : i32
    %dma_start3A_41 = arith.constant 0 : i32
    %dma_start3A_42 = tpu.memref_slice %arg2[%dma_start3A_40, %dma_start3A_41] : memref<10000x128xf32, #tpu.memory_space<hbm>> -> memref<10000x128xf32, #tpu.memory_space<hbm>>
    tpu.enqueue_indirect_dma source(%dma_start3A_42 : memref<10000x128xf32, #tpu.memory_space<hbm>>) target(%arg8 : memref<128x128xf32, #tpu.memory_space<vmem>>) offsets(%dma_start3A_39 : memref<128xi32, #tpu.memory_space<vmem>>) semaphore(%arg11 : memref<!tpu.dma_semaphore, #tpu.memory_space<semaphore_mem>>)
    %scan3A_43 = arith.constant 0 : i32
    %scan3A_44 = arith.constant 0 : i32
    %scan3A_45 = arith.constant 10 : i32
    %scan3A_46 = arith.addi %scan3A_44, %scan3A_45 : i32
    %scan3A_47 = arith.constant 1 : i32
    scf.for %scan3A_89 = %scan3A_44 to %scan3A_46 step %scan3A_47  : i32 {
      %mul3A_90 = arith.constant 2 : i32
      %mul3A_91 = arith.muli %mul3A_90, %scan3A_89 : i32
      %add3A_92 = arith.constant 1 : i32
      %add3A_93 = arith.addi %mul3A_91, %add3A_92 : i32
      %dma_start3A_94 = arith.constant 0 : i32
      %dma_start3A_95 = tpu.memref_slice %arg6[%add3A_93, %dma_start3A_94] : memref<20x128xi32, #tpu.memory_space<vmem>> -> memref<1x128xi32, #tpu.memory_space<vmem>>
      %dma_start3A_96 = tpu.memref_squeeze %dma_start3A_95 : memref<1x128xi32, #tpu.memory_space<vmem>> -> memref<128xi32, #tpu.memory_space<vmem>>
      %dma_start3A_97 = arith.constant 0 : i32
      %dma_start3A_98 = arith.constant 0 : i32
      %dma_start3A_99 = tpu.memref_slice %arg2[%dma_start3A_97, %dma_start3A_98] : memref<10000x128xf32, #tpu.memory_space<hbm>> -> memref<10000x128xf32, #tpu.memory_space<hbm>>
      tpu.enqueue_indirect_dma source(%dma_start3A_99 : memref<10000x128xf32, #tpu.memory_space<hbm>>) target(%arg9 : memref<128x128xf32, #tpu.memory_space<vmem>>) offsets(%dma_start3A_96 : memref<128xi32, #tpu.memory_space<vmem>>) semaphore(%arg12 : memref<!tpu.dma_semaphore, #tpu.memory_space<semaphore_mem>>)
      %dma_wait3A = arith.constant 0 : i32
      %dma_wait3A_100 = tpu.memref_slice %arg6[%mul3A_91, %dma_wait3A] : memref<20x128xi32, #tpu.memory_space<vmem>> -> memref<1x128xi32, #tpu.memory_space<vmem>>
      %dma_wait3A_101 = tpu.memref_squeeze %dma_wait3A_100 : memref<1x128xi32, #tpu.memory_space<vmem>> -> memref<128xi32, #tpu.memory_space<vmem>>
      %dma_wait3A_102 = arith.constant 0 : i32
      %dma_wait3A_103 = arith.constant 0 : i32
      %dma_wait3A_104 = tpu.memref_slice %arg2[%dma_wait3A_102, %dma_wait3A_103] : memref<10000x128xf32, #tpu.memory_space<hbm>> -> memref<10000x128xf32, #tpu.memory_space<hbm>>
      tpu.wait_indirect_dma semaphore(%arg11 : memref<!tpu.dma_semaphore, #tpu.memory_space<semaphore_mem>>) src(%dma_wait3A_104 : memref<10000x128xf32, #tpu.memory_space<hbm>>) dst(%arg8 : memref<128x128xf32, #tpu.memory_space<vmem>>)
      "tpu.region"() ({
        %run_scoped3A_117 = tpu.sem_alloc : memref<!tpu.dma_semaphore, #tpu.memory_space<semaphore_mem>>
        %dma_start3A_118 = arith.constant 0 : i32
        %dma_start3A_119 = tpu.memref_slice %arg7[%mul3A_91, %dma_start3A_118] : memref<20x128xi32, #tpu.memory_space<vmem>> -> memref<1x128xi32, #tpu.memory_space<vmem>>
        %dma_start3A_120 = tpu.memref_squeeze %dma_start3A_119 : memref<1x128xi32, #tpu.memory_space<vmem>> -> memref<128xi32, #tpu.memory_space<vmem>>
        %dma_start3A_121 = arith.constant 0 : i32
        %dma_start3A_122 = arith.constant 0 : i32
        %dma_start3A_123 = tpu.memref_slice %arg10[%dma_start3A_121, %dma_start3A_122] : memref<10016x128xf32, #tpu.memory_space<vmem_shared>> -> memref<10016x128xf32, #tpu.memory_space<vmem_shared>>
        tpu.enqueue_indirect_dma source(%arg8 : memref<128x128xf32, #tpu.memory_space<vmem>>) target(%dma_start3A_123 : memref<10016x128xf32, #tpu.memory_space<vmem_shared>>) offsets(%dma_start3A_120 : memref<128xi32, #tpu.memory_space<vmem>>) semaphore(%run_scoped3A_117 : memref<!tpu.dma_semaphore, #tpu.memory_space<semaphore_mem>>) {add = true}
        %dma_wait3A_124 = arith.constant 0 : i32
        %dma_wait3A_125 = tpu.memref_slice %arg7[%mul3A_91, %dma_wait3A_124] : memref<20x128xi32, #tpu.memory_space<vmem>> -> memref<1x128xi32, #tpu.memory_space<vmem>>
        %dma_wait3A_126 = tpu.memref_squeeze %dma_wait3A_125 : memref<1x128xi32, #tpu.memory_space<vmem>> -> memref<128xi32, #tpu.memory_space<vmem>>
        %dma_wait3A_127 = arith.constant 0 : i32
        %dma_wait3A_128 = arith.constant 0 : i32
        %dma_wait3A_129 = tpu.memref_slice %arg10[%dma_wait3A_127, %dma_wait3A_128] : memref<10016x128xf32, #tpu.memory_space<vmem_shared>> -> memref<10016x128xf32, #tpu.memory_space<vmem_shared>>
        tpu.wait_indirect_dma semaphore(%run_scoped3A_117 : memref<!tpu.dma_semaphore, #tpu.memory_space<semaphore_mem>>) src(%arg8 : memref<128x128xf32, #tpu.memory_space<vmem>>) dst(%dma_wait3A_129 : memref<10016x128xf32, #tpu.memory_space<vmem_shared>>)
        tpu.yield
      }) : () -> ()
      %add3A_105 = arith.constant 1 : i32
      %add3A_106 = arith.addi %add3A_93, %add3A_105 : i32
      %lt3A = arith.constant 20 : i32
      %lt3A_107 = arith.cmpi slt, %add3A_106, %lt3A : i32
      %convert_element_type3A_108 = arith.extui %lt3A_107 : i1 to i32
      %cond3A_109 = arith.constant 0 : i32
      %cond3A_110 = arith.cmpi ne, %convert_element_type3A_108, %cond3A_109 : i32
      scf.if %cond3A_110 {
        %add3A_117 = arith.constant 1 : i32
        %add3A_118 = arith.addi %add3A_93, %add3A_117 : i32
        %dma_start3A_119 = arith.constant 0 : i32
        %dma_start3A_120 = tpu.memref_slice %arg6[%add3A_118, %dma_start3A_119] : memref<20x128xi32, #tpu.memory_space<vmem>> -> memref<1x128xi32, #tpu.memory_space<vmem>>
        %dma_start3A_121 = tpu.memref_squeeze %dma_start3A_120 : memref<1x128xi32, #tpu.memory_space<vmem>> -> memref<128xi32, #tpu.memory_space<vmem>>
        %dma_start3A_122 = arith.constant 0 : i32
        %dma_start3A_123 = arith.constant 0 : i32
        %dma_start3A_124 = tpu.memref_slice %arg2[%dma_start3A_122, %dma_start3A_123] : memref<10000x128xf32, #tpu.memory_space<hbm>> -> memref<10000x128xf32, #tpu.memory_space<hbm>>
        tpu.enqueue_indirect_dma source(%dma_start3A_124 : memref<10000x128xf32, #tpu.memory_space<hbm>>) target(%arg8 : memref<128x128xf32, #tpu.memory_space<vmem>>) offsets(%dma_start3A_121 : memref<128xi32, #tpu.memory_space<vmem>>) semaphore(%arg11 : memref<!tpu.dma_semaphore, #tpu.memory_space<semaphore_mem>>)
      } else {
      }
      %dma_wait3A_111 = arith.constant 0 : i32
      %dma_wait3A_112 = tpu.memref_slice %arg6[%add3A_93, %dma_wait3A_111] : memref<20x128xi32, #tpu.memory_space<vmem>> -> memref<1x128xi32, #tpu.memory_space<vmem>>
      %dma_wait3A_113 = tpu.memref_squeeze %dma_wait3A_112 : memref<1x128xi32, #tpu.memory_space<vmem>> -> memref<128xi32, #tpu.memory_space<vmem>>
      %dma_wait3A_114 = arith.constant 0 : i32
      %dma_wait3A_115 = arith.constant 0 : i32
      %dma_wait3A_116 = tpu.memref_slice %arg2[%dma_wait3A_114, %dma_wait3A_115] : memref<10000x128xf32, #tpu.memory_space<hbm>> -> memref<10000x128xf32, #tpu.memory_space<hbm>>
      tpu.wait_indirect_dma semaphore(%arg12 : memref<!tpu.dma_semaphore, #tpu.memory_space<semaphore_mem>>) src(%dma_wait3A_116 : memref<10000x128xf32, #tpu.memory_space<hbm>>) dst(%arg9 : memref<128x128xf32, #tpu.memory_space<vmem>>)
      "tpu.region"() ({
        %run_scoped3A_117 = tpu.sem_alloc : memref<!tpu.dma_semaphore, #tpu.memory_space<semaphore_mem>>
        %dma_start3A_118 = arith.constant 0 : i32
        %dma_start3A_119 = tpu.memref_slice %arg7[%add3A_93, %dma_start3A_118] : memref<20x128xi32, #tpu.memory_space<vmem>> -> memref<1x128xi32, #tpu.memory_space<vmem>>
        %dma_start3A_120 = tpu.memref_squeeze %dma_start3A_119 : memref<1x128xi32, #tpu.memory_space<vmem>> -> memref<128xi32, #tpu.memory_space<vmem>>
        %dma_start3A_121 = arith.constant 0 : i32
        %dma_start3A_122 = arith.constant 0 : i32
        %dma_start3A_123 = tpu.memref_slice %arg10[%dma_start3A_121, %dma_start3A_122] : memref<10016x128xf32, #tpu.memory_space<vmem_shared>> -> memref<10016x128xf32, #tpu.memory_space<vmem_shared>>
        tpu.enqueue_indirect_dma source(%arg9 : memref<128x128xf32, #tpu.memory_space<vmem>>) target(%dma_start3A_123 : memref<10016x128xf32, #tpu.memory_space<vmem_shared>>) offsets(%dma_start3A_120 : memref<128xi32, #tpu.memory_space<vmem>>) semaphore(%run_scoped3A_117 : memref<!tpu.dma_semaphore, #tpu.memory_space<semaphore_mem>>) {add = true}
        %dma_wait3A_124 = arith.constant 0 : i32
        %dma_wait3A_125 = tpu.memref_slice %arg7[%add3A_93, %dma_wait3A_124] : memref<20x128xi32, #tpu.memory_space<vmem>> -> memref<1x128xi32, #tpu.memory_space<vmem>>
        %dma_wait3A_126 = tpu.memref_squeeze %dma_wait3A_125 : memref<1x128xi32, #tpu.memory_space<vmem>> -> memref<128xi32, #tpu.memory_space<vmem>>
        %dma_wait3A_127 = arith.constant 0 : i32
        %dma_wait3A_128 = arith.constant 0 : i32
        %dma_wait3A_129 = tpu.memref_slice %arg10[%dma_wait3A_127, %dma_wait3A_128] : memref<10016x128xf32, #tpu.memory_space<vmem_shared>> -> memref<10016x128xf32, #tpu.memory_space<vmem_shared>>
        tpu.wait_indirect_dma semaphore(%run_scoped3A_117 : memref<!tpu.dma_semaphore, #tpu.memory_space<semaphore_mem>>) src(%arg9 : memref<128x128xf32, #tpu.memory_space<vmem>>) dst(%dma_wait3A_129 : memref<10016x128xf32, #tpu.memory_space<vmem_shared>>)
        tpu.yield
      }) : () -> ()
    }
    %scan3A_48 = arith.constant 10 : i32
    %run_scoped3A_49 = arith.constant 2 : i32
    "tpu.region"() ({
      %run_scoped3A_89 = tpu.sem_alloc : memref<!tpu.dma_semaphore, #tpu.memory_space<semaphore_mem>>
      %dma_start3A_90 = arith.constant 0 : i32
      %dma_start3A_91 = arith.constant 0 : i32
      %dma_start3A_92 = tpu.memref_slice %arg3[%add3A, %run_scoped3A_49, %dma_start3A_90, %dma_start3A_91] : memref<32x4x20x128xi32, #tpu.memory_space<hbm>> -> memref<1x1x20x128xi32, #tpu.memory_space<hbm>>
      %dma_start3A_93 = tpu.memref_squeeze %dma_start3A_92 : memref<1x1x20x128xi32, #tpu.memory_space<hbm>> -> memref<20x128xi32, #tpu.memory_space<hbm>>
      %dma_start3A_94 = arith.constant 0 : i32
      %dma_start3A_95 = arith.constant 0 : i32
      %dma_start3A_96 = tpu.memref_slice %arg3[%add3A, %run_scoped3A_49, %dma_start3A_94, %dma_start3A_95] : memref<32x4x20x128xi32, #tpu.memory_space<hbm>> -> memref<1x1x20x128xi32, #tpu.memory_space<hbm>>
      %dma_start3A_97 = tpu.memref_squeeze %dma_start3A_96 : memref<1x1x20x128xi32, #tpu.memory_space<hbm>> -> memref<20x128xi32, #tpu.memory_space<hbm>>
      tpu.enqueue_dma source(%dma_start3A_97 : memref<20x128xi32, #tpu.memory_space<hbm>>) target(%arg6 : memref<20x128xi32, #tpu.memory_space<vmem>>) target_semaphore(%run_scoped3A_89 : memref<!tpu.dma_semaphore, #tpu.memory_space<semaphore_mem>>)
      %dma_wait3A = arith.constant 0 : i32
      %dma_wait3A_98 = arith.constant 0 : i32
      %dma_wait3A_99 = tpu.memref_slice %arg3[%add3A, %run_scoped3A_49, %dma_wait3A, %dma_wait3A_98] : memref<32x4x20x128xi32, #tpu.memory_space<hbm>> -> memref<1x1x20x128xi32, #tpu.memory_space<hbm>>
      %dma_wait3A_100 = tpu.memref_squeeze %dma_wait3A_99 : memref<1x1x20x128xi32, #tpu.memory_space<hbm>> -> memref<20x128xi32, #tpu.memory_space<hbm>>
      %dma_wait3A_101 = arith.constant 0 : i32
      %dma_wait3A_102 = arith.constant 0 : i32
      %dma_wait3A_103 = tpu.memref_slice %arg3[%add3A, %run_scoped3A_49, %dma_wait3A_101, %dma_wait3A_102] : memref<32x4x20x128xi32, #tpu.memory_space<hbm>> -> memref<1x1x20x128xi32, #tpu.memory_space<hbm>>
      %dma_wait3A_104 = tpu.memref_squeeze %dma_wait3A_103 : memref<1x1x20x128xi32, #tpu.memory_space<hbm>> -> memref<20x128xi32, #tpu.memory_space<hbm>>
      tpu.wait_dma2 semaphore(%run_scoped3A_89 : memref<!tpu.dma_semaphore, #tpu.memory_space<semaphore_mem>>) src(%dma_wait3A_104 : memref<20x128xi32, #tpu.memory_space<hbm>>) dst(%arg6 : memref<20x128xi32, #tpu.memory_space<vmem>>)
      tpu.yield
    }) : () -> ()
    %run_scoped3A_50 = arith.constant 2 : i32
    "tpu.region"() ({
      %run_scoped3A_89 = tpu.sem_alloc : memref<!tpu.dma_semaphore, #tpu.memory_space<semaphore_mem>>
      %dma_start3A_90 = arith.constant 0 : i32
      %dma_start3A_91 = arith.constant 0 : i32
      %dma_start3A_92 = tpu.memref_slice %arg4[%add3A, %run_scoped3A_50, %dma_start3A_90, %dma_start3A_91] : memref<32x4x20x128xi32, #tpu.memory_space<hbm>> -> memref<1x1x20x128xi32, #tpu.memory_space<hbm>>
      %dma_start3A_93 = tpu.memref_squeeze %dma_start3A_92 : memref<1x1x20x128xi32, #tpu.memory_space<hbm>> -> memref<20x128xi32, #tpu.memory_space<hbm>>
      %dma_start3A_94 = arith.constant 0 : i32
      %dma_start3A_95 = arith.constant 0 : i32
      %dma_start3A_96 = tpu.memref_slice %arg4[%add3A, %run_scoped3A_50, %dma_start3A_94, %dma_start3A_95] : memref<32x4x20x128xi32, #tpu.memory_space<hbm>> -> memref<1x1x20x128xi32, #tpu.memory_space<hbm>>
      %dma_start3A_97 = tpu.memref_squeeze %dma_start3A_96 : memref<1x1x20x128xi32, #tpu.memory_space<hbm>> -> memref<20x128xi32, #tpu.memory_space<hbm>>
      tpu.enqueue_dma source(%dma_start3A_97 : memref<20x128xi32, #tpu.memory_space<hbm>>) target(%arg7 : memref<20x128xi32, #tpu.memory_space<vmem>>) target_semaphore(%run_scoped3A_89 : memref<!tpu.dma_semaphore, #tpu.memory_space<semaphore_mem>>)
      %dma_wait3A = arith.constant 0 : i32
      %dma_wait3A_98 = arith.constant 0 : i32
      %dma_wait3A_99 = tpu.memref_slice %arg4[%add3A, %run_scoped3A_50, %dma_wait3A, %dma_wait3A_98] : memref<32x4x20x128xi32, #tpu.memory_space<hbm>> -> memref<1x1x20x128xi32, #tpu.memory_space<hbm>>
      %dma_wait3A_100 = tpu.memref_squeeze %dma_wait3A_99 : memref<1x1x20x128xi32, #tpu.memory_space<hbm>> -> memref<20x128xi32, #tpu.memory_space<hbm>>
      %dma_wait3A_101 = arith.constant 0 : i32
      %dma_wait3A_102 = arith.constant 0 : i32
      %dma_wait3A_103 = tpu.memref_slice %arg4[%add3A, %run_scoped3A_50, %dma_wait3A_101, %dma_wait3A_102] : memref<32x4x20x128xi32, #tpu.memory_space<hbm>> -> memref<1x1x20x128xi32, #tpu.memory_space<hbm>>
      %dma_wait3A_104 = tpu.memref_squeeze %dma_wait3A_103 : memref<1x1x20x128xi32, #tpu.memory_space<hbm>> -> memref<20x128xi32, #tpu.memory_space<hbm>>
      tpu.wait_dma2 semaphore(%run_scoped3A_89 : memref<!tpu.dma_semaphore, #tpu.memory_space<semaphore_mem>>) src(%dma_wait3A_104 : memref<20x128xi32, #tpu.memory_space<hbm>>) dst(%arg7 : memref<20x128xi32, #tpu.memory_space<vmem>>)
      tpu.yield
    }) : () -> ()
    %dma_start3A_51 = arith.constant 0 : i32
    %dma_start3A_52 = arith.constant 0 : i32
    %dma_start3A_53 = tpu.memref_slice %arg6[%dma_start3A_51, %dma_start3A_52] : memref<20x128xi32, #tpu.memory_space<vmem>> -> memref<1x128xi32, #tpu.memory_space<vmem>>
    %dma_start3A_54 = tpu.memref_squeeze %dma_start3A_53 : memref<1x128xi32, #tpu.memory_space<vmem>> -> memref<128xi32, #tpu.memory_space<vmem>>
    %dma_start3A_55 = arith.constant 0 : i32
    %dma_start3A_56 = arith.constant 0 : i32
    %dma_start3A_57 = tpu.memref_slice %arg2[%dma_start3A_55, %dma_start3A_56] : memref<10000x128xf32, #tpu.memory_space<hbm>> -> memref<10000x128xf32, #tpu.memory_space<hbm>>
    tpu.enqueue_indirect_dma source(%dma_start3A_57 : memref<10000x128xf32, #tpu.memory_space<hbm>>) target(%arg8 : memref<128x128xf32, #tpu.memory_space<vmem>>) offsets(%dma_start3A_54 : memref<128xi32, #tpu.memory_space<vmem>>) semaphore(%arg11 : memref<!tpu.dma_semaphore, #tpu.memory_space<semaphore_mem>>)
    %scan3A_58 = arith.constant 0 : i32
    %scan3A_59 = arith.constant 0 : i32
    %scan3A_60 = arith.constant 10 : i32
    %scan3A_61 = arith.addi %scan3A_59, %scan3A_60 : i32
    %scan3A_62 = arith.constant 1 : i32
    scf.for %scan3A_89 = %scan3A_59 to %scan3A_61 step %scan3A_62  : i32 {
      %mul3A_90 = arith.constant 2 : i32
      %mul3A_91 = arith.muli %mul3A_90, %scan3A_89 : i32
      %add3A_92 = arith.constant 1 : i32
      %add3A_93 = arith.addi %mul3A_91, %add3A_92 : i32
      %dma_start3A_94 = arith.constant 0 : i32
      %dma_start3A_95 = tpu.memref_slice %arg6[%add3A_93, %dma_start3A_94] : memref<20x128xi32, #tpu.memory_space<vmem>> -> memref<1x128xi32, #tpu.memory_space<vmem>>
      %dma_start3A_96 = tpu.memref_squeeze %dma_start3A_95 : memref<1x128xi32, #tpu.memory_space<vmem>> -> memref<128xi32, #tpu.memory_space<vmem>>
      %dma_start3A_97 = arith.constant 0 : i32
      %dma_start3A_98 = arith.constant 0 : i32
      %dma_start3A_99 = tpu.memref_slice %arg2[%dma_start3A_97, %dma_start3A_98] : memref<10000x128xf32, #tpu.memory_space<hbm>> -> memref<10000x128xf32, #tpu.memory_space<hbm>>
      tpu.enqueue_indirect_dma source(%dma_start3A_99 : memref<10000x128xf32, #tpu.memory_space<hbm>>) target(%arg9 : memref<128x128xf32, #tpu.memory_space<vmem>>) offsets(%dma_start3A_96 : memref<128xi32, #tpu.memory_space<vmem>>) semaphore(%arg12 : memref<!tpu.dma_semaphore, #tpu.memory_space<semaphore_mem>>)
      %dma_wait3A = arith.constant 0 : i32
      %dma_wait3A_100 = tpu.memref_slice %arg6[%mul3A_91, %dma_wait3A] : memref<20x128xi32, #tpu.memory_space<vmem>> -> memref<1x128xi32, #tpu.memory_space<vmem>>
      %dma_wait3A_101 = tpu.memref_squeeze %dma_wait3A_100 : memref<1x128xi32, #tpu.memory_space<vmem>> -> memref<128xi32, #tpu.memory_space<vmem>>
      %dma_wait3A_102 = arith.constant 0 : i32
      %dma_wait3A_103 = arith.constant 0 : i32
      %dma_wait3A_104 = tpu.memref_slice %arg2[%dma_wait3A_102, %dma_wait3A_103] : memref<10000x128xf32, #tpu.memory_space<hbm>> -> memref<10000x128xf32, #tpu.memory_space<hbm>>
      tpu.wait_indirect_dma semaphore(%arg11 : memref<!tpu.dma_semaphore, #tpu.memory_space<semaphore_mem>>) src(%dma_wait3A_104 : memref<10000x128xf32, #tpu.memory_space<hbm>>) dst(%arg8 : memref<128x128xf32, #tpu.memory_space<vmem>>)
      "tpu.region"() ({
        %run_scoped3A_117 = tpu.sem_alloc : memref<!tpu.dma_semaphore, #tpu.memory_space<semaphore_mem>>
        %dma_start3A_118 = arith.constant 0 : i32
        %dma_start3A_119 = tpu.memref_slice %arg7[%mul3A_91, %dma_start3A_118] : memref<20x128xi32, #tpu.memory_space<vmem>> -> memref<1x128xi32, #tpu.memory_space<vmem>>
        %dma_start3A_120 = tpu.memref_squeeze %dma_start3A_119 : memref<1x128xi32, #tpu.memory_space<vmem>> -> memref<128xi32, #tpu.memory_space<vmem>>
        %dma_start3A_121 = arith.constant 0 : i32
        %dma_start3A_122 = arith.constant 0 : i32
        %dma_start3A_123 = tpu.memref_slice %arg10[%dma_start3A_121, %dma_start3A_122] : memref<10016x128xf32, #tpu.memory_space<vmem_shared>> -> memref<10016x128xf32, #tpu.memory_space<vmem_shared>>
        tpu.enqueue_indirect_dma source(%arg8 : memref<128x128xf32, #tpu.memory_space<vmem>>) target(%dma_start3A_123 : memref<10016x128xf32, #tpu.memory_space<vmem_shared>>) offsets(%dma_start3A_120 : memref<128xi32, #tpu.memory_space<vmem>>) semaphore(%run_scoped3A_117 : memref<!tpu.dma_semaphore, #tpu.memory_space<semaphore_mem>>) {add = true}
        %dma_wait3A_124 = arith.constant 0 : i32
        %dma_wait3A_125 = tpu.memref_slice %arg7[%mul3A_91, %dma_wait3A_124] : memref<20x128xi32, #tpu.memory_space<vmem>> -> memref<1x128xi32, #tpu.memory_space<vmem>>
        %dma_wait3A_126 = tpu.memref_squeeze %dma_wait3A_125 : memref<1x128xi32, #tpu.memory_space<vmem>> -> memref<128xi32, #tpu.memory_space<vmem>>
        %dma_wait3A_127 = arith.constant 0 : i32
        %dma_wait3A_128 = arith.constant 0 : i32
        %dma_wait3A_129 = tpu.memref_slice %arg10[%dma_wait3A_127, %dma_wait3A_128] : memref<10016x128xf32, #tpu.memory_space<vmem_shared>> -> memref<10016x128xf32, #tpu.memory_space<vmem_shared>>
        tpu.wait_indirect_dma semaphore(%run_scoped3A_117 : memref<!tpu.dma_semaphore, #tpu.memory_space<semaphore_mem>>) src(%arg8 : memref<128x128xf32, #tpu.memory_space<vmem>>) dst(%dma_wait3A_129 : memref<10016x128xf32, #tpu.memory_space<vmem_shared>>)
        tpu.yield
      }) : () -> ()
      %add3A_105 = arith.constant 1 : i32
      %add3A_106 = arith.addi %add3A_93, %add3A_105 : i32
      %lt3A = arith.constant 20 : i32
      %lt3A_107 = arith.cmpi slt, %add3A_106, %lt3A : i32
      %convert_element_type3A_108 = arith.extui %lt3A_107 : i1 to i32
      %cond3A_109 = arith.constant 0 : i32
      %cond3A_110 = arith.cmpi ne, %convert_element_type3A_108, %cond3A_109 : i32
      scf.if %cond3A_110 {
        %add3A_117 = arith.constant 1 : i32
        %add3A_118 = arith.addi %add3A_93, %add3A_117 : i32
        %dma_start3A_119 = arith.constant 0 : i32
        %dma_start3A_120 = tpu.memref_slice %arg6[%add3A_118, %dma_start3A_119] : memref<20x128xi32, #tpu.memory_space<vmem>> -> memref<1x128xi32, #tpu.memory_space<vmem>>
        %dma_start3A_121 = tpu.memref_squeeze %dma_start3A_120 : memref<1x128xi32, #tpu.memory_space<vmem>> -> memref<128xi32, #tpu.memory_space<vmem>>
        %dma_start3A_122 = arith.constant 0 : i32
        %dma_start3A_123 = arith.constant 0 : i32
        %dma_start3A_124 = tpu.memref_slice %arg2[%dma_start3A_122, %dma_start3A_123] : memref<10000x128xf32, #tpu.memory_space<hbm>> -> memref<10000x128xf32, #tpu.memory_space<hbm>>
        tpu.enqueue_indirect_dma source(%dma_start3A_124 : memref<10000x128xf32, #tpu.memory_space<hbm>>) target(%arg8 : memref<128x128xf32, #tpu.memory_space<vmem>>) offsets(%dma_start3A_121 : memref<128xi32, #tpu.memory_space<vmem>>) semaphore(%arg11 : memref<!tpu.dma_semaphore, #tpu.memory_space<semaphore_mem>>)
      } else {
      }
      %dma_wait3A_111 = arith.constant 0 : i32
      %dma_wait3A_112 = tpu.memref_slice %arg6[%add3A_93, %dma_wait3A_111] : memref<20x128xi32, #tpu.memory_space<vmem>> -> memref<1x128xi32, #tpu.memory_space<vmem>>
      %dma_wait3A_113 = tpu.memref_squeeze %dma_wait3A_112 : memref<1x128xi32, #tpu.memory_space<vmem>> -> memref<128xi32, #tpu.memory_space<vmem>>
      %dma_wait3A_114 = arith.constant 0 : i32
      %dma_wait3A_115 = arith.constant 0 : i32
      %dma_wait3A_116 = tpu.memref_slice %arg2[%dma_wait3A_114, %dma_wait3A_115] : memref<10000x128xf32, #tpu.memory_space<hbm>> -> memref<10000x128xf32, #tpu.memory_space<hbm>>
      tpu.wait_indirect_dma semaphore(%arg12 : memref<!tpu.dma_semaphore, #tpu.memory_space<semaphore_mem>>) src(%dma_wait3A_116 : memref<10000x128xf32, #tpu.memory_space<hbm>>) dst(%arg9 : memref<128x128xf32, #tpu.memory_space<vmem>>)
      "tpu.region"() ({
        %run_scoped3A_117 = tpu.sem_alloc : memref<!tpu.dma_semaphore, #tpu.memory_space<semaphore_mem>>
        %dma_start3A_118 = arith.constant 0 : i32
        %dma_start3A_119 = tpu.memref_slice %arg7[%add3A_93, %dma_start3A_118] : memref<20x128xi32, #tpu.memory_space<vmem>> -> memref<1x128xi32, #tpu.memory_space<vmem>>
        %dma_start3A_120 = tpu.memref_squeeze %dma_start3A_119 : memref<1x128xi32, #tpu.memory_space<vmem>> -> memref<128xi32, #tpu.memory_space<vmem>>
        %dma_start3A_121 = arith.constant 0 : i32
        %dma_start3A_122 = arith.constant 0 : i32
        %dma_start3A_123 = tpu.memref_slice %arg10[%dma_start3A_121, %dma_start3A_122] : memref<10016x128xf32, #tpu.memory_space<vmem_shared>> -> memref<10016x128xf32, #tpu.memory_space<vmem_shared>>
        tpu.enqueue_indirect_dma source(%arg9 : memref<128x128xf32, #tpu.memory_space<vmem>>) target(%dma_start3A_123 : memref<10016x128xf32, #tpu.memory_space<vmem_shared>>) offsets(%dma_start3A_120 : memref<128xi32, #tpu.memory_space<vmem>>) semaphore(%run_scoped3A_117 : memref<!tpu.dma_semaphore, #tpu.memory_space<semaphore_mem>>) {add = true}
        %dma_wait3A_124 = arith.constant 0 : i32
        %dma_wait3A_125 = tpu.memref_slice %arg7[%add3A_93, %dma_wait3A_124] : memref<20x128xi32, #tpu.memory_space<vmem>> -> memref<1x128xi32, #tpu.memory_space<vmem>>
        %dma_wait3A_126 = tpu.memref_squeeze %dma_wait3A_125 : memref<1x128xi32, #tpu.memory_space<vmem>> -> memref<128xi32, #tpu.memory_space<vmem>>
        %dma_wait3A_127 = arith.constant 0 : i32
        %dma_wait3A_128 = arith.constant 0 : i32
        %dma_wait3A_129 = tpu.memref_slice %arg10[%dma_wait3A_127, %dma_wait3A_128] : memref<10016x128xf32, #tpu.memory_space<vmem_shared>> -> memref<10016x128xf32, #tpu.memory_space<vmem_shared>>
        tpu.wait_indirect_dma semaphore(%run_scoped3A_117 : memref<!tpu.dma_semaphore, #tpu.memory_space<semaphore_mem>>) src(%arg9 : memref<128x128xf32, #tpu.memory_space<vmem>>) dst(%dma_wait3A_129 : memref<10016x128xf32, #tpu.memory_space<vmem_shared>>)
        tpu.yield
      }) : () -> ()
    }
    %scan3A_63 = arith.constant 10 : i32
    %run_scoped3A_64 = arith.constant 3 : i32
    "tpu.region"() ({
      %run_scoped3A_89 = tpu.sem_alloc : memref<!tpu.dma_semaphore, #tpu.memory_space<semaphore_mem>>
      %dma_start3A_90 = arith.constant 0 : i32
      %dma_start3A_91 = arith.constant 0 : i32
      %dma_start3A_92 = tpu.memref_slice %arg3[%add3A, %run_scoped3A_64, %dma_start3A_90, %dma_start3A_91] : memref<32x4x20x128xi32, #tpu.memory_space<hbm>> -> memref<1x1x20x128xi32, #tpu.memory_space<hbm>>
      %dma_start3A_93 = tpu.memref_squeeze %dma_start3A_92 : memref<1x1x20x128xi32, #tpu.memory_space<hbm>> -> memref<20x128xi32, #tpu.memory_space<hbm>>
      %dma_start3A_94 = arith.constant 0 : i32
      %dma_start3A_95 = arith.constant 0 : i32
      %dma_start3A_96 = tpu.memref_slice %arg3[%add3A, %run_scoped3A_64, %dma_start3A_94, %dma_start3A_95] : memref<32x4x20x128xi32, #tpu.memory_space<hbm>> -> memref<1x1x20x128xi32, #tpu.memory_space<hbm>>
      %dma_start3A_97 = tpu.memref_squeeze %dma_start3A_96 : memref<1x1x20x128xi32, #tpu.memory_space<hbm>> -> memref<20x128xi32, #tpu.memory_space<hbm>>
      tpu.enqueue_dma source(%dma_start3A_97 : memref<20x128xi32, #tpu.memory_space<hbm>>) target(%arg6 : memref<20x128xi32, #tpu.memory_space<vmem>>) target_semaphore(%run_scoped3A_89 : memref<!tpu.dma_semaphore, #tpu.memory_space<semaphore_mem>>)
      %dma_wait3A = arith.constant 0 : i32
      %dma_wait3A_98 = arith.constant 0 : i32
      %dma_wait3A_99 = tpu.memref_slice %arg3[%add3A, %run_scoped3A_64, %dma_wait3A, %dma_wait3A_98] : memref<32x4x20x128xi32, #tpu.memory_space<hbm>> -> memref<1x1x20x128xi32, #tpu.memory_space<hbm>>
      %dma_wait3A_100 = tpu.memref_squeeze %dma_wait3A_99 : memref<1x1x20x128xi32, #tpu.memory_space<hbm>> -> memref<20x128xi32, #tpu.memory_space<hbm>>
      %dma_wait3A_101 = arith.constant 0 : i32
      %dma_wait3A_102 = arith.constant 0 : i32
      %dma_wait3A_103 = tpu.memref_slice %arg3[%add3A, %run_scoped3A_64, %dma_wait3A_101, %dma_wait3A_102] : memref<32x4x20x128xi32, #tpu.memory_space<hbm>> -> memref<1x1x20x128xi32, #tpu.memory_space<hbm>>
      %dma_wait3A_104 = tpu.memref_squeeze %dma_wait3A_103 : memref<1x1x20x128xi32, #tpu.memory_space<hbm>> -> memref<20x128xi32, #tpu.memory_space<hbm>>
      tpu.wait_dma2 semaphore(%run_scoped3A_89 : memref<!tpu.dma_semaphore, #tpu.memory_space<semaphore_mem>>) src(%dma_wait3A_104 : memref<20x128xi32, #tpu.memory_space<hbm>>) dst(%arg6 : memref<20x128xi32, #tpu.memory_space<vmem>>)
      tpu.yield
    }) : () -> ()
    %run_scoped3A_65 = arith.constant 3 : i32
    "tpu.region"() ({
      %run_scoped3A_89 = tpu.sem_alloc : memref<!tpu.dma_semaphore, #tpu.memory_space<semaphore_mem>>
      %dma_start3A_90 = arith.constant 0 : i32
      %dma_start3A_91 = arith.constant 0 : i32
      %dma_start3A_92 = tpu.memref_slice %arg4[%add3A, %run_scoped3A_65, %dma_start3A_90, %dma_start3A_91] : memref<32x4x20x128xi32, #tpu.memory_space<hbm>> -> memref<1x1x20x128xi32, #tpu.memory_space<hbm>>
      %dma_start3A_93 = tpu.memref_squeeze %dma_start3A_92 : memref<1x1x20x128xi32, #tpu.memory_space<hbm>> -> memref<20x128xi32, #tpu.memory_space<hbm>>
      %dma_start3A_94 = arith.constant 0 : i32
      %dma_start3A_95 = arith.constant 0 : i32
      %dma_start3A_96 = tpu.memref_slice %arg4[%add3A, %run_scoped3A_65, %dma_start3A_94, %dma_start3A_95] : memref<32x4x20x128xi32, #tpu.memory_space<hbm>> -> memref<1x1x20x128xi32, #tpu.memory_space<hbm>>
      %dma_start3A_97 = tpu.memref_squeeze %dma_start3A_96 : memref<1x1x20x128xi32, #tpu.memory_space<hbm>> -> memref<20x128xi32, #tpu.memory_space<hbm>>
      tpu.enqueue_dma source(%dma_start3A_97 : memref<20x128xi32, #tpu.memory_space<hbm>>) target(%arg7 : memref<20x128xi32, #tpu.memory_space<vmem>>) target_semaphore(%run_scoped3A_89 : memref<!tpu.dma_semaphore, #tpu.memory_space<semaphore_mem>>)
      %dma_wait3A = arith.constant 0 : i32
      %dma_wait3A_98 = arith.constant 0 : i32
      %dma_wait3A_99 = tpu.memref_slice %arg4[%add3A, %run_scoped3A_65, %dma_wait3A, %dma_wait3A_98] : memref<32x4x20x128xi32, #tpu.memory_space<hbm>> -> memref<1x1x20x128xi32, #tpu.memory_space<hbm>>
      %dma_wait3A_100 = tpu.memref_squeeze %dma_wait3A_99 : memref<1x1x20x128xi32, #tpu.memory_space<hbm>> -> memref<20x128xi32, #tpu.memory_space<hbm>>
      %dma_wait3A_101 = arith.constant 0 : i32
      %dma_wait3A_102 = arith.constant 0 : i32
      %dma_wait3A_103 = tpu.memref_slice %arg4[%add3A, %run_scoped3A_65, %dma_wait3A_101, %dma_wait3A_102] : memref<32x4x20x128xi32, #tpu.memory_space<hbm>> -> memref<1x1x20x128xi32, #tpu.memory_space<hbm>>
      %dma_wait3A_104 = tpu.memref_squeeze %dma_wait3A_103 : memref<1x1x20x128xi32, #tpu.memory_space<hbm>> -> memref<20x128xi32, #tpu.memory_space<hbm>>
      tpu.wait_dma2 semaphore(%run_scoped3A_89 : memref<!tpu.dma_semaphore, #tpu.memory_space<semaphore_mem>>) src(%dma_wait3A_104 : memref<20x128xi32, #tpu.memory_space<hbm>>) dst(%arg7 : memref<20x128xi32, #tpu.memory_space<vmem>>)
      tpu.yield
    }) : () -> ()
    %dma_start3A_66 = arith.constant 0 : i32
    %dma_start3A_67 = arith.constant 0 : i32
    %dma_start3A_68 = tpu.memref_slice %arg6[%dma_start3A_66, %dma_start3A_67] : memref<20x128xi32, #tpu.memory_space<vmem>> -> memref<1x128xi32, #tpu.memory_space<vmem>>
    %dma_start3A_69 = tpu.memref_squeeze %dma_start3A_68 : memref<1x128xi32, #tpu.memory_space<vmem>> -> memref<128xi32, #tpu.memory_space<vmem>>
    %dma_start3A_70 = arith.constant 0 : i32
    %dma_start3A_71 = arith.constant 0 : i32
    %dma_start3A_72 = tpu.memref_slice %arg2[%dma_start3A_70, %dma_start3A_71] : memref<10000x128xf32, #tpu.memory_space<hbm>> -> memref<10000x128xf32, #tpu.memory_space<hbm>>
    tpu.enqueue_indirect_dma source(%dma_start3A_72 : memref<10000x128xf32, #tpu.memory_space<hbm>>) target(%arg8 : memref<128x128xf32, #tpu.memory_space<vmem>>) offsets(%dma_start3A_69 : memref<128xi32, #tpu.memory_space<vmem>>) semaphore(%arg11 : memref<!tpu.dma_semaphore, #tpu.memory_space<semaphore_mem>>)
    %scan3A_73 = arith.constant 0 : i32
    %scan3A_74 = arith.constant 0 : i32
    %scan3A_75 = arith.constant 10 : i32
    %scan3A_76 = arith.addi %scan3A_74, %scan3A_75 : i32
    %scan3A_77 = arith.constant 1 : i32
    scf.for %scan3A_89 = %scan3A_74 to %scan3A_76 step %scan3A_77  : i32 {
      %mul3A_90 = arith.constant 2 : i32
      %mul3A_91 = arith.muli %mul3A_90, %scan3A_89 : i32
      %add3A_92 = arith.constant 1 : i32
      %add3A_93 = arith.addi %mul3A_91, %add3A_92 : i32
      %dma_start3A_94 = arith.constant 0 : i32
      %dma_start3A_95 = tpu.memref_slice %arg6[%add3A_93, %dma_start3A_94] : memref<20x128xi32, #tpu.memory_space<vmem>> -> memref<1x128xi32, #tpu.memory_space<vmem>>
      %dma_start3A_96 = tpu.memref_squeeze %dma_start3A_95 : memref<1x128xi32, #tpu.memory_space<vmem>> -> memref<128xi32, #tpu.memory_space<vmem>>
      %dma_start3A_97 = arith.constant 0 : i32
      %dma_start3A_98 = arith.constant 0 : i32
      %dma_start3A_99 = tpu.memref_slice %arg2[%dma_start3A_97, %dma_start3A_98] : memref<10000x128xf32, #tpu.memory_space<hbm>> -> memref<10000x128xf32, #tpu.memory_space<hbm>>
      tpu.enqueue_indirect_dma source(%dma_start3A_99 : memref<10000x128xf32, #tpu.memory_space<hbm>>) target(%arg9 : memref<128x128xf32, #tpu.memory_space<vmem>>) offsets(%dma_start3A_96 : memref<128xi32, #tpu.memory_space<vmem>>) semaphore(%arg12 : memref<!tpu.dma_semaphore, #tpu.memory_space<semaphore_mem>>)
      %dma_wait3A = arith.constant 0 : i32
      %dma_wait3A_100 = tpu.memref_slice %arg6[%mul3A_91, %dma_wait3A] : memref<20x128xi32, #tpu.memory_space<vmem>> -> memref<1x128xi32, #tpu.memory_space<vmem>>
      %dma_wait3A_101 = tpu.memref_squeeze %dma_wait3A_100 : memref<1x128xi32, #tpu.memory_space<vmem>> -> memref<128xi32, #tpu.memory_space<vmem>>
      %dma_wait3A_102 = arith.constant 0 : i32
      %dma_wait3A_103 = arith.constant 0 : i32
      %dma_wait3A_104 = tpu.memref_slice %arg2[%dma_wait3A_102, %dma_wait3A_103] : memref<10000x128xf32, #tpu.memory_space<hbm>> -> memref<10000x128xf32, #tpu.memory_space<hbm>>
      tpu.wait_indirect_dma semaphore(%arg11 : memref<!tpu.dma_semaphore, #tpu.memory_space<semaphore_mem>>) src(%dma_wait3A_104 : memref<10000x128xf32, #tpu.memory_space<hbm>>) dst(%arg8 : memref<128x128xf32, #tpu.memory_space<vmem>>)
      "tpu.region"() ({
        %run_scoped3A_117 = tpu.sem_alloc : memref<!tpu.dma_semaphore, #tpu.memory_space<semaphore_mem>>
        %dma_start3A_118 = arith.constant 0 : i32
        %dma_start3A_119 = tpu.memref_slice %arg7[%mul3A_91, %dma_start3A_118] : memref<20x128xi32, #tpu.memory_space<vmem>> -> memref<1x128xi32, #tpu.memory_space<vmem>>
        %dma_start3A_120 = tpu.memref_squeeze %dma_start3A_119 : memref<1x128xi32, #tpu.memory_space<vmem>> -> memref<128xi32, #tpu.memory_space<vmem>>
        %dma_start3A_121 = arith.constant 0 : i32
        %dma_start3A_122 = arith.constant 0 : i32
        %dma_start3A_123 = tpu.memref_slice %arg10[%dma_start3A_121, %dma_start3A_122] : memref<10016x128xf32, #tpu.memory_space<vmem_shared>> -> memref<10016x128xf32, #tpu.memory_space<vmem_shared>>
        tpu.enqueue_indirect_dma source(%arg8 : memref<128x128xf32, #tpu.memory_space<vmem>>) target(%dma_start3A_123 : memref<10016x128xf32, #tpu.memory_space<vmem_shared>>) offsets(%dma_start3A_120 : memref<128xi32, #tpu.memory_space<vmem>>) semaphore(%run_scoped3A_117 : memref<!tpu.dma_semaphore, #tpu.memory_space<semaphore_mem>>) {add = true}
        %dma_wait3A_124 = arith.constant 0 : i32
        %dma_wait3A_125 = tpu.memref_slice %arg7[%mul3A_91, %dma_wait3A_124] : memref<20x128xi32, #tpu.memory_space<vmem>> -> memref<1x128xi32, #tpu.memory_space<vmem>>
        %dma_wait3A_126 = tpu.memref_squeeze %dma_wait3A_125 : memref<1x128xi32, #tpu.memory_space<vmem>> -> memref<128xi32, #tpu.memory_space<vmem>>
        %dma_wait3A_127 = arith.constant 0 : i32
        %dma_wait3A_128 = arith.constant 0 : i32
        %dma_wait3A_129 = tpu.memref_slice %arg10[%dma_wait3A_127, %dma_wait3A_128] : memref<10016x128xf32, #tpu.memory_space<vmem_shared>> -> memref<10016x128xf32, #tpu.memory_space<vmem_shared>>
        tpu.wait_indirect_dma semaphore(%run_scoped3A_117 : memref<!tpu.dma_semaphore, #tpu.memory_space<semaphore_mem>>) src(%arg8 : memref<128x128xf32, #tpu.memory_space<vmem>>) dst(%dma_wait3A_129 : memref<10016x128xf32, #tpu.memory_space<vmem_shared>>)
        tpu.yield
      }) : () -> ()
      %add3A_105 = arith.constant 1 : i32
      %add3A_106 = arith.addi %add3A_93, %add3A_105 : i32
      %lt3A = arith.constant 20 : i32
      %lt3A_107 = arith.cmpi slt, %add3A_106, %lt3A : i32
      %convert_element_type3A_108 = arith.extui %lt3A_107 : i1 to i32
      %cond3A_109 = arith.constant 0 : i32
      %cond3A_110 = arith.cmpi ne, %convert_element_type3A_108, %cond3A_109 : i32
      scf.if %cond3A_110 {
        %add3A_117 = arith.constant 1 : i32
        %add3A_118 = arith.addi %add3A_93, %add3A_117 : i32
        %dma_start3A_119 = arith.constant 0 : i32
        %dma_start3A_120 = tpu.memref_slice %arg6[%add3A_118, %dma_start3A_119] : memref<20x128xi32, #tpu.memory_space<vmem>> -> memref<1x128xi32, #tpu.memory_space<vmem>>
        %dma_start3A_121 = tpu.memref_squeeze %dma_start3A_120 : memref<1x128xi32, #tpu.memory_space<vmem>> -> memref<128xi32, #tpu.memory_space<vmem>>
        %dma_start3A_122 = arith.constant 0 : i32
        %dma_start3A_123 = arith.constant 0 : i32
        %dma_start3A_124 = tpu.memref_slice %arg2[%dma_start3A_122, %dma_start3A_123] : memref<10000x128xf32, #tpu.memory_space<hbm>> -> memref<10000x128xf32, #tpu.memory_space<hbm>>
        tpu.enqueue_indirect_dma source(%dma_start3A_124 : memref<10000x128xf32, #tpu.memory_space<hbm>>) target(%arg8 : memref<128x128xf32, #tpu.memory_space<vmem>>) offsets(%dma_start3A_121 : memref<128xi32, #tpu.memory_space<vmem>>) semaphore(%arg11 : memref<!tpu.dma_semaphore, #tpu.memory_space<semaphore_mem>>)
      } else {
      }
      %dma_wait3A_111 = arith.constant 0 : i32
      %dma_wait3A_112 = tpu.memref_slice %arg6[%add3A_93, %dma_wait3A_111] : memref<20x128xi32, #tpu.memory_space<vmem>> -> memref<1x128xi32, #tpu.memory_space<vmem>>
      %dma_wait3A_113 = tpu.memref_squeeze %dma_wait3A_112 : memref<1x128xi32, #tpu.memory_space<vmem>> -> memref<128xi32, #tpu.memory_space<vmem>>
      %dma_wait3A_114 = arith.constant 0 : i32
      %dma_wait3A_115 = arith.constant 0 : i32
      %dma_wait3A_116 = tpu.memref_slice %arg2[%dma_wait3A_114, %dma_wait3A_115] : memref<10000x128xf32, #tpu.memory_space<hbm>> -> memref<10000x128xf32, #tpu.memory_space<hbm>>
      tpu.wait_indirect_dma semaphore(%arg12 : memref<!tpu.dma_semaphore, #tpu.memory_space<semaphore_mem>>) src(%dma_wait3A_116 : memref<10000x128xf32, #tpu.memory_space<hbm>>) dst(%arg9 : memref<128x128xf32, #tpu.memory_space<vmem>>)
      "tpu.region"() ({
        %run_scoped3A_117 = tpu.sem_alloc : memref<!tpu.dma_semaphore, #tpu.memory_space<semaphore_mem>>
        %dma_start3A_118 = arith.constant 0 : i32
        %dma_start3A_119 = tpu.memref_slice %arg7[%add3A_93, %dma_start3A_118] : memref<20x128xi32, #tpu.memory_space<vmem>> -> memref<1x128xi32, #tpu.memory_space<vmem>>
        %dma_start3A_120 = tpu.memref_squeeze %dma_start3A_119 : memref<1x128xi32, #tpu.memory_space<vmem>> -> memref<128xi32, #tpu.memory_space<vmem>>
        %dma_start3A_121 = arith.constant 0 : i32
        %dma_start3A_122 = arith.constant 0 : i32
        %dma_start3A_123 = tpu.memref_slice %arg10[%dma_start3A_121, %dma_start3A_122] : memref<10016x128xf32, #tpu.memory_space<vmem_shared>> -> memref<10016x128xf32, #tpu.memory_space<vmem_shared>>
        tpu.enqueue_indirect_dma source(%arg9 : memref<128x128xf32, #tpu.memory_space<vmem>>) target(%dma_start3A_123 : memref<10016x128xf32, #tpu.memory_space<vmem_shared>>) offsets(%dma_start3A_120 : memref<128xi32, #tpu.memory_space<vmem>>) semaphore(%run_scoped3A_117 : memref<!tpu.dma_semaphore, #tpu.memory_space<semaphore_mem>>) {add = true}
        %dma_wait3A_124 = arith.constant 0 : i32
        %dma_wait3A_125 = tpu.memref_slice %arg7[%add3A_93, %dma_wait3A_124] : memref<20x128xi32, #tpu.memory_space<vmem>> -> memref<1x128xi32, #tpu.memory_space<vmem>>
        %dma_wait3A_126 = tpu.memref_squeeze %dma_wait3A_125 : memref<1x128xi32, #tpu.memory_space<vmem>> -> memref<128xi32, #tpu.memory_space<vmem>>
        %dma_wait3A_127 = arith.constant 0 : i32
        %dma_wait3A_128 = arith.constant 0 : i32
        %dma_wait3A_129 = tpu.memref_slice %arg10[%dma_wait3A_127, %dma_wait3A_128] : memref<10016x128xf32, #tpu.memory_space<vmem_shared>> -> memref<10016x128xf32, #tpu.memory_space<vmem_shared>>
        tpu.wait_indirect_dma semaphore(%run_scoped3A_117 : memref<!tpu.dma_semaphore, #tpu.memory_space<semaphore_mem>>) src(%arg9 : memref<128x128xf32, #tpu.memory_space<vmem>>) dst(%dma_wait3A_129 : memref<10016x128xf32, #tpu.memory_space<vmem_shared>>)
        tpu.yield
      }) : () -> ()
    }
    %scan3A_78 = arith.constant 10 : i32
    %barrier3A_79 = arith.constant 0 : index
    tpu.barrier barrier_id(%barrier3A_79)
    %mul3A_80 = arith.constant 624 : i32
    %mul3A_81 = arith.muli %arg1, %mul3A_80 : i32
    %mul3A_82 = arith.constant 624 : i32
    %mul3A_83 = arith.muli %arg1, %mul3A_82 : i32
    "tpu.region"() ({
      %run_scoped3A_89 = tpu.sem_alloc : memref<!tpu.dma_semaphore, #tpu.memory_space<semaphore_mem>>
      %dma_start3A_90 = arith.constant 0 : i32
      %dma_start3A_91 = tpu.memref_slice %arg5[%arg0, %mul3A_83, %dma_start3A_90] : memref<2x10000x128xf32, #tpu.memory_space<hbm>> -> memref<1x624x128xf32, #tpu.memory_space<hbm>>
      %dma_start3A_92 = tpu.memref_squeeze %dma_start3A_91 : memref<1x624x128xf32, #tpu.memory_space<hbm>> -> memref<624x128xf32, #tpu.memory_space<hbm>>
      %dma_start3A_93 = arith.constant 0 : i32
      %dma_start3A_94 = tpu.memref_slice %arg10[%mul3A_81, %dma_start3A_93] : memref<10016x128xf32, #tpu.memory_space<vmem_shared>> -> memref<624x128xf32, #tpu.memory_space<vmem_shared>>
      tpu.enqueue_dma source(%dma_start3A_94 : memref<624x128xf32, #tpu.memory_space<vmem_shared>>) target(%dma_start3A_92 : memref<624x128xf32, #tpu.memory_space<hbm>>) target_semaphore(%run_scoped3A_89 : memref<!tpu.dma_semaphore, #tpu.memory_space<semaphore_mem>>)
      %dma_wait3A = arith.constant 0 : i32
      %dma_wait3A_95 = tpu.memref_slice %arg5[%arg0, %mul3A_83, %dma_wait3A] : memref<2x10000x128xf32, #tpu.memory_space<hbm>> -> memref<1x624x128xf32, #tpu.memory_space<hbm>>
      %dma_wait3A_96 = tpu.memref_squeeze %dma_wait3A_95 : memref<1x624x128xf32, #tpu.memory_space<hbm>> -> memref<624x128xf32, #tpu.memory_space<hbm>>
      %dma_wait3A_97 = arith.constant 0 : i32
      %dma_wait3A_98 = tpu.memref_slice %arg10[%mul3A_81, %dma_wait3A_97] : memref<10016x128xf32, #tpu.memory_space<vmem_shared>> -> memref<624x128xf32, #tpu.memory_space<vmem_shared>>
      tpu.wait_dma2 semaphore(%run_scoped3A_89 : memref<!tpu.dma_semaphore, #tpu.memory_space<semaphore_mem>>) src(%dma_wait3A_98 : memref<624x128xf32, #tpu.memory_space<vmem_shared>>) dst(%dma_wait3A_96 : memref<624x128xf32, #tpu.memory_space<hbm>>)
      tpu.yield
    }) : () -> ()
    %eq3A_84 = arith.constant 15 : i32
    %eq3A_85 = arith.cmpi eq, %arg1, %eq3A_84 : i32
    %convert_element_type3A_86 = arith.extui %eq3A_85 : i1 to i32
    %cond3A_87 = arith.constant 0 : i32
    %cond3A_88 = arith.cmpi ne, %convert_element_type3A_86, %cond3A_87 : i32
    scf.if %cond3A_88 {
      "tpu.region"() ({
        %run_scoped3A_89 = tpu.sem_alloc : memref<!tpu.dma_semaphore, #tpu.memory_space<semaphore_mem>>
        %dma_start3A_90 = arith.constant 9984 : i32
        %dma_start3A_91 = arith.constant 0 : i32
        %dma_start3A_92 = tpu.memref_slice %arg5[%arg0, %dma_start3A_90, %dma_start3A_91] : memref<2x10000x128xf32, #tpu.memory_space<hbm>> -> memref<1x16x128xf32, #tpu.memory_space<hbm>>
        %dma_start3A_93 = tpu.memref_squeeze %dma_start3A_92 : memref<1x16x128xf32, #tpu.memory_space<hbm>> -> memref<16x128xf32, #tpu.memory_space<hbm>>
        %dma_start3A_94 = arith.constant 9984 : i32
        %dma_start3A_95 = arith.constant 0 : i32
        %dma_start3A_96 = tpu.memref_slice %arg10[%dma_start3A_94, %dma_start3A_95] : memref<10016x128xf32, #tpu.memory_space<vmem_shared>> -> memref<16x128xf32, #tpu.memory_space<vmem_shared>>
        tpu.enqueue_dma source(%dma_start3A_96 : memref<16x128xf32, #tpu.memory_space<vmem_shared>>) target(%dma_start3A_93 : memref<16x128xf32, #tpu.memory_space<hbm>>) target_semaphore(%run_scoped3A_89 : memref<!tpu.dma_semaphore, #tpu.memory_space<semaphore_mem>>)
        %dma_wait3A = arith.constant 9984 : i32
        %dma_wait3A_97 = arith.constant 0 : i32
        %dma_wait3A_98 = tpu.memref_slice %arg5[%arg0, %dma_wait3A, %dma_wait3A_97] : memref<2x10000x128xf32, #tpu.memory_space<hbm>> -> memref<1x16x128xf32, #tpu.memory_space<hbm>>
        %dma_wait3A_99 = tpu.memref_squeeze %dma_wait3A_98 : memref<1x16x128xf32, #tpu.memory_space<hbm>> -> memref<16x128xf32, #tpu.memory_space<hbm>>
        %dma_wait3A_100 = arith.constant 9984 : i32
        %dma_wait3A_101 = arith.constant 0 : i32
        %dma_wait3A_102 = tpu.memref_slice %arg10[%dma_wait3A_100, %dma_wait3A_101] : memref<10016x128xf32, #tpu.memory_space<vmem_shared>> -> memref<16x128xf32, #tpu.memory_space<vmem_shared>>
        tpu.wait_dma2 semaphore(%run_scoped3A_89 : memref<!tpu.dma_semaphore, #tpu.memory_space<semaphore_mem>>) src(%dma_wait3A_102 : memref<16x128xf32, #tpu.memory_space<vmem_shared>>) dst(%dma_wait3A_99 : memref<16x128xf32, #tpu.memory_space<hbm>>)
        tpu.yield
      }) : () -> ()
    } else {
    }
    return
  }
}

module attributes {stable_mosaic.version = 14 : i64} {
  func.func @_fin_body(%arg0: i32, %arg1: memref<2x2048x16xf32, #tpu.memory_space<vmem>>, %arg2: memref<2x2048x128xf32, #tpu.memory_space<vmem>>, %arg3: memref<2048x128xf32, #tpu.memory_space<vmem>>, %arg4: memref<1x128xf32, #tpu.memory_space<vmem>>, %arg5: memref<128x64xf32, #tpu.memory_space<vmem>>, %arg6: memref<64x1xf32, #tpu.memory_space<vmem>>, %arg7: memref<64x2048xf32, #tpu.memory_space<vmem>>) attributes {dimension_semantics = [#tpu.dimension_semantics<arbitrary>], iteration_bounds = array<i64: 5>, scalar_prefetch = 0 : i64, scratch_operands = 0 : i64, tpu.core_type = #tpu.core_type<tc>, window_params = [{transform_indices = @transform_0, window_bounds = array<i64: 2, 2048, 16>}, {transform_indices = @transform_1, window_bounds = array<i64: 2, 2048, 128>}, {transform_indices = @transform_2, window_bounds = array<i64: 2048, 128>}, {pipeline_mode = #tpu.pipeline_mode<synchronous>, transform_indices = @transform_3, window_bounds = array<i64: 1, 128>}, {pipeline_mode = #tpu.pipeline_mode<synchronous>, transform_indices = @transform_4, window_bounds = array<i64: 128, 64>}, {pipeline_mode = #tpu.pipeline_mode<synchronous>, transform_indices = @transform_5, window_bounds = array<i64: 64, 1>}, {transform_indices = @transform_6, window_bounds = array<i64: 64, 2048>}]} {
    %get3A = arith.constant 0 : index
    %get3A_0 = arith.constant 0 : index
    %get3A_1 = arith.constant 0 : index
    %get3A_2 = vector.load %arg1[%get3A, %get3A_0, %get3A_1] : memref<2x2048x16xf32, #tpu.memory_space<vmem>>, vector<1x2048x1xf32>
    %get3A_3 = vector.shape_cast %get3A_2 : vector<1x2048x1xf32> to vector<2048x1xf32>
    %get3A_4 = arith.constant 1 : index
    %get3A_5 = arith.constant 0 : index
    %get3A_6 = arith.constant 0 : index
    %get3A_7 = vector.load %arg1[%get3A_4, %get3A_5, %get3A_6] : memref<2x2048x16xf32, #tpu.memory_space<vmem>>, vector<1x2048x1xf32>
    %get3A_8 = vector.shape_cast %get3A_7 : vector<1x2048x1xf32> to vector<2048x1xf32>
    %add3A = arith.addf %get3A_3, %get3A_8 : vector<2048x1xf32>
    %add3A_9 = arith.constant 1.000000e+00 : f32
    %add3A_10 = vector.broadcast %add3A_9 : f32 to vector<2048x1xf32>
    %add3A_11 = arith.addf %add3A, %add3A_10 : vector<2048x1xf32>
    %rsqrt3A = math.rsqrt %add3A_11 : vector<2048x1xf32>
    %get3A_12 = arith.constant 0 : index
    %get3A_13 = arith.constant 0 : index
    %get3A_14 = arith.constant 0 : index
    %get3A_15 = vector.load %arg2[%get3A_12, %get3A_13, %get3A_14] : memref<2x2048x128xf32, #tpu.memory_space<vmem>>, vector<1x2048x128xf32>
    %get3A_16 = vector.shape_cast %get3A_15 : vector<1x2048x128xf32> to vector<2048x128xf32>
    %get3A_17 = arith.constant 1 : index
    %get3A_18 = arith.constant 0 : index
    %get3A_19 = arith.constant 0 : index
    %get3A_20 = vector.load %arg2[%get3A_17, %get3A_18, %get3A_19] : memref<2x2048x128xf32, #tpu.memory_space<vmem>>, vector<1x2048x128xf32>
    %get3A_21 = vector.shape_cast %get3A_20 : vector<1x2048x128xf32> to vector<2048x128xf32>
    %add3A_22 = arith.addf %get3A_16, %get3A_21 : vector<2048x128xf32>
    %get3A_23 = arith.constant 0 : index
    %get3A_24 = arith.constant 0 : index
    %get3A_25 = vector.load %arg3[%get3A_23, %get3A_24] : memref<2048x128xf32, #tpu.memory_space<vmem>>, vector<2048x128xf32>
    %add3A_26 = arith.addf %add3A_22, %get3A_25 : vector<2048x128xf32>
    %mul3A = vector.broadcast %rsqrt3A : vector<2048x1xf32> to vector<2048x128xf32>
    %mul3A_27 = arith.mulf %mul3A, %add3A_26 : vector<2048x128xf32>
    %get3A_28 = arith.constant 0 : index
    %get3A_29 = arith.constant 0 : index
    %get3A_30 = vector.load %arg4[%get3A_28, %get3A_29] : memref<1x128xf32, #tpu.memory_space<vmem>>, vector<1x128xf32>
    %add3A_31 = vector.broadcast %get3A_30 : vector<1x128xf32> to vector<2048x128xf32>
    %add3A_32 = arith.addf %mul3A_27, %add3A_31 : vector<2048x128xf32>
    %max3A = arith.constant 0.000000e+00 : f32
    %max3A_33 = vector.broadcast %max3A : f32 to vector<2048x128xf32>
    %max3A_34 = arith.maximumf %add3A_32, %max3A_33 : vector<2048x128xf32>
    %get3A_35 = arith.constant 0 : index
    %get3A_36 = arith.constant 0 : index
    %get3A_37 = vector.load %arg5[%get3A_35, %get3A_36] : memref<128x64xf32, #tpu.memory_space<vmem>>, vector<128x64xf32>
    %dot_general3A = arith.constant dense<0.000000e+00> : vector<64x2048xf32>
    %dot_general3A_38 = tpu.matmul %get3A_37, %max3A_34, %dot_general3A {dimension_numbers = #tpu.dot_dimension_numbers<[0], [1], [1], [0], [0, 1, 1, 0], [], []>, transpose_lhs_hint = false} : vector<128x64xf32>, vector<2048x128xf32>, vector<64x2048xf32> -> vector<64x2048xf32>
    %get3A_39 = arith.constant 0 : index
    %get3A_40 = arith.constant 0 : index
    %get3A_41 = vector.load %arg6[%get3A_39, %get3A_40] : memref<64x1xf32, #tpu.memory_space<vmem>>, vector<64x1xf32>
    %add3A_42 = vector.broadcast %get3A_41 : vector<64x1xf32> to vector<64x2048xf32>
    %add3A_43 = arith.addf %dot_general3A_38, %add3A_42 : vector<64x2048xf32>
    %logistic3A = arith.negf %add3A_43 : vector<64x2048xf32>
    %logistic3A_44 = math.exp %logistic3A : vector<64x2048xf32>
    %logistic3A_45 = arith.constant 1.000000e+00 : f32
    %logistic3A_46 = vector.broadcast %logistic3A_45 : f32 to vector<64x2048xf32>
    %logistic3A_47 = arith.addf %logistic3A_46, %logistic3A_44 : vector<64x2048xf32>
    %logistic3A_48 = arith.divf %logistic3A_46, %logistic3A_47 : vector<64x2048xf32>
    %swap3A = arith.constant 0 : index
    %swap3A_49 = arith.constant 0 : index
    %swap3A_50 = vector.load %arg7[%swap3A, %swap3A_49] : memref<64x2048xf32, #tpu.memory_space<vmem>>, vector<64x2048xf32>
    tpu.vector_store %arg7[%swap3A, %swap3A_49], %logistic3A_48 {strides = array<i32>} : memref<64x2048xf32, #tpu.memory_space<vmem>>, vector<64x2048xf32>,
    return
  }
  func.func @transform_0(%arg0: i32) -> (i32, i32, i32) {
    %c0_i32 = arith.constant 0 : i32
    %c0_i32_0 = arith.constant 0 : i32
    %c0_i32_1 = arith.constant 0 : i32
    return %c0_i32, %arg0, %c0_i32_0 : i32, i32, i32
  }
  func.func @transform_1(%arg0: i32) -> (i32, i32, i32) {
    %c0_i32 = arith.constant 0 : i32
    %c0_i32_0 = arith.constant 0 : i32
    %c0_i32_1 = arith.constant 0 : i32
    return %c0_i32, %arg0, %c0_i32_0 : i32, i32, i32
  }
  func.func @transform_2(%arg0: i32) -> (i32, i32) {
    %c0_i32 = arith.constant 0 : i32
    %c0_i32_0 = arith.constant 0 : i32
    return %arg0, %c0_i32 : i32, i32
  }
  func.func @transform_3(%arg0: i32) -> (i32, i32) {
    %c0_i32 = arith.constant 0 : i32
    %c0_i32_0 = arith.constant 0 : i32
    %c0_i32_1 = arith.constant 0 : i32
    return %c0_i32, %c0_i32_0 : i32, i32
  }
  func.func @transform_4(%arg0: i32) -> (i32, i32) {
    %c0_i32 = arith.constant 0 : i32
    %c0_i32_0 = arith.constant 0 : i32
    %c0_i32_1 = arith.constant 0 : i32
    return %c0_i32, %c0_i32_0 : i32, i32
  }
  func.func @transform_5(%arg0: i32) -> (i32, i32) {
    %c0_i32 = arith.constant 0 : i32
    %c0_i32_0 = arith.constant 0 : i32
    %c0_i32_1 = arith.constant 0 : i32
    return %c0_i32, %c0_i32_0 : i32, i32
  }
  func.func @transform_6(%arg0: i32) -> (i32, i32) {
    %c0_i32 = arith.constant 0 : i32
    %c0_i32_0 = arith.constant 0 : i32
    return %c0_i32, %arg0 : i32, i32
  }
}

module attributes {stable_mosaic.version = 14 : i64} {
  func.func @_lin2_body(%arg0: i32, %arg1: memref<2x2048x16xf32, #tpu.memory_space<vmem>>, %arg2: memref<2x2048x128xf32, #tpu.memory_space<vmem>>, %arg3: memref<2048x128xf32, #tpu.memory_space<vmem>>, %arg4: memref<1x128xf32, #tpu.memory_space<vmem>>, %arg5: memref<128x128xf32, #tpu.memory_space<vmem>>, %arg6: memref<2048x128xf32, #tpu.memory_space<vmem>>) attributes {dimension_semantics = [#tpu.dimension_semantics<arbitrary>], iteration_bounds = array<i64: 5>, scalar_prefetch = 0 : i64, scratch_operands = 0 : i64, tpu.core_type = #tpu.core_type<tc>, window_params = [{transform_indices = @transform_0, window_bounds = array<i64: 2, 2048, 16>}, {transform_indices = @transform_1, window_bounds = array<i64: 2, 2048, 128>}, {transform_indices = @transform_2, window_bounds = array<i64: 2048, 128>}, {pipeline_mode = #tpu.pipeline_mode<synchronous>, transform_indices = @transform_3, window_bounds = array<i64: 1, 128>}, {pipeline_mode = #tpu.pipeline_mode<synchronous>, transform_indices = @transform_4, window_bounds = array<i64: 128, 128>}, {transform_indices = @transform_5, window_bounds = array<i64: 2048, 128>}]} {
    %get3A = arith.constant 0 : index
    %get3A_0 = arith.constant 0 : index
    %get3A_1 = arith.constant 0 : index
    %get3A_2 = vector.load %arg1[%get3A, %get3A_0, %get3A_1] : memref<2x2048x16xf32, #tpu.memory_space<vmem>>, vector<1x2048x1xf32>
    %get3A_3 = vector.shape_cast %get3A_2 : vector<1x2048x1xf32> to vector<2048x1xf32>
    %get3A_4 = arith.constant 1 : index
    %get3A_5 = arith.constant 0 : index
    %get3A_6 = arith.constant 0 : index
    %get3A_7 = vector.load %arg1[%get3A_4, %get3A_5, %get3A_6] : memref<2x2048x16xf32, #tpu.memory_space<vmem>>, vector<1x2048x1xf32>
    %get3A_8 = vector.shape_cast %get3A_7 : vector<1x2048x1xf32> to vector<2048x1xf32>
    %add3A = arith.addf %get3A_3, %get3A_8 : vector<2048x1xf32>
    %add3A_9 = arith.constant 1.000000e+00 : f32
    %add3A_10 = vector.broadcast %add3A_9 : f32 to vector<2048x1xf32>
    %add3A_11 = arith.addf %add3A, %add3A_10 : vector<2048x1xf32>
    %rsqrt3A = math.rsqrt %add3A_11 : vector<2048x1xf32>
    %get3A_12 = arith.constant 0 : index
    %get3A_13 = arith.constant 0 : index
    %get3A_14 = arith.constant 0 : index
    %get3A_15 = vector.load %arg2[%get3A_12, %get3A_13, %get3A_14] : memref<2x2048x128xf32, #tpu.memory_space<vmem>>, vector<1x2048x128xf32>
    %get3A_16 = vector.shape_cast %get3A_15 : vector<1x2048x128xf32> to vector<2048x128xf32>
    %get3A_17 = arith.constant 1 : index
    %get3A_18 = arith.constant 0 : index
    %get3A_19 = arith.constant 0 : index
    %get3A_20 = vector.load %arg2[%get3A_17, %get3A_18, %get3A_19] : memref<2x2048x128xf32, #tpu.memory_space<vmem>>, vector<1x2048x128xf32>
    %get3A_21 = vector.shape_cast %get3A_20 : vector<1x2048x128xf32> to vector<2048x128xf32>
    %add3A_22 = arith.addf %get3A_16, %get3A_21 : vector<2048x128xf32>
    %get3A_23 = arith.constant 0 : index
    %get3A_24 = arith.constant 0 : index
    %get3A_25 = vector.load %arg3[%get3A_23, %get3A_24] : memref<2048x128xf32, #tpu.memory_space<vmem>>, vector<2048x128xf32>
    %add3A_26 = arith.addf %add3A_22, %get3A_25 : vector<2048x128xf32>
    %mul3A = vector.broadcast %rsqrt3A : vector<2048x1xf32> to vector<2048x128xf32>
    %mul3A_27 = arith.mulf %mul3A, %add3A_26 : vector<2048x128xf32>
    %get3A_28 = arith.constant 0 : index
    %get3A_29 = arith.constant 0 : index
    %get3A_30 = vector.load %arg4[%get3A_28, %get3A_29] : memref<1x128xf32, #tpu.memory_space<vmem>>, vector<1x128xf32>
    %add3A_31 = vector.broadcast %get3A_30 : vector<1x128xf32> to vector<2048x128xf32>
    %add3A_32 = arith.addf %mul3A_27, %add3A_31 : vector<2048x128xf32>
    %max3A = arith.constant 0.000000e+00 : f32
    %max3A_33 = vector.broadcast %max3A : f32 to vector<2048x128xf32>
    %max3A_34 = arith.maximumf %add3A_32, %max3A_33 : vector<2048x128xf32>
    %get3A_35 = arith.constant 0 : index
    %get3A_36 = arith.constant 0 : index
    %get3A_37 = vector.load %arg5[%get3A_35, %get3A_36] : memref<128x128xf32, #tpu.memory_space<vmem>>, vector<128x128xf32>
    %dot_general3A = arith.constant dense<0.000000e+00> : vector<2048x128xf32>
    %dot_general3A_38 = tpu.matmul %max3A_34, %get3A_37, %dot_general3A {dimension_numbers = #tpu.dot_dimension_numbers<[1], [0], [0], [1], [0, 0, 1, 1], [], []>, transpose_lhs_hint = false} : vector<2048x128xf32>, vector<128x128xf32>, vector<2048x128xf32> -> vector<2048x128xf32>
    %mul3A_39 = vector.broadcast %rsqrt3A : vector<2048x1xf32> to vector<2048x128xf32>
    %mul3A_40 = arith.mulf %dot_general3A_38, %mul3A_39 : vector<2048x128xf32>
    %swap3A = arith.constant 0 : index
    %swap3A_41 = arith.constant 0 : index
    %swap3A_42 = vector.load %arg6[%swap3A, %swap3A_41] : memref<2048x128xf32, #tpu.memory_space<vmem>>, vector<2048x128xf32>
    tpu.vector_store %arg6[%swap3A, %swap3A_41], %mul3A_40 {strides = array<i32>} : memref<2048x128xf32, #tpu.memory_space<vmem>>, vector<2048x128xf32>,
    return
  }
  func.func @transform_0(%arg0: i32) -> (i32, i32, i32) {
    %c0_i32 = arith.constant 0 : i32
    %c0_i32_0 = arith.constant 0 : i32
    %c0_i32_1 = arith.constant 0 : i32
    return %c0_i32, %arg0, %c0_i32_0 : i32, i32, i32
  }
  func.func @transform_1(%arg0: i32) -> (i32, i32, i32) {
    %c0_i32 = arith.constant 0 : i32
    %c0_i32_0 = arith.constant 0 : i32
    %c0_i32_1 = arith.constant 0 : i32
    return %c0_i32, %arg0, %c0_i32_0 : i32, i32, i32
  }
  func.func @transform_2(%arg0: i32) -> (i32, i32) {
    %c0_i32 = arith.constant 0 : i32
    %c0_i32_0 = arith.constant 0 : i32
    return %arg0, %c0_i32 : i32, i32
  }
  func.func @transform_3(%arg0: i32) -> (i32, i32) {
    %c0_i32 = arith.constant 0 : i32
    %c0_i32_0 = arith.constant 0 : i32
    %c0_i32_1 = arith.constant 0 : i32
    return %c0_i32, %c0_i32_0 : i32, i32
  }
  func.func @transform_4(%arg0: i32) -> (i32, i32) {
    %c0_i32 = arith.constant 0 : i32
    %c0_i32_0 = arith.constant 0 : i32
    %c0_i32_1 = arith.constant 0 : i32
    return %c0_i32, %c0_i32_0 : i32, i32
  }
  func.func @transform_5(%arg0: i32) -> (i32, i32) {
    %c0_i32 = arith.constant 0 : i32
    %c0_i32_0 = arith.constant 0 : i32
    return %arg0, %c0_i32 : i32, i32
  }
}

module attributes {stable_mosaic.version = 14 : i64} {
  func.func @_lin1_body(%arg0: i32, %arg1: memref<2x2048x16xf32, #tpu.memory_space<vmem>>, %arg2: memref<2048x128xf32, #tpu.memory_space<vmem>>, %arg3: memref<128x128xf32, #tpu.memory_space<vmem>>, %arg4: memref<2048x128xf32, #tpu.memory_space<vmem>>) attributes {dimension_semantics = [#tpu.dimension_semantics<arbitrary>], iteration_bounds = array<i64: 5>, scalar_prefetch = 0 : i64, scratch_operands = 0 : i64, tpu.core_type = #tpu.core_type<tc>, window_params = [{transform_indices = @transform_0, window_bounds = array<i64: 2, 2048, 16>}, {transform_indices = @transform_1, window_bounds = array<i64: 2048, 128>}, {pipeline_mode = #tpu.pipeline_mode<synchronous>, transform_indices = @transform_2, window_bounds = array<i64: 128, 128>}, {transform_indices = @transform_3, window_bounds = array<i64: 2048, 128>}]} {
    %get3A = arith.constant 0 : index
    %get3A_0 = arith.constant 0 : index
    %get3A_1 = arith.constant 0 : index
    %get3A_2 = vector.load %arg1[%get3A, %get3A_0, %get3A_1] : memref<2x2048x16xf32, #tpu.memory_space<vmem>>, vector<1x2048x1xf32>
    %get3A_3 = vector.shape_cast %get3A_2 : vector<1x2048x1xf32> to vector<2048x1xf32>
    %get3A_4 = arith.constant 1 : index
    %get3A_5 = arith.constant 0 : index
    %get3A_6 = arith.constant 0 : index
    %get3A_7 = vector.load %arg1[%get3A_4, %get3A_5, %get3A_6] : memref<2x2048x16xf32, #tpu.memory_space<vmem>>, vector<1x2048x1xf32>
    %get3A_8 = vector.shape_cast %get3A_7 : vector<1x2048x1xf32> to vector<2048x1xf32>
    %add3A = arith.addf %get3A_3, %get3A_8 : vector<2048x1xf32>
    %add3A_9 = arith.constant 1.000000e+00 : f32
    %add3A_10 = vector.broadcast %add3A_9 : f32 to vector<2048x1xf32>
    %add3A_11 = arith.addf %add3A, %add3A_10 : vector<2048x1xf32>
    %rsqrt3A = math.rsqrt %add3A_11 : vector<2048x1xf32>
    %get3A_12 = arith.constant 0 : index
    %get3A_13 = arith.constant 0 : index
    %get3A_14 = vector.load %arg2[%get3A_12, %get3A_13] : memref<2048x128xf32, #tpu.memory_space<vmem>>, vector<2048x128xf32>
    %get3A_15 = arith.constant 0 : index
    %get3A_16 = arith.constant 0 : index
    %get3A_17 = vector.load %arg3[%get3A_15, %get3A_16] : memref<128x128xf32, #tpu.memory_space<vmem>>, vector<128x128xf32>
    %dot_general3A = arith.constant dense<0.000000e+00> : vector<2048x128xf32>
    %dot_general3A_18 = tpu.matmul %get3A_14, %get3A_17, %dot_general3A {dimension_numbers = #tpu.dot_dimension_numbers<[1], [0], [0], [1], [0, 0, 1, 1], [], []>, transpose_lhs_hint = false} : vector<2048x128xf32>, vector<128x128xf32>, vector<2048x128xf32> -> vector<2048x128xf32>
    %mul3A = vector.broadcast %rsqrt3A : vector<2048x1xf32> to vector<2048x128xf32>
    %mul3A_19 = arith.mulf %dot_general3A_18, %mul3A : vector<2048x128xf32>
    %swap3A = arith.constant 0 : index
    %swap3A_20 = arith.constant 0 : index
    %swap3A_21 = vector.load %arg4[%swap3A, %swap3A_20] : memref<2048x128xf32, #tpu.memory_space<vmem>>, vector<2048x128xf32>
    tpu.vector_store %arg4[%swap3A, %swap3A_20], %mul3A_19 {strides = array<i32>} : memref<2048x128xf32, #tpu.memory_space<vmem>>, vector<2048x128xf32>,
    return
  }
  func.func @transform_0(%arg0: i32) -> (i32, i32, i32) {
    %c0_i32 = arith.constant 0 : i32
    %c0_i32_0 = arith.constant 0 : i32
    %c0_i32_1 = arith.constant 0 : i32
    return %c0_i32, %arg0, %c0_i32_0 : i32, i32, i32
  }
  func.func @transform_1(%arg0: i32) -> (i32, i32) {
    %c0_i32 = arith.constant 0 : i32
    %c0_i32_0 = arith.constant 0 : i32
    return %arg0, %c0_i32 : i32, i32
  }
  func.func @transform_2(%arg0: i32) -> (i32, i32) {
    %c0_i32 = arith.constant 0 : i32
    %c0_i32_0 = arith.constant 0 : i32
    %c0_i32_1 = arith.constant 0 : i32
    return %c0_i32, %c0_i32_0 : i32, i32
  }
  func.func @transform_3(%arg0: i32) -> (i32, i32) {
    %c0_i32 = arith.constant 0 : i32
    %c0_i32_0 = arith.constant 0 : i32
    return %arg0, %c0_i32 : i32, i32
  }
}

</mosaic_0001>

<sc_bundles>
// kernel: kernel.11.cloned.1.call-start
scs
__scs_entry_jumppad:
0x0: {  	(pc) =	sbr.rel $0x88, $3  }
0x1: {  	(tag) =	ssettag $0x0;
	lr =	simm.s32 $0x1  }
0x2: {  	[smem:$0x3F99] =	sst lr;
	_ =	strace $0xD0000000  }
0x3: {  	_ = 	snop  }
0x4: {  	_ = 	snop  }
0x5: {  	_ = 	snop  }
0x6: {  	_ = 	snop  }
0x7: {  	_ = 	snop  }
__scs_overlays_trampoline_lowered:
0x8: {  	[smem:$0x3FA8] =	sst s0  }
0x9: {  	[smem:$0x3FA9] =	sst s1  }
0xa: {  	[smem:$0x3FAA] =	sst s2  }
0xb: {  	[smem:$0x3FAB] =	sst s3  }
0xc: {  	[smem:$0x3FAC] =	sst s4  }
0xd: {  	[smem:$0x3FAD] =	sst s5  }
0xe: {  	[smem:$0x3FAE] =	sst s6  }
0xf: {  	[smem:$0x3FAF] =	sst s7  }
0x10: {  	[smem:$0x3FB0] =	sst s8  }
0x11: {  	[smem:$0x3FB1] =	sst s9;
	s0 =	simm.s32 @!p0 $0x0  }
0x12: {  	s1 =	sld [smem:$0x3F97];
	s0 =	simm.s32 @p0 $0x1  }
0x13: {  	[smem:$0x3FB2] =	sst s0;
	s0 =	simm.s32 @!p1 $0x0  }
0x14: {  	s2 =	sld [smem:$0x3F96];
	s0 =	simm.s32 @p1 $0x1  }
0x15: {  	[smem:$0x3FB3] =	sst s0;
	s0 =	simm.s32 @!p2 $0x0  }
0x16: {  	s3 =	sld [smem:$0x3FDB];
	s0 =	simm.s32 @p2 $0x1  }
0x17: {  	s4 =	simm.s32 $0x1BF5;
	[smem:$0x3FB5] =	sst s0  }
0x18: {  	s0 =	sld [smem:$0x3F98];
	_ =	swait.ge [sflag:s4], $0x0  }
0x19: {  	s7 =	sld [smem:$0x3F99]  }
0x1a: {  	s8 =	sadd.s32 $0xFFFFE003, lr  }
0x1b: {  	s9 =	sadd.s32 $0xFFFFFEF7, lr;
	s5 =	simm.s32 $0xFFFFFFFF;
	p2 =	slt.u32 s8, $0xFFFFF086  }
0x1c: {  	p1 =	slt.u32 s9, $0xF7A;
	s5 =	simm.s32 @!p2 $0x0  }
0x1d: {  	s5 =	simm.s32 @p1 $0x1;
	p0 =	seq.s32 s7, s2  }
0x1e: {  	s7 =	smul.u32 @!p0 $0xF7A, s2;
	p2 =	seq.s32 @!p0 s5, $0x0  }
0x1f: {  	s9 =	smul.u32 $0xF7A, s1;
	s8 =	simm.s32 @!p0 $0x1BF5;
	p2 =	por !p2, p0  }
0x20: {  	[sflag:s8] =	ssyncset.s32 @!p0 $0xFFFFF086;
	s6 =	sadd.s32 @!p0 s3, s7;
	s7 =	simm.s32 @!p0 $0x108  }
0x21: {  	s3 =	sadd.s32 s3, s9;
	s6 =	sadd.s32 @!p0 $0x88, s6;
	s7 =	simm.s32 @p2 $0x1082  }
0x22: {  	[simem:s7], [sflag:s8] =	dma.local @!p0 [hbm:s6], $0xF7A  }
0x23: {  	s9 =	sor.u32 $0xD0000000, s2;
	s6 =	simm.s32 $0x108;
	_ =	swait.ge @!p0 [sflag:s8], $0x0  }
0x24: {  	s3 =	sadd.s32 $0x88, s3;
	s6 =	simm.s32 @!p1 $0x1082;
	[sflag:s4] =	ssyncset.s32 $0xFFFFF086  }
0x25: {  	[simem:s6], [sflag:s4] =	dma.local [hbm:s3], $0xF7A  }
0x26: {  	[smem:$0x3F99] =	sst s1;
	(tag) =	ssettag s2;
	_ =	strace s9  }
0x27: {  	s1 =	sld [smem:$0x3FA9]  }
0x28: {  	s2 =	sld [smem:$0x3FAA]  }
0x29: {  	s4 =	sld [smem:$0x3FAC]  }
0x2a: {  	p0 =	seq.s32 s5, $0x0;
	s5 =	sld [smem:$0x3FAD]  }
0x2b: {  	s6 =	sld [smem:$0x3FAE]  }
0x2c: {  	s7 =	sld [smem:$0x3FAF]  }
0x2d: {  	s3 =	simm.s32 $0x108;
	s8 =	sld [smem:$0x3FB0]  }
0x2e: {  	s3 =	simm.s32 @!p0 $0x1082;
	s9 =	sld [smem:$0x3FB1]  }
0x2f: {  	lr =	sadd.s32 s0, s3;
	s0 =	sld [smem:$0x3FA8]  }
0x30: {  	s3 =	sld [smem:$0x3FAB]  }
0x31: {  	[smem:$0x3FB4] =	sst s10  }
0x32: {  	s10 =	sld [smem:$0x3FB2];
	_ =	sdelay $0x3  }
0x33: {  	p0 =	seq.s32 s10, $0x1;
	s10 =	sld [smem:$0x3FB4];
	_ =	sdelay $0x3  }
0x34: {  	[smem:$0x3FB4] =	sst s10  }
0x35: {  	s10 =	sld [smem:$0x3FB3];
	_ =	sdelay $0x3  }
0x36: {  	p1 =	seq.s32 s10, $0x1;
	s10 =	sld [smem:$0x3FB4];
	_ =	sdelay $0x3  }
0x37: {  	[smem:$0x3FB4] =	sst s10  }
0x38: {  	s10 =	sld [smem:$0x3FB5]  }
0x39: {  	_ = 	snop;
	(pc) =	sbr.ind lr, $3  }
0x3a: {  	_ = 	snop  }
0x3b: {  	_ = 	snop  }
0x3c: {  	p2 =	seq.s32 s10, $0x1;
	s10 =	sld [smem:$0x3FB4]  }
0x3d: {  	_ =	shalt  }
0x3e: {  	_ =	shalt  }
0x3f: {  	_ =	shalt  }
0x40: {  	_ =	shalt  }
0x41: {  	_ =	shalt  }
0x42: {  	_ =	shalt  }
0x43: {  	_ =	shalt  }
0x44: {  	_ =	shalt  }
0x45: {  	_ =	shalt  }
0x46: {  	_ =	shalt  }
0x47: {  	_ =	shalt  }
0x48: {  	_ =	shalt  }
0x49: {  	_ =	shalt  }
0x4a: {  	_ =	shalt  }
0x4b: {  	_ =	shalt  }
0x4c: {  	_ =	shalt  }
0x4d: {  	_ =	shalt  }
0x4e: {  	_ =	shalt  }
0x4f: {  	_ =	shalt  }
0x50: {  	_ =	shalt  }
0x51: {  	_ =	shalt  }
0x52: {  	_ =	shalt  }
0x53: {  	_ =	shalt  }
0x54: {  	_ =	shalt  }
0x55: {  	_ =	shalt  }
0x56: {  	_ =	shalt  }
0x57: {  	_ =	shalt  }
0x58: {  	_ =	shalt  }
0x59: {  	_ =	shalt  }
0x5a: {  	_ =	shalt  }
0x5b: {  	_ =	shalt  }
0x5c: {  	_ =	shalt  }
0x5d: {  	_ =	shalt  }
0x5e: {  	_ =	shalt  }
0x5f: {  	_ =	shalt  }
0x60: {  	_ =	shalt  }
0x61: {  	_ =	shalt  }
0x62: {  	_ =	shalt  }
0x63: {  	_ =	shalt  }
0x64: {  	_ =	shalt  }
0x65: {  	_ =	shalt  }
0x66: {  	_ =	shalt  }
0x67: {  	_ =	shalt  }
0x68: {  	_ =	shalt  }
0x69: {  	_ =	shalt  }
0x6a: {  	_ =	shalt  }
0x6b: {  	_ =	shalt  }
0x6c: {  	_ =	shalt  }
0x6d: {  	_ =	shalt  }
0x6e: {  	_ =	shalt  }
0x6f: {  	_ =	shalt  }
0x70: {  	_ =	shalt  }
0x71: {  	_ =	shalt  }
0x72: {  	_ =	shalt  }
0x73: {  	_ =	shalt  }
0x74: {  	_ =	shalt  }
0x75: {  	_ =	shalt  }
0x76: {  	_ =	shalt  }
0x77: {  	_ =	shalt  }
0x78: {  	_ =	shalt  }
0x79: {  	_ =	shalt  }
0x7a: {  	_ =	shalt  }
0x7b: {  	_ =	shalt  }
0x7c: {  	_ =	shalt  }
0x7d: {  	_ =	shalt  }
0x7e: {  	_ =	shalt  }
0x7f: {  	_ =	shalt  }
0x80: {  	_ =	shalt  }
0x81: {  	_ =	shalt  }
0x82: {  	_ =	shalt  }
0x83: {  	_ =	shalt  }
0x84: {  	_ =	shalt  }
0x85: {  	_ =	shalt  }
0x86: {  	_ =	shalt  }
0x87: {  	_ =	shalt  }
.Lfunc_end0:
.L_simem_size_0:
called_computation.1_lowered:
.L_overlay_start_0:
0x88: {  	s2 =	sld [smem:$0x3FD9]  }
0x89: {  	s3 =	sld [smem:$0x3FFE];
	_ =	sdelay $0x1  }
0x8a: {  	s1 =	srdreg.scid  }
0x8b: {  	s0 =	sand.u32 $0x1, s1  }
0x8c: {  	s17 =	sshll.u32 s0, $0xA;
	s2 =	sadd.s32 s3, s2  }
0x8d: {  	s2 =	sadd.s32 s2, s17  }
0x8e: {  	[smem:$0x3FC0] =	sst s2  }
0x8f: {  	_ = 	snop  }
0x90: {  	s2 =	sld [smem:$0x3FD0];
	(tm) =	ssettm $0x1  }
0x91: {  	s18 =	sld [smem:$0x3FFB];
	_ =	sdelay $0x3  }
0x92: {  	_ =	strace s18  }
0x93: {  	s3 =	sld [smem:$0x3FFC];
	_ =	sdelay $0x3  }
0x94: {  	_ =	strace s3  }
0x95: {  	s3 =	sld [smem:$0x3FFD];
	_ =	sdelay $0x3  }
0x96: {  	_ =	strace s3  }
0x97: {  	_ =	strace $0x8FFFFFFF  }
0x98: {  	s19 =	sld [smem:$0x3FDB];
	_ =	sdelay $0x1  }
0x99: {  	s4 =	simm.s32 $_scs_section_size  }
0x9a: {  	s5 =	simm.s32 $_size__tile_overlayer_lowered;
	s6 =	simm.s32 $_tile_overlayer_lowered  }
0x9b: {  	s22 =	simm.s32 $0x1BFF;
	s21 =	sshll.u32 s6, $0x1;
	s3 =	sadd.s32 s4, s19  }
0x9c: {  	s7 =	simm.s32 $0x0;
	s20 =	sshll.u32 s5, $0x1;
	s5 =	sadd.s32 s21, s3  }
0x9d: {  	[timem:s7], [sflag:s22] =	dma.local [hbm:s5], s20  }
0x9e: {  	_ =	swait.ge [sflag:s22], s20  }
0x9f: {  	s4 =	ssub.s32 $0x0, s20;
	[sflag:s22] =	ssyncset.done $0x0  }
0xa0: {  	[sflag:s22] =	ssyncadd.s32 s4;
	_ =	sdelay $0x1  }
0xa1: {  	s23 =	simm.s32 $0x1B8B  }
0xa2: {  	_ =	swait.ge [sflag:s23], $0x1  }
0xa3: {  	[sflag:s23] =	ssyncset.done $0x0  }
0xa4: {  	s25 =	simm.s32 $0x1B8E;
	s24 =	sld [smem:$0x3FFE];
	[sflag:s23] =	ssyncadd.s32 $0xFFFFFFFF  }
0xa5: {  	s26 =	simm.s32 $execute0_lowered;
	[smem:$0x3FD2] =	sst s25  }
0xa6: {  	s5 =	sshll.u32 s26, $0x1;
	_ =	strace $0x80000049;
	[dreg:$0x1] =	wrdreg $0xFFFFFFFF  }
0xa7: {  	s28 =	simm.s32 $_size_execute0_lowered;
	s3 =	sadd.s32 s3, s5;
	[dreg:$0x0] =	wrdreg $0x0  }
0xa8: {  	s5 =	sshll.u32 s28, $0x1;
	[dreg:$0x2] =	wrdreg s3  }
0xa9: {  	[dreg:$0x3] =	wrdreg s5  }
0xaa: {  	[dreg:$0x4] =	wrdreg $0xC0  }
0xab: {  	_ =	task [dreg:s7], $0x5FFFF  }
0xac: {  	[dreg:$0x1] =	wrdreg $0xFFFFFFFF  }
0xad: {  	[dreg:$0x0] =	wrdreg $0x60  }
0xae: {  	[dreg:$0x2] =	wrdreg s24  }
0xaf: {  	[dreg:$0x3] =	wrdreg s2  }
0xb0: {  	[dreg:$0x4] =	wrdreg $0x98000  }
0xb1: {  	[dreg:$0x5] =	wrdreg $0x9  }
0xb2: {  	_ =	task.clear_ibuf [dreg:s7], $0x6FFFF;
	_ =	strace $0x90000049  }
0xb3: {  	s29 =	simm.s32 $0x9;
	_ =	strace $0x8000004B  }
0xb4: {  	_ =	swait.ge [sflag:s29], $0x1  }
0xb5: {  	[sflag:s29] =	ssyncadd.s32 $0xFFFFFFFF  }
0xb6: {  	_ =	strace $0x9000004B  }
0xb7: {  	_ =	sfence  }
0xb8: {  	s30 =	sld [smem:$0x0];
	_ =	sdelay $0x2  }
0xb9: {  	s31 =	sshll.u32 s1, $0xD;
	s1 =	sshrl.u32 s1, $0x2  }
0xba: {  	s3 =	sand.u32 $0x4000, s31;
	s1 =	sadd.s32 s1, s30  }
0xbb: {  	s0 =	sor.u32 s3, s0;
	s1 =	sshll.u32 s1, $0x11  }
0xbc: {  	s0 =	sor.u32 s1, s0  }
0xbd: {  	s0 =	sadd.s32 $0x8F2B, s0  }
0xbe: {  	[sflag:s0] =	ssyncadd.remote.s32 $0x1  }
0xbf: {  	_ =	sfence.sel $0xFFFF  }
0xc0: {  	[dreg:$0x0] =	wrdreg $0xFFFFFFFF;
	(pc) =	sbr.abs _section_cstart, $3  }
0xc1: {  	[dreg:$0x1] =	wrdreg $0xFFFFFFFF  }
0xc2: {  	_ =	task.clear_ibuf [dreg:s7], $0x2FFFF;
	_ =	strace $0x9FFFFFFF  }
0xc3: {  	(tm) =	ssettm $0x7FFFFFFF  }
tec
execute0_lowered:
.L_overlay_start_1:
0x0: {  	(tag) =	ssettag $0x1  }
0x1: {  	s0 =	rddreg [dreg:$0x0]  }
0x2: {  	s2 =	rddreg [dreg:$0x1]  }
0x3: {  	s1 =	rddreg [dreg:$0x2];
	s3 =	srdreg.scid  }
0x4: {  	s19 =	simm.s32 $0x0;
	s9 =	stileid.u32;
	s31 =	simm.s32 $0xC00  }
0x5: {  	s28 =	simm.s32 $0x1;
	s30 =	simm.s32 $0x2;
	s3 =	sand.u32 $0x1, s3  }
0x6: {  	[smem:$0x7FF] =	sst s19;
	s8 =	smul.u32 $0x4E000, s9;
	s5 =	sadd.s32 $0x5A600, s0  }
0x7: {  	s20 =	sadd.s32 $0x138000, s1;
	p0 =	sne.s32 s9, $0xF;
	s4 =	sshll.u32 s3, $0x4  }
0x8: {  	_ =	strace $0x8000004A;
	s7 =	ssub.s32 $0x2, s3;
	[dreg:$0xa] =	wrdreg s20  }
0x9: {  	s3 =	smul.u32 $0x138800, s3;
	s10 =	sshrl.u32 s7, $0x1;
	s12 =	sshrl.u32 s8, $0x2  }
0xa: {  	s20 =	simm.s32 $0x0;
	s10 =	ssub.s32 s7, s10;
	s7 =	sadd.s32 s12, s1  }
0xb: {  	s4 =	sor.u32 s9, s4;
	s15 =	sadd.s32 $0x4000, s7;
	[dreg:$0x14] =	wrdreg s7  }
0xc: {  	s6 =	smul.u32 $0x3000, s4;
	s16 =	sadd.s32 $0x8000, s7;
	[dreg:$0x6] =	wrdreg s15  }
0xd: {  	s4 =	sadd.s32 $0x2400, s0;
	s17 =	sadd.s32 $0xC000, s7;
	[dreg:$0x7] =	wrdreg s16  }
0xe: {  	s0 =	sadd.s32 $0x66600, s0;
	s18 =	sadd.s32 $0x10000, s7;
	[dreg:$0x8] =	wrdreg s17  }
0xf: {  	s29 =	smax.u32 s10, $0x1;
	s6 =	sshrl.u32 s6, $0x3;
	[dreg:$0x9] =	wrdreg s18  }
0x10: {  	s12 =	smul.u32 $0x13800, s9;
	[dreg:$0x13] =	wrdreg s29;
	s13 =	sadd.s32 s2, s6  }
0x11: {  	s14 =	sadd.s32 s5, s6;
	s21 =	sor.u32 $0x180, s6;
	[dreg:$0x4] =	wrdreg s13  }
0x12: {  	s25 =	sadd.s32 s12, s3;
	[dreg:$0x5] =	wrdreg s14;
	s14 =	sadd.s32 s2, s21  }
0x13: {  	s22 =	sadd.s32 $0x300, s6;
	s8 =	sadd.s32 s5, s21;
	[dreg:$0xb] =	wrdreg s14  }
0x14: {  	s3 =	sshrl.u32 s3, $0x3;
	s23 =	sadd.s32 s2, s22;
	[dreg:$0xc] =	wrdreg s8  }
0x15: {  	s6 =	sadd.s32 $0x480, s6;
	s24 =	sadd.s32 s5, s22;
	[dreg:$0xd] =	wrdreg s23  }
0x16: {  	s26 =	sshrl.u32 s25, $0x3;
	s2 =	sadd.s32 s2, s6;
	[dreg:$0xe] =	wrdreg s24  }
0x17: {  	s25 =	simm.s32 $0x80;
	s6 =	sadd.s32 s5, s6;
	[dreg:$0xf] =	wrdreg s2  }
0x18: {  	[dreg:$0x10] =	wrdreg s6;
	s2 =	sadd.s32 s0, s26;
	s0 =	sadd.s32 s0, s3  }
0x19: {  	s22 =	simm.s32 $0x3;
	[dreg:$0x11] =	wrdreg s2;
	s0 =	sadd.s32 $0x27000, s0  }
0x1a: {  	v0 =	vimm.f32 $0.0e+00;
	s24 =	simm.s32 $0x1800;
	s26 =	simm.s32 $0x5800;
	[dreg:$0x12] =	wrdreg s0  }
.LBB2_1:
0x1b: {  	s12 =	rddreg [dreg:$0x4]  }
0x1c: {  	[tilespmem:s19], [sflag:$0x3] =	stream.linear.gather [hbm4b:s12+s19], $0xA00, $0x38;
	[tilespmem:$0x1D100] =	vst v63  }
0x1d: {  	_ =	swait.ge [sflag:s22], $0xA00  }
0x1e: {  	[sflag:s22] =	ssyncset.done $0x0  }
0x1f: {  	s29 =	rddreg [dreg:$0x5];
	[sflag:s22] =	ssyncadd.s32 $0xFFFFF600  }
0x20: {  	[tilespmem:s31], [sflag:$0x3] =	stream.linear.gather [hbm4b:s29+s19], $0xA00, $0x38;
	[tilespmem:$0x1D100] =	vst v63  }
0x21: {  	_ =	swait.ge [sflag:s22], $0xA00  }
0x22: {  	[sflag:s22] =	ssyncset.done $0x0  }
0x23: {  	s21 =	simm.s32 $0x0;
	s12 =	simm.s32 $0x200;
	[sflag:s22] =	ssyncadd.s32 $0xFFFFF600  }
.LBB2_2:
0x24: {  	p1 =	sne.s32 s12, $0xFE00;
	[tilespmem:s21+$0x1870] =	vst v0  }
0x25: {  	[tilespmem:s21+$0x1800] =	vst v0  }
0x26: {  	[tilespmem:s21+$0x1810] =	vst v0  }
.Ltmp0:
0x27: {  	[tilespmem:s21+$0x1820] =	vst v0;
	(pc) =	sbr.rel @p1 .LBB2_2-.Ltmp0, $4  }
0x28: {  	[tilespmem:s21+$0x1830] =	vst v0  }
0x29: {  	[tilespmem:s21+$0x1840] =	vst v0  }
0x2a: {  	[tilespmem:s21+$0x1850] =	vst v0  }
0x2b: {  	[tilespmem:s21+$0x1860] =	vst v0;
	s21 =	sshra.s32 s12, $0x2;
	s12 =	sadd.s32 $0x200, s12  }
0x2c: {  	[tilespmem:s21+$0x1870] =	vst v0  }
0x2d: {  	[tilespmem:s21+$0x1800] =	vst v0  }
0x2e: {  	[tilespmem:s21+$0x1810] =	vst v0  }
0x2f: {  	[tilespmem:s21+$0x1820] =	vst v0  }
0x30: {  	[tilespmem:s21+$0x1830] =	vst v0  }
0x31: {  	[tilespmem:s21+$0x1840] =	vst v0  }
0x32: {  	[tilespmem:s21+$0x1850] =	vst v0  }
0x33: {  	[tilespmem:s21+$0x1860] =	vst v0;
	s0 =	rddreg [dreg:$0x14]  }
0x34: {  	[spmem:s0] =	stream.linear.scatter [tilespmem:s24], [sflag:$0x3], $0x4000, $0x38;
	[tilespmem:$0x1D100] =	vst v63  }
0x35: {  	_ =	swait.ge [sflag:s22], $0x4000  }
0x36: {  	[sflag:s22] =	ssyncset.done $0x0  }
0x37: {  	s12 =	rddreg [dreg:$0x6];
	[sflag:s22] =	ssyncadd.s32 $0xFFFFC000  }
0x38: {  	[spmem:s12] =	stream.linear.scatter [tilespmem:s24], [sflag:$0x3], $0x4000, $0x38;
	[tilespmem:$0x1D100] =	vst v63  }
0x39: {  	_ =	swait.ge [sflag:s22], $0x4000  }
0x3a: {  	[sflag:s22] =	ssyncset.done $0x0  }
0x3b: {  	s7 =	rddreg [dreg:$0x7];
	[sflag:s22] =	ssyncadd.s32 $0xFFFFC000  }
0x3c: {  	[spmem:s7] =	stream.linear.scatter [tilespmem:s24], [sflag:$0x3], $0x4000, $0x38;
	[tilespmem:$0x1D100] =	vst v63  }
0x3d: {  	_ =	swait.ge [sflag:s22], $0x4000  }
0x3e: {  	[sflag:s22] =	ssyncset.done $0x0  }
0x3f: {  	s8 =	rddreg [dreg:$0x8];
	[sflag:s22] =	ssyncadd.s32 $0xFFFFC000  }
0x40: {  	[spmem:s8] =	stream.linear.scatter [tilespmem:s24], [sflag:$0x3], $0x4000, $0x38;
	[tilespmem:$0x1D100] =	vst v63  }
0x41: {  	_ =	swait.ge [sflag:s22], $0x4000  }
0x42: {  	[sflag:s22] =	ssyncset.done $0x0  }
0x43: {  	s9 =	rddreg [dreg:$0x9];
	[sflag:s22] =	ssyncadd.s32 $0xFFFFC000  }
0x44: {  	[spmem:s9] =	stream.linear.scatter [tilespmem:s24], [sflag:$0x3], $0x3800, $0x38;
	[tilespmem:$0x1D100] =	vst v63  }
0x45: {  	_ =	swait.ge [sflag:s22], $0x3800  }
0x46: {  	[sflag:s22] =	ssyncset.done $0x0  }
0x47: {  	s12 =	simm.s32 @!p0 $0x1800;
	s0 =	rddreg [dreg:$0xa];
	[sflag:s22] =	ssyncadd.s32 $0xFFFFC800  }
0x48: {  	[spmem:s0] =	stream.linear.scatter @!p0 [tilespmem:s12], [sflag:$0x3], $0x800, $0x38;
	[tilespmem:$0x1D100] =	vst v63  }
0x49: {  	s0 =	simm.s32 @!p0 $0x3  }
0x4a: {  	_ =	swait.ge @!p0 [sflag:s0], $0x800  }
0x4b: {  	[sflag:s0] =	ssyncset.done @!p0 $0x0  }
0x4c: {  	[sflag:s0] =	ssyncadd.s32 @!p0 $0xFFFFF800  }
0x4d: {  	[tilespmem:s24], [sflag:$0x1] =	stream.indirect.gather [hbm4b:s4+s25], $0x80, s19, s25, $0xb8;
	[tilespmem:$0x1D100] =	vst v63  }
0x4e: {  	[bflag:$0x0] =	sbarrier.arrive $0xFFFF  }
0x4f: {  	[tilespmem:s26], [sflag:$0x2] =	stream.indirect.gather [hbm4b:s4+s25], $0x80, s25, s25, $0xb8;
	[tilespmem:$0x1D100] =	vst v63  }
0x50: {  	_ =	swait.ge [sflag:s28], $0x4000  }
0x51: {  	[sflag:s28] =	ssyncset.done $0x0  }
0x52: {  	[sflag:s28] =	ssyncadd.s32 $0xFFFFC000  }
0x53: {  	[spmem:s1] =	stream.indirect.scatter.add.f32 [tilespmem:s24], [sflag:$0x3], $0x80, s31, s25, $0xb8;
	[tilespmem:$0x1D100] =	vst v63  }
0x54: {  	_ =	swait.ge [sflag:s22], $0x4000  }
0x55: {  	[sflag:s22] =	ssyncset.done $0x0  }
0x56: {  	s10 =	simm.s32 $0x100;
	[sflag:s22] =	ssyncadd.s32 $0xFFFFC000  }
0x57: {  	[tilespmem:s24], [sflag:$0x1] =	stream.indirect.gather [hbm4b:s4+s25], $0x80, s10, s25, $0xb8;
	[tilespmem:$0x1D100] =	vst v63  }
0x58: {  	_ =	swait.ge [sflag:s30], $0x4000  }
0x59: {  	[sflag:s30] =	ssyncset.done $0x0  }
0x5a: {  	s11 =	simm.s32 $0xC80;
	[sflag:s30] =	ssyncadd.s32 $0xFFFFC000  }
0x5b: {  	[spmem:s1] =	stream.indirect.scatter.add.f32 [tilespmem:s26], [sflag:$0x3], $0x80, s11, s25, $0xb8;
	[tilespmem:$0x1D100] =	vst v63  }
0x5c: {  	_ =	swait.ge [sflag:s22], $0x4000  }
0x5d: {  	[sflag:s22] =	ssyncset.done $0x0  }
0x5e: {  	s12 =	simm.s32 $0x180;
	[sflag:s22] =	ssyncadd.s32 $0xFFFFC000  }
0x5f: {  	[tilespmem:s26], [sflag:$0x2] =	stream.indirect.gather [hbm4b:s4+s25], $0x80, s12, s25, $0xb8;
	[tilespmem:$0x1D100] =	vst v63  }
0x60: {  	_ =	swait.ge [sflag:s28], $0x4000  }
0x61: {  	[sflag:s28] =	ssyncset.done $0x0  }
0x62: {  	s13 =	simm.s32 $0xD00;
	[sflag:s28] =	ssyncadd.s32 $0xFFFFC000  }
0x63: {  	[spmem:s1] =	stream.indirect.scatter.add.f32 [tilespmem:s24], [sflag:$0x3], $0x80, s13, s25, $0xb8;
	[tilespmem:$0x1D100] =	vst v63  }
0x64: {  	_ =	swait.ge [sflag:s22], $0x4000  }
0x65: {  	[sflag:s22] =	ssyncset.done $0x0  }
0x66: {  	s14 =	simm.s32 $0x200;
	[sflag:s22] =	ssyncadd.s32 $0xFFFFC000  }
0x67: {  	[tilespmem:s24], [sflag:$0x1] =	stream.indirect.gather [hbm4b:s4+s25], $0x80, s14, s25, $0xb8;
	[tilespmem:$0x1D100] =	vst v63  }
0x68: {  	_ =	swait.ge [sflag:s30], $0x4000  }
0x69: {  	[sflag:s30] =	ssyncset.done $0x0  }
0x6a: {  	s15 =	simm.s32 $0xD80;
	[sflag:s30] =	ssyncadd.s32 $0xFFFFC000  }
0x6b: {  	[spmem:s1] =	stream.indirect.scatter.add.f32 [tilespmem:s26], [sflag:$0x3], $0x80, s15, s25, $0xb8;
	[tilespmem:$0x1D100] =	vst v63  }
0x6c: {  	_ =	swait.ge [sflag:s22], $0x4000  }
0x6d: {  	[sflag:s22] =	ssyncset.done $0x0  }
0x6e: {  	s16 =	simm.s32 $0x280;
	[sflag:s22] =	ssyncadd.s32 $0xFFFFC000  }
0x6f: {  	[tilespmem:s26], [sflag:$0x2] =	stream.indirect.gather [hbm4b:s4+s25], $0x80, s16, s25, $0xb8;
	[tilespmem:$0x1D100] =	vst v63  }
0x70: {  	_ =	swait.ge [sflag:s28], $0x4000  }
0x71: {  	[sflag:s28] =	ssyncset.done $0x0  }
0x72: {  	s17 =	simm.s32 $0xE00;
	[sflag:s28] =	ssyncadd.s32 $0xFFFFC000  }
0x73: {  	[spmem:s1] =	stream.indirect.scatter.add.f32 [tilespmem:s24], [sflag:$0x3], $0x80, s17, s25, $0xb8;
	[tilespmem:$0x1D100] =	vst v63  }
0x74: {  	_ =	swait.ge [sflag:s22], $0x4000  }
0x75: {  	[sflag:s22] =	ssyncset.done $0x0  }
0x76: {  	s18 =	simm.s32 $0x300;
	[sflag:s22] =	ssyncadd.s32 $0xFFFFC000  }
0x77: {  	[tilespmem:s24], [sflag:$0x1] =	stream.indirect.gather [hbm4b:s4+s25], $0x80, s18, s25, $0xb8;
	[tilespmem:$0x1D100] =	vst v63  }
0x78: {  	_ =	swait.ge [sflag:s30], $0x4000  }
0x79: {  	[sflag:s30] =	ssyncset.done $0x0  }
0x7a: {  	s21 =	simm.s32 $0xE80;
	[sflag:s30] =	ssyncadd.s32 $0xFFFFC000  }
0x7b: {  	[spmem:s1] =	stream.indirect.scatter.add.f32 [tilespmem:s26], [sflag:$0x3], $0x80, s21, s25, $0xb8;
	[tilespmem:$0x1D100] =	vst v63  }
0x7c: {  	_ =	swait.ge [sflag:s22], $0x4000  }
0x7d: {  	[sflag:s22] =	ssyncset.done $0x0  }
0x7e: {  	s23 =	simm.s32 $0x380;
	[sflag:s22] =	ssyncadd.s32 $0xFFFFC000  }
0x7f: {  	[tilespmem:s26], [sflag:$0x2] =	stream.indirect.gather [hbm4b:s4+s25], $0x80, s23, s25, $0xb8;
	[tilespmem:$0x1D100] =	vst v63  }
0x80: {  	_ =	swait.ge [sflag:s28], $0x4000  }
0x81: {  	[sflag:s28] =	ssyncset.done $0x0  }
0x82: {  	s29 =	simm.s32 $0xF00;
	[sflag:s28] =	ssyncadd.s32 $0xFFFFC000  }
0x83: {  	[spmem:s1] =	stream.indirect.scatter.add.f32 [tilespmem:s24], [sflag:$0x3], $0x80, s29, s25, $0xb8;
	[tilespmem:$0x1D100] =	vst v63  }
0x84: {  	_ =	swait.ge [sflag:s22], $0x4000  }
0x85: {  	[sflag:s22] =	ssyncset.done $0x0  }
0x86: {  	s5 =	simm.s32 $0x400;
	[sflag:s22] =	ssyncadd.s32 $0xFFFFC000  }
0x87: {  	[tilespmem:s24], [sflag:$0x1] =	stream.indirect.gather [hbm4b:s4+s25], $0x80, s5, s25, $0xb8;
	[tilespmem:$0x1D100] =	vst v63  }
0x88: {  	_ =	swait.ge [sflag:s30], $0x4000  }
0x89: {  	[sflag:s30] =	ssyncset.done $0x0  }
0x8a: {  	s6 =	simm.s32 $0xF80;
	[sflag:s30] =	ssyncadd.s32 $0xFFFFC000  }
0x8b: {  	[spmem:s1] =	stream.indirect.scatter.add.f32 [tilespmem:s26], [sflag:$0x3], $0x80, s6, s25, $0xb8;
	[tilespmem:$0x1D100] =	vst v63  }
0x8c: {  	_ =	swait.ge [sflag:s22], $0x4000  }
0x8d: {  	[sflag:s22] =	ssyncset.done $0x0  }
0x8e: {  	s7 =	simm.s32 $0x480;
	[sflag:s22] =	ssyncadd.s32 $0xFFFFC000  }
0x8f: {  	[tilespmem:s26], [sflag:$0x2] =	stream.indirect.gather [hbm4b:s4+s25], $0x80, s7, s25, $0xb8;
	[tilespmem:$0x1D100] =	vst v63  }
0x90: {  	_ =	swait.ge [sflag:s28], $0x4000  }
0x91: {  	[sflag:s28] =	ssyncset.done $0x0  }
0x92: {  	s8 =	simm.s32 $0x1000;
	[sflag:s28] =	ssyncadd.s32 $0xFFFFC000  }
0x93: {  	[spmem:s1] =	stream.indirect.scatter.add.f32 [tilespmem:s24], [sflag:$0x3], $0x80, s8, s25, $0xb8;
	[tilespmem:$0x1D100] =	vst v63  }
0x94: {  	_ =	swait.ge [sflag:s22], $0x4000  }
0x95: {  	[sflag:s22] =	ssyncset.done $0x0  }
0x96: {  	s9 =	simm.s32 $0x500;
	[sflag:s22] =	ssyncadd.s32 $0xFFFFC000  }
0x97: {  	[tilespmem:s24], [sflag:$0x1] =	stream.indirect.gather [hbm4b:s4+s25], $0x80, s9, s25, $0xb8;
	[tilespmem:$0x1D100] =	vst v63  }
0x98: {  	_ =	swait.ge [sflag:s30], $0x4000  }
0x99: {  	[sflag:s30] =	ssyncset.done $0x0  }
0x9a: {  	s10 =	simm.s32 $0x1080;
	[sflag:s30] =	ssyncadd.s32 $0xFFFFC000  }
0x9b: {  	[spmem:s1] =	stream.indirect.scatter.add.f32 [tilespmem:s26], [sflag:$0x3], $0x80, s10, s25, $0xb8;
	[tilespmem:$0x1D100] =	vst v63  }
0x9c: {  	_ =	swait.ge [sflag:s22], $0x4000  }
0x9d: {  	[sflag:s22] =	ssyncset.done $0x0  }
0x9e: {  	s11 =	simm.s32 $0x580;
	[sflag:s22] =	ssyncadd.s32 $0xFFFFC000  }
0x9f: {  	[tilespmem:s26], [sflag:$0x2] =	stream.indirect.gather [hbm4b:s4+s25], $0x80, s11, s25, $0xb8;
	[tilespmem:$0x1D100] =	vst v63  }
0xa0: {  	_ =	swait.ge [sflag:s28], $0x4000  }
0xa1: {  	[sflag:s28] =	ssyncset.done $0x0  }
0xa2: {  	s13 =	simm.s32 $0x1100;
	[sflag:s28] =	ssyncadd.s32 $0xFFFFC000  }
0xa3: {  	[spmem:s1] =	stream.indirect.scatter.add.f32 [tilespmem:s24], [sflag:$0x3], $0x80, s13, s25, $0xb8;
	[tilespmem:$0x1D100] =	vst v63  }
0xa4: {  	_ =	swait.ge [sflag:s22], $0x4000  }
0xa5: {  	[sflag:s22] =	ssyncset.done $0x0  }
0xa6: {  	s14 =	simm.s32 $0x600;
	[sflag:s22] =	ssyncadd.s32 $0xFFFFC000  }
0xa7: {  	[tilespmem:s24], [sflag:$0x1] =	stream.indirect.gather [hbm4b:s4+s25], $0x80, s14, s25, $0xb8;
	[tilespmem:$0x1D100] =	vst v63  }
0xa8: {  	_ =	swait.ge [sflag:s30], $0x4000  }
0xa9: {  	[sflag:s30] =	ssyncset.done $0x0  }
0xaa: {  	s15 =	simm.s32 $0x1180;
	[sflag:s30] =	ssyncadd.s32 $0xFFFFC000  }
0xab: {  	[spmem:s1] =	stream.indirect.scatter.add.f32 [tilespmem:s26], [sflag:$0x3], $0x80, s15, s25, $0xb8;
	[tilespmem:$0x1D100] =	vst v63  }
0xac: {  	_ =	swait.ge [sflag:s22], $0x4000  }
0xad: {  	[sflag:s22] =	ssyncset.done $0x0  }
0xae: {  	s16 =	simm.s32 $0x680;
	[sflag:s22] =	ssyncadd.s32 $0xFFFFC000  }
0xaf: {  	[tilespmem:s26], [sflag:$0x2] =	stream.indirect.gather [hbm4b:s4+s25], $0x80, s16, s25, $0xb8;
	[tilespmem:$0x1D100] =	vst v63  }
0xb0: {  	_ =	swait.ge [sflag:s28], $0x4000  }
0xb1: {  	[sflag:s28] =	ssyncset.done $0x0  }
0xb2: {  	s17 =	simm.s32 $0x1200;
	[sflag:s28] =	ssyncadd.s32 $0xFFFFC000  }
0xb3: {  	[spmem:s1] =	stream.indirect.scatter.add.f32 [tilespmem:s24], [sflag:$0x3], $0x80, s17, s25, $0xb8;
	[tilespmem:$0x1D100] =	vst v63  }
0xb4: {  	_ =	swait.ge [sflag:s22], $0x4000  }
0xb5: {  	[sflag:s22] =	ssyncset.done $0x0  }
0xb6: {  	s18 =	simm.s32 $0x700;
	[sflag:s22] =	ssyncadd.s32 $0xFFFFC000  }
0xb7: {  	[tilespmem:s24], [sflag:$0x1] =	stream.indirect.gather [hbm4b:s4+s25], $0x80, s18, s25, $0xb8;
	[tilespmem:$0x1D100] =	vst v63  }
0xb8: {  	_ =	swait.ge [sflag:s30], $0x4000  }
0xb9: {  	[sflag:s30] =	ssyncset.done $0x0  }
0xba: {  	s23 =	simm.s32 $0x1280;
	[sflag:s30] =	ssyncadd.s32 $0xFFFFC000  }
0xbb: {  	[spmem:s1] =	stream.indirect.scatter.add.f32 [tilespmem:s26], [sflag:$0x3], $0x80, s23, s25, $0xb8;
	[tilespmem:$0x1D100] =	vst v63  }
0xbc: {  	_ =	swait.ge [sflag:s22], $0x4000  }
0xbd: {  	[sflag:s22] =	ssyncset.done $0x0  }
0xbe: {  	s0 =	simm.s32 $0x780;
	[sflag:s22] =	ssyncadd.s32 $0xFFFFC000  }
0xbf: {  	[tilespmem:s26], [sflag:$0x2] =	stream.indirect.gather [hbm4b:s4+s25], $0x80, s0, s25, $0xb8;
	[tilespmem:$0x1D100] =	vst v63  }
0xc0: {  	_ =	swait.ge [sflag:s28], $0x4000  }
0xc1: {  	[sflag:s28] =	ssyncset.done $0x0  }
0xc2: {  	s5 =	simm.s32 $0x1300;
	[sflag:s28] =	ssyncadd.s32 $0xFFFFC000  }
0xc3: {  	[spmem:s1] =	stream.indirect.scatter.add.f32 [tilespmem:s24], [sflag:$0x3], $0x80, s5, s25, $0xb8;
	[tilespmem:$0x1D100] =	vst v63  }
0xc4: {  	_ =	swait.ge [sflag:s22], $0x4000  }
0xc5: {  	[sflag:s22] =	ssyncset.done $0x0  }
0xc6: {  	s6 =	simm.s32 $0x800;
	[sflag:s22] =	ssyncadd.s32 $0xFFFFC000  }
0xc7: {  	[tilespmem:s24], [sflag:$0x1] =	stream.indirect.gather [hbm4b:s4+s25], $0x80, s6, s25, $0xb8;
	[tilespmem:$0x1D100] =	vst v63  }
0xc8: {  	_ =	swait.ge [sflag:s30], $0x4000  }
0xc9: {  	[sflag:s30] =	ssyncset.done $0x0  }
0xca: {  	s7 =	simm.s32 $0x1380;
	[sflag:s30] =	ssyncadd.s32 $0xFFFFC000  }
0xcb: {  	[spmem:s1] =	stream.indirect.scatter.add.f32 [tilespmem:s26], [sflag:$0x3], $0x80, s7, s25, $0xb8;
	[tilespmem:$0x1D100] =	vst v63  }
0xcc: {  	_ =	swait.ge [sflag:s22], $0x4000  }
0xcd: {  	[sflag:s22] =	ssyncset.done $0x0  }
0xce: {  	s8 =	simm.s32 $0x880;
	[sflag:s22] =	ssyncadd.s32 $0xFFFFC000  }
0xcf: {  	[tilespmem:s26], [sflag:$0x2] =	stream.indirect.gather [hbm4b:s4+s25], $0x80, s8, s25, $0xb8;
	[tilespmem:$0x1D100] =	vst v63  }
0xd0: {  	_ =	swait.ge [sflag:s28], $0x4000  }
0xd1: {  	[sflag:s28] =	ssyncset.done $0x0  }
0xd2: {  	s9 =	simm.s32 $0x1400;
	[sflag:s28] =	ssyncadd.s32 $0xFFFFC000  }
0xd3: {  	[spmem:s1] =	stream.indirect.scatter.add.f32 [tilespmem:s24], [sflag:$0x3], $0x80, s9, s25, $0xb8;
	[tilespmem:$0x1D100] =	vst v63  }
0xd4: {  	_ =	swait.ge [sflag:s22], $0x4000  }
0xd5: {  	[sflag:s22] =	ssyncset.done $0x0  }
0xd6: {  	s10 =	simm.s32 $0x900;
	[sflag:s22] =	ssyncadd.s32 $0xFFFFC000  }
0xd7: {  	[tilespmem:s24], [sflag:$0x1] =	stream.indirect.gather [hbm4b:s4+s25], $0x80, s10, s25, $0xb8;
	[tilespmem:$0x1D100] =	vst v63  }
0xd8: {  	_ =	swait.ge [sflag:s30], $0x4000  }
0xd9: {  	[sflag:s30] =	ssyncset.done $0x0  }
0xda: {  	s11 =	simm.s32 $0x1480;
	[sflag:s30] =	ssyncadd.s32 $0xFFFFC000  }
0xdb: {  	[spmem:s1] =	stream.indirect.scatter.add.f32 [tilespmem:s26], [sflag:$0x3], $0x80, s11, s25, $0xb8;
	[tilespmem:$0x1D100] =	vst v63  }
0xdc: {  	_ =	swait.ge [sflag:s22], $0x4000  }
0xdd: {  	[sflag:s22] =	ssyncset.done $0x0  }
0xde: {  	s13 =	simm.s32 $0x980;
	[sflag:s22] =	ssyncadd.s32 $0xFFFFC000  }
0xdf: {  	[tilespmem:s26], [sflag:$0x2] =	stream.indirect.gather [hbm4b:s4+s25], $0x80, s13, s25, $0xb8;
	[tilespmem:$0x1D100] =	vst v63  }
0xe0: {  	_ =	swait.ge [sflag:s28], $0x4000  }
0xe1: {  	[sflag:s28] =	ssyncset.done $0x0  }
0xe2: {  	s14 =	simm.s32 $0x1500;
	[sflag:s28] =	ssyncadd.s32 $0xFFFFC000  }
0xe3: {  	[spmem:s1] =	stream.indirect.scatter.add.f32 [tilespmem:s24], [sflag:$0x3], $0x80, s14, s25, $0xb8;
	[tilespmem:$0x1D100] =	vst v63  }
0xe4: {  	_ =	swait.ge [sflag:s22], $0x4000  }
0xe5: {  	[sflag:s22] =	ssyncset.done $0x0  }
0xe6: {  	[sflag:s22] =	ssyncadd.s32 $0xFFFFC000  }
0xe7: {  	_ =	swait.ge [sflag:s30], $0x4000  }
0xe8: {  	[sflag:s30] =	ssyncset.done $0x0  }
0xe9: {  	s16 =	simm.s32 $0x1580;
	[sflag:s30] =	ssyncadd.s32 $0xFFFFC000  }
0xea: {  	[spmem:s1] =	stream.indirect.scatter.add.f32 [tilespmem:s26], [sflag:$0x3], $0x80, s16, s25, $0xb8;
	[tilespmem:$0x1D100] =	vst v63  }
0xeb: {  	_ =	swait.ge [sflag:s22], $0x4000  }
0xec: {  	[sflag:s22] =	ssyncset.done $0x0  }
0xed: {  	s17 =	rddreg [dreg:$0xb];
	[sflag:s22] =	ssyncadd.s32 $0xFFFFC000  }
0xee: {  	[tilespmem:s19], [sflag:$0x3] =	stream.linear.gather [hbm4b:s17+s19], $0xA00, $0x38;
	[tilespmem:$0x1D100] =	vst v63  }
0xef: {  	_ =	swait.ge [sflag:s22], $0xA00  }
0xf0: {  	[sflag:s22] =	ssyncset.done $0x0  }
0xf1: {  	s15 =	simm.s32 $0xC00;
	s18 =	rddreg [dreg:$0xc];
	[sflag:s22] =	ssyncadd.s32 $0xFFFFF600  }
0xf2: {  	[tilespmem:s15], [sflag:$0x3] =	stream.linear.gather [hbm4b:s18+s19], $0xA00, $0x38;
	[tilespmem:$0x1D100] =	vst v63  }
0xf3: {  	_ =	swait.ge [sflag:s22], $0xA00  }
0xf4: {  	[sflag:s22] =	ssyncset.done $0x0  }
0xf5: {  	[sflag:s22] =	ssyncadd.s32 $0xFFFFF600  }
0xf6: {  	[tilespmem:s24], [sflag:$0x1] =	stream.indirect.gather [hbm4b:s4+s25], $0x80, s19, s25, $0xb8;
	[tilespmem:$0x1D100] =	vst v63  }
0xf7: {  	_ = 	snop  }
0xf8: {  	[tilespmem:s26], [sflag:$0x2] =	stream.indirect.gather [hbm4b:s4+s25], $0x80, s25, s25, $0xb8;
	[tilespmem:$0x1D100] =	vst v63  }
0xf9: {  	_ =	swait.ge [sflag:s28], $0x4000  }
0xfa: {  	[sflag:s28] =	ssyncset.done $0x0  }
0xfb: {  	[sflag:s28] =	ssyncadd.s32 $0xFFFFC000  }
0xfc: {  	[spmem:s1] =	stream.indirect.scatter.add.f32 [tilespmem:s24], [sflag:$0x3], $0x80, s15, s25, $0xb8;
	[tilespmem:$0x1D100] =	vst v63  }
0xfd: {  	_ =	swait.ge [sflag:s22], $0x4000  }
0xfe: {  	[sflag:s22] =	ssyncset.done $0x0  }
0xff: {  	s0 =	simm.s32 $0x100;
	[sflag:s22] =	ssyncadd.s32 $0xFFFFC000  }
0x100: {  	[tilespmem:s24], [sflag:$0x1] =	stream.indirect.gather [hbm4b:s4+s25], $0x80, s0, s25, $0xb8;
	[tilespmem:$0x1D100] =	vst v63  }
0x101: {  	_ =	swait.ge [sflag:s30], $0x4000  }
0x102: {  	[sflag:s30] =	ssyncset.done $0x0  }
0x103: {  	s2 =	simm.s32 $0xC80;
	[sflag:s30] =	ssyncadd.s32 $0xFFFFC000  }
0x104: {  	[spmem:s1] =	stream.indirect.scatter.add.f32 [tilespmem:s26], [sflag:$0x3], $0x80, s2, s25, $0xb8;
	[tilespmem:$0x1D100] =	vst v63  }
0x105: {  	_ =	swait.ge [sflag:s22], $0x4000  }
0x106: {  	[sflag:s22] =	ssyncset.done $0x0  }
0x107: {  	s2 =	simm.s32 $0x180;
	[sflag:s22] =	ssyncadd.s32 $0xFFFFC000  }
0x108: {  	[tilespmem:s26], [sflag:$0x2] =	stream.indirect.gather [hbm4b:s4+s25], $0x80, s2, s25, $0xb8;
	[tilespmem:$0x1D100] =	vst v63  }
0x109: {  	_ =	swait.ge [sflag:s28], $0x4000  }
0x10a: {  	[sflag:s28] =	ssyncset.done $0x0  }
0x10b: {  	s5 =	simm.s32 $0xD00;
	[sflag:s28] =	ssyncadd.s32 $0xFFFFC000  }
0x10c: {  	[spmem:s1] =	stream.indirect.scatter.add.f32 [tilespmem:s24], [sflag:$0x3], $0x80, s5, s25, $0xb8;
	[tilespmem:$0x1D100] =	vst v63  }
0x10d: {  	_ =	swait.ge [sflag:s22], $0x4000  }
0x10e: {  	[sflag:s22] =	ssyncset.done $0x0  }
0x10f: {  	s3 =	simm.s32 $0x200;
	[sflag:s22] =	ssyncadd.s32 $0xFFFFC000  }
0x110: {  	[tilespmem:s24], [sflag:$0x1] =	stream.indirect.gather [hbm4b:s4+s25], $0x80, s3, s25, $0xb8;
	[tilespmem:$0x1D100] =	vst v63  }
0x111: {  	_ =	swait.ge [sflag:s30], $0x4000  }
0x112: {  	[sflag:s30] =	ssyncset.done $0x0  }
0x113: {  	s6 =	simm.s32 $0xD80;
	[sflag:s30] =	ssyncadd.s32 $0xFFFFC000  }
0x114: {  	[spmem:s1] =	stream.indirect.scatter.add.f32 [tilespmem:s26], [sflag:$0x3], $0x80, s6, s25, $0xb8;
	[tilespmem:$0x1D100] =	vst v63  }
0x115: {  	_ =	swait.ge [sflag:s22], $0x4000  }
0x116: {  	[sflag:s22] =	ssyncset.done $0x0  }
0x117: {  	s7 =	simm.s32 $0x280;
	[sflag:s22] =	ssyncadd.s32 $0xFFFFC000  }
0x118: {  	[tilespmem:s26], [sflag:$0x2] =	stream.indirect.gather [hbm4b:s4+s25], $0x80, s7, s25, $0xb8;
	[tilespmem:$0x1D100] =	vst v63  }
0x119: {  	_ =	swait.ge [sflag:s28], $0x4000  }
0x11a: {  	[sflag:s28] =	ssyncset.done $0x0  }
0x11b: {  	s8 =	simm.s32 $0xE00;
	[sflag:s28] =	ssyncadd.s32 $0xFFFFC000  }
0x11c: {  	[spmem:s1] =	stream.indirect.scatter.add.f32 [tilespmem:s24], [sflag:$0x3], $0x80, s8, s25, $0xb8;
	[tilespmem:$0x1D100] =	vst v63  }
0x11d: {  	_ =	swait.ge [sflag:s22], $0x4000  }
0x11e: {  	[sflag:s22] =	ssyncset.done $0x0  }
0x11f: {  	s9 =	simm.s32 $0x300;
	[sflag:s22] =	ssyncadd.s32 $0xFFFFC000  }
0x120: {  	[tilespmem:s24], [sflag:$0x1] =	stream.indirect.gather [hbm4b:s4+s25], $0x80, s9, s25, $0xb8;
	[tilespmem:$0x1D100] =	vst v63  }
0x121: {  	_ =	swait.ge [sflag:s30], $0x4000  }
0x122: {  	[sflag:s30] =	ssyncset.done $0x0  }
0x123: {  	s10 =	simm.s32 $0xE80;
	[sflag:s30] =	ssyncadd.s32 $0xFFFFC000  }
0x124: {  	[spmem:s1] =	stream.indirect.scatter.add.f32 [tilespmem:s26], [sflag:$0x3], $0x80, s10, s25, $0xb8;
	[tilespmem:$0x1D100] =	vst v63  }
0x125: {  	_ =	swait.ge [sflag:s22], $0x4000  }
0x126: {  	[sflag:s22] =	ssyncset.done $0x0  }
0x127: {  	s11 =	simm.s32 $0x380;
	[sflag:s22] =	ssyncadd.s32 $0xFFFFC000  }
0x128: {  	[tilespmem:s26], [sflag:$0x2] =	stream.indirect.gather [hbm4b:s4+s25], $0x80, s11, s25, $0xb8;
	[tilespmem:$0x1D100] =	vst v63  }
0x129: {  	_ =	swait.ge [sflag:s28], $0x4000  }
0x12a: {  	[sflag:s28] =	ssyncset.done $0x0  }
0x12b: {  	s13 =	simm.s32 $0xF00;
	[sflag:s28] =	ssyncadd.s32 $0xFFFFC000  }
0x12c: {  	[spmem:s1] =	stream.indirect.scatter.add.f32 [tilespmem:s24], [sflag:$0x3], $0x80, s13, s25, $0xb8;
	[tilespmem:$0x1D100] =	vst v63  }
0x12d: {  	_ =	swait.ge [sflag:s22], $0x4000  }
0x12e: {  	[sflag:s22] =	ssyncset.done $0x0  }
0x12f: {  	s14 =	simm.s32 $0x400;
	[sflag:s22] =	ssyncadd.s32 $0xFFFFC000  }
0x130: {  	[tilespmem:s24], [sflag:$0x1] =	stream.indirect.gather [hbm4b:s4+s25], $0x80, s14, s25, $0xb8;
	[tilespmem:$0x1D100] =	vst v63  }
0x131: {  	_ =	swait.ge [sflag:s30], $0x4000  }
0x132: {  	[sflag:s30] =	ssyncset.done $0x0  }
0x133: {  	s15 =	simm.s32 $0xF80;
	[sflag:s30] =	ssyncadd.s32 $0xFFFFC000  }
0x134: {  	[spmem:s1] =	stream.indirect.scatter.add.f32 [tilespmem:s26], [sflag:$0x3], $0x80, s15, s25, $0xb8;
	[tilespmem:$0x1D100] =	vst v63  }
0x135: {  	_ =	swait.ge [sflag:s22], $0x4000  }
0x136: {  	[sflag:s22] =	ssyncset.done $0x0  }
0x137: {  	s16 =	simm.s32 $0x480;
	[sflag:s22] =	ssyncadd.s32 $0xFFFFC000  }
0x138: {  	[tilespmem:s26], [sflag:$0x2] =	stream.indirect.gather [hbm4b:s4+s25], $0x80, s16, s25, $0xb8;
	[tilespmem:$0x1D100] =	vst v63  }
0x139: {  	_ =	swait.ge [sflag:s28], $0x4000  }
0x13a: {  	[sflag:s28] =	ssyncset.done $0x0  }
0x13b: {  	s17 =	simm.s32 $0x1000;
	[sflag:s28] =	ssyncadd.s32 $0xFFFFC000  }
0x13c: {  	[spmem:s1] =	stream.indirect.scatter.add.f32 [tilespmem:s24], [sflag:$0x3], $0x80, s17, s25, $0xb8;
	[tilespmem:$0x1D100] =	vst v63  }
0x13d: {  	_ =	swait.ge [sflag:s22], $0x4000  }
0x13e: {  	[sflag:s22] =	ssyncset.done $0x0  }
0x13f: {  	s3 =	simm.s32 $0x500;
	[sflag:s22] =	ssyncadd.s32 $0xFFFFC000  }
0x140: {  	[tilespmem:s24], [sflag:$0x1] =	stream.indirect.gather [hbm4b:s4+s25], $0x80, s3, s25, $0xb8;
	[tilespmem:$0x1D100] =	vst v63  }
0x141: {  	_ =	swait.ge [sflag:s30], $0x4000  }
0x142: {  	[sflag:s30] =	ssyncset.done $0x0  }
0x143: {  	s18 =	simm.s32 $0x1080;
	[sflag:s30] =	ssyncadd.s32 $0xFFFFC000  }
0x144: {  	[spmem:s1] =	stream.indirect.scatter.add.f32 [tilespmem:s26], [sflag:$0x3], $0x80, s18, s25, $0xb8;
	[tilespmem:$0x1D100] =	vst v63  }
0x145: {  	_ =	swait.ge [sflag:s22], $0x4000  }
0x146: {  	[sflag:s22] =	ssyncset.done $0x0  }
0x147: {  	s21 =	simm.s32 $0x580;
	[sflag:s22] =	ssyncadd.s32 $0xFFFFC000  }
0x148: {  	[tilespmem:s26], [sflag:$0x2] =	stream.indirect.gather [hbm4b:s4+s25], $0x80, s21, s25, $0xb8;
	[tilespmem:$0x1D100] =	vst v63  }
0x149: {  	_ =	swait.ge [sflag:s28], $0x4000  }
0x14a: {  	[sflag:s28] =	ssyncset.done $0x0  }
0x14b: {  	s29 =	simm.s32 $0x1100;
	[sflag:s28] =	ssyncadd.s32 $0xFFFFC000  }
0x14c: {  	[spmem:s1] =	stream.indirect.scatter.add.f32 [tilespmem:s24], [sflag:$0x3], $0x80, s29, s25, $0xb8;
	[tilespmem:$0x1D100] =	vst v63  }
0x14d: {  	_ =	swait.ge [sflag:s22], $0x4000  }
0x14e: {  	[sflag:s22] =	ssyncset.done $0x0  }
0x14f: {  	s21 =	simm.s32 $0x600;
	[sflag:s22] =	ssyncadd.s32 $0xFFFFC000  }
0x150: {  	[tilespmem:s24], [sflag:$0x1] =	stream.indirect.gather [hbm4b:s4+s25], $0x80, s21, s25, $0xb8;
	[tilespmem:$0x1D100] =	vst v63  }
0x151: {  	_ =	swait.ge [sflag:s30], $0x4000  }
0x152: {  	[sflag:s30] =	ssyncset.done $0x0  }
0x153: {  	s21 =	simm.s32 $0x1180;
	[sflag:s30] =	ssyncadd.s32 $0xFFFFC000  }
0x154: {  	[spmem:s1] =	stream.indirect.scatter.add.f32 [tilespmem:s26], [sflag:$0x3], $0x80, s21, s25, $0xb8;
	[tilespmem:$0x1D100] =	vst v63  }
0x155: {  	_ =	swait.ge [sflag:s22], $0x4000  }
0x156: {  	[sflag:s22] =	ssyncset.done $0x0  }
0x157: {  	s21 =	simm.s32 $0x680;
	[sflag:s22] =	ssyncadd.s32 $0xFFFFC000  }
0x158: {  	[tilespmem:s26], [sflag:$0x2] =	stream.indirect.gather [hbm4b:s4+s25], $0x80, s21, s25, $0xb8;
	[tilespmem:$0x1D100] =	vst v63  }
0x159: {  	_ =	swait.ge [sflag:s28], $0x4000  }
0x15a: {  	[sflag:s28] =	ssyncset.done $0x0  }
0x15b: {  	s21 =	simm.s32 $0x1200;
	[sflag:s28] =	ssyncadd.s32 $0xFFFFC000  }
0x15c: {  	[spmem:s1] =	stream.indirect.scatter.add.f32 [tilespmem:s24], [sflag:$0x3], $0x80, s21, s25, $0xb8;
	[tilespmem:$0x1D100] =	vst v63  }
0x15d: {  	_ =	swait.ge [sflag:s22], $0x4000  }
0x15e: {  	[sflag:s22] =	ssyncset.done $0x0  }
0x15f: {  	s21 =	simm.s32 $0x700;
	[sflag:s22] =	ssyncadd.s32 $0xFFFFC000  }
0x160: {  	[tilespmem:s24], [sflag:$0x1] =	stream.indirect.gather [hbm4b:s4+s25], $0x80, s21, s25, $0xb8;
	[tilespmem:$0x1D100] =	vst v63  }
0x161: {  	_ =	swait.ge [sflag:s30], $0x4000  }
0x162: {  	[sflag:s30] =	ssyncset.done $0x0  }
0x163: {  	s21 =	simm.s32 $0x1280;
	[sflag:s30] =	ssyncadd.s32 $0xFFFFC000  }
0x164: {  	[spmem:s1] =	stream.indirect.scatter.add.f32 [tilespmem:s26], [sflag:$0x3], $0x80, s21, s25, $0xb8;
	[tilespmem:$0x1D100] =	vst v63  }
0x165: {  	_ =	swait.ge [sflag:s22], $0x4000  }
0x166: {  	[sflag:s22] =	ssyncset.done $0x0  }
0x167: {  	s21 =	simm.s32 $0x780;
	[sflag:s22] =	ssyncadd.s32 $0xFFFFC000  }
0x168: {  	[tilespmem:s26], [sflag:$0x2] =	stream.indirect.gather [hbm4b:s4+s25], $0x80, s21, s25, $0xb8;
	[tilespmem:$0x1D100] =	vst v63  }
0x169: {  	_ =	swait.ge [sflag:s28], $0x4000  }
0x16a: {  	[sflag:s28] =	ssyncset.done $0x0  }
0x16b: {  	s21 =	simm.s32 $0x1300;
	[sflag:s28] =	ssyncadd.s32 $0xFFFFC000  }
0x16c: {  	[spmem:s1] =	stream.indirect.scatter.add.f32 [tilespmem:s24], [sflag:$0x3], $0x80, s21, s25, $0xb8;
	[tilespmem:$0x1D100] =	vst v63  }
0x16d: {  	_ =	swait.ge [sflag:s22], $0x4000  }
0x16e: {  	[sflag:s22] =	ssyncset.done $0x0  }
0x16f: {  	s21 =	simm.s32 $0x800;
	[sflag:s22] =	ssyncadd.s32 $0xFFFFC000  }
0x170: {  	[tilespmem:s24], [sflag:$0x1] =	stream.indirect.gather [hbm4b:s4+s25], $0x80, s21, s25, $0xb8;
	[tilespmem:$0x1D100] =	vst v63  }
0x171: {  	_ =	swait.ge [sflag:s30], $0x4000  }
0x172: {  	[sflag:s30] =	ssyncset.done $0x0  }
0x173: {  	s21 =	simm.s32 $0x1380;
	[sflag:s30] =	ssyncadd.s32 $0xFFFFC000  }
0x174: {  	[spmem:s1] =	stream.indirect.scatter.add.f32 [tilespmem:s26], [sflag:$0x3], $0x80, s21, s25, $0xb8;
	[tilespmem:$0x1D100] =	vst v63  }
0x175: {  	_ =	swait.ge [sflag:s22], $0x4000  }
0x176: {  	[sflag:s22] =	ssyncset.done $0x0  }
0x177: {  	s21 =	simm.s32 $0x880;
	[sflag:s22] =	ssyncadd.s32 $0xFFFFC000  }
0x178: {  	[tilespmem:s26], [sflag:$0x2] =	stream.indirect.gather [hbm4b:s4+s25], $0x80, s21, s25, $0xb8;
	[tilespmem:$0x1D100] =	vst v63  }
0x179: {  	_ =	swait.ge [sflag:s28], $0x4000  }
0x17a: {  	[sflag:s28] =	ssyncset.done $0x0  }
0x17b: {  	s21 =	simm.s32 $0x1400;
	[sflag:s28] =	ssyncadd.s32 $0xFFFFC000  }
0x17c: {  	[spmem:s1] =	stream.indirect.scatter.add.f32 [tilespmem:s24], [sflag:$0x3], $0x80, s21, s25, $0xb8;
	[tilespmem:$0x1D100] =	vst v63  }
0x17d: {  	_ =	swait.ge [sflag:s22], $0x4000  }
0x17e: {  	[sflag:s22] =	ssyncset.done $0x0  }
0x17f: {  	s21 =	simm.s32 $0x900;
	[sflag:s22] =	ssyncadd.s32 $0xFFFFC000  }
0x180: {  	[tilespmem:s24], [sflag:$0x1] =	stream.indirect.gather [hbm4b:s4+s25], $0x80, s21, s25, $0xb8;
	[tilespmem:$0x1D100] =	vst v63  }
0x181: {  	_ =	swait.ge [sflag:s30], $0x4000  }
0x182: {  	[sflag:s30] =	ssyncset.done $0x0  }
0x183: {  	s21 =	simm.s32 $0x1480;
	[sflag:s30] =	ssyncadd.s32 $0xFFFFC000  }
0x184: {  	[spmem:s1] =	stream.indirect.scatter.add.f32 [tilespmem:s26], [sflag:$0x3], $0x80, s21, s25, $0xb8;
	[tilespmem:$0x1D100] =	vst v63  }
0x185: {  	_ =	swait.ge [sflag:s22], $0x4000  }
0x186: {  	[sflag:s22] =	ssyncset.done $0x0  }
0x187: {  	s23 =	simm.s32 $0x980;
	[sflag:s22] =	ssyncadd.s32 $0xFFFFC000  }
0x188: {  	[tilespmem:s26], [sflag:$0x2] =	stream.indirect.gather [hbm4b:s4+s25], $0x80, s23, s25, $0xb8;
	[tilespmem:$0x1D100] =	vst v63  }
0x189: {  	_ =	swait.ge [sflag:s28], $0x4000  }
0x18a: {  	[sflag:s28] =	ssyncset.done $0x0  }
0x18b: {  	s31 =	simm.s32 $0x1500;
	[sflag:s28] =	ssyncadd.s32 $0xFFFFC000  }
0x18c: {  	[spmem:s1] =	stream.indirect.scatter.add.f32 [tilespmem:s24], [sflag:$0x3], $0x80, s31, s25, $0xb8;
	[tilespmem:$0x1D100] =	vst v63  }
0x18d: {  	_ =	swait.ge [sflag:s22], $0x4000  }
0x18e: {  	[sflag:s22] =	ssyncset.done $0x0  }
0x18f: {  	[sflag:s22] =	ssyncadd.s32 $0xFFFFC000  }
0x190: {  	_ =	swait.ge [sflag:s30], $0x4000  }
0x191: {  	[sflag:s30] =	ssyncset.done $0x0  }
0x192: {  	s21 =	simm.s32 $0x1580;
	[sflag:s30] =	ssyncadd.s32 $0xFFFFC000  }
0x193: {  	[spmem:s1] =	stream.indirect.scatter.add.f32 [tilespmem:s26], [sflag:$0x3], $0x80, s21, s25, $0xb8;
	[tilespmem:$0x1D100] =	vst v63  }
0x194: {  	_ =	swait.ge [sflag:s22], $0x4000  }
0x195: {  	[sflag:s22] =	ssyncset.done $0x0  }
0x196: {  	s23 =	rddreg [dreg:$0xd];
	[sflag:s22] =	ssyncadd.s32 $0xFFFFC000  }
0x197: {  	[tilespmem:s19], [sflag:$0x3] =	stream.linear.gather [hbm4b:s23+s19], $0xA00, $0x38;
	[tilespmem:$0x1D100] =	vst v63  }
0x198: {  	_ =	swait.ge [sflag:s22], $0xA00  }
0x199: {  	[sflag:s22] =	ssyncset.done $0x0  }
0x19a: {  	s31 =	simm.s32 $0xC00;
	s23 =	rddreg [dreg:$0xe];
	[sflag:s22] =	ssyncadd.s32 $0xFFFFF600  }
0x19b: {  	[tilespmem:s31], [sflag:$0x3] =	stream.linear.gather [hbm4b:s23+s19], $0xA00, $0x38;
	[tilespmem:$0x1D100] =	vst v63  }
0x19c: {  	_ =	swait.ge [sflag:s22], $0xA00  }
0x19d: {  	[sflag:s22] =	ssyncset.done $0x0  }
0x19e: {  	[sflag:s22] =	ssyncadd.s32 $0xFFFFF600  }
0x19f: {  	[tilespmem:s24], [sflag:$0x1] =	stream.indirect.gather [hbm4b:s4+s25], $0x80, s19, s25, $0xb8;
	[tilespmem:$0x1D100] =	vst v63  }
0x1a0: {  	_ = 	snop  }
0x1a1: {  	[tilespmem:s26], [sflag:$0x2] =	stream.indirect.gather [hbm4b:s4+s25], $0x80, s25, s25, $0xb8;
	[tilespmem:$0x1D100] =	vst v63  }
0x1a2: {  	_ =	swait.ge [sflag:s28], $0x4000  }
0x1a3: {  	[sflag:s28] =	ssyncset.done $0x0  }
0x1a4: {  	[sflag:s28] =	ssyncadd.s32 $0xFFFFC000  }
0x1a5: {  	[spmem:s1] =	stream.indirect.scatter.add.f32 [tilespmem:s24], [sflag:$0x3], $0x80, s31, s25, $0xb8;
	[tilespmem:$0x1D100] =	vst v63  }
0x1a6: {  	_ =	swait.ge [sflag:s22], $0x4000  }
0x1a7: {  	[sflag:s22] =	ssyncset.done $0x0  }
0x1a8: {  	[sflag:s22] =	ssyncadd.s32 $0xFFFFC000  }
0x1a9: {  	[tilespmem:s24], [sflag:$0x1] =	stream.indirect.gather [hbm4b:s4+s25], $0x80, s0, s25, $0xb8;
	[tilespmem:$0x1D100] =	vst v63  }
0x1aa: {  	_ =	swait.ge [sflag:s30], $0x4000  }
0x1ab: {  	[sflag:s30] =	ssyncset.done $0x0  }
0x1ac: {  	s23 =	simm.s32 $0xC80;
	[sflag:s30] =	ssyncadd.s32 $0xFFFFC000  }
0x1ad: {  	[spmem:s1] =	stream.indirect.scatter.add.f32 [tilespmem:s26], [sflag:$0x3], $0x80, s23, s25, $0xb8;
	[tilespmem:$0x1D100] =	vst v63  }
0x1ae: {  	_ =	swait.ge [sflag:s22], $0x4000  }
0x1af: {  	[sflag:s22] =	ssyncset.done $0x0  }
0x1b0: {  	[sflag:s22] =	ssyncadd.s32 $0xFFFFC000  }
0x1b1: {  	[tilespmem:s26], [sflag:$0x2] =	stream.indirect.gather [hbm4b:s4+s25], $0x80, s2, s25, $0xb8;
	[tilespmem:$0x1D100] =	vst v63  }
0x1b2: {  	_ =	swait.ge [sflag:s28], $0x4000  }
0x1b3: {  	[sflag:s28] =	ssyncset.done $0x0  }
0x1b4: {  	[sflag:s28] =	ssyncadd.s32 $0xFFFFC000  }
0x1b5: {  	[spmem:s1] =	stream.indirect.scatter.add.f32 [tilespmem:s24], [sflag:$0x3], $0x80, s5, s25, $0xb8;
	[tilespmem:$0x1D100] =	vst v63  }
0x1b6: {  	_ =	swait.ge [sflag:s22], $0x4000  }
0x1b7: {  	[sflag:s22] =	ssyncset.done $0x0  }
0x1b8: {  	s23 =	simm.s32 $0x200;
	[sflag:s22] =	ssyncadd.s32 $0xFFFFC000  }
0x1b9: {  	[tilespmem:s24], [sflag:$0x1] =	stream.indirect.gather [hbm4b:s4+s25], $0x80, s23, s25, $0xb8;
	[tilespmem:$0x1D100] =	vst v63  }
0x1ba: {  	_ =	swait.ge [sflag:s30], $0x4000  }
0x1bb: {  	[sflag:s30] =	ssyncset.done $0x0  }
0x1bc: {  	[sflag:s30] =	ssyncadd.s32 $0xFFFFC000  }
0x1bd: {  	[spmem:s1] =	stream.indirect.scatter.add.f32 [tilespmem:s26], [sflag:$0x3], $0x80, s6, s25, $0xb8;
	[tilespmem:$0x1D100] =	vst v63  }
0x1be: {  	_ =	swait.ge [sflag:s22], $0x4000  }
0x1bf: {  	[sflag:s22] =	ssyncset.done $0x0  }
0x1c0: {  	[sflag:s22] =	ssyncadd.s32 $0xFFFFC000  }
0x1c1: {  	[tilespmem:s26], [sflag:$0x2] =	stream.indirect.gather [hbm4b:s4+s25], $0x80, s7, s25, $0xb8;
	[tilespmem:$0x1D100] =	vst v63  }
0x1c2: {  	_ =	swait.ge [sflag:s28], $0x4000  }
0x1c3: {  	[sflag:s28] =	ssyncset.done $0x0  }
0x1c4: {  	[sflag:s28] =	ssyncadd.s32 $0xFFFFC000  }
0x1c5: {  	[spmem:s1] =	stream.indirect.scatter.add.f32 [tilespmem:s24], [sflag:$0x3], $0x80, s8, s25, $0xb8;
	[tilespmem:$0x1D100] =	vst v63  }
0x1c6: {  	_ =	swait.ge [sflag:s22], $0x4000  }
0x1c7: {  	[sflag:s22] =	ssyncset.done $0x0  }
0x1c8: {  	[sflag:s22] =	ssyncadd.s32 $0xFFFFC000  }
0x1c9: {  	[tilespmem:s24], [sflag:$0x1] =	stream.indirect.gather [hbm4b:s4+s25], $0x80, s9, s25, $0xb8;
	[tilespmem:$0x1D100] =	vst v63  }
0x1ca: {  	_ =	swait.ge [sflag:s30], $0x4000  }
0x1cb: {  	[sflag:s30] =	ssyncset.done $0x0  }
0x1cc: {  	[sflag:s30] =	ssyncadd.s32 $0xFFFFC000  }
0x1cd: {  	[spmem:s1] =	stream.indirect.scatter.add.f32 [tilespmem:s26], [sflag:$0x3], $0x80, s10, s25, $0xb8;
	[tilespmem:$0x1D100] =	vst v63  }
0x1ce: {  	_ =	swait.ge [sflag:s22], $0x4000  }
0x1cf: {  	[sflag:s22] =	ssyncset.done $0x0  }
0x1d0: {  	[sflag:s22] =	ssyncadd.s32 $0xFFFFC000  }
0x1d1: {  	[tilespmem:s26], [sflag:$0x2] =	stream.indirect.gather [hbm4b:s4+s25], $0x80, s11, s25, $0xb8;
	[tilespmem:$0x1D100] =	vst v63  }
0x1d2: {  	_ =	swait.ge [sflag:s28], $0x4000  }
0x1d3: {  	[sflag:s28] =	ssyncset.done $0x0  }
0x1d4: {  	[sflag:s28] =	ssyncadd.s32 $0xFFFFC000  }
0x1d5: {  	[spmem:s1] =	stream.indirect.scatter.add.f32 [tilespmem:s24], [sflag:$0x3], $0x80, s13, s25, $0xb8;
	[tilespmem:$0x1D100] =	vst v63  }
0x1d6: {  	_ =	swait.ge [sflag:s22], $0x4000  }
0x1d7: {  	[sflag:s22] =	ssyncset.done $0x0  }
0x1d8: {  	[sflag:s22] =	ssyncadd.s32 $0xFFFFC000  }
0x1d9: {  	[tilespmem:s24], [sflag:$0x1] =	stream.indirect.gather [hbm4b:s4+s25], $0x80, s14, s25, $0xb8;
	[tilespmem:$0x1D100] =	vst v63  }
0x1da: {  	_ =	swait.ge [sflag:s30], $0x4000  }
0x1db: {  	[sflag:s30] =	ssyncset.done $0x0  }
0x1dc: {  	[sflag:s30] =	ssyncadd.s32 $0xFFFFC000  }
0x1dd: {  	[spmem:s1] =	stream.indirect.scatter.add.f32 [tilespmem:s26], [sflag:$0x3], $0x80, s15, s25, $0xb8;
	[tilespmem:$0x1D100] =	vst v63  }
0x1de: {  	_ =	swait.ge [sflag:s22], $0x4000  }
0x1df: {  	[sflag:s22] =	ssyncset.done $0x0  }
0x1e0: {  	[sflag:s22] =	ssyncadd.s32 $0xFFFFC000  }
0x1e1: {  	[tilespmem:s26], [sflag:$0x2] =	stream.indirect.gather [hbm4b:s4+s25], $0x80, s16, s25, $0xb8;
	[tilespmem:$0x1D100] =	vst v63  }
0x1e2: {  	_ =	swait.ge [sflag:s28], $0x4000  }
0x1e3: {  	[sflag:s28] =	ssyncset.done $0x0  }
0x1e4: {  	[sflag:s28] =	ssyncadd.s32 $0xFFFFC000  }
0x1e5: {  	[spmem:s1] =	stream.indirect.scatter.add.f32 [tilespmem:s24], [sflag:$0x3], $0x80, s17, s25, $0xb8;
	[tilespmem:$0x1D100] =	vst v63  }
0x1e6: {  	_ =	swait.ge [sflag:s22], $0x4000  }
0x1e7: {  	[sflag:s22] =	ssyncset.done $0x0  }
0x1e8: {  	[sflag:s22] =	ssyncadd.s32 $0xFFFFC000  }
0x1e9: {  	[tilespmem:s24], [sflag:$0x1] =	stream.indirect.gather [hbm4b:s4+s25], $0x80, s3, s25, $0xb8;
	[tilespmem:$0x1D100] =	vst v63  }
0x1ea: {  	_ =	swait.ge [sflag:s30], $0x4000  }
0x1eb: {  	[sflag:s30] =	ssyncset.done $0x0  }
0x1ec: {  	[sflag:s30] =	ssyncadd.s32 $0xFFFFC000  }
0x1ed: {  	[spmem:s1] =	stream.indirect.scatter.add.f32 [tilespmem:s26], [sflag:$0x3], $0x80, s18, s25, $0xb8;
	[tilespmem:$0x1D100] =	vst v63  }
0x1ee: {  	_ =	swait.ge [sflag:s22], $0x4000  }
0x1ef: {  	[sflag:s22] =	ssyncset.done $0x0  }
0x1f0: {  	s23 =	simm.s32 $0x580;
	[sflag:s22] =	ssyncadd.s32 $0xFFFFC000  }
0x1f1: {  	[tilespmem:s26], [sflag:$0x2] =	stream.indirect.gather [hbm4b:s4+s25], $0x80, s23, s25, $0xb8;
	[tilespmem:$0x1D100] =	vst v63  }
0x1f2: {  	_ =	swait.ge [sflag:s28], $0x4000  }
0x1f3: {  	[sflag:s28] =	ssyncset.done $0x0  }
0x1f4: {  	s29 =	simm.s32 $0x1100;
	[sflag:s28] =	ssyncadd.s32 $0xFFFFC000  }
0x1f5: {  	[spmem:s1] =	stream.indirect.scatter.add.f32 [tilespmem:s24], [sflag:$0x3], $0x80, s29, s25, $0xb8;
	[tilespmem:$0x1D100] =	vst v63  }
0x1f6: {  	_ =	swait.ge [sflag:s22], $0x4000  }
0x1f7: {  	[sflag:s22] =	ssyncset.done $0x0  }
0x1f8: {  	s12 =	simm.s32 $0x600;
	[sflag:s22] =	ssyncadd.s32 $0xFFFFC000  }
0x1f9: {  	[tilespmem:s24], [sflag:$0x1] =	stream.indirect.gather [hbm4b:s4+s25], $0x80, s12, s25, $0xb8;
	[tilespmem:$0x1D100] =	vst v63  }
0x1fa: {  	_ =	swait.ge [sflag:s30], $0x4000  }
0x1fb: {  	[sflag:s30] =	ssyncset.done $0x0  }
0x1fc: {  	s12 =	simm.s32 $0x1180;
	[sflag:s30] =	ssyncadd.s32 $0xFFFFC000  }
0x1fd: {  	[spmem:s1] =	stream.indirect.scatter.add.f32 [tilespmem:s26], [sflag:$0x3], $0x80, s12, s25, $0xb8;
	[tilespmem:$0x1D100] =	vst v63  }
0x1fe: {  	_ =	swait.ge [sflag:s22], $0x4000  }
0x1ff: {  	[sflag:s22] =	ssyncset.done $0x0  }
0x200: {  	s12 =	simm.s32 $0x680;
	[sflag:s22] =	ssyncadd.s32 $0xFFFFC000  }
0x201: {  	[tilespmem:s26], [sflag:$0x2] =	stream.indirect.gather [hbm4b:s4+s25], $0x80, s12, s25, $0xb8;
	[tilespmem:$0x1D100] =	vst v63  }
0x202: {  	_ =	swait.ge [sflag:s28], $0x4000  }
0x203: {  	[sflag:s28] =	ssyncset.done $0x0  }
0x204: {  	s12 =	simm.s32 $0x1200;
	[sflag:s28] =	ssyncadd.s32 $0xFFFFC000  }
0x205: {  	[spmem:s1] =	stream.indirect.scatter.add.f32 [tilespmem:s24], [sflag:$0x3], $0x80, s12, s25, $0xb8;
	[tilespmem:$0x1D100] =	vst v63  }
0x206: {  	_ =	swait.ge [sflag:s22], $0x4000  }
0x207: {  	[sflag:s22] =	ssyncset.done $0x0  }
0x208: {  	s12 =	simm.s32 $0x700;
	[sflag:s22] =	ssyncadd.s32 $0xFFFFC000  }
0x209: {  	[tilespmem:s24], [sflag:$0x1] =	stream.indirect.gather [hbm4b:s4+s25], $0x80, s12, s25, $0xb8;
	[tilespmem:$0x1D100] =	vst v63  }
0x20a: {  	_ =	swait.ge [sflag:s30], $0x4000  }
0x20b: {  	[sflag:s30] =	ssyncset.done $0x0  }
0x20c: {  	s12 =	simm.s32 $0x1280;
	[sflag:s30] =	ssyncadd.s32 $0xFFFFC000  }
0x20d: {  	[spmem:s1] =	stream.indirect.scatter.add.f32 [tilespmem:s26], [sflag:$0x3], $0x80, s12, s25, $0xb8;
	[tilespmem:$0x1D100] =	vst v63  }
0x20e: {  	_ =	swait.ge [sflag:s22], $0x4000  }
0x20f: {  	[sflag:s22] =	ssyncset.done $0x0  }
0x210: {  	s12 =	simm.s32 $0x780;
	[sflag:s22] =	ssyncadd.s32 $0xFFFFC000  }
0x211: {  	[tilespmem:s26], [sflag:$0x2] =	stream.indirect.gather [hbm4b:s4+s25], $0x80, s12, s25, $0xb8;
	[tilespmem:$0x1D100] =	vst v63  }
0x212: {  	_ =	swait.ge [sflag:s28], $0x4000  }
0x213: {  	[sflag:s28] =	ssyncset.done $0x0  }
0x214: {  	s12 =	simm.s32 $0x1300;
	[sflag:s28] =	ssyncadd.s32 $0xFFFFC000  }
0x215: {  	[spmem:s1] =	stream.indirect.scatter.add.f32 [tilespmem:s24], [sflag:$0x3], $0x80, s12, s25, $0xb8;
	[tilespmem:$0x1D100] =	vst v63  }
0x216: {  	_ =	swait.ge [sflag:s22], $0x4000  }
0x217: {  	[sflag:s22] =	ssyncset.done $0x0  }
0x218: {  	s12 =	simm.s32 $0x800;
	[sflag:s22] =	ssyncadd.s32 $0xFFFFC000  }
0x219: {  	[tilespmem:s24], [sflag:$0x1] =	stream.indirect.gather [hbm4b:s4+s25], $0x80, s12, s25, $0xb8;
	[tilespmem:$0x1D100] =	vst v63  }
0x21a: {  	_ =	swait.ge [sflag:s30], $0x4000  }
0x21b: {  	[sflag:s30] =	ssyncset.done $0x0  }
0x21c: {  	s12 =	simm.s32 $0x1380;
	[sflag:s30] =	ssyncadd.s32 $0xFFFFC000  }
0x21d: {  	[spmem:s1] =	stream.indirect.scatter.add.f32 [tilespmem:s26], [sflag:$0x3], $0x80, s12, s25, $0xb8;
	[tilespmem:$0x1D100] =	vst v63  }
0x21e: {  	_ =	swait.ge [sflag:s22], $0x4000  }
0x21f: {  	[sflag:s22] =	ssyncset.done $0x0  }
0x220: {  	s12 =	simm.s32 $0x880;
	[sflag:s22] =	ssyncadd.s32 $0xFFFFC000  }
0x221: {  	[tilespmem:s26], [sflag:$0x2] =	stream.indirect.gather [hbm4b:s4+s25], $0x80, s12, s25, $0xb8;
	[tilespmem:$0x1D100] =	vst v63  }
0x222: {  	_ =	swait.ge [sflag:s28], $0x4000  }
0x223: {  	[sflag:s28] =	ssyncset.done $0x0  }
0x224: {  	s12 =	simm.s32 $0x1400;
	[sflag:s28] =	ssyncadd.s32 $0xFFFFC000  }
0x225: {  	[spmem:s1] =	stream.indirect.scatter.add.f32 [tilespmem:s24], [sflag:$0x3], $0x80, s12, s25, $0xb8;
	[tilespmem:$0x1D100] =	vst v63  }
0x226: {  	_ =	swait.ge [sflag:s22], $0x4000  }
0x227: {  	[sflag:s22] =	ssyncset.done $0x0  }
0x228: {  	s12 =	simm.s32 $0x900;
	[sflag:s22] =	ssyncadd.s32 $0xFFFFC000  }
0x229: {  	[tilespmem:s24], [sflag:$0x1] =	stream.indirect.gather [hbm4b:s4+s25], $0x80, s12, s25, $0xb8;
	[tilespmem:$0x1D100] =	vst v63  }
0x22a: {  	_ =	swait.ge [sflag:s30], $0x4000  }
0x22b: {  	[sflag:s30] =	ssyncset.done $0x0  }
0x22c: {  	s12 =	simm.s32 $0x1480;
	[sflag:s30] =	ssyncadd.s32 $0xFFFFC000  }
0x22d: {  	[spmem:s1] =	stream.indirect.scatter.add.f32 [tilespmem:s26], [sflag:$0x3], $0x80, s12, s25, $0xb8;
	[tilespmem:$0x1D100] =	vst v63  }
0x22e: {  	_ =	swait.ge [sflag:s22], $0x4000  }
0x22f: {  	[sflag:s22] =	ssyncset.done $0x0  }
0x230: {  	s12 =	simm.s32 $0x980;
	[sflag:s22] =	ssyncadd.s32 $0xFFFFC000  }
0x231: {  	[tilespmem:s26], [sflag:$0x2] =	stream.indirect.gather [hbm4b:s4+s25], $0x80, s12, s25, $0xb8;
	[tilespmem:$0x1D100] =	vst v63  }
0x232: {  	_ =	swait.ge [sflag:s28], $0x4000  }
0x233: {  	[sflag:s28] =	ssyncset.done $0x0  }
0x234: {  	s12 =	simm.s32 $0x1500;
	[sflag:s28] =	ssyncadd.s32 $0xFFFFC000  }
0x235: {  	[spmem:s1] =	stream.indirect.scatter.add.f32 [tilespmem:s24], [sflag:$0x3], $0x80, s12, s25, $0xb8;
	[tilespmem:$0x1D100] =	vst v63  }
0x236: {  	_ =	swait.ge [sflag:s22], $0x4000  }
0x237: {  	[sflag:s22] =	ssyncset.done $0x0  }
0x238: {  	[sflag:s22] =	ssyncadd.s32 $0xFFFFC000  }
0x239: {  	_ =	swait.ge [sflag:s30], $0x4000  }
0x23a: {  	[sflag:s30] =	ssyncset.done $0x0  }
0x23b: {  	[sflag:s30] =	ssyncadd.s32 $0xFFFFC000  }
0x23c: {  	[spmem:s1] =	stream.indirect.scatter.add.f32 [tilespmem:s26], [sflag:$0x3], $0x80, s21, s25, $0xb8;
	[tilespmem:$0x1D100] =	vst v63  }
0x23d: {  	_ =	swait.ge [sflag:s22], $0x4000  }
0x23e: {  	[sflag:s22] =	ssyncset.done $0x0  }
0x23f: {  	s12 =	rddreg [dreg:$0xf];
	[sflag:s22] =	ssyncadd.s32 $0xFFFFC000  }
0x240: {  	[tilespmem:s19], [sflag:$0x3] =	stream.linear.gather [hbm4b:s12+s19], $0xA00, $0x38;
	[tilespmem:$0x1D100] =	vst v63  }
0x241: {  	_ =	swait.ge [sflag:s22], $0xA00  }
0x242: {  	[sflag:s22] =	ssyncset.done $0x0  }
0x243: {  	s12 =	rddreg [dreg:$0x10];
	[sflag:s22] =	ssyncadd.s32 $0xFFFFF600  }
0x244: {  	[tilespmem:s31], [sflag:$0x3] =	stream.linear.gather [hbm4b:s12+s19], $0xA00, $0x38;
	[tilespmem:$0x1D100] =	vst v63  }
0x245: {  	_ =	swait.ge [sflag:s22], $0xA00  }
0x246: {  	[sflag:s22] =	ssyncset.done $0x0  }
0x247: {  	[sflag:s22] =	ssyncadd.s32 $0xFFFFF600  }
0x248: {  	[tilespmem:s24], [sflag:$0x1] =	stream.indirect.gather [hbm4b:s4+s25], $0x80, s19, s25, $0xb8;
	[tilespmem:$0x1D100] =	vst v63  }
0x249: {  	_ = 	snop  }
0x24a: {  	[tilespmem:s26], [sflag:$0x2] =	stream.indirect.gather [hbm4b:s4+s25], $0x80, s25, s25, $0xb8;
	[tilespmem:$0x1D100] =	vst v63  }
0x24b: {  	_ =	swait.ge [sflag:s28], $0x4000  }
0x24c: {  	[sflag:s28] =	ssyncset.done $0x0  }
0x24d: {  	[sflag:s28] =	ssyncadd.s32 $0xFFFFC000  }
0x24e: {  	[spmem:s1] =	stream.indirect.scatter.add.f32 [tilespmem:s24], [sflag:$0x3], $0x80, s31, s25, $0xb8;
	[tilespmem:$0x1D100] =	vst v63  }
0x24f: {  	_ =	swait.ge [sflag:s22], $0x4000  }
0x250: {  	[sflag:s22] =	ssyncset.done $0x0  }
0x251: {  	s0 =	simm.s32 $0x100;
	[sflag:s22] =	ssyncadd.s32 $0xFFFFC000  }
0x252: {  	[tilespmem:s24], [sflag:$0x1] =	stream.indirect.gather [hbm4b:s4+s25], $0x80, s0, s25, $0xb8;
	[tilespmem:$0x1D100] =	vst v63  }
0x253: {  	_ =	swait.ge [sflag:s30], $0x4000  }
0x254: {  	[sflag:s30] =	ssyncset.done $0x0  }
0x255: {  	s12 =	simm.s32 $0xC80;
	[sflag:s30] =	ssyncadd.s32 $0xFFFFC000  }
0x256: {  	[spmem:s1] =	stream.indirect.scatter.add.f32 [tilespmem:s26], [sflag:$0x3], $0x80, s12, s25, $0xb8;
	[tilespmem:$0x1D100] =	vst v63  }
0x257: {  	_ =	swait.ge [sflag:s22], $0x4000  }
0x258: {  	[sflag:s22] =	ssyncset.done $0x0  }
0x259: {  	s2 =	simm.s32 $0x180;
	[sflag:s22] =	ssyncadd.s32 $0xFFFFC000  }
0x25a: {  	[tilespmem:s26], [sflag:$0x2] =	stream.indirect.gather [hbm4b:s4+s25], $0x80, s2, s25, $0xb8;
	[tilespmem:$0x1D100] =	vst v63  }
0x25b: {  	_ =	swait.ge [sflag:s28], $0x4000  }
0x25c: {  	[sflag:s28] =	ssyncset.done $0x0  }
0x25d: {  	s5 =	simm.s32 $0xD00;
	[sflag:s28] =	ssyncadd.s32 $0xFFFFC000  }
0x25e: {  	[spmem:s1] =	stream.indirect.scatter.add.f32 [tilespmem:s24], [sflag:$0x3], $0x80, s5, s25, $0xb8;
	[tilespmem:$0x1D100] =	vst v63  }
0x25f: {  	_ =	swait.ge [sflag:s22], $0x4000  }
0x260: {  	[sflag:s22] =	ssyncset.done $0x0  }
0x261: {  	s12 =	simm.s32 $0x200;
	[sflag:s22] =	ssyncadd.s32 $0xFFFFC000  }
0x262: {  	[tilespmem:s24], [sflag:$0x1] =	stream.indirect.gather [hbm4b:s4+s25], $0x80, s12, s25, $0xb8;
	[tilespmem:$0x1D100] =	vst v63  }
0x263: {  	_ =	swait.ge [sflag:s30], $0x4000  }
0x264: {  	[sflag:s30] =	ssyncset.done $0x0  }
0x265: {  	s6 =	simm.s32 $0xD80;
	[sflag:s30] =	ssyncadd.s32 $0xFFFFC000  }
0x266: {  	[spmem:s1] =	stream.indirect.scatter.add.f32 [tilespmem:s26], [sflag:$0x3], $0x80, s6, s25, $0xb8;
	[tilespmem:$0x1D100] =	vst v63  }
0x267: {  	_ =	swait.ge [sflag:s22], $0x4000  }
0x268: {  	[sflag:s22] =	ssyncset.done $0x0  }
0x269: {  	s7 =	simm.s32 $0x280;
	[sflag:s22] =	ssyncadd.s32 $0xFFFFC000  }
0x26a: {  	[tilespmem:s26], [sflag:$0x2] =	stream.indirect.gather [hbm4b:s4+s25], $0x80, s7, s25, $0xb8;
	[tilespmem:$0x1D100] =	vst v63  }
0x26b: {  	_ =	swait.ge [sflag:s28], $0x4000  }
0x26c: {  	[sflag:s28] =	ssyncset.done $0x0  }
0x26d: {  	s8 =	simm.s32 $0xE00;
	[sflag:s28] =	ssyncadd.s32 $0xFFFFC000  }
0x26e: {  	[spmem:s1] =	stream.indirect.scatter.add.f32 [tilespmem:s24], [sflag:$0x3], $0x80, s8, s25, $0xb8;
	[tilespmem:$0x1D100] =	vst v63  }
0x26f: {  	_ =	swait.ge [sflag:s22], $0x4000  }
0x270: {  	[sflag:s22] =	ssyncset.done $0x0  }
0x271: {  	s9 =	simm.s32 $0x300;
	[sflag:s22] =	ssyncadd.s32 $0xFFFFC000  }
0x272: {  	[tilespmem:s24], [sflag:$0x1] =	stream.indirect.gather [hbm4b:s4+s25], $0x80, s9, s25, $0xb8;
	[tilespmem:$0x1D100] =	vst v63  }
0x273: {  	_ =	swait.ge [sflag:s30], $0x4000  }
0x274: {  	[sflag:s30] =	ssyncset.done $0x0  }
0x275: {  	s10 =	simm.s32 $0xE80;
	[sflag:s30] =	ssyncadd.s32 $0xFFFFC000  }
0x276: {  	[spmem:s1] =	stream.indirect.scatter.add.f32 [tilespmem:s26], [sflag:$0x3], $0x80, s10, s25, $0xb8;
	[tilespmem:$0x1D100] =	vst v63  }
0x277: {  	_ =	swait.ge [sflag:s22], $0x4000  }
0x278: {  	[sflag:s22] =	ssyncset.done $0x0  }
0x279: {  	s11 =	simm.s32 $0x380;
	[sflag:s22] =	ssyncadd.s32 $0xFFFFC000  }
0x27a: {  	[tilespmem:s26], [sflag:$0x2] =	stream.indirect.gather [hbm4b:s4+s25], $0x80, s11, s25, $0xb8;
	[tilespmem:$0x1D100] =	vst v63  }
0x27b: {  	_ =	swait.ge [sflag:s28], $0x4000  }
0x27c: {  	[sflag:s28] =	ssyncset.done $0x0  }
0x27d: {  	s13 =	simm.s32 $0xF00;
	[sflag:s28] =	ssyncadd.s32 $0xFFFFC000  }
0x27e: {  	[spmem:s1] =	stream.indirect.scatter.add.f32 [tilespmem:s24], [sflag:$0x3], $0x80, s13, s25, $0xb8;
	[tilespmem:$0x1D100] =	vst v63  }
0x27f: {  	_ =	swait.ge [sflag:s22], $0x4000  }
0x280: {  	[sflag:s22] =	ssyncset.done $0x0  }
0x281: {  	s14 =	simm.s32 $0x400;
	[sflag:s22] =	ssyncadd.s32 $0xFFFFC000  }
0x282: {  	[tilespmem:s24], [sflag:$0x1] =	stream.indirect.gather [hbm4b:s4+s25], $0x80, s14, s25, $0xb8;
	[tilespmem:$0x1D100] =	vst v63  }
0x283: {  	_ =	swait.ge [sflag:s30], $0x4000  }
0x284: {  	[sflag:s30] =	ssyncset.done $0x0  }
0x285: {  	s15 =	simm.s32 $0xF80;
	[sflag:s30] =	ssyncadd.s32 $0xFFFFC000  }
0x286: {  	[spmem:s1] =	stream.indirect.scatter.add.f32 [tilespmem:s26], [sflag:$0x3], $0x80, s15, s25, $0xb8;
	[tilespmem:$0x1D100] =	vst v63  }
0x287: {  	_ =	swait.ge [sflag:s22], $0x4000  }
0x288: {  	[sflag:s22] =	ssyncset.done $0x0  }
0x289: {  	s16 =	simm.s32 $0x480;
	[sflag:s22] =	ssyncadd.s32 $0xFFFFC000  }
0x28a: {  	[tilespmem:s26], [sflag:$0x2] =	stream.indirect.gather [hbm4b:s4+s25], $0x80, s16, s25, $0xb8;
	[tilespmem:$0x1D100] =	vst v63  }
0x28b: {  	_ =	swait.ge [sflag:s28], $0x4000  }
0x28c: {  	[sflag:s28] =	ssyncset.done $0x0  }
0x28d: {  	s17 =	simm.s32 $0x1000;
	[sflag:s28] =	ssyncadd.s32 $0xFFFFC000  }
0x28e: {  	[spmem:s1] =	stream.indirect.scatter.add.f32 [tilespmem:s24], [sflag:$0x3], $0x80, s17, s25, $0xb8;
	[tilespmem:$0x1D100] =	vst v63  }
0x28f: {  	_ =	swait.ge [sflag:s22], $0x4000  }
0x290: {  	[sflag:s22] =	ssyncset.done $0x0  }
0x291: {  	s3 =	simm.s32 $0x500;
	[sflag:s22] =	ssyncadd.s32 $0xFFFFC000  }
0x292: {  	[tilespmem:s24], [sflag:$0x1] =	stream.indirect.gather [hbm4b:s4+s25], $0x80, s3, s25, $0xb8;
	[tilespmem:$0x1D100] =	vst v63  }
0x293: {  	_ =	swait.ge [sflag:s30], $0x4000  }
0x294: {  	[sflag:s30] =	ssyncset.done $0x0  }
0x295: {  	s18 =	simm.s32 $0x1080;
	[sflag:s30] =	ssyncadd.s32 $0xFFFFC000  }
0x296: {  	[spmem:s1] =	stream.indirect.scatter.add.f32 [tilespmem:s26], [sflag:$0x3], $0x80, s18, s25, $0xb8;
	[tilespmem:$0x1D100] =	vst v63  }
0x297: {  	_ =	swait.ge [sflag:s22], $0x4000  }
0x298: {  	[sflag:s22] =	ssyncset.done $0x0  }
0x299: {  	s23 =	simm.s32 $0x580;
	[sflag:s22] =	ssyncadd.s32 $0xFFFFC000  }
0x29a: {  	[tilespmem:s26], [sflag:$0x2] =	stream.indirect.gather [hbm4b:s4+s25], $0x80, s23, s25, $0xb8;
	[tilespmem:$0x1D100] =	vst v63  }
0x29b: {  	_ =	swait.ge [sflag:s28], $0x4000  }
0x29c: {  	[sflag:s28] =	ssyncset.done $0x0  }
0x29d: {  	s29 =	simm.s32 $0x1100;
	[sflag:s28] =	ssyncadd.s32 $0xFFFFC000  }
0x29e: {  	[spmem:s1] =	stream.indirect.scatter.add.f32 [tilespmem:s24], [sflag:$0x3], $0x80, s29, s25, $0xb8;
	[tilespmem:$0x1D100] =	vst v63  }
0x29f: {  	_ =	swait.ge [sflag:s22], $0x4000  }
0x2a0: {  	[sflag:s22] =	ssyncset.done $0x0  }
0x2a1: {  	s23 =	simm.s32 $0x600;
	[sflag:s22] =	ssyncadd.s32 $0xFFFFC000  }
0x2a2: {  	[tilespmem:s24], [sflag:$0x1] =	stream.indirect.gather [hbm4b:s4+s25], $0x80, s23, s25, $0xb8;
	[tilespmem:$0x1D100] =	vst v63  }
0x2a3: {  	_ =	swait.ge [sflag:s30], $0x4000  }
0x2a4: {  	[sflag:s30] =	ssyncset.done $0x0  }
0x2a5: {  	s29 =	simm.s32 $0x1180;
	[sflag:s30] =	ssyncadd.s32 $0xFFFFC000  }
0x2a6: {  	[spmem:s1] =	stream.indirect.scatter.add.f32 [tilespmem:s26], [sflag:$0x3], $0x80, s29, s25, $0xb8;
	[tilespmem:$0x1D100] =	vst v63  }
0x2a7: {  	_ =	swait.ge [sflag:s22], $0x4000  }
0x2a8: {  	[sflag:s22] =	ssyncset.done $0x0  }
0x2a9: {  	s2 =	simm.s32 $0x680;
	[sflag:s22] =	ssyncadd.s32 $0xFFFFC000  }
0x2aa: {  	[tilespmem:s26], [sflag:$0x2] =	stream.indirect.gather [hbm4b:s4+s25], $0x80, s2, s25, $0xb8;
	[tilespmem:$0x1D100] =	vst v63  }
0x2ab: {  	_ =	swait.ge [sflag:s28], $0x4000  }
0x2ac: {  	[sflag:s28] =	ssyncset.done $0x0  }
0x2ad: {  	s3 =	simm.s32 $0x1200;
	[sflag:s28] =	ssyncadd.s32 $0xFFFFC000  }
0x2ae: {  	[spmem:s1] =	stream.indirect.scatter.add.f32 [tilespmem:s24], [sflag:$0x3], $0x80, s3, s25, $0xb8;
	[tilespmem:$0x1D100] =	vst v63  }
0x2af: {  	_ =	swait.ge [sflag:s22], $0x4000  }
0x2b0: {  	[sflag:s22] =	ssyncset.done $0x0  }
0x2b1: {  	s5 =	simm.s32 $0x700;
	[sflag:s22] =	ssyncadd.s32 $0xFFFFC000  }
0x2b2: {  	[tilespmem:s24], [sflag:$0x1] =	stream.indirect.gather [hbm4b:s4+s25], $0x80, s5, s25, $0xb8;
	[tilespmem:$0x1D100] =	vst v63  }
0x2b3: {  	_ =	swait.ge [sflag:s30], $0x4000  }
0x2b4: {  	[sflag:s30] =	ssyncset.done $0x0  }
0x2b5: {  	s6 =	simm.s32 $0x1280;
	[sflag:s30] =	ssyncadd.s32 $0xFFFFC000  }
0x2b6: {  	[spmem:s1] =	stream.indirect.scatter.add.f32 [tilespmem:s26], [sflag:$0x3], $0x80, s6, s25, $0xb8;
	[tilespmem:$0x1D100] =	vst v63  }
0x2b7: {  	_ =	swait.ge [sflag:s22], $0x4000  }
0x2b8: {  	[sflag:s22] =	ssyncset.done $0x0  }
0x2b9: {  	s7 =	simm.s32 $0x780;
	[sflag:s22] =	ssyncadd.s32 $0xFFFFC000  }
0x2ba: {  	[tilespmem:s26], [sflag:$0x2] =	stream.indirect.gather [hbm4b:s4+s25], $0x80, s7, s25, $0xb8;
	[tilespmem:$0x1D100] =	vst v63  }
0x2bb: {  	_ =	swait.ge [sflag:s28], $0x4000  }
0x2bc: {  	[sflag:s28] =	ssyncset.done $0x0  }
0x2bd: {  	s8 =	simm.s32 $0x1300;
	[sflag:s28] =	ssyncadd.s32 $0xFFFFC000  }
0x2be: {  	[spmem:s1] =	stream.indirect.scatter.add.f32 [tilespmem:s24], [sflag:$0x3], $0x80, s8, s25, $0xb8;
	[tilespmem:$0x1D100] =	vst v63  }
0x2bf: {  	_ =	swait.ge [sflag:s22], $0x4000  }
0x2c0: {  	[sflag:s22] =	ssyncset.done $0x0  }
0x2c1: {  	s9 =	simm.s32 $0x800;
	[sflag:s22] =	ssyncadd.s32 $0xFFFFC000  }
0x2c2: {  	[tilespmem:s24], [sflag:$0x1] =	stream.indirect.gather [hbm4b:s4+s25], $0x80, s9, s25, $0xb8;
	[tilespmem:$0x1D100] =	vst v63  }
0x2c3: {  	_ =	swait.ge [sflag:s30], $0x4000  }
0x2c4: {  	[sflag:s30] =	ssyncset.done $0x0  }
0x2c5: {  	s10 =	simm.s32 $0x1380;
	[sflag:s30] =	ssyncadd.s32 $0xFFFFC000  }
0x2c6: {  	[spmem:s1] =	stream.indirect.scatter.add.f32 [tilespmem:s26], [sflag:$0x3], $0x80, s10, s25, $0xb8;
	[tilespmem:$0x1D100] =	vst v63  }
0x2c7: {  	_ =	swait.ge [sflag:s22], $0x4000  }
0x2c8: {  	[sflag:s22] =	ssyncset.done $0x0  }
0x2c9: {  	s11 =	simm.s32 $0x880;
	[sflag:s22] =	ssyncadd.s32 $0xFFFFC000  }
0x2ca: {  	[tilespmem:s26], [sflag:$0x2] =	stream.indirect.gather [hbm4b:s4+s25], $0x80, s11, s25, $0xb8;
	[tilespmem:$0x1D100] =	vst v63  }
0x2cb: {  	_ =	swait.ge [sflag:s28], $0x4000  }
0x2cc: {  	[sflag:s28] =	ssyncset.done $0x0  }
0x2cd: {  	s12 =	simm.s32 $0x1400;
	[sflag:s28] =	ssyncadd.s32 $0xFFFFC000  }
0x2ce: {  	[spmem:s1] =	stream.indirect.scatter.add.f32 [tilespmem:s24], [sflag:$0x3], $0x80, s12, s25, $0xb8;
	[tilespmem:$0x1D100] =	vst v63  }
0x2cf: {  	_ =	swait.ge [sflag:s22], $0x4000  }
0x2d0: {  	[sflag:s22] =	ssyncset.done $0x0  }
0x2d1: {  	s13 =	simm.s32 $0x900;
	[sflag:s22] =	ssyncadd.s32 $0xFFFFC000  }
0x2d2: {  	[tilespmem:s24], [sflag:$0x1] =	stream.indirect.gather [hbm4b:s4+s25], $0x80, s13, s25, $0xb8;
	[tilespmem:$0x1D100] =	vst v63  }
0x2d3: {  	_ =	swait.ge [sflag:s30], $0x4000  }
0x2d4: {  	[sflag:s30] =	ssyncset.done $0x0  }
0x2d5: {  	s14 =	simm.s32 $0x1480;
	[sflag:s30] =	ssyncadd.s32 $0xFFFFC000  }
0x2d6: {  	[spmem:s1] =	stream.indirect.scatter.add.f32 [tilespmem:s26], [sflag:$0x3], $0x80, s14, s25, $0xb8;
	[tilespmem:$0x1D100] =	vst v63  }
0x2d7: {  	_ =	swait.ge [sflag:s22], $0x4000  }
0x2d8: {  	[sflag:s22] =	ssyncset.done $0x0  }
0x2d9: {  	s15 =	simm.s32 $0x980;
	[sflag:s22] =	ssyncadd.s32 $0xFFFFC000  }
0x2da: {  	[tilespmem:s26], [sflag:$0x2] =	stream.indirect.gather [hbm4b:s4+s25], $0x80, s15, s25, $0xb8;
	[tilespmem:$0x1D100] =	vst v63  }
0x2db: {  	_ =	swait.ge [sflag:s28], $0x4000  }
0x2dc: {  	[sflag:s28] =	ssyncset.done $0x0  }
0x2dd: {  	s16 =	simm.s32 $0x1500;
	[sflag:s28] =	ssyncadd.s32 $0xFFFFC000  }
0x2de: {  	[spmem:s1] =	stream.indirect.scatter.add.f32 [tilespmem:s24], [sflag:$0x3], $0x80, s16, s25, $0xb8;
	[tilespmem:$0x1D100] =	vst v63  }
0x2df: {  	_ =	swait.ge [sflag:s22], $0x4000  }
0x2e0: {  	[sflag:s22] =	ssyncset.done $0x0  }
0x2e1: {  	[sflag:s22] =	ssyncadd.s32 $0xFFFFC000  }
0x2e2: {  	_ =	swait.ge [sflag:s30], $0x4000  }
0x2e3: {  	[sflag:s30] =	ssyncset.done $0x0  }
0x2e4: {  	s21 =	simm.s32 $0x1580;
	[sflag:s30] =	ssyncadd.s32 $0xFFFFC000  }
0x2e5: {  	[spmem:s1] =	stream.indirect.scatter.add.f32 [tilespmem:s26], [sflag:$0x3], $0x80, s21, s25, $0xb8;
	[tilespmem:$0x1D100] =	vst v63  }
0x2e6: {  	_ =	swait.ge [sflag:s22], $0x4000  }
0x2e7: {  	[sflag:s22] =	ssyncset.done $0x0  }
0x2e8: {  	[sflag:s22] =	ssyncadd.s32 $0xFFFFC000  }
0x2e9: {  	s17 =	stileid.u32;
	[bflag:$0x0] =	sbarrier.arrive $0xFFFF  }
0x2ea: {  	s12 =	sshll.u32 s17, $0x6;
	s18 =	rddreg [dreg:$0x14]  }
0x2eb: {  	s12 =	sor.u32 $0x1C03, s12;
	s23 =	rddreg [dreg:$0x11];
	s21 =	sshrl.u32 s18, $0x3  }
0x2ec: {  	[hbm:s23], [sflag:s12] =	dma.local [spmem:s21], $0x2700  }
0x2ed: {  	_ =	swait.ge [sflag:s22], $0x2700  }
0x2ee: {  	[sflag:s22] =	ssyncset.done $0x0;
	s0 =	rddreg [dreg:$0xa]  }
0x2ef: {  	[sflag:s22] =	ssyncadd.s32 $0xFFFFD900;
	s29 =	sshrl.u32 @!p0 s0, $0x3;
	s0 =	rddreg [dreg:$0x12]  }
0x2f0: {  	[hbm:s0], [sflag:s12] =	dma.local @!p0 [spmem:s29], $0x100  }
0x2f1: {  	s0 =	simm.s32 @!p0 $0x3  }
0x2f2: {  	_ =	swait.ge @!p0 [sflag:s0], $0x100  }
0x2f3: {  	s20 =	sadd.s32 $0x1, s20;
	s29 =	rddreg [dreg:$0x13]  }
0x2f4: {  	p1 =	sne.s32 s20, s29  }
.Ltmp1:
0x2f5: {  	_ = 	snop;
	(pc) =	sbr.rel @p1 .LBB2_1-.Ltmp1, $3  }
0x2f6: {  	_ =	sdelay $0x1  }
0x2f7: {  	s2 =	simm.s32 @!p0 $0x3;
	[sflag:s0] =	ssyncset.done @!p0 $0x0  }
0x2f8: {  	[sflag:s2] =	ssyncadd.s32 @!p0 $0xFFFFFF00  }
0x2f9: {  	_ =	sfence.sel $0x180000  }
0x2fa: {  	[bflag:$0x0] =	sbarrier.arrive $0xFFFF  }
0x2fb: {  	_ =	strace $0x9000004A  }
0x2fc: {  	s0 =	stileid.u32;
	[bflag:$0x2] =	sbarrier.arrive $0xFFFF  }
0x2fd: {  	p0 =	sne.s32 s0, $0x0;
	s0 =	rddreg [dreg:$0x3]  }
0x2fe: {  	s0 =	sadd.s32 @!p0 $0x100000, s0  }
0x2ff: {  	[sflag:s0] =	ssyncadd.tile.s32 @!p0 $0x1;
	_ =	shalt  }
.Lfunc_end2:
_tile_overlayer_lowered:
.L_overlay_start_2:
0x300: {  	(tag) =	ssettag $0x2  }
0x301: {  	s0 =	rddreg [dreg:$0x0];
	s2 =	stileid.u32  }
0x302: {  	s1 =	rddreg [dreg:$0x1];
	p0 =	sne.s32 s2, $0x0  }
0x303: {  	s3 =	rddreg [dreg:$0x2];
	[bflag:$0x3] =	sbarrier.arrive $0xFFFF;
	s2 =	simm.s32 @!p0 $0x1C03  }
0x304: {  	[timem:s3], [sflag:s2] =	dma.local @!p0 [hbm:s0], s1  }
0x305: {  	s0 =	simm.s32 @!p0 $0x3  }
0x306: {  	_ =	swait.ge @!p0 [sflag:s0], s1  }
0x307: {  	s1 =	ssub.s32 @!p0 $0x0, s1;
	[sflag:s0] =	ssyncset.done @!p0 $0x0  }
0x308: {  	[sflag:s0] =	ssyncadd.s32 @!p0 s1  }
0x309: {  	[bflag:$0x3] =	sbarrier.arrive $0xFFFF  }
0x30a: {  	_ =	shalt  }

// kernel: kernel.14.cloned.1.call-start
scs
__scs_entry_jumppad:
0x0: {  	(pc) =	sbr.rel $0x88, $3  }
0x1: {  	(tag) =	ssettag $0x0;
	lr =	simm.s32 $0x1  }
0x2: {  	[smem:$0x3F99] =	sst lr;
	_ =	strace $0xD0000000  }
0x3: {  	_ = 	snop  }
0x4: {  	_ = 	snop  }
0x5: {  	_ = 	snop  }
0x6: {  	_ = 	snop  }
0x7: {  	_ = 	snop  }
__scs_overlays_trampoline_lowered:
0x8: {  	[smem:$0x3FA8] =	sst s0  }
0x9: {  	[smem:$0x3FA9] =	sst s1  }
0xa: {  	[smem:$0x3FAA] =	sst s2  }
0xb: {  	[smem:$0x3FAB] =	sst s3  }
0xc: {  	[smem:$0x3FAC] =	sst s4  }
0xd: {  	[smem:$0x3FAD] =	sst s5  }
0xe: {  	[smem:$0x3FAE] =	sst s6  }
0xf: {  	[smem:$0x3FAF] =	sst s7  }
0x10: {  	[smem:$0x3FB0] =	sst s8  }
0x11: {  	[smem:$0x3FB1] =	sst s9;
	s0 =	simm.s32 @!p0 $0x0  }
0x12: {  	s1 =	sld [smem:$0x3F97];
	s0 =	simm.s32 @p0 $0x1  }
0x13: {  	[smem:$0x3FB2] =	sst s0;
	s0 =	simm.s32 @!p1 $0x0  }
0x14: {  	s2 =	sld [smem:$0x3F96];
	s0 =	simm.s32 @p1 $0x1  }
0x15: {  	[smem:$0x3FB3] =	sst s0;
	s0 =	simm.s32 @!p2 $0x0  }
0x16: {  	s3 =	sld [smem:$0x3FDB];
	s0 =	simm.s32 @p2 $0x1  }
0x17: {  	s4 =	simm.s32 $0x1BF5;
	[smem:$0x3FB5] =	sst s0  }
0x18: {  	s0 =	sld [smem:$0x3F98];
	_ =	swait.ge [sflag:s4], $0x0  }
0x19: {  	s7 =	sld [smem:$0x3F99]  }
0x1a: {  	s8 =	sadd.s32 $0xFFFFE003, lr  }
0x1b: {  	s9 =	sadd.s32 $0xFFFFFEF7, lr;
	s5 =	simm.s32 $0xFFFFFFFF;
	p2 =	slt.u32 s8, $0xFFFFF086  }
0x1c: {  	p1 =	slt.u32 s9, $0xF7A;
	s5 =	simm.s32 @!p2 $0x0  }
0x1d: {  	s5 =	simm.s32 @p1 $0x1;
	p0 =	seq.s32 s7, s2  }
0x1e: {  	s7 =	smul.u32 @!p0 $0xF7A, s2;
	p2 =	seq.s32 @!p0 s5, $0x0  }
0x1f: {  	s9 =	smul.u32 $0xF7A, s1;
	s8 =	simm.s32 @!p0 $0x1BF5;
	p2 =	por !p2, p0  }
0x20: {  	[sflag:s8] =	ssyncset.s32 @!p0 $0xFFFFF086;
	s6 =	sadd.s32 @!p0 s3, s7;
	s7 =	simm.s32 @!p0 $0x108  }
0x21: {  	s3 =	sadd.s32 s3, s9;
	s6 =	sadd.s32 @!p0 $0x88, s6;
	s7 =	simm.s32 @p2 $0x1082  }
0x22: {  	[simem:s7], [sflag:s8] =	dma.local @!p0 [hbm:s6], $0xF7A  }
0x23: {  	s9 =	sor.u32 $0xD0000000, s2;
	s6 =	simm.s32 $0x108;
	_ =	swait.ge @!p0 [sflag:s8], $0x0  }
0x24: {  	s3 =	sadd.s32 $0x88, s3;
	s6 =	simm.s32 @!p1 $0x1082;
	[sflag:s4] =	ssyncset.s32 $0xFFFFF086  }
0x25: {  	[simem:s6], [sflag:s4] =	dma.local [hbm:s3], $0xF7A  }
0x26: {  	[smem:$0x3F99] =	sst s1;
	(tag) =	ssettag s2;
	_ =	strace s9  }
0x27: {  	s1 =	sld [smem:$0x3FA9]  }
0x28: {  	s2 =	sld [smem:$0x3FAA]  }
0x29: {  	s4 =	sld [smem:$0x3FAC]  }
0x2a: {  	p0 =	seq.s32 s5, $0x0;
	s5 =	sld [smem:$0x3FAD]  }
0x2b: {  	s6 =	sld [smem:$0x3FAE]  }
0x2c: {  	s7 =	sld [smem:$0x3FAF]  }
0x2d: {  	s3 =	simm.s32 $0x108;
	s8 =	sld [smem:$0x3FB0]  }
0x2e: {  	s3 =	simm.s32 @!p0 $0x1082;
	s9 =	sld [smem:$0x3FB1]  }
0x2f: {  	lr =	sadd.s32 s0, s3;
	s0 =	sld [smem:$0x3FA8]  }
0x30: {  	s3 =	sld [smem:$0x3FAB]  }
0x31: {  	[smem:$0x3FB4] =	sst s10  }
0x32: {  	s10 =	sld [smem:$0x3FB2];
	_ =	sdelay $0x3  }
0x33: {  	p0 =	seq.s32 s10, $0x1;
	s10 =	sld [smem:$0x3FB4];
	_ =	sdelay $0x3  }
0x34: {  	[smem:$0x3FB4] =	sst s10  }
0x35: {  	s10 =	sld [smem:$0x3FB3];
	_ =	sdelay $0x3  }
0x36: {  	p1 =	seq.s32 s10, $0x1;
	s10 =	sld [smem:$0x3FB4];
	_ =	sdelay $0x3  }
0x37: {  	[smem:$0x3FB4] =	sst s10  }
0x38: {  	s10 =	sld [smem:$0x3FB5]  }
0x39: {  	_ = 	snop;
	(pc) =	sbr.ind lr, $3  }
0x3a: {  	_ = 	snop  }
0x3b: {  	_ = 	snop  }
0x3c: {  	p2 =	seq.s32 s10, $0x1;
	s10 =	sld [smem:$0x3FB4]  }
0x3d: {  	_ =	shalt  }
0x3e: {  	_ =	shalt  }
0x3f: {  	_ =	shalt  }
0x40: {  	_ =	shalt  }
0x41: {  	_ =	shalt  }
0x42: {  	_ =	shalt  }
0x43: {  	_ =	shalt  }
0x44: {  	_ =	shalt  }
0x45: {  	_ =	shalt  }
0x46: {  	_ =	shalt  }
0x47: {  	_ =	shalt  }
0x48: {  	_ =	shalt  }
0x49: {  	_ =	shalt  }
0x4a: {  	_ =	shalt  }
0x4b: {  	_ =	shalt  }
0x4c: {  	_ =	shalt  }
0x4d: {  	_ =	shalt  }
0x4e: {  	_ =	shalt  }
0x4f: {  	_ =	shalt  }
0x50: {  	_ =	shalt  }
0x51: {  	_ =	shalt  }
0x52: {  	_ =	shalt  }
0x53: {  	_ =	shalt  }
0x54: {  	_ =	shalt  }
0x55: {  	_ =	shalt  }
0x56: {  	_ =	shalt  }
0x57: {  	_ =	shalt  }
0x58: {  	_ =	shalt  }
0x59: {  	_ =	shalt  }
0x5a: {  	_ =	shalt  }
0x5b: {  	_ =	shalt  }
0x5c: {  	_ =	shalt  }
0x5d: {  	_ =	shalt  }
0x5e: {  	_ =	shalt  }
0x5f: {  	_ =	shalt  }
0x60: {  	_ =	shalt  }
0x61: {  	_ =	shalt  }
0x62: {  	_ =	shalt  }
0x63: {  	_ =	shalt  }
0x64: {  	_ =	shalt  }
0x65: {  	_ =	shalt  }
0x66: {  	_ =	shalt  }
0x67: {  	_ =	shalt  }
0x68: {  	_ =	shalt  }
0x69: {  	_ =	shalt  }
0x6a: {  	_ =	shalt  }
0x6b: {  	_ =	shalt  }
0x6c: {  	_ =	shalt  }
0x6d: {  	_ =	shalt  }
0x6e: {  	_ =	shalt  }
0x6f: {  	_ =	shalt  }
0x70: {  	_ =	shalt  }
0x71: {  	_ =	shalt  }
0x72: {  	_ =	shalt  }
0x73: {  	_ =	shalt  }
0x74: {  	_ =	shalt  }
0x75: {  	_ =	shalt  }
0x76: {  	_ =	shalt  }
0x77: {  	_ =	shalt  }
0x78: {  	_ =	shalt  }
0x79: {  	_ =	shalt  }
0x7a: {  	_ =	shalt  }
0x7b: {  	_ =	shalt  }
0x7c: {  	_ =	shalt  }
0x7d: {  	_ =	shalt  }
0x7e: {  	_ =	shalt  }
0x7f: {  	_ =	shalt  }
0x80: {  	_ =	shalt  }
0x81: {  	_ =	shalt  }
0x82: {  	_ =	shalt  }
0x83: {  	_ =	shalt  }
0x84: {  	_ =	shalt  }
0x85: {  	_ =	shalt  }
0x86: {  	_ =	shalt  }
0x87: {  	_ =	shalt  }
.Lfunc_end0:
.L_simem_size_0:
called_computation.2_lowered:
.L_overlay_start_0:
0x88: {  	s2 =	sld [smem:$0x3FD9]  }
0x89: {  	s3 =	sld [smem:$0x3FFE];
	_ =	sdelay $0x1  }
0x8a: {  	s1 =	srdreg.scid  }
0x8b: {  	s0 =	sand.u32 $0x1, s1  }
0x8c: {  	s17 =	sshll.u32 s0, $0xA;
	s2 =	sadd.s32 s3, s2  }
0x8d: {  	s2 =	sadd.s32 s2, s17  }
0x8e: {  	[smem:$0x3FC0] =	sst s2  }
0x8f: {  	_ = 	snop  }
0x90: {  	s2 =	sld [smem:$0x3FD0];
	(tm) =	ssettm $0x1  }
0x91: {  	s18 =	sld [smem:$0x3FFB];
	_ =	sdelay $0x3  }
0x92: {  	_ =	strace s18  }
0x93: {  	s3 =	sld [smem:$0x3FFC];
	_ =	sdelay $0x3  }
0x94: {  	_ =	strace s3  }
0x95: {  	s3 =	sld [smem:$0x3FFD];
	_ =	sdelay $0x3  }
0x96: {  	_ =	strace s3  }
0x97: {  	_ =	strace $0x8FFFFFFF  }
0x98: {  	s19 =	sld [smem:$0x3FDB];
	_ =	sdelay $0x1  }
0x99: {  	s4 =	simm.s32 $_scs_section_size  }
0x9a: {  	s5 =	simm.s32 $_size__tile_overlayer_lowered;
	s6 =	simm.s32 $_tile_overlayer_lowered  }
0x9b: {  	s22 =	simm.s32 $0x1BFF;
	s21 =	sshll.u32 s6, $0x1;
	s3 =	sadd.s32 s4, s19  }
0x9c: {  	s7 =	simm.s32 $0x0;
	s20 =	sshll.u32 s5, $0x1;
	s5 =	sadd.s32 s21, s3  }
0x9d: {  	[timem:s7], [sflag:s22] =	dma.local [hbm:s5], s20  }
0x9e: {  	_ =	swait.ge [sflag:s22], s20  }
0x9f: {  	s4 =	ssub.s32 $0x0, s20;
	[sflag:s22] =	ssyncset.done $0x0  }
0xa0: {  	[sflag:s22] =	ssyncadd.s32 s4;
	_ =	sdelay $0x1  }
0xa1: {  	s23 =	simm.s32 $0x1B8B  }
0xa2: {  	_ =	swait.ge [sflag:s23], $0x1  }
0xa3: {  	[sflag:s23] =	ssyncset.done $0x0  }
0xa4: {  	s25 =	simm.s32 $0x1B8E;
	s24 =	sld [smem:$0x3FFE];
	[sflag:s23] =	ssyncadd.s32 $0xFFFFFFFF  }
0xa5: {  	s26 =	simm.s32 $execute0_lowered;
	[smem:$0x3FD2] =	sst s25  }
0xa6: {  	s5 =	sshll.u32 s26, $0x1;
	_ =	strace $0x8000004C;
	[dreg:$0x1] =	wrdreg $0xFFFFFFFF  }
0xa7: {  	s28 =	simm.s32 $_size_execute0_lowered;
	s3 =	sadd.s32 s3, s5;
	[dreg:$0x0] =	wrdreg $0x0  }
0xa8: {  	s5 =	sshll.u32 s28, $0x1;
	[dreg:$0x2] =	wrdreg s3  }
0xa9: {  	[dreg:$0x3] =	wrdreg s5  }
0xaa: {  	[dreg:$0x4] =	wrdreg $0xC0  }
0xab: {  	_ =	task [dreg:s7], $0x5FFFF  }
0xac: {  	[dreg:$0x1] =	wrdreg $0xFFFFFFFF  }
0xad: {  	[dreg:$0x0] =	wrdreg $0x60  }
0xae: {  	[dreg:$0x2] =	wrdreg s24  }
0xaf: {  	[dreg:$0x3] =	wrdreg s2  }
0xb0: {  	[dreg:$0x4] =	wrdreg $0x98000  }
0xb1: {  	[dreg:$0x5] =	wrdreg $0x9  }
0xb2: {  	_ =	task.clear_ibuf [dreg:s7], $0x6FFFF;
	_ =	strace $0x9000004C  }
0xb3: {  	s29 =	simm.s32 $0x9;
	_ =	strace $0x8000004E  }
0xb4: {  	_ =	swait.ge [sflag:s29], $0x1  }
0xb5: {  	[sflag:s29] =	ssyncadd.s32 $0xFFFFFFFF  }
0xb6: {  	_ =	strace $0x9000004E  }
0xb7: {  	_ =	sfence  }
0xb8: {  	s30 =	sld [smem:$0x0];
	_ =	sdelay $0x2  }
0xb9: {  	s31 =	sshll.u32 s1, $0xD;
	s1 =	sshrl.u32 s1, $0x2  }
0xba: {  	s3 =	sand.u32 $0x4000, s31;
	s1 =	sadd.s32 s1, s30  }
0xbb: {  	s0 =	sor.u32 s3, s0;
	s1 =	sshll.u32 s1, $0x11  }
0xbc: {  	s0 =	sor.u32 s1, s0  }
0xbd: {  	s0 =	sadd.s32 $0x8F2B, s0  }
0xbe: {  	[sflag:s0] =	ssyncadd.remote.s32 $0x1  }
0xbf: {  	_ =	sfence.sel $0xFFFF  }
0xc0: {  	[dreg:$0x0] =	wrdreg $0xFFFFFFFF;
	(pc) =	sbr.abs _section_cstart, $3  }
0xc1: {  	[dreg:$0x1] =	wrdreg $0xFFFFFFFF  }
0xc2: {  	_ =	task.clear_ibuf [dreg:s7], $0x2FFFF;
	_ =	strace $0x9FFFFFFF  }
0xc3: {  	(tm) =	ssettm $0x7FFFFFFF  }
tec
execute0_lowered:
.L_overlay_start_1:
0x0: {  	(tag) =	ssettag $0x1  }
0x1: {  	s0 =	rddreg [dreg:$0x0]  }
0x2: {  	s2 =	rddreg [dreg:$0x1]  }
0x3: {  	s1 =	rddreg [dreg:$0x2];
	s3 =	srdreg.scid  }
0x4: {  	s19 =	simm.s32 $0x0;
	s9 =	stileid.u32;
	s31 =	simm.s32 $0xC00  }
0x5: {  	s28 =	simm.s32 $0x1;
	s30 =	simm.s32 $0x2;
	s3 =	sand.u32 $0x1, s3  }
0x6: {  	[smem:$0x7FF] =	sst s19;
	s8 =	smul.u32 $0x4E000, s9;
	s5 =	sadd.s32 $0x5A600, s0  }
0x7: {  	s20 =	sadd.s32 $0x138000, s1;
	p0 =	sne.s32 s9, $0xF;
	s4 =	sshll.u32 s3, $0x4  }
0x8: {  	_ =	strace $0x8000004D;
	s7 =	ssub.s32 $0x2, s3;
	[dreg:$0xa] =	wrdreg s20  }
0x9: {  	s3 =	smul.u32 $0x138800, s3;
	s10 =	sshrl.u32 s7, $0x1;
	s12 =	sshrl.u32 s8, $0x2  }
0xa: {  	s20 =	simm.s32 $0x0;
	s10 =	ssub.s32 s7, s10;
	s7 =	sadd.s32 s12, s1  }
0xb: {  	s4 =	sor.u32 s9, s4;
	s15 =	sadd.s32 $0x4000, s7;
	[dreg:$0x14] =	wrdreg s7  }
0xc: {  	s6 =	smul.u32 $0x3000, s4;
	s16 =	sadd.s32 $0x8000, s7;
	[dreg:$0x6] =	wrdreg s15  }
0xd: {  	s4 =	sadd.s32 $0x2400, s0;
	s17 =	sadd.s32 $0xC000, s7;
	[dreg:$0x7] =	wrdreg s16  }
0xe: {  	s0 =	sadd.s32 $0x66600, s0;
	s18 =	sadd.s32 $0x10000, s7;
	[dreg:$0x8] =	wrdreg s17  }
0xf: {  	s29 =	smax.u32 s10, $0x1;
	s6 =	sshrl.u32 s6, $0x3;
	[dreg:$0x9] =	wrdreg s18  }
0x10: {  	s12 =	smul.u32 $0x13800, s9;
	[dreg:$0x13] =	wrdreg s29;
	s13 =	sadd.s32 s2, s6  }
0x11: {  	s14 =	sadd.s32 s5, s6;
	s21 =	sor.u32 $0x180, s6;
	[dreg:$0x4] =	wrdreg s13  }
0x12: {  	s25 =	sadd.s32 s12, s3;
	[dreg:$0x5] =	wrdreg s14;
	s14 =	sadd.s32 s2, s21  }
0x13: {  	s22 =	sadd.s32 $0x300, s6;
	s8 =	sadd.s32 s5, s21;
	[dreg:$0xb] =	wrdreg s14  }
0x14: {  	s3 =	sshrl.u32 s3, $0x3;
	s23 =	sadd.s32 s2, s22;
	[dreg:$0xc] =	wrdreg s8  }
0x15: {  	s6 =	sadd.s32 $0x480, s6;
	s24 =	sadd.s32 s5, s22;
	[dreg:$0xd] =	wrdreg s23  }
0x16: {  	s26 =	sshrl.u32 s25, $0x3;
	s2 =	sadd.s32 s2, s6;
	[dreg:$0xe] =	wrdreg s24  }
0x17: {  	s25 =	simm.s32 $0x80;
	s6 =	sadd.s32 s5, s6;
	[dreg:$0xf] =	wrdreg s2  }
0x18: {  	[dreg:$0x10] =	wrdreg s6;
	s2 =	sadd.s32 s0, s26;
	s0 =	sadd.s32 s0, s3  }
0x19: {  	s22 =	simm.s32 $0x3;
	[dreg:$0x11] =	wrdreg s2;
	s0 =	sadd.s32 $0x27000, s0  }
0x1a: {  	v0 =	vimm.f32 $0.0e+00;
	s24 =	simm.s32 $0x1800;
	s26 =	simm.s32 $0x5800;
	[dreg:$0x12] =	wrdreg s0  }
.LBB2_1:
0x1b: {  	s12 =	rddreg [dreg:$0x4]  }
0x1c: {  	[tilespmem:s19], [sflag:$0x3] =	stream.linear.gather [hbm4b:s12+s19], $0xA00, $0x38;
	[tilespmem:$0x1D100] =	vst v63  }
0x1d: {  	_ =	swait.ge [sflag:s22], $0xA00  }
0x1e: {  	[sflag:s22] =	ssyncset.done $0x0  }
0x1f: {  	s29 =	rddreg [dreg:$0x5];
	[sflag:s22] =	ssyncadd.s32 $0xFFFFF600  }
0x20: {  	[tilespmem:s31], [sflag:$0x3] =	stream.linear.gather [hbm4b:s29+s19], $0xA00, $0x38;
	[tilespmem:$0x1D100] =	vst v63  }
0x21: {  	_ =	swait.ge [sflag:s22], $0xA00  }
0x22: {  	[sflag:s22] =	ssyncset.done $0x0  }
0x23: {  	s21 =	simm.s32 $0x0;
	s12 =	simm.s32 $0x200;
	[sflag:s22] =	ssyncadd.s32 $0xFFFFF600  }
.LBB2_2:
0x24: {  	p1 =	sne.s32 s12, $0xFE00;
	[tilespmem:s21+$0x1870] =	vst v0  }
0x25: {  	[tilespmem:s21+$0x1800] =	vst v0  }
0x26: {  	[tilespmem:s21+$0x1810] =	vst v0  }
.Ltmp0:
0x27: {  	[tilespmem:s21+$0x1820] =	vst v0;
	(pc) =	sbr.rel @p1 .LBB2_2-.Ltmp0, $4  }
0x28: {  	[tilespmem:s21+$0x1830] =	vst v0  }
0x29: {  	[tilespmem:s21+$0x1840] =	vst v0  }
0x2a: {  	[tilespmem:s21+$0x1850] =	vst v0  }
0x2b: {  	[tilespmem:s21+$0x1860] =	vst v0;
	s21 =	sshra.s32 s12, $0x2;
	s12 =	sadd.s32 $0x200, s12  }
0x2c: {  	[tilespmem:s21+$0x1870] =	vst v0  }
0x2d: {  	[tilespmem:s21+$0x1800] =	vst v0  }
0x2e: {  	[tilespmem:s21+$0x1810] =	vst v0  }
0x2f: {  	[tilespmem:s21+$0x1820] =	vst v0  }
0x30: {  	[tilespmem:s21+$0x1830] =	vst v0  }
0x31: {  	[tilespmem:s21+$0x1840] =	vst v0  }
0x32: {  	[tilespmem:s21+$0x1850] =	vst v0  }
0x33: {  	[tilespmem:s21+$0x1860] =	vst v0;
	s0 =	rddreg [dreg:$0x14]  }
0x34: {  	[spmem:s0] =	stream.linear.scatter [tilespmem:s24], [sflag:$0x3], $0x4000, $0x38;
	[tilespmem:$0x1D100] =	vst v63  }
0x35: {  	_ =	swait.ge [sflag:s22], $0x4000  }
0x36: {  	[sflag:s22] =	ssyncset.done $0x0  }
0x37: {  	s12 =	rddreg [dreg:$0x6];
	[sflag:s22] =	ssyncadd.s32 $0xFFFFC000  }
0x38: {  	[spmem:s12] =	stream.linear.scatter [tilespmem:s24], [sflag:$0x3], $0x4000, $0x38;
	[tilespmem:$0x1D100] =	vst v63  }
0x39: {  	_ =	swait.ge [sflag:s22], $0x4000  }
0x3a: {  	[sflag:s22] =	ssyncset.done $0x0  }
0x3b: {  	s7 =	rddreg [dreg:$0x7];
	[sflag:s22] =	ssyncadd.s32 $0xFFFFC000  }
0x3c: {  	[spmem:s7] =	stream.linear.scatter [tilespmem:s24], [sflag:$0x3], $0x4000, $0x38;
	[tilespmem:$0x1D100] =	vst v63  }
0x3d: {  	_ =	swait.ge [sflag:s22], $0x4000  }
0x3e: {  	[sflag:s22] =	ssyncset.done $0x0  }
0x3f: {  	s8 =	rddreg [dreg:$0x8];
	[sflag:s22] =	ssyncadd.s32 $0xFFFFC000  }
0x40: {  	[spmem:s8] =	stream.linear.scatter [tilespmem:s24], [sflag:$0x3], $0x4000, $0x38;
	[tilespmem:$0x1D100] =	vst v63  }
0x41: {  	_ =	swait.ge [sflag:s22], $0x4000  }
0x42: {  	[sflag:s22] =	ssyncset.done $0x0  }
0x43: {  	s9 =	rddreg [dreg:$0x9];
	[sflag:s22] =	ssyncadd.s32 $0xFFFFC000  }
0x44: {  	[spmem:s9] =	stream.linear.scatter [tilespmem:s24], [sflag:$0x3], $0x3800, $0x38;
	[tilespmem:$0x1D100] =	vst v63  }
0x45: {  	_ =	swait.ge [sflag:s22], $0x3800  }
0x46: {  	[sflag:s22] =	ssyncset.done $0x0  }
0x47: {  	s12 =	simm.s32 @!p0 $0x1800;
	s0 =	rddreg [dreg:$0xa];
	[sflag:s22] =	ssyncadd.s32 $0xFFFFC800  }
0x48: {  	[spmem:s0] =	stream.linear.scatter @!p0 [tilespmem:s12], [sflag:$0x3], $0x800, $0x38;
	[tilespmem:$0x1D100] =	vst v63  }
0x49: {  	s0 =	simm.s32 @!p0 $0x3  }
0x4a: {  	_ =	swait.ge @!p0 [sflag:s0], $0x800  }
0x4b: {  	[sflag:s0] =	ssyncset.done @!p0 $0x0  }
0x4c: {  	[sflag:s0] =	ssyncadd.s32 @!p0 $0xFFFFF800  }
0x4d: {  	[tilespmem:s24], [sflag:$0x1] =	stream.indirect.gather [hbm4b:s4+s25], $0x80, s19, s25, $0xb8;
	[tilespmem:$0x1D100] =	vst v63  }
0x4e: {  	[bflag:$0x0] =	sbarrier.arrive $0xFFFF  }
0x4f: {  	[tilespmem:s26], [sflag:$0x2] =	stream.indirect.gather [hbm4b:s4+s25], $0x80, s25, s25, $0xb8;
	[tilespmem:$0x1D100] =	vst v63  }
0x50: {  	_ =	swait.ge [sflag:s28], $0x4000  }
0x51: {  	[sflag:s28] =	ssyncset.done $0x0  }
0x52: {  	[sflag:s28] =	ssyncadd.s32 $0xFFFFC000  }
0x53: {  	[spmem:s1] =	stream.indirect.scatter.add.f32 [tilespmem:s24], [sflag:$0x3], $0x80, s31, s25, $0xb8;
	[tilespmem:$0x1D100] =	vst v63  }
0x54: {  	_ =	swait.ge [sflag:s22], $0x4000  }
0x55: {  	[sflag:s22] =	ssyncset.done $0x0  }
0x56: {  	s10 =	simm.s32 $0x100;
	[sflag:s22] =	ssyncadd.s32 $0xFFFFC000  }
0x57: {  	[tilespmem:s24], [sflag:$0x1] =	stream.indirect.gather [hbm4b:s4+s25], $0x80, s10, s25, $0xb8;
	[tilespmem:$0x1D100] =	vst v63  }
0x58: {  	_ =	swait.ge [sflag:s30], $0x4000  }
0x59: {  	[sflag:s30] =	ssyncset.done $0x0  }
0x5a: {  	s11 =	simm.s32 $0xC80;
	[sflag:s30] =	ssyncadd.s32 $0xFFFFC000  }
0x5b: {  	[spmem:s1] =	stream.indirect.scatter.add.f32 [tilespmem:s26], [sflag:$0x3], $0x80, s11, s25, $0xb8;
	[tilespmem:$0x1D100] =	vst v63  }
0x5c: {  	_ =	swait.ge [sflag:s22], $0x4000  }
0x5d: {  	[sflag:s22] =	ssyncset.done $0x0  }
0x5e: {  	s12 =	simm.s32 $0x180;
	[sflag:s22] =	ssyncadd.s32 $0xFFFFC000  }
0x5f: {  	[tilespmem:s26], [sflag:$0x2] =	stream.indirect.gather [hbm4b:s4+s25], $0x80, s12, s25, $0xb8;
	[tilespmem:$0x1D100] =	vst v63  }
0x60: {  	_ =	swait.ge [sflag:s28], $0x4000  }
0x61: {  	[sflag:s28] =	ssyncset.done $0x0  }
0x62: {  	s13 =	simm.s32 $0xD00;
	[sflag:s28] =	ssyncadd.s32 $0xFFFFC000  }
0x63: {  	[spmem:s1] =	stream.indirect.scatter.add.f32 [tilespmem:s24], [sflag:$0x3], $0x80, s13, s25, $0xb8;
	[tilespmem:$0x1D100] =	vst v63  }
0x64: {  	_ =	swait.ge [sflag:s22], $0x4000  }
0x65: {  	[sflag:s22] =	ssyncset.done $0x0  }
0x66: {  	s14 =	simm.s32 $0x200;
	[sflag:s22] =	ssyncadd.s32 $0xFFFFC000  }
0x67: {  	[tilespmem:s24], [sflag:$0x1] =	stream.indirect.gather [hbm4b:s4+s25], $0x80, s14, s25, $0xb8;
	[tilespmem:$0x1D100] =	vst v63  }
0x68: {  	_ =	swait.ge [sflag:s30], $0x4000  }
0x69: {  	[sflag:s30] =	ssyncset.done $0x0  }
0x6a: {  	s15 =	simm.s32 $0xD80;
	[sflag:s30] =	ssyncadd.s32 $0xFFFFC000  }
0x6b: {  	[spmem:s1] =	stream.indirect.scatter.add.f32 [tilespmem:s26], [sflag:$0x3], $0x80, s15, s25, $0xb8;
	[tilespmem:$0x1D100] =	vst v63  }
0x6c: {  	_ =	swait.ge [sflag:s22], $0x4000  }
0x6d: {  	[sflag:s22] =	ssyncset.done $0x0  }
0x6e: {  	s16 =	simm.s32 $0x280;
	[sflag:s22] =	ssyncadd.s32 $0xFFFFC000  }
0x6f: {  	[tilespmem:s26], [sflag:$0x2] =	stream.indirect.gather [hbm4b:s4+s25], $0x80, s16, s25, $0xb8;
	[tilespmem:$0x1D100] =	vst v63  }
0x70: {  	_ =	swait.ge [sflag:s28], $0x4000  }
0x71: {  	[sflag:s28] =	ssyncset.done $0x0  }
0x72: {  	s17 =	simm.s32 $0xE00;
	[sflag:s28] =	ssyncadd.s32 $0xFFFFC000  }
0x73: {  	[spmem:s1] =	stream.indirect.scatter.add.f32 [tilespmem:s24], [sflag:$0x3], $0x80, s17, s25, $0xb8;
	[tilespmem:$0x1D100] =	vst v63  }
0x74: {  	_ =	swait.ge [sflag:s22], $0x4000  }
0x75: {  	[sflag:s22] =	ssyncset.done $0x0  }
0x76: {  	s18 =	simm.s32 $0x300;
	[sflag:s22] =	ssyncadd.s32 $0xFFFFC000  }
0x77: {  	[tilespmem:s24], [sflag:$0x1] =	stream.indirect.gather [hbm4b:s4+s25], $0x80, s18, s25, $0xb8;
	[tilespmem:$0x1D100] =	vst v63  }
0x78: {  	_ =	swait.ge [sflag:s30], $0x4000  }
0x79: {  	[sflag:s30] =	ssyncset.done $0x0  }
0x7a: {  	s21 =	simm.s32 $0xE80;
	[sflag:s30] =	ssyncadd.s32 $0xFFFFC000  }
0x7b: {  	[spmem:s1] =	stream.indirect.scatter.add.f32 [tilespmem:s26], [sflag:$0x3], $0x80, s21, s25, $0xb8;
	[tilespmem:$0x1D100] =	vst v63  }
0x7c: {  	_ =	swait.ge [sflag:s22], $0x4000  }
0x7d: {  	[sflag:s22] =	ssyncset.done $0x0  }
0x7e: {  	s23 =	simm.s32 $0x380;
	[sflag:s22] =	ssyncadd.s32 $0xFFFFC000  }
0x7f: {  	[tilespmem:s26], [sflag:$0x2] =	stream.indirect.gather [hbm4b:s4+s25], $0x80, s23, s25, $0xb8;
	[tilespmem:$0x1D100] =	vst v63  }
0x80: {  	_ =	swait.ge [sflag:s28], $0x4000  }
0x81: {  	[sflag:s28] =	ssyncset.done $0x0  }
0x82: {  	s29 =	simm.s32 $0xF00;
	[sflag:s28] =	ssyncadd.s32 $0xFFFFC000  }
0x83: {  	[spmem:s1] =	stream.indirect.scatter.add.f32 [tilespmem:s24], [sflag:$0x3], $0x80, s29, s25, $0xb8;
	[tilespmem:$0x1D100] =	vst v63  }
0x84: {  	_ =	swait.ge [sflag:s22], $0x4000  }
0x85: {  	[sflag:s22] =	ssyncset.done $0x0  }
0x86: {  	s5 =	simm.s32 $0x400;
	[sflag:s22] =	ssyncadd.s32 $0xFFFFC000  }
0x87: {  	[tilespmem:s24], [sflag:$0x1] =	stream.indirect.gather [hbm4b:s4+s25], $0x80, s5, s25, $0xb8;
	[tilespmem:$0x1D100] =	vst v63  }
0x88: {  	_ =	swait.ge [sflag:s30], $0x4000  }
0x89: {  	[sflag:s30] =	ssyncset.done $0x0  }
0x8a: {  	s6 =	simm.s32 $0xF80;
	[sflag:s30] =	ssyncadd.s32 $0xFFFFC000  }
0x8b: {  	[spmem:s1] =	stream.indirect.scatter.add.f32 [tilespmem:s26], [sflag:$0x3], $0x80, s6, s25, $0xb8;
	[tilespmem:$0x1D100] =	vst v63  }
0x8c: {  	_ =	swait.ge [sflag:s22], $0x4000  }
0x8d: {  	[sflag:s22] =	ssyncset.done $0x0  }
0x8e: {  	s7 =	simm.s32 $0x480;
	[sflag:s22] =	ssyncadd.s32 $0xFFFFC000  }
0x8f: {  	[tilespmem:s26], [sflag:$0x2] =	stream.indirect.gather [hbm4b:s4+s25], $0x80, s7, s25, $0xb8;
	[tilespmem:$0x1D100] =	vst v63  }
0x90: {  	_ =	swait.ge [sflag:s28], $0x4000  }
0x91: {  	[sflag:s28] =	ssyncset.done $0x0  }
0x92: {  	s8 =	simm.s32 $0x1000;
	[sflag:s28] =	ssyncadd.s32 $0xFFFFC000  }
0x93: {  	[spmem:s1] =	stream.indirect.scatter.add.f32 [tilespmem:s24], [sflag:$0x3], $0x80, s8, s25, $0xb8;
	[tilespmem:$0x1D100] =	vst v63  }
0x94: {  	_ =	swait.ge [sflag:s22], $0x4000  }
0x95: {  	[sflag:s22] =	ssyncset.done $0x0  }
0x96: {  	s9 =	simm.s32 $0x500;
	[sflag:s22] =	ssyncadd.s32 $0xFFFFC000  }
0x97: {  	[tilespmem:s24], [sflag:$0x1] =	stream.indirect.gather [hbm4b:s4+s25], $0x80, s9, s25, $0xb8;
	[tilespmem:$0x1D100] =	vst v63  }
0x98: {  	_ =	swait.ge [sflag:s30], $0x4000  }
0x99: {  	[sflag:s30] =	ssyncset.done $0x0  }
0x9a: {  	s10 =	simm.s32 $0x1080;
	[sflag:s30] =	ssyncadd.s32 $0xFFFFC000  }
0x9b: {  	[spmem:s1] =	stream.indirect.scatter.add.f32 [tilespmem:s26], [sflag:$0x3], $0x80, s10, s25, $0xb8;
	[tilespmem:$0x1D100] =	vst v63  }
0x9c: {  	_ =	swait.ge [sflag:s22], $0x4000  }
0x9d: {  	[sflag:s22] =	ssyncset.done $0x0  }
0x9e: {  	s11 =	simm.s32 $0x580;
	[sflag:s22] =	ssyncadd.s32 $0xFFFFC000  }
0x9f: {  	[tilespmem:s26], [sflag:$0x2] =	stream.indirect.gather [hbm4b:s4+s25], $0x80, s11, s25, $0xb8;
	[tilespmem:$0x1D100] =	vst v63  }
0xa0: {  	_ =	swait.ge [sflag:s28], $0x4000  }
0xa1: {  	[sflag:s28] =	ssyncset.done $0x0  }
0xa2: {  	s13 =	simm.s32 $0x1100;
	[sflag:s28] =	ssyncadd.s32 $0xFFFFC000  }
0xa3: {  	[spmem:s1] =	stream.indirect.scatter.add.f32 [tilespmem:s24], [sflag:$0x3], $0x80, s13, s25, $0xb8;
	[tilespmem:$0x1D100] =	vst v63  }
0xa4: {  	_ =	swait.ge [sflag:s22], $0x4000  }
0xa5: {  	[sflag:s22] =	ssyncset.done $0x0  }
0xa6: {  	s14 =	simm.s32 $0x600;
	[sflag:s22] =	ssyncadd.s32 $0xFFFFC000  }
0xa7: {  	[tilespmem:s24], [sflag:$0x1] =	stream.indirect.gather [hbm4b:s4+s25], $0x80, s14, s25, $0xb8;
	[tilespmem:$0x1D100] =	vst v63  }
0xa8: {  	_ =	swait.ge [sflag:s30], $0x4000  }
0xa9: {  	[sflag:s30] =	ssyncset.done $0x0  }
0xaa: {  	s15 =	simm.s32 $0x1180;
	[sflag:s30] =	ssyncadd.s32 $0xFFFFC000  }
0xab: {  	[spmem:s1] =	stream.indirect.scatter.add.f32 [tilespmem:s26], [sflag:$0x3], $0x80, s15, s25, $0xb8;
	[tilespmem:$0x1D100] =	vst v63  }
0xac: {  	_ =	swait.ge [sflag:s22], $0x4000  }
0xad: {  	[sflag:s22] =	ssyncset.done $0x0  }
0xae: {  	s16 =	simm.s32 $0x680;
	[sflag:s22] =	ssyncadd.s32 $0xFFFFC000  }
0xaf: {  	[tilespmem:s26], [sflag:$0x2] =	stream.indirect.gather [hbm4b:s4+s25], $0x80, s16, s25, $0xb8;
	[tilespmem:$0x1D100] =	vst v63  }
0xb0: {  	_ =	swait.ge [sflag:s28], $0x4000  }
0xb1: {  	[sflag:s28] =	ssyncset.done $0x0  }
0xb2: {  	s17 =	simm.s32 $0x1200;
	[sflag:s28] =	ssyncadd.s32 $0xFFFFC000  }
0xb3: {  	[spmem:s1] =	stream.indirect.scatter.add.f32 [tilespmem:s24], [sflag:$0x3], $0x80, s17, s25, $0xb8;
	[tilespmem:$0x1D100] =	vst v63  }
0xb4: {  	_ =	swait.ge [sflag:s22], $0x4000  }
0xb5: {  	[sflag:s22] =	ssyncset.done $0x0  }
0xb6: {  	s18 =	simm.s32 $0x700;
	[sflag:s22] =	ssyncadd.s32 $0xFFFFC000  }
0xb7: {  	[tilespmem:s24], [sflag:$0x1] =	stream.indirect.gather [hbm4b:s4+s25], $0x80, s18, s25, $0xb8;
	[tilespmem:$0x1D100] =	vst v63  }
0xb8: {  	_ =	swait.ge [sflag:s30], $0x4000  }
0xb9: {  	[sflag:s30] =	ssyncset.done $0x0  }
0xba: {  	s23 =	simm.s32 $0x1280;
	[sflag:s30] =	ssyncadd.s32 $0xFFFFC000  }
0xbb: {  	[spmem:s1] =	stream.indirect.scatter.add.f32 [tilespmem:s26], [sflag:$0x3], $0x80, s23, s25, $0xb8;
	[tilespmem:$0x1D100] =	vst v63  }
0xbc: {  	_ =	swait.ge [sflag:s22], $0x4000  }
0xbd: {  	[sflag:s22] =	ssyncset.done $0x0  }
0xbe: {  	s0 =	simm.s32 $0x780;
	[sflag:s22] =	ssyncadd.s32 $0xFFFFC000  }
0xbf: {  	[tilespmem:s26], [sflag:$0x2] =	stream.indirect.gather [hbm4b:s4+s25], $0x80, s0, s25, $0xb8;
	[tilespmem:$0x1D100] =	vst v63  }
0xc0: {  	_ =	swait.ge [sflag:s28], $0x4000  }
0xc1: {  	[sflag:s28] =	ssyncset.done $0x0  }
0xc2: {  	s5 =	simm.s32 $0x1300;
	[sflag:s28] =	ssyncadd.s32 $0xFFFFC000  }
0xc3: {  	[spmem:s1] =	stream.indirect.scatter.add.f32 [tilespmem:s24], [sflag:$0x3], $0x80, s5, s25, $0xb8;
	[tilespmem:$0x1D100] =	vst v63  }
0xc4: {  	_ =	swait.ge [sflag:s22], $0x4000  }
0xc5: {  	[sflag:s22] =	ssyncset.done $0x0  }
0xc6: {  	s6 =	simm.s32 $0x800;
	[sflag:s22] =	ssyncadd.s32 $0xFFFFC000  }
0xc7: {  	[tilespmem:s24], [sflag:$0x1] =	stream.indirect.gather [hbm4b:s4+s25], $0x80, s6, s25, $0xb8;
	[tilespmem:$0x1D100] =	vst v63  }
0xc8: {  	_ =	swait.ge [sflag:s30], $0x4000  }
0xc9: {  	[sflag:s30] =	ssyncset.done $0x0  }
0xca: {  	s7 =	simm.s32 $0x1380;
	[sflag:s30] =	ssyncadd.s32 $0xFFFFC000  }
0xcb: {  	[spmem:s1] =	stream.indirect.scatter.add.f32 [tilespmem:s26], [sflag:$0x3], $0x80, s7, s25, $0xb8;
	[tilespmem:$0x1D100] =	vst v63  }
0xcc: {  	_ =	swait.ge [sflag:s22], $0x4000  }
0xcd: {  	[sflag:s22] =	ssyncset.done $0x0  }
0xce: {  	s8 =	simm.s32 $0x880;
	[sflag:s22] =	ssyncadd.s32 $0xFFFFC000  }
0xcf: {  	[tilespmem:s26], [sflag:$0x2] =	stream.indirect.gather [hbm4b:s4+s25], $0x80, s8, s25, $0xb8;
	[tilespmem:$0x1D100] =	vst v63  }
0xd0: {  	_ =	swait.ge [sflag:s28], $0x4000  }
0xd1: {  	[sflag:s28] =	ssyncset.done $0x0  }
0xd2: {  	s9 =	simm.s32 $0x1400;
	[sflag:s28] =	ssyncadd.s32 $0xFFFFC000  }
0xd3: {  	[spmem:s1] =	stream.indirect.scatter.add.f32 [tilespmem:s24], [sflag:$0x3], $0x80, s9, s25, $0xb8;
	[tilespmem:$0x1D100] =	vst v63  }
0xd4: {  	_ =	swait.ge [sflag:s22], $0x4000  }
0xd5: {  	[sflag:s22] =	ssyncset.done $0x0  }
0xd6: {  	s10 =	simm.s32 $0x900;
	[sflag:s22] =	ssyncadd.s32 $0xFFFFC000  }
0xd7: {  	[tilespmem:s24], [sflag:$0x1] =	stream.indirect.gather [hbm4b:s4+s25], $0x80, s10, s25, $0xb8;
	[tilespmem:$0x1D100] =	vst v63  }
0xd8: {  	_ =	swait.ge [sflag:s30], $0x4000  }
0xd9: {  	[sflag:s30] =	ssyncset.done $0x0  }
0xda: {  	s11 =	simm.s32 $0x1480;
	[sflag:s30] =	ssyncadd.s32 $0xFFFFC000  }
0xdb: {  	[spmem:s1] =	stream.indirect.scatter.add.f32 [tilespmem:s26], [sflag:$0x3], $0x80, s11, s25, $0xb8;
	[tilespmem:$0x1D100] =	vst v63  }
0xdc: {  	_ =	swait.ge [sflag:s22], $0x4000  }
0xdd: {  	[sflag:s22] =	ssyncset.done $0x0  }
0xde: {  	s13 =	simm.s32 $0x980;
	[sflag:s22] =	ssyncadd.s32 $0xFFFFC000  }
0xdf: {  	[tilespmem:s26], [sflag:$0x2] =	stream.indirect.gather [hbm4b:s4+s25], $0x80, s13, s25, $0xb8;
	[tilespmem:$0x1D100] =	vst v63  }
0xe0: {  	_ =	swait.ge [sflag:s28], $0x4000  }
0xe1: {  	[sflag:s28] =	ssyncset.done $0x0  }
0xe2: {  	s14 =	simm.s32 $0x1500;
	[sflag:s28] =	ssyncadd.s32 $0xFFFFC000  }
0xe3: {  	[spmem:s1] =	stream.indirect.scatter.add.f32 [tilespmem:s24], [sflag:$0x3], $0x80, s14, s25, $0xb8;
	[tilespmem:$0x1D100] =	vst v63  }
0xe4: {  	_ =	swait.ge [sflag:s22], $0x4000  }
0xe5: {  	[sflag:s22] =	ssyncset.done $0x0  }
0xe6: {  	[sflag:s22] =	ssyncadd.s32 $0xFFFFC000  }
0xe7: {  	_ =	swait.ge [sflag:s30], $0x4000  }
0xe8: {  	[sflag:s30] =	ssyncset.done $0x0  }
0xe9: {  	s16 =	simm.s32 $0x1580;
	[sflag:s30] =	ssyncadd.s32 $0xFFFFC000  }
0xea: {  	[spmem:s1] =	stream.indirect.scatter.add.f32 [tilespmem:s26], [sflag:$0x3], $0x80, s16, s25, $0xb8;
	[tilespmem:$0x1D100] =	vst v63  }
0xeb: {  	_ =	swait.ge [sflag:s22], $0x4000  }
0xec: {  	[sflag:s22] =	ssyncset.done $0x0  }
0xed: {  	s17 =	rddreg [dreg:$0xb];
	[sflag:s22] =	ssyncadd.s32 $0xFFFFC000  }
0xee: {  	[tilespmem:s19], [sflag:$0x3] =	stream.linear.gather [hbm4b:s17+s19], $0xA00, $0x38;
	[tilespmem:$0x1D100] =	vst v63  }
0xef: {  	_ =	swait.ge [sflag:s22], $0xA00  }
0xf0: {  	[sflag:s22] =	ssyncset.done $0x0  }
0xf1: {  	s15 =	simm.s32 $0xC00;
	s18 =	rddreg [dreg:$0xc];
	[sflag:s22] =	ssyncadd.s32 $0xFFFFF600  }
0xf2: {  	[tilespmem:s15], [sflag:$0x3] =	stream.linear.gather [hbm4b:s18+s19], $0xA00, $0x38;
	[tilespmem:$0x1D100] =	vst v63  }
0xf3: {  	_ =	swait.ge [sflag:s22], $0xA00  }
0xf4: {  	[sflag:s22] =	ssyncset.done $0x0  }
0xf5: {  	[sflag:s22] =	ssyncadd.s32 $0xFFFFF600  }
0xf6: {  	[tilespmem:s24], [sflag:$0x1] =	stream.indirect.gather [hbm4b:s4+s25], $0x80, s19, s25, $0xb8;
	[tilespmem:$0x1D100] =	vst v63  }
0xf7: {  	_ = 	snop  }
0xf8: {  	[tilespmem:s26], [sflag:$0x2] =	stream.indirect.gather [hbm4b:s4+s25], $0x80, s25, s25, $0xb8;
	[tilespmem:$0x1D100] =	vst v63  }
0xf9: {  	_ =	swait.ge [sflag:s28], $0x4000  }
0xfa: {  	[sflag:s28] =	ssyncset.done $0x0  }
0xfb: {  	[sflag:s28] =	ssyncadd.s32 $0xFFFFC000  }
0xfc: {  	[spmem:s1] =	stream.indirect.scatter.add.f32 [tilespmem:s24], [sflag:$0x3], $0x80, s15, s25, $0xb8;
	[tilespmem:$0x1D100] =	vst v63  }
0xfd: {  	_ =	swait.ge [sflag:s22], $0x4000  }
0xfe: {  	[sflag:s22] =	ssyncset.done $0x0  }
0xff: {  	s0 =	simm.s32 $0x100;
	[sflag:s22] =	ssyncadd.s32 $0xFFFFC000  }
0x100: {  	[tilespmem:s24], [sflag:$0x1] =	stream.indirect.gather [hbm4b:s4+s25], $0x80, s0, s25, $0xb8;
	[tilespmem:$0x1D100] =	vst v63  }
0x101: {  	_ =	swait.ge [sflag:s30], $0x4000  }
0x102: {  	[sflag:s30] =	ssyncset.done $0x0  }
0x103: {  	s2 =	simm.s32 $0xC80;
	[sflag:s30] =	ssyncadd.s32 $0xFFFFC000  }
0x104: {  	[spmem:s1] =	stream.indirect.scatter.add.f32 [tilespmem:s26], [sflag:$0x3], $0x80, s2, s25, $0xb8;
	[tilespmem:$0x1D100] =	vst v63  }
0x105: {  	_ =	swait.ge [sflag:s22], $0x4000  }
0x106: {  	[sflag:s22] =	ssyncset.done $0x0  }
0x107: {  	s2 =	simm.s32 $0x180;
	[sflag:s22] =	ssyncadd.s32 $0xFFFFC000  }
0x108: {  	[tilespmem:s26], [sflag:$0x2] =	stream.indirect.gather [hbm4b:s4+s25], $0x80, s2, s25, $0xb8;
	[tilespmem:$0x1D100] =	vst v63  }
0x109: {  	_ =	swait.ge [sflag:s28], $0x4000  }
0x10a: {  	[sflag:s28] =	ssyncset.done $0x0  }
0x10b: {  	s5 =	simm.s32 $0xD00;
	[sflag:s28] =	ssyncadd.s32 $0xFFFFC000  }
0x10c: {  	[spmem:s1] =	stream.indirect.scatter.add.f32 [tilespmem:s24], [sflag:$0x3], $0x80, s5, s25, $0xb8;
	[tilespmem:$0x1D100] =	vst v63  }
0x10d: {  	_ =	swait.ge [sflag:s22], $0x4000  }
0x10e: {  	[sflag:s22] =	ssyncset.done $0x0  }
0x10f: {  	s3 =	simm.s32 $0x200;
	[sflag:s22] =	ssyncadd.s32 $0xFFFFC000  }
0x110: {  	[tilespmem:s24], [sflag:$0x1] =	stream.indirect.gather [hbm4b:s4+s25], $0x80, s3, s25, $0xb8;
	[tilespmem:$0x1D100] =	vst v63  }
0x111: {  	_ =	swait.ge [sflag:s30], $0x4000  }
0x112: {  	[sflag:s30] =	ssyncset.done $0x0  }
0x113: {  	s6 =	simm.s32 $0xD80;
	[sflag:s30] =	ssyncadd.s32 $0xFFFFC000  }
0x114: {  	[spmem:s1] =	stream.indirect.scatter.add.f32 [tilespmem:s26], [sflag:$0x3], $0x80, s6, s25, $0xb8;
	[tilespmem:$0x1D100] =	vst v63  }
0x115: {  	_ =	swait.ge [sflag:s22], $0x4000  }
0x116: {  	[sflag:s22] =	ssyncset.done $0x0  }
0x117: {  	s7 =	simm.s32 $0x280;
	[sflag:s22] =	ssyncadd.s32 $0xFFFFC000  }
0x118: {  	[tilespmem:s26], [sflag:$0x2] =	stream.indirect.gather [hbm4b:s4+s25], $0x80, s7, s25, $0xb8;
	[tilespmem:$0x1D100] =	vst v63  }
0x119: {  	_ =	swait.ge [sflag:s28], $0x4000  }
0x11a: {  	[sflag:s28] =	ssyncset.done $0x0  }
0x11b: {  	s8 =	simm.s32 $0xE00;
	[sflag:s28] =	ssyncadd.s32 $0xFFFFC000  }
0x11c: {  	[spmem:s1] =	stream.indirect.scatter.add.f32 [tilespmem:s24], [sflag:$0x3], $0x80, s8, s25, $0xb8;
	[tilespmem:$0x1D100] =	vst v63  }
0x11d: {  	_ =	swait.ge [sflag:s22], $0x4000  }
0x11e: {  	[sflag:s22] =	ssyncset.done $0x0  }
0x11f: {  	s9 =	simm.s32 $0x300;
	[sflag:s22] =	ssyncadd.s32 $0xFFFFC000  }
0x120: {  	[tilespmem:s24], [sflag:$0x1] =	stream.indirect.gather [hbm4b:s4+s25], $0x80, s9, s25, $0xb8;
	[tilespmem:$0x1D100] =	vst v63  }
0x121: {  	_ =	swait.ge [sflag:s30], $0x4000  }
0x122: {  	[sflag:s30] =	ssyncset.done $0x0  }
0x123: {  	s10 =	simm.s32 $0xE80;
	[sflag:s30] =	ssyncadd.s32 $0xFFFFC000  }
0x124: {  	[spmem:s1] =	stream.indirect.scatter.add.f32 [tilespmem:s26], [sflag:$0x3], $0x80, s10, s25, $0xb8;
	[tilespmem:$0x1D100] =	vst v63  }
0x125: {  	_ =	swait.ge [sflag:s22], $0x4000  }
0x126: {  	[sflag:s22] =	ssyncset.done $0x0  }
0x127: {  	s11 =	simm.s32 $0x380;
	[sflag:s22] =	ssyncadd.s32 $0xFFFFC000  }
0x128: {  	[tilespmem:s26], [sflag:$0x2] =	stream.indirect.gather [hbm4b:s4+s25], $0x80, s11, s25, $0xb8;
	[tilespmem:$0x1D100] =	vst v63  }
0x129: {  	_ =	swait.ge [sflag:s28], $0x4000  }
0x12a: {  	[sflag:s28] =	ssyncset.done $0x0  }
0x12b: {  	s13 =	simm.s32 $0xF00;
	[sflag:s28] =	ssyncadd.s32 $0xFFFFC000  }
0x12c: {  	[spmem:s1] =	stream.indirect.scatter.add.f32 [tilespmem:s24], [sflag:$0x3], $0x80, s13, s25, $0xb8;
	[tilespmem:$0x1D100] =	vst v63  }
0x12d: {  	_ =	swait.ge [sflag:s22], $0x4000  }
0x12e: {  	[sflag:s22] =	ssyncset.done $0x0  }
0x12f: {  	s14 =	simm.s32 $0x400;
	[sflag:s22] =	ssyncadd.s32 $0xFFFFC000  }
0x130: {  	[tilespmem:s24], [sflag:$0x1] =	stream.indirect.gather [hbm4b:s4+s25], $0x80, s14, s25, $0xb8;
	[tilespmem:$0x1D100] =	vst v63  }
0x131: {  	_ =	swait.ge [sflag:s30], $0x4000  }
0x132: {  	[sflag:s30] =	ssyncset.done $0x0  }
0x133: {  	s15 =	simm.s32 $0xF80;
	[sflag:s30] =	ssyncadd.s32 $0xFFFFC000  }
0x134: {  	[spmem:s1] =	stream.indirect.scatter.add.f32 [tilespmem:s26], [sflag:$0x3], $0x80, s15, s25, $0xb8;
	[tilespmem:$0x1D100] =	vst v63  }
0x135: {  	_ =	swait.ge [sflag:s22], $0x4000  }
0x136: {  	[sflag:s22] =	ssyncset.done $0x0  }
0x137: {  	s16 =	simm.s32 $0x480;
	[sflag:s22] =	ssyncadd.s32 $0xFFFFC000  }
0x138: {  	[tilespmem:s26], [sflag:$0x2] =	stream.indirect.gather [hbm4b:s4+s25], $0x80, s16, s25, $0xb8;
	[tilespmem:$0x1D100] =	vst v63  }
0x139: {  	_ =	swait.ge [sflag:s28], $0x4000  }
0x13a: {  	[sflag:s28] =	ssyncset.done $0x0  }
0x13b: {  	s17 =	simm.s32 $0x1000;
	[sflag:s28] =	ssyncadd.s32 $0xFFFFC000  }
0x13c: {  	[spmem:s1] =	stream.indirect.scatter.add.f32 [tilespmem:s24], [sflag:$0x3], $0x80, s17, s25, $0xb8;
	[tilespmem:$0x1D100] =	vst v63  }
0x13d: {  	_ =	swait.ge [sflag:s22], $0x4000  }
0x13e: {  	[sflag:s22] =	ssyncset.done $0x0  }
0x13f: {  	s3 =	simm.s32 $0x500;
	[sflag:s22] =	ssyncadd.s32 $0xFFFFC000  }
0x140: {  	[tilespmem:s24], [sflag:$0x1] =	stream.indirect.gather [hbm4b:s4+s25], $0x80, s3, s25, $0xb8;
	[tilespmem:$0x1D100] =	vst v63  }
0x141: {  	_ =	swait.ge [sflag:s30], $0x4000  }
0x142: {  	[sflag:s30] =	ssyncset.done $0x0  }
0x143: {  	s18 =	simm.s32 $0x1080;
	[sflag:s30] =	ssyncadd.s32 $0xFFFFC000  }
0x144: {  	[spmem:s1] =	stream.indirect.scatter.add.f32 [tilespmem:s26], [sflag:$0x3], $0x80, s18, s25, $0xb8;
	[tilespmem:$0x1D100] =	vst v63  }
0x145: {  	_ =	swait.ge [sflag:s22], $0x4000  }
0x146: {  	[sflag:s22] =	ssyncset.done $0x0  }
0x147: {  	s21 =	simm.s32 $0x580;
	[sflag:s22] =	ssyncadd.s32 $0xFFFFC000  }
0x148: {  	[tilespmem:s26], [sflag:$0x2] =	stream.indirect.gather [hbm4b:s4+s25], $0x80, s21, s25, $0xb8;
	[tilespmem:$0x1D100] =	vst v63  }
0x149: {  	_ =	swait.ge [sflag:s28], $0x4000  }
0x14a: {  	[sflag:s28] =	ssyncset.done $0x0  }
0x14b: {  	s29 =	simm.s32 $0x1100;
	[sflag:s28] =	ssyncadd.s32 $0xFFFFC000  }
0x14c: {  	[spmem:s1] =	stream.indirect.scatter.add.f32 [tilespmem:s24], [sflag:$0x3], $0x80, s29, s25, $0xb8;
	[tilespmem:$0x1D100] =	vst v63  }
0x14d: {  	_ =	swait.ge [sflag:s22], $0x4000  }
0x14e: {  	[sflag:s22] =	ssyncset.done $0x0  }
0x14f: {  	s21 =	simm.s32 $0x600;
	[sflag:s22] =	ssyncadd.s32 $0xFFFFC000  }
0x150: {  	[tilespmem:s24], [sflag:$0x1] =	stream.indirect.gather [hbm4b:s4+s25], $0x80, s21, s25, $0xb8;
	[tilespmem:$0x1D100] =	vst v63  }
0x151: {  	_ =	swait.ge [sflag:s30], $0x4000  }
0x152: {  	[sflag:s30] =	ssyncset.done $0x0  }
0x153: {  	s21 =	simm.s32 $0x1180;
	[sflag:s30] =	ssyncadd.s32 $0xFFFFC000  }
0x154: {  	[spmem:s1] =	stream.indirect.scatter.add.f32 [tilespmem:s26], [sflag:$0x3], $0x80, s21, s25, $0xb8;
	[tilespmem:$0x1D100] =	vst v63  }
0x155: {  	_ =	swait.ge [sflag:s22], $0x4000  }
0x156: {  	[sflag:s22] =	ssyncset.done $0x0  }
0x157: {  	s21 =	simm.s32 $0x680;
	[sflag:s22] =	ssyncadd.s32 $0xFFFFC000  }
0x158: {  	[tilespmem:s26], [sflag:$0x2] =	stream.indirect.gather [hbm4b:s4+s25], $0x80, s21, s25, $0xb8;
	[tilespmem:$0x1D100] =	vst v63  }
0x159: {  	_ =	swait.ge [sflag:s28], $0x4000  }
0x15a: {  	[sflag:s28] =	ssyncset.done $0x0  }
0x15b: {  	s21 =	simm.s32 $0x1200;
	[sflag:s28] =	ssyncadd.s32 $0xFFFFC000  }
0x15c: {  	[spmem:s1] =	stream.indirect.scatter.add.f32 [tilespmem:s24], [sflag:$0x3], $0x80, s21, s25, $0xb8;
	[tilespmem:$0x1D100] =	vst v63  }
0x15d: {  	_ =	swait.ge [sflag:s22], $0x4000  }
0x15e: {  	[sflag:s22] =	ssyncset.done $0x0  }
0x15f: {  	s21 =	simm.s32 $0x700;
	[sflag:s22] =	ssyncadd.s32 $0xFFFFC000  }
0x160: {  	[tilespmem:s24], [sflag:$0x1] =	stream.indirect.gather [hbm4b:s4+s25], $0x80, s21, s25, $0xb8;
	[tilespmem:$0x1D100] =	vst v63  }
0x161: {  	_ =	swait.ge [sflag:s30], $0x4000  }
0x162: {  	[sflag:s30] =	ssyncset.done $0x0  }
0x163: {  	s21 =	simm.s32 $0x1280;
	[sflag:s30] =	ssyncadd.s32 $0xFFFFC000  }
0x164: {  	[spmem:s1] =	stream.indirect.scatter.add.f32 [tilespmem:s26], [sflag:$0x3], $0x80, s21, s25, $0xb8;
	[tilespmem:$0x1D100] =	vst v63  }
0x165: {  	_ =	swait.ge [sflag:s22], $0x4000  }
0x166: {  	[sflag:s22] =	ssyncset.done $0x0  }
0x167: {  	s21 =	simm.s32 $0x780;
	[sflag:s22] =	ssyncadd.s32 $0xFFFFC000  }
0x168: {  	[tilespmem:s26], [sflag:$0x2] =	stream.indirect.gather [hbm4b:s4+s25], $0x80, s21, s25, $0xb8;
	[tilespmem:$0x1D100] =	vst v63  }
0x169: {  	_ =	swait.ge [sflag:s28], $0x4000  }
0x16a: {  	[sflag:s28] =	ssyncset.done $0x0  }
0x16b: {  	s21 =	simm.s32 $0x1300;
	[sflag:s28] =	ssyncadd.s32 $0xFFFFC000  }
0x16c: {  	[spmem:s1] =	stream.indirect.scatter.add.f32 [tilespmem:s24], [sflag:$0x3], $0x80, s21, s25, $0xb8;
	[tilespmem:$0x1D100] =	vst v63  }
0x16d: {  	_ =	swait.ge [sflag:s22], $0x4000  }
0x16e: {  	[sflag:s22] =	ssyncset.done $0x0  }
0x16f: {  	s21 =	simm.s32 $0x800;
	[sflag:s22] =	ssyncadd.s32 $0xFFFFC000  }
0x170: {  	[tilespmem:s24], [sflag:$0x1] =	stream.indirect.gather [hbm4b:s4+s25], $0x80, s21, s25, $0xb8;
	[tilespmem:$0x1D100] =	vst v63  }
0x171: {  	_ =	swait.ge [sflag:s30], $0x4000  }
0x172: {  	[sflag:s30] =	ssyncset.done $0x0  }
0x173: {  	s21 =	simm.s32 $0x1380;
	[sflag:s30] =	ssyncadd.s32 $0xFFFFC000  }
0x174: {  	[spmem:s1] =	stream.indirect.scatter.add.f32 [tilespmem:s26], [sflag:$0x3], $0x80, s21, s25, $0xb8;
	[tilespmem:$0x1D100] =	vst v63  }
0x175: {  	_ =	swait.ge [sflag:s22], $0x4000  }
0x176: {  	[sflag:s22] =	ssyncset.done $0x0  }
0x177: {  	s21 =	simm.s32 $0x880;
	[sflag:s22] =	ssyncadd.s32 $0xFFFFC000  }
0x178: {  	[tilespmem:s26], [sflag:$0x2] =	stream.indirect.gather [hbm4b:s4+s25], $0x80, s21, s25, $0xb8;
	[tilespmem:$0x1D100] =	vst v63  }
0x179: {  	_ =	swait.ge [sflag:s28], $0x4000  }
0x17a: {  	[sflag:s28] =	ssyncset.done $0x0  }
0x17b: {  	s21 =	simm.s32 $0x1400;
	[sflag:s28] =	ssyncadd.s32 $0xFFFFC000  }
0x17c: {  	[spmem:s1] =	stream.indirect.scatter.add.f32 [tilespmem:s24], [sflag:$0x3], $0x80, s21, s25, $0xb8;
	[tilespmem:$0x1D100] =	vst v63  }
0x17d: {  	_ =	swait.ge [sflag:s22], $0x4000  }
0x17e: {  	[sflag:s22] =	ssyncset.done $0x0  }
0x17f: {  	s21 =	simm.s32 $0x900;
	[sflag:s22] =	ssyncadd.s32 $0xFFFFC000  }
0x180: {  	[tilespmem:s24], [sflag:$0x1] =	stream.indirect.gather [hbm4b:s4+s25], $0x80, s21, s25, $0xb8;
	[tilespmem:$0x1D100] =	vst v63  }
0x181: {  	_ =	swait.ge [sflag:s30], $0x4000  }
0x182: {  	[sflag:s30] =	ssyncset.done $0x0  }
0x183: {  	s21 =	simm.s32 $0x1480;
	[sflag:s30] =	ssyncadd.s32 $0xFFFFC000  }
0x184: {  	[spmem:s1] =	stream.indirect.scatter.add.f32 [tilespmem:s26], [sflag:$0x3], $0x80, s21, s25, $0xb8;
	[tilespmem:$0x1D100] =	vst v63  }
0x185: {  	_ =	swait.ge [sflag:s22], $0x4000  }
0x186: {  	[sflag:s22] =	ssyncset.done $0x0  }
0x187: {  	s23 =	simm.s32 $0x980;
	[sflag:s22] =	ssyncadd.s32 $0xFFFFC000  }
0x188: {  	[tilespmem:s26], [sflag:$0x2] =	stream.indirect.gather [hbm4b:s4+s25], $0x80, s23, s25, $0xb8;
	[tilespmem:$0x1D100] =	vst v63  }
0x189: {  	_ =	swait.ge [sflag:s28], $0x4000  }
0x18a: {  	[sflag:s28] =	ssyncset.done $0x0  }
0x18b: {  	s31 =	simm.s32 $0x1500;
	[sflag:s28] =	ssyncadd.s32 $0xFFFFC000  }
0x18c: {  	[spmem:s1] =	stream.indirect.scatter.add.f32 [tilespmem:s24], [sflag:$0x3], $0x80, s31, s25, $0xb8;
	[tilespmem:$0x1D100] =	vst v63  }
0x18d: {  	_ =	swait.ge [sflag:s22], $0x4000  }
0x18e: {  	[sflag:s22] =	ssyncset.done $0x0  }
0x18f: {  	[sflag:s22] =	ssyncadd.s32 $0xFFFFC000  }
0x190: {  	_ =	swait.ge [sflag:s30], $0x4000  }
0x191: {  	[sflag:s30] =	ssyncset.done $0x0  }
0x192: {  	s21 =	simm.s32 $0x1580;
	[sflag:s30] =	ssyncadd.s32 $0xFFFFC000  }
0x193: {  	[spmem:s1] =	stream.indirect.scatter.add.f32 [tilespmem:s26], [sflag:$0x3], $0x80, s21, s25, $0xb8;
	[tilespmem:$0x1D100] =	vst v63  }
0x194: {  	_ =	swait.ge [sflag:s22], $0x4000  }
0x195: {  	[sflag:s22] =	ssyncset.done $0x0  }
0x196: {  	s23 =	rddreg [dreg:$0xd];
	[sflag:s22] =	ssyncadd.s32 $0xFFFFC000  }
0x197: {  	[tilespmem:s19], [sflag:$0x3] =	stream.linear.gather [hbm4b:s23+s19], $0xA00, $0x38;
	[tilespmem:$0x1D100] =	vst v63  }
0x198: {  	_ =	swait.ge [sflag:s22], $0xA00  }
0x199: {  	[sflag:s22] =	ssyncset.done $0x0  }
0x19a: {  	s31 =	simm.s32 $0xC00;
	s23 =	rddreg [dreg:$0xe];
	[sflag:s22] =	ssyncadd.s32 $0xFFFFF600  }
0x19b: {  	[tilespmem:s31], [sflag:$0x3] =	stream.linear.gather [hbm4b:s23+s19], $0xA00, $0x38;
	[tilespmem:$0x1D100] =	vst v63  }
0x19c: {  	_ =	swait.ge [sflag:s22], $0xA00  }
0x19d: {  	[sflag:s22] =	ssyncset.done $0x0  }
0x19e: {  	[sflag:s22] =	ssyncadd.s32 $0xFFFFF600  }
0x19f: {  	[tilespmem:s24], [sflag:$0x1] =	stream.indirect.gather [hbm4b:s4+s25], $0x80, s19, s25, $0xb8;
	[tilespmem:$0x1D100] =	vst v63  }
0x1a0: {  	_ = 	snop  }
0x1a1: {  	[tilespmem:s26], [sflag:$0x2] =	stream.indirect.gather [hbm4b:s4+s25], $0x80, s25, s25, $0xb8;
	[tilespmem:$0x1D100] =	vst v63  }
0x1a2: {  	_ =	swait.ge [sflag:s28], $0x4000  }
0x1a3: {  	[sflag:s28] =	ssyncset.done $0x0  }
0x1a4: {  	[sflag:s28] =	ssyncadd.s32 $0xFFFFC000  }
0x1a5: {  	[spmem:s1] =	stream.indirect.scatter.add.f32 [tilespmem:s24], [sflag:$0x3], $0x80, s31, s25, $0xb8;
	[tilespmem:$0x1D100] =	vst v63  }
0x1a6: {  	_ =	swait.ge [sflag:s22], $0x4000  }
0x1a7: {  	[sflag:s22] =	ssyncset.done $0x0  }
0x1a8: {  	[sflag:s22] =	ssyncadd.s32 $0xFFFFC000  }
0x1a9: {  	[tilespmem:s24], [sflag:$0x1] =	stream.indirect.gather [hbm4b:s4+s25], $0x80, s0, s25, $0xb8;
	[tilespmem:$0x1D100] =	vst v63  }
0x1aa: {  	_ =	swait.ge [sflag:s30], $0x4000  }
0x1ab: {  	[sflag:s30] =	ssyncset.done $0x0  }
0x1ac: {  	s23 =	simm.s32 $0xC80;
	[sflag:s30] =	ssyncadd.s32 $0xFFFFC000  }
0x1ad: {  	[spmem:s1] =	stream.indirect.scatter.add.f32 [tilespmem:s26], [sflag:$0x3], $0x80, s23, s25, $0xb8;
	[tilespmem:$0x1D100] =	vst v63  }
0x1ae: {  	_ =	swait.ge [sflag:s22], $0x4000  }
0x1af: {  	[sflag:s22] =	ssyncset.done $0x0  }
0x1b0: {  	[sflag:s22] =	ssyncadd.s32 $0xFFFFC000  }
0x1b1: {  	[tilespmem:s26], [sflag:$0x2] =	stream.indirect.gather [hbm4b:s4+s25], $0x80, s2, s25, $0xb8;
	[tilespmem:$0x1D100] =	vst v63  }
0x1b2: {  	_ =	swait.ge [sflag:s28], $0x4000  }
0x1b3: {  	[sflag:s28] =	ssyncset.done $0x0  }
0x1b4: {  	[sflag:s28] =	ssyncadd.s32 $0xFFFFC000  }
0x1b5: {  	[spmem:s1] =	stream.indirect.scatter.add.f32 [tilespmem:s24], [sflag:$0x3], $0x80, s5, s25, $0xb8;
	[tilespmem:$0x1D100] =	vst v63  }
0x1b6: {  	_ =	swait.ge [sflag:s22], $0x4000  }
0x1b7: {  	[sflag:s22] =	ssyncset.done $0x0  }
0x1b8: {  	s23 =	simm.s32 $0x200;
	[sflag:s22] =	ssyncadd.s32 $0xFFFFC000  }
0x1b9: {  	[tilespmem:s24], [sflag:$0x1] =	stream.indirect.gather [hbm4b:s4+s25], $0x80, s23, s25, $0xb8;
	[tilespmem:$0x1D100] =	vst v63  }
0x1ba: {  	_ =	swait.ge [sflag:s30], $0x4000  }
0x1bb: {  	[sflag:s30] =	ssyncset.done $0x0  }
0x1bc: {  	[sflag:s30] =	ssyncadd.s32 $0xFFFFC000  }
0x1bd: {  	[spmem:s1] =	stream.indirect.scatter.add.f32 [tilespmem:s26], [sflag:$0x3], $0x80, s6, s25, $0xb8;
	[tilespmem:$0x1D100] =	vst v63  }
0x1be: {  	_ =	swait.ge [sflag:s22], $0x4000  }
0x1bf: {  	[sflag:s22] =	ssyncset.done $0x0  }
0x1c0: {  	[sflag:s22] =	ssyncadd.s32 $0xFFFFC000  }
0x1c1: {  	[tilespmem:s26], [sflag:$0x2] =	stream.indirect.gather [hbm4b:s4+s25], $0x80, s7, s25, $0xb8;
	[tilespmem:$0x1D100] =	vst v63  }
0x1c2: {  	_ =	swait.ge [sflag:s28], $0x4000  }
0x1c3: {  	[sflag:s28] =	ssyncset.done $0x0  }
0x1c4: {  	[sflag:s28] =	ssyncadd.s32 $0xFFFFC000  }
0x1c5: {  	[spmem:s1] =	stream.indirect.scatter.add.f32 [tilespmem:s24], [sflag:$0x3], $0x80, s8, s25, $0xb8;
	[tilespmem:$0x1D100] =	vst v63  }
0x1c6: {  	_ =	swait.ge [sflag:s22], $0x4000  }
0x1c7: {  	[sflag:s22] =	ssyncset.done $0x0  }
0x1c8: {  	[sflag:s22] =	ssyncadd.s32 $0xFFFFC000  }
0x1c9: {  	[tilespmem:s24], [sflag:$0x1] =	stream.indirect.gather [hbm4b:s4+s25], $0x80, s9, s25, $0xb8;
	[tilespmem:$0x1D100] =	vst v63  }
0x1ca: {  	_ =	swait.ge [sflag:s30], $0x4000  }
0x1cb: {  	[sflag:s30] =	ssyncset.done $0x0  }
0x1cc: {  	[sflag:s30] =	ssyncadd.s32 $0xFFFFC000  }
0x1cd: {  	[spmem:s1] =	stream.indirect.scatter.add.f32 [tilespmem:s26], [sflag:$0x3], $0x80, s10, s25, $0xb8;
	[tilespmem:$0x1D100] =	vst v63  }
0x1ce: {  	_ =	swait.ge [sflag:s22], $0x4000  }
0x1cf: {  	[sflag:s22] =	ssyncset.done $0x0  }
0x1d0: {  	[sflag:s22] =	ssyncadd.s32 $0xFFFFC000  }
0x1d1: {  	[tilespmem:s26], [sflag:$0x2] =	stream.indirect.gather [hbm4b:s4+s25], $0x80, s11, s25, $0xb8;
	[tilespmem:$0x1D100] =	vst v63  }
0x1d2: {  	_ =	swait.ge [sflag:s28], $0x4000  }
0x1d3: {  	[sflag:s28] =	ssyncset.done $0x0  }
0x1d4: {  	[sflag:s28] =	ssyncadd.s32 $0xFFFFC000  }
0x1d5: {  	[spmem:s1] =	stream.indirect.scatter.add.f32 [tilespmem:s24], [sflag:$0x3], $0x80, s13, s25, $0xb8;
	[tilespmem:$0x1D100] =	vst v63  }
0x1d6: {  	_ =	swait.ge [sflag:s22], $0x4000  }
0x1d7: {  	[sflag:s22] =	ssyncset.done $0x0  }
0x1d8: {  	[sflag:s22] =	ssyncadd.s32 $0xFFFFC000  }
0x1d9: {  	[tilespmem:s24], [sflag:$0x1] =	stream.indirect.gather [hbm4b:s4+s25], $0x80, s14, s25, $0xb8;
	[tilespmem:$0x1D100] =	vst v63  }
0x1da: {  	_ =	swait.ge [sflag:s30], $0x4000  }
0x1db: {  	[sflag:s30] =	ssyncset.done $0x0  }
0x1dc: {  	[sflag:s30] =	ssyncadd.s32 $0xFFFFC000  }
0x1dd: {  	[spmem:s1] =	stream.indirect.scatter.add.f32 [tilespmem:s26], [sflag:$0x3], $0x80, s15, s25, $0xb8;
	[tilespmem:$0x1D100] =	vst v63  }
0x1de: {  	_ =	swait.ge [sflag:s22], $0x4000  }
0x1df: {  	[sflag:s22] =	ssyncset.done $0x0  }
0x1e0: {  	[sflag:s22] =	ssyncadd.s32 $0xFFFFC000  }
0x1e1: {  	[tilespmem:s26], [sflag:$0x2] =	stream.indirect.gather [hbm4b:s4+s25], $0x80, s16, s25, $0xb8;
	[tilespmem:$0x1D100] =	vst v63  }
0x1e2: {  	_ =	swait.ge [sflag:s28], $0x4000  }
0x1e3: {  	[sflag:s28] =	ssyncset.done $0x0  }
0x1e4: {  	[sflag:s28] =	ssyncadd.s32 $0xFFFFC000  }
0x1e5: {  	[spmem:s1] =	stream.indirect.scatter.add.f32 [tilespmem:s24], [sflag:$0x3], $0x80, s17, s25, $0xb8;
	[tilespmem:$0x1D100] =	vst v63  }
0x1e6: {  	_ =	swait.ge [sflag:s22], $0x4000  }
0x1e7: {  	[sflag:s22] =	ssyncset.done $0x0  }
0x1e8: {  	[sflag:s22] =	ssyncadd.s32 $0xFFFFC000  }
0x1e9: {  	[tilespmem:s24], [sflag:$0x1] =	stream.indirect.gather [hbm4b:s4+s25], $0x80, s3, s25, $0xb8;
	[tilespmem:$0x1D100] =	vst v63  }
0x1ea: {  	_ =	swait.ge [sflag:s30], $0x4000  }
0x1eb: {  	[sflag:s30] =	ssyncset.done $0x0  }
0x1ec: {  	[sflag:s30] =	ssyncadd.s32 $0xFFFFC000  }
0x1ed: {  	[spmem:s1] =	stream.indirect.scatter.add.f32 [tilespmem:s26], [sflag:$0x3], $0x80, s18, s25, $0xb8;
	[tilespmem:$0x1D100] =	vst v63  }
0x1ee: {  	_ =	swait.ge [sflag:s22], $0x4000  }
0x1ef: {  	[sflag:s22] =	ssyncset.done $0x0  }
0x1f0: {  	s23 =	simm.s32 $0x580;
	[sflag:s22] =	ssyncadd.s32 $0xFFFFC000  }
0x1f1: {  	[tilespmem:s26], [sflag:$0x2] =	stream.indirect.gather [hbm4b:s4+s25], $0x80, s23, s25, $0xb8;
	[tilespmem:$0x1D100] =	vst v63  }
0x1f2: {  	_ =	swait.ge [sflag:s28], $0x4000  }
0x1f3: {  	[sflag:s28] =	ssyncset.done $0x0  }
0x1f4: {  	s29 =	simm.s32 $0x1100;
	[sflag:s28] =	ssyncadd.s32 $0xFFFFC000  }
0x1f5: {  	[spmem:s1] =	stream.indirect.scatter.add.f32 [tilespmem:s24], [sflag:$0x3], $0x80, s29, s25, $0xb8;
	[tilespmem:$0x1D100] =	vst v63  }
0x1f6: {  	_ =	swait.ge [sflag:s22], $0x4000  }
0x1f7: {  	[sflag:s22] =	ssyncset.done $0x0  }
0x1f8: {  	s12 =	simm.s32 $0x600;
	[sflag:s22] =	ssyncadd.s32 $0xFFFFC000  }
0x1f9: {  	[tilespmem:s24], [sflag:$0x1] =	stream.indirect.gather [hbm4b:s4+s25], $0x80, s12, s25, $0xb8;
	[tilespmem:$0x1D100] =	vst v63  }
0x1fa: {  	_ =	swait.ge [sflag:s30], $0x4000  }
0x1fb: {  	[sflag:s30] =	ssyncset.done $0x0  }
0x1fc: {  	s12 =	simm.s32 $0x1180;
	[sflag:s30] =	ssyncadd.s32 $0xFFFFC000  }
0x1fd: {  	[spmem:s1] =	stream.indirect.scatter.add.f32 [tilespmem:s26], [sflag:$0x3], $0x80, s12, s25, $0xb8;
	[tilespmem:$0x1D100] =	vst v63  }
0x1fe: {  	_ =	swait.ge [sflag:s22], $0x4000  }
0x1ff: {  	[sflag:s22] =	ssyncset.done $0x0  }
0x200: {  	s12 =	simm.s32 $0x680;
	[sflag:s22] =	ssyncadd.s32 $0xFFFFC000  }
0x201: {  	[tilespmem:s26], [sflag:$0x2] =	stream.indirect.gather [hbm4b:s4+s25], $0x80, s12, s25, $0xb8;
	[tilespmem:$0x1D100] =	vst v63  }
0x202: {  	_ =	swait.ge [sflag:s28], $0x4000  }
0x203: {  	[sflag:s28] =	ssyncset.done $0x0  }
0x204: {  	s12 =	simm.s32 $0x1200;
	[sflag:s28] =	ssyncadd.s32 $0xFFFFC000  }
0x205: {  	[spmem:s1] =	stream.indirect.scatter.add.f32 [tilespmem:s24], [sflag:$0x3], $0x80, s12, s25, $0xb8;
	[tilespmem:$0x1D100] =	vst v63  }
0x206: {  	_ =	swait.ge [sflag:s22], $0x4000  }
0x207: {  	[sflag:s22] =	ssyncset.done $0x0  }
0x208: {  	s12 =	simm.s32 $0x700;
	[sflag:s22] =	ssyncadd.s32 $0xFFFFC000  }
0x209: {  	[tilespmem:s24], [sflag:$0x1] =	stream.indirect.gather [hbm4b:s4+s25], $0x80, s12, s25, $0xb8;
	[tilespmem:$0x1D100] =	vst v63  }
0x20a: {  	_ =	swait.ge [sflag:s30], $0x4000  }
0x20b: {  	[sflag:s30] =	ssyncset.done $0x0  }
0x20c: {  	s12 =	simm.s32 $0x1280;
	[sflag:s30] =	ssyncadd.s32 $0xFFFFC000  }
0x20d: {  	[spmem:s1] =	stream.indirect.scatter.add.f32 [tilespmem:s26], [sflag:$0x3], $0x80, s12, s25, $0xb8;
	[tilespmem:$0x1D100] =	vst v63  }
0x20e: {  	_ =	swait.ge [sflag:s22], $0x4000  }
0x20f: {  	[sflag:s22] =	ssyncset.done $0x0  }
0x210: {  	s12 =	simm.s32 $0x780;
	[sflag:s22] =	ssyncadd.s32 $0xFFFFC000  }
0x211: {  	[tilespmem:s26], [sflag:$0x2] =	stream.indirect.gather [hbm4b:s4+s25], $0x80, s12, s25, $0xb8;
	[tilespmem:$0x1D100] =	vst v63  }
0x212: {  	_ =	swait.ge [sflag:s28], $0x4000  }
0x213: {  	[sflag:s28] =	ssyncset.done $0x0  }
0x214: {  	s12 =	simm.s32 $0x1300;
	[sflag:s28] =	ssyncadd.s32 $0xFFFFC000  }
0x215: {  	[spmem:s1] =	stream.indirect.scatter.add.f32 [tilespmem:s24], [sflag:$0x3], $0x80, s12, s25, $0xb8;
	[tilespmem:$0x1D100] =	vst v63  }
0x216: {  	_ =	swait.ge [sflag:s22], $0x4000  }
0x217: {  	[sflag:s22] =	ssyncset.done $0x0  }
0x218: {  	s12 =	simm.s32 $0x800;
	[sflag:s22] =	ssyncadd.s32 $0xFFFFC000  }
0x219: {  	[tilespmem:s24], [sflag:$0x1] =	stream.indirect.gather [hbm4b:s4+s25], $0x80, s12, s25, $0xb8;
	[tilespmem:$0x1D100] =	vst v63  }
0x21a: {  	_ =	swait.ge [sflag:s30], $0x4000  }
0x21b: {  	[sflag:s30] =	ssyncset.done $0x0  }
0x21c: {  	s12 =	simm.s32 $0x1380;
	[sflag:s30] =	ssyncadd.s32 $0xFFFFC000  }
0x21d: {  	[spmem:s1] =	stream.indirect.scatter.add.f32 [tilespmem:s26], [sflag:$0x3], $0x80, s12, s25, $0xb8;
	[tilespmem:$0x1D100] =	vst v63  }
0x21e: {  	_ =	swait.ge [sflag:s22], $0x4000  }
0x21f: {  	[sflag:s22] =	ssyncset.done $0x0  }
0x220: {  	s12 =	simm.s32 $0x880;
	[sflag:s22] =	ssyncadd.s32 $0xFFFFC000  }
0x221: {  	[tilespmem:s26], [sflag:$0x2] =	stream.indirect.gather [hbm4b:s4+s25], $0x80, s12, s25, $0xb8;
	[tilespmem:$0x1D100] =	vst v63  }
0x222: {  	_ =	swait.ge [sflag:s28], $0x4000  }
0x223: {  	[sflag:s28] =	ssyncset.done $0x0  }
0x224: {  	s12 =	simm.s32 $0x1400;
	[sflag:s28] =	ssyncadd.s32 $0xFFFFC000  }
0x225: {  	[spmem:s1] =	stream.indirect.scatter.add.f32 [tilespmem:s24], [sflag:$0x3], $0x80, s12, s25, $0xb8;
	[tilespmem:$0x1D100] =	vst v63  }
0x226: {  	_ =	swait.ge [sflag:s22], $0x4000  }
0x227: {  	[sflag:s22] =	ssyncset.done $0x0  }
0x228: {  	s12 =	simm.s32 $0x900;
	[sflag:s22] =	ssyncadd.s32 $0xFFFFC000  }
0x229: {  	[tilespmem:s24], [sflag:$0x1] =	stream.indirect.gather [hbm4b:s4+s25], $0x80, s12, s25, $0xb8;
	[tilespmem:$0x1D100] =	vst v63  }
0x22a: {  	_ =	swait.ge [sflag:s30], $0x4000  }
0x22b: {  	[sflag:s30] =	ssyncset.done $0x0  }
0x22c: {  	s12 =	simm.s32 $0x1480;
	[sflag:s30] =	ssyncadd.s32 $0xFFFFC000  }
0x22d: {  	[spmem:s1] =	stream.indirect.scatter.add.f32 [tilespmem:s26], [sflag:$0x3], $0x80, s12, s25, $0xb8;
	[tilespmem:$0x1D100] =	vst v63  }
0x22e: {  	_ =	swait.ge [sflag:s22], $0x4000  }
0x22f: {  	[sflag:s22] =	ssyncset.done $0x0  }
0x230: {  	s12 =	simm.s32 $0x980;
	[sflag:s22] =	ssyncadd.s32 $0xFFFFC000  }
0x231: {  	[tilespmem:s26], [sflag:$0x2] =	stream.indirect.gather [hbm4b:s4+s25], $0x80, s12, s25, $0xb8;
	[tilespmem:$0x1D100] =	vst v63  }
0x232: {  	_ =	swait.ge [sflag:s28], $0x4000  }
0x233: {  	[sflag:s28] =	ssyncset.done $0x0  }
0x234: {  	s12 =	simm.s32 $0x1500;
	[sflag:s28] =	ssyncadd.s32 $0xFFFFC000  }
0x235: {  	[spmem:s1] =	stream.indirect.scatter.add.f32 [tilespmem:s24], [sflag:$0x3], $0x80, s12, s25, $0xb8;
	[tilespmem:$0x1D100] =	vst v63  }
0x236: {  	_ =	swait.ge [sflag:s22], $0x4000  }
0x237: {  	[sflag:s22] =	ssyncset.done $0x0  }
0x238: {  	[sflag:s22] =	ssyncadd.s32 $0xFFFFC000  }
0x239: {  	_ =	swait.ge [sflag:s30], $0x4000  }
0x23a: {  	[sflag:s30] =	ssyncset.done $0x0  }
0x23b: {  	[sflag:s30] =	ssyncadd.s32 $0xFFFFC000  }
0x23c: {  	[spmem:s1] =	stream.indirect.scatter.add.f32 [tilespmem:s26], [sflag:$0x3], $0x80, s21, s25, $0xb8;
	[tilespmem:$0x1D100] =	vst v63  }
0x23d: {  	_ =	swait.ge [sflag:s22], $0x4000  }
0x23e: {  	[sflag:s22] =	ssyncset.done $0x0  }
0x23f: {  	s12 =	rddreg [dreg:$0xf];
	[sflag:s22] =	ssyncadd.s32 $0xFFFFC000  }
0x240: {  	[tilespmem:s19], [sflag:$0x3] =	stream.linear.gather [hbm4b:s12+s19], $0xA00, $0x38;
	[tilespmem:$0x1D100] =	vst v63  }
0x241: {  	_ =	swait.ge [sflag:s22], $0xA00  }
0x242: {  	[sflag:s22] =	ssyncset.done $0x0  }
0x243: {  	s12 =	rddreg [dreg:$0x10];
	[sflag:s22] =	ssyncadd.s32 $0xFFFFF600  }
0x244: {  	[tilespmem:s31], [sflag:$0x3] =	stream.linear.gather [hbm4b:s12+s19], $0xA00, $0x38;
	[tilespmem:$0x1D100] =	vst v63  }
0x245: {  	_ =	swait.ge [sflag:s22], $0xA00  }
0x246: {  	[sflag:s22] =	ssyncset.done $0x0  }
0x247: {  	[sflag:s22] =	ssyncadd.s32 $0xFFFFF600  }
0x248: {  	[tilespmem:s24], [sflag:$0x1] =	stream.indirect.gather [hbm4b:s4+s25], $0x80, s19, s25, $0xb8;
	[tilespmem:$0x1D100] =	vst v63  }
0x249: {  	_ = 	snop  }
0x24a: {  	[tilespmem:s26], [sflag:$0x2] =	stream.indirect.gather [hbm4b:s4+s25], $0x80, s25, s25, $0xb8;
	[tilespmem:$0x1D100] =	vst v63  }
0x24b: {  	_ =	swait.ge [sflag:s28], $0x4000  }
0x24c: {  	[sflag:s28] =	ssyncset.done $0x0  }
0x24d: {  	[sflag:s28] =	ssyncadd.s32 $0xFFFFC000  }
0x24e: {  	[spmem:s1] =	stream.indirect.scatter.add.f32 [tilespmem:s24], [sflag:$0x3], $0x80, s31, s25, $0xb8;
	[tilespmem:$0x1D100] =	vst v63  }
0x24f: {  	_ =	swait.ge [sflag:s22], $0x4000  }
0x250: {  	[sflag:s22] =	ssyncset.done $0x0  }
0x251: {  	s0 =	simm.s32 $0x100;
	[sflag:s22] =	ssyncadd.s32 $0xFFFFC000  }
0x252: {  	[tilespmem:s24], [sflag:$0x1] =	stream.indirect.gather [hbm4b:s4+s25], $0x80, s0, s25, $0xb8;
	[tilespmem:$0x1D100] =	vst v63  }
0x253: {  	_ =	swait.ge [sflag:s30], $0x4000  }
0x254: {  	[sflag:s30] =	ssyncset.done $0x0  }
0x255: {  	s12 =	simm.s32 $0xC80;
	[sflag:s30] =	ssyncadd.s32 $0xFFFFC000  }
0x256: {  	[spmem:s1] =	stream.indirect.scatter.add.f32 [tilespmem:s26], [sflag:$0x3], $0x80, s12, s25, $0xb8;
	[tilespmem:$0x1D100] =	vst v63  }
0x257: {  	_ =	swait.ge [sflag:s22], $0x4000  }
0x258: {  	[sflag:s22] =	ssyncset.done $0x0  }
0x259: {  	s2 =	simm.s32 $0x180;
	[sflag:s22] =	ssyncadd.s32 $0xFFFFC000  }
0x25a: {  	[tilespmem:s26], [sflag:$0x2] =	stream.indirect.gather [hbm4b:s4+s25], $0x80, s2, s25, $0xb8;
	[tilespmem:$0x1D100] =	vst v63  }
0x25b: {  	_ =	swait.ge [sflag:s28], $0x4000  }
0x25c: {  	[sflag:s28] =	ssyncset.done $0x0  }
0x25d: {  	s5 =	simm.s32 $0xD00;
	[sflag:s28] =	ssyncadd.s32 $0xFFFFC000  }
0x25e: {  	[spmem:s1] =	stream.indirect.scatter.add.f32 [tilespmem:s24], [sflag:$0x3], $0x80, s5, s25, $0xb8;
	[tilespmem:$0x1D100] =	vst v63  }
0x25f: {  	_ =	swait.ge [sflag:s22], $0x4000  }
0x260: {  	[sflag:s22] =	ssyncset.done $0x0  }
0x261: {  	s12 =	simm.s32 $0x200;
	[sflag:s22] =	ssyncadd.s32 $0xFFFFC000  }
0x262: {  	[tilespmem:s24], [sflag:$0x1] =	stream.indirect.gather [hbm4b:s4+s25], $0x80, s12, s25, $0xb8;
	[tilespmem:$0x1D100] =	vst v63  }
0x263: {  	_ =	swait.ge [sflag:s30], $0x4000  }
0x264: {  	[sflag:s30] =	ssyncset.done $0x0  }
0x265: {  	s6 =	simm.s32 $0xD80;
	[sflag:s30] =	ssyncadd.s32 $0xFFFFC000  }
0x266: {  	[spmem:s1] =	stream.indirect.scatter.add.f32 [tilespmem:s26], [sflag:$0x3], $0x80, s6, s25, $0xb8;
	[tilespmem:$0x1D100] =	vst v63  }
0x267: {  	_ =	swait.ge [sflag:s22], $0x4000  }
0x268: {  	[sflag:s22] =	ssyncset.done $0x0  }
0x269: {  	s7 =	simm.s32 $0x280;
	[sflag:s22] =	ssyncadd.s32 $0xFFFFC000  }
0x26a: {  	[tilespmem:s26], [sflag:$0x2] =	stream.indirect.gather [hbm4b:s4+s25], $0x80, s7, s25, $0xb8;
	[tilespmem:$0x1D100] =	vst v63  }
0x26b: {  	_ =	swait.ge [sflag:s28], $0x4000  }
0x26c: {  	[sflag:s28] =	ssyncset.done $0x0  }
0x26d: {  	s8 =	simm.s32 $0xE00;
	[sflag:s28] =	ssyncadd.s32 $0xFFFFC000  }
0x26e: {  	[spmem:s1] =	stream.indirect.scatter.add.f32 [tilespmem:s24], [sflag:$0x3], $0x80, s8, s25, $0xb8;
	[tilespmem:$0x1D100] =	vst v63  }
0x26f: {  	_ =	swait.ge [sflag:s22], $0x4000  }
0x270: {  	[sflag:s22] =	ssyncset.done $0x0  }
0x271: {  	s9 =	simm.s32 $0x300;
	[sflag:s22] =	ssyncadd.s32 $0xFFFFC000  }
0x272: {  	[tilespmem:s24], [sflag:$0x1] =	stream.indirect.gather [hbm4b:s4+s25], $0x80, s9, s25, $0xb8;
	[tilespmem:$0x1D100] =	vst v63  }
0x273: {  	_ =	swait.ge [sflag:s30], $0x4000  }
0x274: {  	[sflag:s30] =	ssyncset.done $0x0  }
0x275: {  	s10 =	simm.s32 $0xE80;
	[sflag:s30] =	ssyncadd.s32 $0xFFFFC000  }
0x276: {  	[spmem:s1] =	stream.indirect.scatter.add.f32 [tilespmem:s26], [sflag:$0x3], $0x80, s10, s25, $0xb8;
	[tilespmem:$0x1D100] =	vst v63  }
0x277: {  	_ =	swait.ge [sflag:s22], $0x4000  }
0x278: {  	[sflag:s22] =	ssyncset.done $0x0  }
0x279: {  	s11 =	simm.s32 $0x380;
	[sflag:s22] =	ssyncadd.s32 $0xFFFFC000  }
0x27a: {  	[tilespmem:s26], [sflag:$0x2] =	stream.indirect.gather [hbm4b:s4+s25], $0x80, s11, s25, $0xb8;
	[tilespmem:$0x1D100] =	vst v63  }
0x27b: {  	_ =	swait.ge [sflag:s28], $0x4000  }
0x27c: {  	[sflag:s28] =	ssyncset.done $0x0  }
0x27d: {  	s13 =	simm.s32 $0xF00;
	[sflag:s28] =	ssyncadd.s32 $0xFFFFC000  }
0x27e: {  	[spmem:s1] =	stream.indirect.scatter.add.f32 [tilespmem:s24], [sflag:$0x3], $0x80, s13, s25, $0xb8;
	[tilespmem:$0x1D100] =	vst v63  }
0x27f: {  	_ =	swait.ge [sflag:s22], $0x4000  }
0x280: {  	[sflag:s22] =	ssyncset.done $0x0  }
0x281: {  	s14 =	simm.s32 $0x400;
	[sflag:s22] =	ssyncadd.s32 $0xFFFFC000  }
0x282: {  	[tilespmem:s24], [sflag:$0x1] =	stream.indirect.gather [hbm4b:s4+s25], $0x80, s14, s25, $0xb8;
	[tilespmem:$0x1D100] =	vst v63  }
0x283: {  	_ =	swait.ge [sflag:s30], $0x4000  }
0x284: {  	[sflag:s30] =	ssyncset.done $0x0  }
0x285: {  	s15 =	simm.s32 $0xF80;
	[sflag:s30] =	ssyncadd.s32 $0xFFFFC000  }
0x286: {  	[spmem:s1] =	stream.indirect.scatter.add.f32 [tilespmem:s26], [sflag:$0x3], $0x80, s15, s25, $0xb8;
	[tilespmem:$0x1D100] =	vst v63  }
0x287: {  	_ =	swait.ge [sflag:s22], $0x4000  }
0x288: {  	[sflag:s22] =	ssyncset.done $0x0  }
0x289: {  	s16 =	simm.s32 $0x480;
	[sflag:s22] =	ssyncadd.s32 $0xFFFFC000  }
0x28a: {  	[tilespmem:s26], [sflag:$0x2] =	stream.indirect.gather [hbm4b:s4+s25], $0x80, s16, s25, $0xb8;
	[tilespmem:$0x1D100] =	vst v63  }
0x28b: {  	_ =	swait.ge [sflag:s28], $0x4000  }
0x28c: {  	[sflag:s28] =	ssyncset.done $0x0  }
0x28d: {  	s17 =	simm.s32 $0x1000;
	[sflag:s28] =	ssyncadd.s32 $0xFFFFC000  }
0x28e: {  	[spmem:s1] =	stream.indirect.scatter.add.f32 [tilespmem:s24], [sflag:$0x3], $0x80, s17, s25, $0xb8;
	[tilespmem:$0x1D100] =	vst v63  }
0x28f: {  	_ =	swait.ge [sflag:s22], $0x4000  }
0x290: {  	[sflag:s22] =	ssyncset.done $0x0  }
0x291: {  	s3 =	simm.s32 $0x500;
	[sflag:s22] =	ssyncadd.s32 $0xFFFFC000  }
0x292: {  	[tilespmem:s24], [sflag:$0x1] =	stream.indirect.gather [hbm4b:s4+s25], $0x80, s3, s25, $0xb8;
	[tilespmem:$0x1D100] =	vst v63  }
0x293: {  	_ =	swait.ge [sflag:s30], $0x4000  }
0x294: {  	[sflag:s30] =	ssyncset.done $0x0  }
0x295: {  	s18 =	simm.s32 $0x1080;
	[sflag:s30] =	ssyncadd.s32 $0xFFFFC000  }
0x296: {  	[spmem:s1] =	stream.indirect.scatter.add.f32 [tilespmem:s26], [sflag:$0x3], $0x80, s18, s25, $0xb8;
	[tilespmem:$0x1D100] =	vst v63  }
0x297: {  	_ =	swait.ge [sflag:s22], $0x4000  }
0x298: {  	[sflag:s22] =	ssyncset.done $0x0  }
0x299: {  	s23 =	simm.s32 $0x580;
	[sflag:s22] =	ssyncadd.s32 $0xFFFFC000  }
0x29a: {  	[tilespmem:s26], [sflag:$0x2] =	stream.indirect.gather [hbm4b:s4+s25], $0x80, s23, s25, $0xb8;
	[tilespmem:$0x1D100] =	vst v63  }
0x29b: {  	_ =	swait.ge [sflag:s28], $0x4000  }
0x29c: {  	[sflag:s28] =	ssyncset.done $0x0  }
0x29d: {  	s29 =	simm.s32 $0x1100;
	[sflag:s28] =	ssyncadd.s32 $0xFFFFC000  }
0x29e: {  	[spmem:s1] =	stream.indirect.scatter.add.f32 [tilespmem:s24], [sflag:$0x3], $0x80, s29, s25, $0xb8;
	[tilespmem:$0x1D100] =	vst v63  }
0x29f: {  	_ =	swait.ge [sflag:s22], $0x4000  }
0x2a0: {  	[sflag:s22] =	ssyncset.done $0x0  }
0x2a1: {  	s23 =	simm.s32 $0x600;
	[sflag:s22] =	ssyncadd.s32 $0xFFFFC000  }
0x2a2: {  	[tilespmem:s24], [sflag:$0x1] =	stream.indirect.gather [hbm4b:s4+s25], $0x80, s23, s25, $0xb8;
	[tilespmem:$0x1D100] =	vst v63  }
0x2a3: {  	_ =	swait.ge [sflag:s30], $0x4000  }
0x2a4: {  	[sflag:s30] =	ssyncset.done $0x0  }
0x2a5: {  	s29 =	simm.s32 $0x1180;
	[sflag:s30] =	ssyncadd.s32 $0xFFFFC000  }
0x2a6: {  	[spmem:s1] =	stream.indirect.scatter.add.f32 [tilespmem:s26], [sflag:$0x3], $0x80, s29, s25, $0xb8;
	[tilespmem:$0x1D100] =	vst v63  }
0x2a7: {  	_ =	swait.ge [sflag:s22], $0x4000  }
0x2a8: {  	[sflag:s22] =	ssyncset.done $0x0  }
0x2a9: {  	s2 =	simm.s32 $0x680;
	[sflag:s22] =	ssyncadd.s32 $0xFFFFC000  }
0x2aa: {  	[tilespmem:s26], [sflag:$0x2] =	stream.indirect.gather [hbm4b:s4+s25], $0x80, s2, s25, $0xb8;
	[tilespmem:$0x1D100] =	vst v63  }
0x2ab: {  	_ =	swait.ge [sflag:s28], $0x4000  }
0x2ac: {  	[sflag:s28] =	ssyncset.done $0x0  }
0x2ad: {  	s3 =	simm.s32 $0x1200;
	[sflag:s28] =	ssyncadd.s32 $0xFFFFC000  }
0x2ae: {  	[spmem:s1] =	stream.indirect.scatter.add.f32 [tilespmem:s24], [sflag:$0x3], $0x80, s3, s25, $0xb8;
	[tilespmem:$0x1D100] =	vst v63  }
0x2af: {  	_ =	swait.ge [sflag:s22], $0x4000  }
0x2b0: {  	[sflag:s22] =	ssyncset.done $0x0  }
0x2b1: {  	s5 =	simm.s32 $0x700;
	[sflag:s22] =	ssyncadd.s32 $0xFFFFC000  }
0x2b2: {  	[tilespmem:s24], [sflag:$0x1] =	stream.indirect.gather [hbm4b:s4+s25], $0x80, s5, s25, $0xb8;
	[tilespmem:$0x1D100] =	vst v63  }
0x2b3: {  	_ =	swait.ge [sflag:s30], $0x4000  }
0x2b4: {  	[sflag:s30] =	ssyncset.done $0x0  }
0x2b5: {  	s6 =	simm.s32 $0x1280;
	[sflag:s30] =	ssyncadd.s32 $0xFFFFC000  }
0x2b6: {  	[spmem:s1] =	stream.indirect.scatter.add.f32 [tilespmem:s26], [sflag:$0x3], $0x80, s6, s25, $0xb8;
	[tilespmem:$0x1D100] =	vst v63  }
0x2b7: {  	_ =	swait.ge [sflag:s22], $0x4000  }
0x2b8: {  	[sflag:s22] =	ssyncset.done $0x0  }
0x2b9: {  	s7 =	simm.s32 $0x780;
	[sflag:s22] =	ssyncadd.s32 $0xFFFFC000  }
0x2ba: {  	[tilespmem:s26], [sflag:$0x2] =	stream.indirect.gather [hbm4b:s4+s25], $0x80, s7, s25, $0xb8;
	[tilespmem:$0x1D100] =	vst v63  }
0x2bb: {  	_ =	swait.ge [sflag:s28], $0x4000  }
0x2bc: {  	[sflag:s28] =	ssyncset.done $0x0  }
0x2bd: {  	s8 =	simm.s32 $0x1300;
	[sflag:s28] =	ssyncadd.s32 $0xFFFFC000  }
0x2be: {  	[spmem:s1] =	stream.indirect.scatter.add.f32 [tilespmem:s24], [sflag:$0x3], $0x80, s8, s25, $0xb8;
	[tilespmem:$0x1D100] =	vst v63  }
0x2bf: {  	_ =	swait.ge [sflag:s22], $0x4000  }
0x2c0: {  	[sflag:s22] =	ssyncset.done $0x0  }
0x2c1: {  	s9 =	simm.s32 $0x800;
	[sflag:s22] =	ssyncadd.s32 $0xFFFFC000  }
0x2c2: {  	[tilespmem:s24], [sflag:$0x1] =	stream.indirect.gather [hbm4b:s4+s25], $0x80, s9, s25, $0xb8;
	[tilespmem:$0x1D100] =	vst v63  }
0x2c3: {  	_ =	swait.ge [sflag:s30], $0x4000  }
0x2c4: {  	[sflag:s30] =	ssyncset.done $0x0  }
0x2c5: {  	s10 =	simm.s32 $0x1380;
	[sflag:s30] =	ssyncadd.s32 $0xFFFFC000  }
0x2c6: {  	[spmem:s1] =	stream.indirect.scatter.add.f32 [tilespmem:s26], [sflag:$0x3], $0x80, s10, s25, $0xb8;
	[tilespmem:$0x1D100] =	vst v63  }
0x2c7: {  	_ =	swait.ge [sflag:s22], $0x4000  }
0x2c8: {  	[sflag:s22] =	ssyncset.done $0x0  }
0x2c9: {  	s11 =	simm.s32 $0x880;
	[sflag:s22] =	ssyncadd.s32 $0xFFFFC000  }
0x2ca: {  	[tilespmem:s26], [sflag:$0x2] =	stream.indirect.gather [hbm4b:s4+s25], $0x80, s11, s25, $0xb8;
	[tilespmem:$0x1D100] =	vst v63  }
0x2cb: {  	_ =	swait.ge [sflag:s28], $0x4000  }
0x2cc: {  	[sflag:s28] =	ssyncset.done $0x0  }
0x2cd: {  	s12 =	simm.s32 $0x1400;
	[sflag:s28] =	ssyncadd.s32 $0xFFFFC000  }
0x2ce: {  	[spmem:s1] =	stream.indirect.scatter.add.f32 [tilespmem:s24], [sflag:$0x3], $0x80, s12, s25, $0xb8;
	[tilespmem:$0x1D100] =	vst v63  }
0x2cf: {  	_ =	swait.ge [sflag:s22], $0x4000  }
0x2d0: {  	[sflag:s22] =	ssyncset.done $0x0  }
0x2d1: {  	s13 =	simm.s32 $0x900;
	[sflag:s22] =	ssyncadd.s32 $0xFFFFC000  }
0x2d2: {  	[tilespmem:s24], [sflag:$0x1] =	stream.indirect.gather [hbm4b:s4+s25], $0x80, s13, s25, $0xb8;
	[tilespmem:$0x1D100] =	vst v63  }
0x2d3: {  	_ =	swait.ge [sflag:s30], $0x4000  }
0x2d4: {  	[sflag:s30] =	ssyncset.done $0x0  }
0x2d5: {  	s14 =	simm.s32 $0x1480;
	[sflag:s30] =	ssyncadd.s32 $0xFFFFC000  }
0x2d6: {  	[spmem:s1] =	stream.indirect.scatter.add.f32 [tilespmem:s26], [sflag:$0x3], $0x80, s14, s25, $0xb8;
	[tilespmem:$0x1D100] =	vst v63  }
0x2d7: {  	_ =	swait.ge [sflag:s22], $0x4000  }
0x2d8: {  	[sflag:s22] =	ssyncset.done $0x0  }
0x2d9: {  	s15 =	simm.s32 $0x980;
	[sflag:s22] =	ssyncadd.s32 $0xFFFFC000  }
0x2da: {  	[tilespmem:s26], [sflag:$0x2] =	stream.indirect.gather [hbm4b:s4+s25], $0x80, s15, s25, $0xb8;
	[tilespmem:$0x1D100] =	vst v63  }
0x2db: {  	_ =	swait.ge [sflag:s28], $0x4000  }
0x2dc: {  	[sflag:s28] =	ssyncset.done $0x0  }
0x2dd: {  	s16 =	simm.s32 $0x1500;
	[sflag:s28] =	ssyncadd.s32 $0xFFFFC000  }
0x2de: {  	[spmem:s1] =	stream.indirect.scatter.add.f32 [tilespmem:s24], [sflag:$0x3], $0x80, s16, s25, $0xb8;
	[tilespmem:$0x1D100] =	vst v63  }
0x2df: {  	_ =	swait.ge [sflag:s22], $0x4000  }
0x2e0: {  	[sflag:s22] =	ssyncset.done $0x0  }
0x2e1: {  	[sflag:s22] =	ssyncadd.s32 $0xFFFFC000  }
0x2e2: {  	_ =	swait.ge [sflag:s30], $0x4000  }
0x2e3: {  	[sflag:s30] =	ssyncset.done $0x0  }
0x2e4: {  	s21 =	simm.s32 $0x1580;
	[sflag:s30] =	ssyncadd.s32 $0xFFFFC000  }
0x2e5: {  	[spmem:s1] =	stream.indirect.scatter.add.f32 [tilespmem:s26], [sflag:$0x3], $0x80, s21, s25, $0xb8;
	[tilespmem:$0x1D100] =	vst v63  }
0x2e6: {  	_ =	swait.ge [sflag:s22], $0x4000  }
0x2e7: {  	[sflag:s22] =	ssyncset.done $0x0  }
0x2e8: {  	[sflag:s22] =	ssyncadd.s32 $0xFFFFC000  }
0x2e9: {  	s17 =	stileid.u32;
	[bflag:$0x0] =	sbarrier.arrive $0xFFFF  }
0x2ea: {  	s12 =	sshll.u32 s17, $0x6;
	s18 =	rddreg [dreg:$0x14]  }
0x2eb: {  	s12 =	sor.u32 $0x1C03, s12;
	s23 =	rddreg [dreg:$0x11];
	s21 =	sshrl.u32 s18, $0x3  }
0x2ec: {  	[hbm:s23], [sflag:s12] =	dma.local [spmem:s21], $0x2700  }
0x2ed: {  	_ =	swait.ge [sflag:s22], $0x2700  }
0x2ee: {  	[sflag:s22] =	ssyncset.done $0x0;
	s0 =	rddreg [dreg:$0xa]  }
0x2ef: {  	[sflag:s22] =	ssyncadd.s32 $0xFFFFD900;
	s29 =	sshrl.u32 @!p0 s0, $0x3;
	s0 =	rddreg [dreg:$0x12]  }
0x2f0: {  	[hbm:s0], [sflag:s12] =	dma.local @!p0 [spmem:s29], $0x100  }
0x2f1: {  	s0 =	simm.s32 @!p0 $0x3  }
0x2f2: {  	_ =	swait.ge @!p0 [sflag:s0], $0x100  }
0x2f3: {  	s20 =	sadd.s32 $0x1, s20;
	s29 =	rddreg [dreg:$0x13]  }
0x2f4: {  	p1 =	sne.s32 s20, s29  }
.Ltmp1:
0x2f5: {  	_ = 	snop;
	(pc) =	sbr.rel @p1 .LBB2_1-.Ltmp1, $3  }
0x2f6: {  	_ =	sdelay $0x1  }
0x2f7: {  	s2 =	simm.s32 @!p0 $0x3;
	[sflag:s0] =	ssyncset.done @!p0 $0x0  }
0x2f8: {  	[sflag:s2] =	ssyncadd.s32 @!p0 $0xFFFFFF00  }
0x2f9: {  	_ =	sfence.sel $0x180000  }
0x2fa: {  	[bflag:$0x0] =	sbarrier.arrive $0xFFFF  }
0x2fb: {  	_ =	strace $0x9000004D  }
0x2fc: {  	s0 =	stileid.u32;
	[bflag:$0x2] =	sbarrier.arrive $0xFFFF  }
0x2fd: {  	p0 =	sne.s32 s0, $0x0;
	s0 =	rddreg [dreg:$0x3]  }
0x2fe: {  	s0 =	sadd.s32 @!p0 $0x100000, s0  }
0x2ff: {  	[sflag:s0] =	ssyncadd.tile.s32 @!p0 $0x1;
	_ =	shalt  }
.Lfunc_end2:
_tile_overlayer_lowered:
.L_overlay_start_2:
0x300: {  	(tag) =	ssettag $0x2  }
0x301: {  	s0 =	rddreg [dreg:$0x0];
	s2 =	stileid.u32  }
0x302: {  	s1 =	rddreg [dreg:$0x1];
	p0 =	sne.s32 s2, $0x0  }
0x303: {  	s3 =	rddreg [dreg:$0x2];
	[bflag:$0x3] =	sbarrier.arrive $0xFFFF;
	s2 =	simm.s32 @!p0 $0x1C03  }
0x304: {  	[timem:s3], [sflag:s2] =	dma.local @!p0 [hbm:s0], s1  }
0x305: {  	s0 =	simm.s32 @!p0 $0x3  }
0x306: {  	_ =	swait.ge @!p0 [sflag:s0], s1  }
0x307: {  	s1 =	ssub.s32 @!p0 $0x0, s1;
	[sflag:s0] =	ssyncset.done @!p0 $0x0  }
0x308: {  	[sflag:s0] =	ssyncadd.s32 @!p0 s1  }
0x309: {  	[bflag:$0x3] =	sbarrier.arrive $0xFFFF  }
0x30a: {  	_ =	shalt  }

// kernel: kernel.8.cloned.1.call-start
scs
__scs_entry_jumppad:
0x0: {  	(pc) =	sbr.rel $0x88, $3  }
0x1: {  	(tag) =	ssettag $0x0;
	lr =	simm.s32 $0x1  }
0x2: {  	[smem:$0x3F99] =	sst lr;
	_ =	strace $0xD0000000  }
0x3: {  	_ = 	snop  }
0x4: {  	_ = 	snop  }
0x5: {  	_ = 	snop  }
0x6: {  	_ = 	snop  }
0x7: {  	_ = 	snop  }
__scs_overlays_trampoline_lowered:
0x8: {  	[smem:$0x3FA8] =	sst s0  }
0x9: {  	[smem:$0x3FA9] =	sst s1  }
0xa: {  	[smem:$0x3FAA] =	sst s2  }
0xb: {  	[smem:$0x3FAB] =	sst s3  }
0xc: {  	[smem:$0x3FAC] =	sst s4  }
0xd: {  	[smem:$0x3FAD] =	sst s5  }
0xe: {  	[smem:$0x3FAE] =	sst s6  }
0xf: {  	[smem:$0x3FAF] =	sst s7  }
0x10: {  	[smem:$0x3FB0] =	sst s8  }
0x11: {  	[smem:$0x3FB1] =	sst s9;
	s0 =	simm.s32 @!p0 $0x0  }
0x12: {  	s1 =	sld [smem:$0x3F97];
	s0 =	simm.s32 @p0 $0x1  }
0x13: {  	[smem:$0x3FB2] =	sst s0;
	s0 =	simm.s32 @!p1 $0x0  }
0x14: {  	s2 =	sld [smem:$0x3F96];
	s0 =	simm.s32 @p1 $0x1  }
0x15: {  	[smem:$0x3FB3] =	sst s0;
	s0 =	simm.s32 @!p2 $0x0  }
0x16: {  	s3 =	sld [smem:$0x3FDB];
	s0 =	simm.s32 @p2 $0x1  }
0x17: {  	s4 =	simm.s32 $0x1BF5;
	[smem:$0x3FB5] =	sst s0  }
0x18: {  	s0 =	sld [smem:$0x3F98];
	_ =	swait.ge [sflag:s4], $0x0  }
0x19: {  	s7 =	sld [smem:$0x3F99]  }
0x1a: {  	s8 =	sadd.s32 $0xFFFFE003, lr  }
0x1b: {  	s9 =	sadd.s32 $0xFFFFFEF7, lr;
	s5 =	simm.s32 $0xFFFFFFFF;
	p2 =	slt.u32 s8, $0xFFFFF086  }
0x1c: {  	p1 =	slt.u32 s9, $0xF7A;
	s5 =	simm.s32 @!p2 $0x0  }
0x1d: {  	s5 =	simm.s32 @p1 $0x1;
	p0 =	seq.s32 s7, s2  }
0x1e: {  	s7 =	smul.u32 @!p0 $0xF7A, s2;
	p2 =	seq.s32 @!p0 s5, $0x0  }
0x1f: {  	s9 =	smul.u32 $0xF7A, s1;
	s8 =	simm.s32 @!p0 $0x1BF5;
	p2 =	por !p2, p0  }
0x20: {  	[sflag:s8] =	ssyncset.s32 @!p0 $0xFFFFF086;
	s6 =	sadd.s32 @!p0 s3, s7;
	s7 =	simm.s32 @!p0 $0x108  }
0x21: {  	s3 =	sadd.s32 s3, s9;
	s6 =	sadd.s32 @!p0 $0x88, s6;
	s7 =	simm.s32 @p2 $0x1082  }
0x22: {  	[simem:s7], [sflag:s8] =	dma.local @!p0 [hbm:s6], $0xF7A  }
0x23: {  	s9 =	sor.u32 $0xD0000000, s2;
	s6 =	simm.s32 $0x108;
	_ =	swait.ge @!p0 [sflag:s8], $0x0  }
0x24: {  	s3 =	sadd.s32 $0x88, s3;
	s6 =	simm.s32 @!p1 $0x1082;
	[sflag:s4] =	ssyncset.s32 $0xFFFFF086  }
0x25: {  	[simem:s6], [sflag:s4] =	dma.local [hbm:s3], $0xF7A  }
0x26: {  	[smem:$0x3F99] =	sst s1;
	(tag) =	ssettag s2;
	_ =	strace s9  }
0x27: {  	s1 =	sld [smem:$0x3FA9]  }
0x28: {  	s2 =	sld [smem:$0x3FAA]  }
0x29: {  	s4 =	sld [smem:$0x3FAC]  }
0x2a: {  	p0 =	seq.s32 s5, $0x0;
	s5 =	sld [smem:$0x3FAD]  }
0x2b: {  	s6 =	sld [smem:$0x3FAE]  }
0x2c: {  	s7 =	sld [smem:$0x3FAF]  }
0x2d: {  	s3 =	simm.s32 $0x108;
	s8 =	sld [smem:$0x3FB0]  }
0x2e: {  	s3 =	simm.s32 @!p0 $0x1082;
	s9 =	sld [smem:$0x3FB1]  }
0x2f: {  	lr =	sadd.s32 s0, s3;
	s0 =	sld [smem:$0x3FA8]  }
0x30: {  	s3 =	sld [smem:$0x3FAB]  }
0x31: {  	[smem:$0x3FB4] =	sst s10  }
0x32: {  	s10 =	sld [smem:$0x3FB2];
	_ =	sdelay $0x3  }
0x33: {  	p0 =	seq.s32 s10, $0x1;
	s10 =	sld [smem:$0x3FB4];
	_ =	sdelay $0x3  }
0x34: {  	[smem:$0x3FB4] =	sst s10  }
0x35: {  	s10 =	sld [smem:$0x3FB3];
	_ =	sdelay $0x3  }
0x36: {  	p1 =	seq.s32 s10, $0x1;
	s10 =	sld [smem:$0x3FB4];
	_ =	sdelay $0x3  }
0x37: {  	[smem:$0x3FB4] =	sst s10  }
0x38: {  	s10 =	sld [smem:$0x3FB5]  }
0x39: {  	_ = 	snop;
	(pc) =	sbr.ind lr, $3  }
0x3a: {  	_ = 	snop  }
0x3b: {  	_ = 	snop  }
0x3c: {  	p2 =	seq.s32 s10, $0x1;
	s10 =	sld [smem:$0x3FB4]  }
0x3d: {  	_ =	shalt  }
0x3e: {  	_ =	shalt  }
0x3f: {  	_ =	shalt  }
0x40: {  	_ =	shalt  }
0x41: {  	_ =	shalt  }
0x42: {  	_ =	shalt  }
0x43: {  	_ =	shalt  }
0x44: {  	_ =	shalt  }
0x45: {  	_ =	shalt  }
0x46: {  	_ =	shalt  }
0x47: {  	_ =	shalt  }
0x48: {  	_ =	shalt  }
0x49: {  	_ =	shalt  }
0x4a: {  	_ =	shalt  }
0x4b: {  	_ =	shalt  }
0x4c: {  	_ =	shalt  }
0x4d: {  	_ =	shalt  }
0x4e: {  	_ =	shalt  }
0x4f: {  	_ =	shalt  }
0x50: {  	_ =	shalt  }
0x51: {  	_ =	shalt  }
0x52: {  	_ =	shalt  }
0x53: {  	_ =	shalt  }
0x54: {  	_ =	shalt  }
0x55: {  	_ =	shalt  }
0x56: {  	_ =	shalt  }
0x57: {  	_ =	shalt  }
0x58: {  	_ =	shalt  }
0x59: {  	_ =	shalt  }
0x5a: {  	_ =	shalt  }
0x5b: {  	_ =	shalt  }
0x5c: {  	_ =	shalt  }
0x5d: {  	_ =	shalt  }
0x5e: {  	_ =	shalt  }
0x5f: {  	_ =	shalt  }
0x60: {  	_ =	shalt  }
0x61: {  	_ =	shalt  }
0x62: {  	_ =	shalt  }
0x63: {  	_ =	shalt  }
0x64: {  	_ =	shalt  }
0x65: {  	_ =	shalt  }
0x66: {  	_ =	shalt  }
0x67: {  	_ =	shalt  }
0x68: {  	_ =	shalt  }
0x69: {  	_ =	shalt  }
0x6a: {  	_ =	shalt  }
0x6b: {  	_ =	shalt  }
0x6c: {  	_ =	shalt  }
0x6d: {  	_ =	shalt  }
0x6e: {  	_ =	shalt  }
0x6f: {  	_ =	shalt  }
0x70: {  	_ =	shalt  }
0x71: {  	_ =	shalt  }
0x72: {  	_ =	shalt  }
0x73: {  	_ =	shalt  }
0x74: {  	_ =	shalt  }
0x75: {  	_ =	shalt  }
0x76: {  	_ =	shalt  }
0x77: {  	_ =	shalt  }
0x78: {  	_ =	shalt  }
0x79: {  	_ =	shalt  }
0x7a: {  	_ =	shalt  }
0x7b: {  	_ =	shalt  }
0x7c: {  	_ =	shalt  }
0x7d: {  	_ =	shalt  }
0x7e: {  	_ =	shalt  }
0x7f: {  	_ =	shalt  }
0x80: {  	_ =	shalt  }
0x81: {  	_ =	shalt  }
0x82: {  	_ =	shalt  }
0x83: {  	_ =	shalt  }
0x84: {  	_ =	shalt  }
0x85: {  	_ =	shalt  }
0x86: {  	_ =	shalt  }
0x87: {  	_ =	shalt  }
.Lfunc_end0:
.L_simem_size_0:
called_computation_lowered:
.L_overlay_start_0:
0x88: {  	s2 =	sld [smem:$0x3FD9]  }
0x89: {  	s3 =	sld [smem:$0x3FFE];
	_ =	sdelay $0x1  }
0x8a: {  	s1 =	srdreg.scid  }
0x8b: {  	s0 =	sand.u32 $0x1, s1  }
0x8c: {  	s16 =	sshll.u32 s0, $0xA;
	s2 =	sadd.s32 s3, s2  }
0x8d: {  	s2 =	sadd.s32 s2, s16  }
0x8e: {  	[smem:$0x3FC0] =	sst s2  }
0x8f: {  	_ = 	snop  }
0x90: {  	(tm) =	ssettm $0x1  }
0x91: {  	s17 =	sld [smem:$0x3FFB];
	_ =	sdelay $0x3  }
0x92: {  	_ =	strace s17  }
0x93: {  	s2 =	sld [smem:$0x3FFC];
	_ =	sdelay $0x3  }
0x94: {  	_ =	strace s2  }
0x95: {  	s2 =	sld [smem:$0x3FFD];
	_ =	sdelay $0x3  }
0x96: {  	_ =	strace s2  }
0x97: {  	_ =	strace $0x8FFFFFFF  }
0x98: {  	s18 =	sld [smem:$0x3FDB];
	_ =	sdelay $0x1  }
0x99: {  	s19 =	simm.s32 $_scs_section_size  }
0x9a: {  	s4 =	simm.s32 $_size__tile_overlayer_lowered;
	s5 =	simm.s32 $_tile_overlayer_lowered  }
0x9b: {  	s22 =	simm.s32 $0x1BFF;
	s21 =	sshll.u32 s5, $0x1;
	s2 =	sadd.s32 s19, s18  }
0x9c: {  	s6 =	simm.s32 $0x0;
	s20 =	sshll.u32 s4, $0x1;
	s4 =	sadd.s32 s21, s2  }
0x9d: {  	[timem:s6], [sflag:s22] =	dma.local [hbm:s4], s20  }
0x9e: {  	_ =	swait.ge [sflag:s22], s20  }
0x9f: {  	s3 =	ssub.s32 $0x0, s20;
	[sflag:s22] =	ssyncset.done $0x0  }
0xa0: {  	[sflag:s22] =	ssyncadd.s32 s3;
	_ =	sdelay $0x1  }
0xa1: {  	s23 =	simm.s32 $0x1B8B  }
0xa2: {  	_ =	swait.ge [sflag:s23], $0x1  }
0xa3: {  	[sflag:s23] =	ssyncset.done $0x0  }
0xa4: {  	s25 =	simm.s32 $0x1B8E;
	s24 =	sld [smem:$0x3FFE];
	[sflag:s23] =	ssyncadd.s32 $0xFFFFFFFF  }
0xa5: {  	s26 =	simm.s32 $execute0_lowered;
	[smem:$0x3FD2] =	sst s25  }
0xa6: {  	s4 =	sshll.u32 s26, $0x1;
	_ =	strace $0x80000046;
	[dreg:$0x1] =	wrdreg $0xFFFFFFFF  }
0xa7: {  	s28 =	simm.s32 $_size_execute0_lowered;
	s2 =	sadd.s32 s2, s4;
	[dreg:$0x0] =	wrdreg $0x0  }
0xa8: {  	s4 =	sshll.u32 s28, $0x1;
	[dreg:$0x2] =	wrdreg s2  }
0xa9: {  	[dreg:$0x3] =	wrdreg s4  }
0xaa: {  	[dreg:$0x4] =	wrdreg $0xC0  }
0xab: {  	_ =	task [dreg:s6], $0x5FFFF  }
0xac: {  	[dreg:$0x1] =	wrdreg $0xFFFFFFFF  }
0xad: {  	[dreg:$0x0] =	wrdreg $0x60  }
0xae: {  	[dreg:$0x2] =	wrdreg s24  }
0xaf: {  	[dreg:$0x3] =	wrdreg $0xA8000  }
0xb0: {  	[dreg:$0x4] =	wrdreg $0x9  }
0xb1: {  	_ =	task.clear_ibuf [dreg:s6], $0x5FFFF;
	_ =	strace $0x90000046  }
0xb2: {  	s29 =	simm.s32 $0x9;
	_ =	strace $0x80000048  }
0xb3: {  	_ =	swait.ge [sflag:s29], $0x1  }
0xb4: {  	[sflag:s29] =	ssyncadd.s32 $0xFFFFFFFF  }
0xb5: {  	_ =	strace $0x90000048  }
0xb6: {  	_ =	sfence  }
0xb7: {  	s30 =	sld [smem:$0x0];
	_ =	sdelay $0x2  }
0xb8: {  	s31 =	sshll.u32 s1, $0xD;
	s1 =	sshrl.u32 s1, $0x2  }
0xb9: {  	s3 =	sand.u32 $0x4000, s31;
	s1 =	sadd.s32 s1, s30  }
0xba: {  	s0 =	sor.u32 s3, s0;
	s1 =	sshll.u32 s1, $0x11  }
0xbb: {  	s0 =	sor.u32 s1, s0  }
0xbc: {  	s0 =	sadd.s32 $0x8F2B, s0  }
0xbd: {  	[sflag:s0] =	ssyncadd.remote.s32 $0x1  }
0xbe: {  	_ =	sfence.sel $0xFFFF  }
0xbf: {  	[dreg:$0x0] =	wrdreg $0xFFFFFFFF;
	(pc) =	sbr.abs _section_cstart, $3  }
0xc0: {  	[dreg:$0x1] =	wrdreg $0xFFFFFFFF  }
0xc1: {  	_ =	task.clear_ibuf [dreg:s6], $0x2FFFF;
	_ =	strace $0x9FFFFFFF  }
0xc2: {  	(tm) =	ssettm $0x7FFFFFFF  }
0xc3: {  	_ =	shalt  }
tec
execute0_lowered:
.L_overlay_start_1:
0x0: {  	(tag) =	ssettag $0x1  }
0x1: {  	s0 =	srdreg.scid;
	s4 =	rddreg [dreg:$0x0]  }
0x2: {  	s2 =	rddreg [dreg:$0x1];
	s1 =	stileid.u32  }
0x3: {  	s3 =	simm.s32 $0x0;
	s15 =	simm.s32 $0x6800;
	s16 =	simm.s32 $0x80  }
0x4: {  	s17 =	simm.s32 $0x2800;
	s18 =	simm.s32 $0x1;
	s19 =	simm.s32 $0x2  }
0x5: {  	s20 =	simm.s32 $0x0;
	s5 =	sand.u32 $0x1, s0;
	s0 =	rddreg [dreg:$0x2]  }
0x6: {  	[smem:$0x7FF] =	sst s3;
	s7 =	smul.u32 $0x4E000, s1;
	s11 =	sadd.s32 $0xC400, s4  }
0x7: {  	s10 =	smul.u32 $0x13800, s1;
	p0 =	sne.s32 s1, $0xF;
	s6 =	sshll.u32 s5, $0x4  }
0x8: {  	_ =	strace $0x80000047;
	s31 =	ssub.s32 $0x2, s5;
	s9 =	smul.u32 $0x138800, s5  }
0x9: {  	s6 =	sor.u32 s1, s6;
	s8 =	sshrl.u32 s31, $0x1;
	s7 =	sshrl.u32 s7, $0x2  }
0xa: {  	s6 =	smul.u32 $0x500, s6;
	s10 =	sadd.s32 s10, s9;
	s12 =	sshrl.u32 s9, $0x3  }
0xb: {  	s13 =	ssub.s32 s31, s8;
	s14 =	sshrl.u32 s10, $0x3;
	s12 =	sadd.s32 s11, s12  }
0xc: {  	s10 =	sadd.s32 $0x138000, s2;
	s13 =	smax.u32 s13, $0x1;
	s6 =	sadd.s32 s6, s4  }
0xd: {  	s4 =	sadd.s32 s7, s2;
	s11 =	sadd.s32 s11, s14;
	s12 =	sadd.s32 $0x27000, s12  }
0xe: {  	s14 =	simm.s32 $0x3;
	s5 =	sadd.s32 $0x2400, s6;
	s6 =	sadd.s32 $0x4000, s4  }
0xf: {  	v0 =	vimm.f32 $1.000000000e+00;
	v1 =	vimm.f32 $0.0e+00;
	s7 =	sadd.s32 $0x8000, s4;
	s8 =	sadd.s32 $0xC000, s4;
	s9 =	sadd.s32 $0x10000, s4  }
.LBB2_1:
0x10: {  	[tilespmem:s3], [sflag:$0x3] =	stream.linear.gather [hbm4b:s5+s3], $0x2800, $0x38;
	[tilespmem:$0xCF20] =	vst v63  }
0x11: {  	_ =	swait.ge [sflag:s14], $0x2800  }
0x12: {  	[sflag:s14] =	ssyncset.done $0x0  }
0x13: {  	s21 =	simm.s32 $0x0;
	[sflag:s14] =	ssyncadd.s32 $0xFFFFD800  }
.LBB2_2:
0x14: {  	p1 =	sne.s32 s21, $0xFE00  }
.Ltmp0:
0x15: {  	_ = 	snop;
	(pc) =	sbr.rel @p1 .LBB2_2-.Ltmp0, $3  }
0x16: {  	_ =	sdelay $0x1  }
0x17: {  	s22 =	sshra.s32 s21, $0x2  }
0x18: {  	s21 =	sadd.s32 $0x200, s21;
	[tilespmem:s22+$0x2800] =	vst v0  }
0x19: {  	s21 =	simm.s32 $0x200;
	s22 =	simm.s32 $0x0  }
.LBB2_4:
0x1a: {  	p1 =	sne.s32 s21, $0xFE00;
	[tilespmem:s22+$0x6800] =	vst v1;
	s22 =	smov.u32 s21;
	s21 =	sadd.s32 $0x200, s21  }
.Ltmp1:
0x1b: {  	(pc) =	sbr.rel @p1 .LBB2_4-.Ltmp1, $2  }
0x1c: {  	_ =	sdelay $0x2  }
0x1d: {  	s22 =	sshra.s32 s22, $0x2  }
0x1e: {  	[tilespmem:s22+$0x6800] =	vst v1  }
0x1f: {  	[spmem:s4] =	stream.linear.scatter [tilespmem:s15], [sflag:$0x3], $0x4000, $0x38;
	[tilespmem:$0xCF20] =	vst v63  }
0x20: {  	_ =	swait.ge [sflag:s14], $0x4000  }
0x21: {  	[sflag:s14] =	ssyncset.done $0x0  }
0x22: {  	[sflag:s14] =	ssyncadd.s32 $0xFFFFC000  }
0x23: {  	[spmem:s6] =	stream.linear.scatter [tilespmem:s15], [sflag:$0x3], $0x4000, $0x38;
	[tilespmem:$0xCF20] =	vst v63  }
0x24: {  	_ =	swait.ge [sflag:s14], $0x4000  }
0x25: {  	[sflag:s14] =	ssyncset.done $0x0  }
0x26: {  	[sflag:s14] =	ssyncadd.s32 $0xFFFFC000  }
0x27: {  	[spmem:s7] =	stream.linear.scatter [tilespmem:s15], [sflag:$0x3], $0x4000, $0x38;
	[tilespmem:$0xCF20] =	vst v63  }
0x28: {  	_ =	swait.ge [sflag:s14], $0x4000  }
0x29: {  	[sflag:s14] =	ssyncset.done $0x0  }
0x2a: {  	[sflag:s14] =	ssyncadd.s32 $0xFFFFC000  }
0x2b: {  	[spmem:s8] =	stream.linear.scatter [tilespmem:s15], [sflag:$0x3], $0x4000, $0x38;
	[tilespmem:$0xCF20] =	vst v63  }
0x2c: {  	_ =	swait.ge [sflag:s14], $0x4000  }
0x2d: {  	[sflag:s14] =	ssyncset.done $0x0  }
0x2e: {  	[sflag:s14] =	ssyncadd.s32 $0xFFFFC000  }
0x2f: {  	[spmem:s9] =	stream.linear.scatter [tilespmem:s15], [sflag:$0x3], $0x3800, $0x38;
	[tilespmem:$0xCF20] =	vst v63  }
0x30: {  	_ =	swait.ge [sflag:s14], $0x3800  }
0x31: {  	[sflag:s14] =	ssyncset.done $0x0  }
0x32: {  	s21 =	simm.s32 @!p0 $0x6800;
	[sflag:s14] =	ssyncadd.s32 $0xFFFFC800  }
0x33: {  	[spmem:s10] =	stream.linear.scatter @!p0 [tilespmem:s21], [sflag:$0x3], $0x800, $0x38;
	[tilespmem:$0xCF20] =	vst v63  }
0x34: {  	s21 =	simm.s32 @!p0 $0x3  }
0x35: {  	_ =	swait.ge @!p0 [sflag:s21], $0x800  }
0x36: {  	[sflag:s21] =	ssyncset.done @!p0 $0x0  }
0x37: {  	[sflag:s21] =	ssyncadd.s32 @!p0 $0xFFFFF800  }
0x38: {  	[bflag:$0x0] =	sbarrier.arrive $0xFFFF  }
0x39: {  	[spmem:s2] =	stream.indirect.scatter.add.f32 [tilespmem:s17], [sflag:$0x1], $0x10, s3, s16, $0xb8;
	[tilespmem:$0xCF20] =	vst v63  }
0x3a: {  	_ = 	snop  }
0x3b: {  	[spmem:s2] =	stream.indirect.scatter.add.f32 [tilespmem:s17], [sflag:$0x2], $0x10, s16, s16, $0xb8;
	[tilespmem:$0xCF20] =	vst v63  }
0x3c: {  	_ =	swait.ge [sflag:s18], $0x800  }
0x3d: {  	[sflag:s18] =	ssyncset.done $0x0  }
0x3e: {  	s31 =	simm.s32 $0x100;
	[sflag:s18] =	ssyncadd.s32 $0xFFFFF800  }
0x3f: {  	[spmem:s2] =	stream.indirect.scatter.add.f32 [tilespmem:s17], [sflag:$0x1], $0x10, s31, s16, $0xb8;
	[tilespmem:$0xCF20] =	vst v63  }
0x40: {  	_ =	swait.ge [sflag:s19], $0x800  }
0x41: {  	[sflag:s19] =	ssyncset.done $0x0  }
0x42: {  	s22 =	simm.s32 $0x180;
	s21 =	simm.s32 $0xFFFF6800;
	[sflag:s19] =	ssyncadd.s32 $0xFFFFF800  }
.LBB2_6:
0x43: {  	[spmem:s2] =	stream.indirect.scatter.add.f32 [tilespmem:s17], [sflag:$0x2], $0x10, s22, s16, $0xb8;
	[tilespmem:$0xCF20] =	vst v63  }
0x44: {  	s22 =	smov.u32 s21  }
0x45: {  	p1 =	sne.s32 s21, $0xFFFFFC00;
	s21 =	sadd.s32 $0x400, s21;
	_ =	swait.ge [sflag:s18], $0x800  }
0x46: {  	s22 =	sshra.s32 s22, $0x2;
	[sflag:s18] =	ssyncset.done $0x0  }
.Ltmp2:
0x47: {  	s23 =	sadd.s32 $0x2800, s22;
	[sflag:s18] =	ssyncadd.s32 $0xFFFFF800;
	(pc) =	sbr.rel @p1 .LBB2_6-.Ltmp2, $4  }
0x48: {  	[spmem:s2] =	stream.indirect.scatter.add.f32 [tilespmem:s17], [sflag:$0x1], $0x10, s23, s16, $0xb8;
	[tilespmem:$0xCF20] =	vst v63  }
0x49: {  	_ =	swait.ge [sflag:s19], $0x800  }
0x4a: {  	[sflag:s19] =	ssyncset.done $0x0  }
0x4b: {  	s22 =	sadd.s32 $0x2880, s22;
	[sflag:s19] =	ssyncadd.s32 $0xFFFFF800  }
0x4c: {  	[spmem:s2] =	stream.indirect.scatter.add.f32 [tilespmem:s17], [sflag:$0x2], $0x10, s22, s16, $0xb8;
	[tilespmem:$0xCF20] =	vst v63  }
0x4d: {  	_ =	swait.ge [sflag:s18], $0x800  }
0x4e: {  	[sflag:s18] =	ssyncset.done $0x0  }
0x4f: {  	[sflag:s18] =	ssyncadd.s32 $0xFFFFF800  }
0x50: {  	_ =	swait.ge [sflag:s19], $0x800  }
0x51: {  	[sflag:s19] =	ssyncset.done $0x0  }
0x52: {  	s21 =	sshll.u32 s1, $0x6;
	[sflag:s19] =	ssyncadd.s32 $0xFFFFF800  }
0x53: {  	s31 =	sshrl.u32 s4, $0x3;
	s21 =	sor.u32 $0x1C03, s21;
	[bflag:$0x0] =	sbarrier.arrive $0xFFFF  }
0x54: {  	[hbm:s11], [sflag:s21] =	dma.local [spmem:s31], $0x2700  }
0x55: {  	_ =	swait.ge [sflag:s14], $0x2700  }
0x56: {  	s20 =	sadd.s32 $0x1, s20;
	[sflag:s14] =	ssyncset.done $0x0  }
0x57: {  	s22 =	sshrl.u32 @!p0 s10, $0x3;
	p1 =	sne.s32 s20, s13;
	[sflag:s14] =	ssyncadd.s32 $0xFFFFD900  }
0x58: {  	[hbm:s12], [sflag:s21] =	dma.local @!p0 [spmem:s22], $0x100  }
.Ltmp3:
0x59: {  	_ = 	snop;
	(pc) =	sbr.rel @p1 .LBB2_1-.Ltmp3, $4  }
0x5a: {  	s21 =	simm.s32 @!p0 $0x3  }
0x5b: {  	_ =	swait.ge @!p0 [sflag:s21], $0x100  }
0x5c: {  	[sflag:s21] =	ssyncset.done @!p0 $0x0  }
0x5d: {  	[sflag:s21] =	ssyncadd.s32 @!p0 $0xFFFFFF00  }
0x5e: {  	_ =	sfence.sel $0x180000  }
0x5f: {  	[bflag:$0x0] =	sbarrier.arrive $0xFFFF  }
0x60: {  	p0 =	sne.s32 s1, $0x0;
	_ =	strace $0x90000047  }
0x61: {  	s0 =	sadd.s32 @!p0 $0x100000, s0;
	[bflag:$0x2] =	sbarrier.arrive $0xFFFF  }
0x62: {  	[sflag:s0] =	ssyncadd.tile.s32 @!p0 $0x1;
	_ =	shalt  }
.Lfunc_end2:
_tile_overlayer_lowered:
.L_overlay_start_2:
0x63: {  	(tag) =	ssettag $0x2  }
0x64: {  	s0 =	rddreg [dreg:$0x0];
	s2 =	stileid.u32  }
0x65: {  	s1 =	rddreg [dreg:$0x1];
	p0 =	sne.s32 s2, $0x0  }
0x66: {  	s3 =	rddreg [dreg:$0x2];
	[bflag:$0x3] =	sbarrier.arrive $0xFFFF;
	s2 =	simm.s32 @!p0 $0x1C03  }
0x67: {  	[timem:s3], [sflag:s2] =	dma.local @!p0 [hbm:s0], s1  }
0x68: {  	s0 =	simm.s32 @!p0 $0x3  }
0x69: {  	_ =	swait.ge @!p0 [sflag:s0], s1  }
0x6a: {  	s1 =	ssub.s32 @!p0 $0x0, s1;
	[sflag:s0] =	ssyncset.done @!p0 $0x0  }
0x6b: {  	[sflag:s0] =	ssyncadd.s32 @!p0 s1  }
0x6c: {  	[bflag:$0x3] =	sbarrier.arrive $0xFFFF  }
0x6d: {  	_ =	shalt  }

</sc_bundles>
